<compile_context>
chip_gen: v7x
topology: tpu7x:2x2x1
jax: 0.10.2.dev20260603
libtpu: 0.0.44.dev20260713+nightly
codegen_flags: <defaults>
</compile_context>

<pallas_src>
import functools

import jax
import jax.numpy as jnp
from jax import lax
from jax.experimental import pallas as pl
from jax.experimental.pallas import tpu as pltpu
from jax.experimental.pallas import tpu_sc as plsc

FIELD_SIZE = 100000
NUM_FIELDS = 26
EMBED_DIM = 16
BATCH = 16384
TOTAL_IDX = BATCH * NUM_FIELDS


IDX_COLS = 128
IDX_ROWS = TOTAL_IDX // IDX_COLS


@functools.cache
def _make_sc_emb_gather(num_cores, num_subcores):
    nw = num_cores * num_subcores
    rows_w = IDX_ROWS // nw
    chr_ = 13
    ch = chr_ * IDX_COLS
    n_chunks = rows_w // chr_
    mesh = plsc.VectorSubcoreMesh(core_axis_name="c", subcore_axis_name="s")

    @functools.partial(
        pl.kernel,
        mesh=mesh,
        out_type=jax.ShapeDtypeStruct((TOTAL_IDX, EMBED_DIM), jnp.float32),
        scratch_types=[
            pltpu.VMEM((chr_, IDX_COLS), jnp.int32),
            pltpu.VMEM((ch, EMBED_DIM), jnp.float32),
            pltpu.SemaphoreType.DMA,
        ],
        compiler_params=pltpu.CompilerParams(use_tc_tiling_on_sc=False),
    )
    def sc_emb(table_hbm, idx_hbm, emb_out, idx_v, rows_v, sem):
        wid = lax.axis_index("s") * num_cores + lax.axis_index("c")

        def chunk_body(i, _):
            rbase = wid * rows_w + i * chr_
            pltpu.sync_copy(idx_hbm.at[pl.ds(rbase, chr_)], idx_v)
            cps = [
                pltpu.async_copy(
                    table_hbm.at[idx_v.at[r]],
                    rows_v.at[pl.ds(r * IDX_COLS, IDX_COLS)], sem)
                for r in range(chr_)
            ]
            for cp in cps:
                cp.wait()
            pltpu.sync_copy(rows_v, emb_out.at[pl.ds(rbase * IDX_COLS, ch)])
            return 0

        lax.fori_loop(0, n_chunks, chunk_body, 0, unroll=False)

    return sc_emb


@functools.cache
def _make_sc_lin_gather(num_cores, num_subcores):
    nw = num_cores * num_subcores
    rows_w = IDX_ROWS // nw
    n_chunks = 8
    chr_ = rows_w // n_chunks
    ch = chr_ * IDX_COLS
    mesh = plsc.VectorSubcoreMesh(core_axis_name="c", subcore_axis_name="s")

    @functools.partial(
        pl.kernel,
        mesh=mesh,
        out_type=jax.ShapeDtypeStruct((TOTAL_IDX,), jnp.float32),
        scratch_types=[
            pltpu.VMEM((chr_, IDX_COLS), jnp.int32),
            pltpu.VMEM((ch,), jnp.float32),
            pltpu.SemaphoreType.DMA,
        ],
        compiler_params=pltpu.CompilerParams(use_tc_tiling_on_sc=False),
    )
    def sc_lin(lin_hbm, idx_hbm, lin_out, idx_v, lin_v, sem):
        wid = lax.axis_index("s") * num_cores + lax.axis_index("c")
        for i in range(n_chunks):
            rbase = wid * rows_w + i * chr_
            pltpu.sync_copy(idx_hbm.at[pl.ds(rbase, chr_)], idx_v)
            cps = [
                pltpu.async_copy(
                    lin_hbm.at[idx_v.at[j]],
                    lin_v.at[pl.ds(j * IDX_COLS, IDX_COLS)], sem)
                for j in range(chr_)
            ]
            for cp in cps:
                cp.wait()
            pltpu.sync_copy(lin_v, lin_out.at[pl.ds(rbase * IDX_COLS, ch)])

    return sc_lin


def _mlp_body(emb_ref, lin_ref, w1_ref, b1_ref, w2_ref, b2_ref, w3_ref,
              bias_ref, out_ref):
    e = emb_ref[...]
    h = jnp.dot(e, w1_ref[...], preferred_element_type=jnp.float32)
    h = jnp.maximum(h + b1_ref[...], 0.0)
    h = jnp.dot(h, w2_ref[...], preferred_element_type=jnp.float32)
    h = jnp.maximum(h + b2_ref[...], 0.0)
    deep = jnp.dot(h, w3_ref[...], preferred_element_type=jnp.float32)
    wide = jnp.sum(lin_ref[...], axis=1, keepdims=True)
    z = deep + wide + bias_ref[...]
    out_ref[...] = 1.0 / (1.0 + jnp.exp(-z))


def _mlp(emb_x, lin_x, w1, b1, w2, b2, w3, bias):
    bt = 2048
    in_dim = NUM_FIELDS * EMBED_DIM
    h1, h2 = w1.shape[1], w2.shape[1]
    grid = (BATCH // bt,)
    return pl.pallas_call(
        _mlp_body,
        grid=grid,
        in_specs=[
            pl.BlockSpec((bt, in_dim), lambda i: (i, 0)),
            pl.BlockSpec((bt, NUM_FIELDS), lambda i: (i, 0)),
            pl.BlockSpec((in_dim, h1), lambda i: (0, 0)),
            pl.BlockSpec((1, h1), lambda i: (0, 0)),
            pl.BlockSpec((h1, h2), lambda i: (0, 0)),
            pl.BlockSpec((1, h2), lambda i: (0, 0)),
            pl.BlockSpec((h2, 1), lambda i: (0, 0)),
            pl.BlockSpec((1, 1), lambda i: (0, 0)),
        ],
        out_specs=pl.BlockSpec((bt, 1), lambda i: (i, 0)),
        out_shape=jax.ShapeDtypeStruct((BATCH, 1), jnp.float32),
    )(emb_x, lin_x, w1, b1, w2, b2, w3, bias)


def kernel(x, emb_table, lin_w, lin_b, w1, b1, w2, b2, w3, b3):
    offsets = (jnp.arange(NUM_FIELDS, dtype=x.dtype) * FIELD_SIZE)[None, :]
    idx = (x + offsets).reshape(IDX_ROWS, IDX_COLS)

    info = plsc.get_sparse_core_info()
    sc_emb = _make_sc_emb_gather(info.num_cores, info.num_subcores)
    sc_lin = _make_sc_lin_gather(info.num_cores, info.num_subcores)
    emb_rows = sc_emb(emb_table, idx)
    lin_rows = sc_lin(lin_w[:, 0], idx)

    emb_x = emb_rows.reshape(BATCH, NUM_FIELDS * EMBED_DIM)
    lin_x = lin_rows.reshape(BATCH, NUM_FIELDS)

    bias = (lin_b + b3).reshape(1, 1)
    out = _mlp(emb_x, lin_x, w1, b1.reshape(1, -1), w2, b2.reshape(1, -1),
               w3, bias)
    return out[:, 0]

# --- scband reference (transcript-rebuilt; emitter-appended) ---
"""Pipeline reference for scband-wide-and-deep-model-12421045420597 (READ-ONLY COPY).

The authoritative reference and input builder live on the scoring server;
editing this copy changes nothing except your own understanding.
"""

import jax, jax.numpy as jnp
import numpy as np

FIELD_DIMS = [100000] * 26
EMBED_DIM = 16
MLP_DIMS = [256, 128]
BATCH = 16384


def setup_inputs(seed: int = 0) -> dict:
    key = jax.random.key(seed)
    ks = jax.random.split(key, 10)
    total_rows = int(np.sum(FIELD_DIMS))
    num_fields = len(FIELD_DIMS)
    in_dim = EMBED_DIM * num_fields
    x = jax.random.randint(ks[0], (BATCH, num_fields), 0, FIELD_DIMS[0], dtype=jnp.int32)
    emb_table = jax.random.normal(ks[1], (total_rows, EMBED_DIM), dtype=jnp.float32) * 0.01
    lin_w = jax.random.normal(ks[2], (total_rows, 1), dtype=jnp.float32) * 0.01
    lin_b = jnp.zeros((1,), dtype=jnp.float32)
    w1 = jax.random.normal(ks[3], (in_dim, MLP_DIMS[0]), dtype=jnp.float32) * (1.0 / np.sqrt(in_dim))
    b1 = jnp.zeros((MLP_DIMS[0],), dtype=jnp.float32)
    w2 = jax.random.normal(ks[4], (MLP_DIMS[0], MLP_DIMS[1]), dtype=jnp.float32) * (1.0 / np.sqrt(MLP_DIMS[0]))
    b2 = jnp.zeros((MLP_DIMS[1],), dtype=jnp.float32)
    w3 = jax.random.normal(ks[5], (MLP_DIMS[1], 1), dtype=jnp.float32) * (1.0 / np.sqrt(MLP_DIMS[1]))
    b3 = jnp.zeros((1,), dtype=jnp.float32)
    return {"x": x, "emb_table": emb_table, "lin_w": lin_w, "lin_b": lin_b,
            "w1": w1, "b1": b1, "w2": w2, "b2": b2, "w3": w3, "b3": b3}


def reference(x, emb_table, lin_w, lin_b, w1, b1, w2, b2, w3, b3):
    # per-field offsets into the concatenated embedding tables (torchfm-style)
    offsets = jnp.asarray(np.concatenate(([0], np.cumsum(FIELD_DIMS)[:-1])), dtype=x.dtype)
    idx = x + offsets[None, :]  # (B, F)
    # FeaturesEmbeddingByFields: gather per-field embeddings, flatten to (B, F*D)
    embed_x = jnp.take(emb_table, idx, axis=0).reshape(x.shape[0], -1)
    # FeaturesLinear (wide part): sum of per-field scalar weights + bias -> (B, 1)
    wide1 = jnp.sum(jnp.take(lin_w, idx, axis=0)[..., 0], axis=1, keepdims=True) + lin_b
    # MultiLayerPerceptron (deep part); dropout is identity at inference
    h = jax.nn.relu(embed_x @ w1 + b1)
    h = jax.nn.relu(h @ w2 + b2)
    deep = h @ w3 + b3  # (B, 1)
    out = wide1 + deep
    return jax.nn.sigmoid(out.squeeze(1))

if __name__ == "__main__":
    import jax
    _d = setup_inputs()
    print(jax.jit(kernel)(*tuple(_d.values())))

</pallas_src>

<mosaic_0001>
#map = affine_map<(d0, d1) -> (0, 0)>
module attributes {stable_mosaic.version = 14 : i64} {
  func.func @sc_emb(%arg0: i32, %arg1: i32, %arg2: memref<2600000x16xf32, #tpu.memory_space<hbm>>, %arg3: memref<3328x128xi32, #tpu.memory_space<hbm>>, %arg4: memref<425984x16xf32, #tpu.memory_space<hbm>>, %arg5: memref<13x128xi32, #tpu.memory_space<vmem>>, %arg6: memref<1664x16xf32, #tpu.memory_space<vmem>>, %arg7: memref<!tpu.dma_semaphore, #tpu.memory_space<semaphore_mem>>) attributes {dimension_semantics = [#tpu.dimension_semantics<core_parallel>, #tpu.dimension_semantics<subcore_parallel>], iteration_bounds = array<i64: 2, 16>, scalar_prefetch = 0 : i64, scratch_operands = 3 : i64, tpu.core_type = #tpu.core_type<sc_vector_subcore>, window_params = [{transform_indices = #map}, {transform_indices = #map}, {transform_indices = #map}]} {
    %mul3A = arith.constant 2 : i32
    %mul3A_0 = arith.muli %arg1, %mul3A : i32
    %add3A = arith.addi %mul3A_0, %arg0 : i32
    %scan3A = arith.constant 0 : i32
    %scan3A_1 = arith.constant 0 : i32
    %scan3A_2 = arith.constant 8 : i32
    %scan3A_3 = arith.addi %scan3A_1, %scan3A_2 : i32
    %scan3A_4 = arith.constant 1 : i32
    %scan3A_5 = scf.for %scan3A_7 = %scan3A_1 to %scan3A_3 step %scan3A_4 iter_args(%scan3A_8 = %scan3A) -> (i32)  : i32 {
      %mul3A_9 = arith.constant 104 : i32
      %mul3A_10 = arith.muli %add3A, %mul3A_9 : i32
      %mul3A_11 = arith.constant 13 : i32
      %mul3A_12 = arith.muli %scan3A_7, %mul3A_11 : i32
      %add3A_13 = arith.addi %mul3A_10, %mul3A_12 : i32
      "tpu.region"() ({
        %run_scoped3A = tpu.sem_alloc : memref<!tpu.dma_semaphore, #tpu.memory_space<semaphore_mem>>
        %dma_start3A_275 = arith.constant 0 : i32
        %dma_start3A_276 = tpu.memref_slice %arg3[%add3A_13, %dma_start3A_275] : memref<3328x128xi32, #tpu.memory_space<hbm>> -> memref<13x128xi32, #tpu.memory_space<hbm>>
        %dma_start3A_277 = arith.constant 0 : i32
        %dma_start3A_278 = tpu.memref_slice %arg3[%add3A_13, %dma_start3A_277] : memref<3328x128xi32, #tpu.memory_space<hbm>> -> memref<13x128xi32, #tpu.memory_space<hbm>>
        tpu.enqueue_dma source(%dma_start3A_278 : memref<13x128xi32, #tpu.memory_space<hbm>>) target(%arg5 : memref<13x128xi32, #tpu.memory_space<vmem>>) target_semaphore(%run_scoped3A : memref<!tpu.dma_semaphore, #tpu.memory_space<semaphore_mem>>)
        %dma_wait3A_279 = arith.constant 0 : i32
        %dma_wait3A_280 = tpu.memref_slice %arg3[%add3A_13, %dma_wait3A_279] : memref<3328x128xi32, #tpu.memory_space<hbm>> -> memref<13x128xi32, #tpu.memory_space<hbm>>
        %dma_wait3A_281 = arith.constant 0 : i32
        %dma_wait3A_282 = tpu.memref_slice %arg3[%add3A_13, %dma_wait3A_281] : memref<3328x128xi32, #tpu.memory_space<hbm>> -> memref<13x128xi32, #tpu.memory_space<hbm>>
        tpu.wait_dma2 semaphore(%run_scoped3A : memref<!tpu.dma_semaphore, #tpu.memory_space<semaphore_mem>>) src(%dma_wait3A_282 : memref<13x128xi32, #tpu.memory_space<hbm>>) dst(%arg5 : memref<13x128xi32, #tpu.memory_space<vmem>>)
        tpu.yield
      }) : () -> ()
      %dma_start3A = arith.constant 0 : i32
      %dma_start3A_14 = arith.constant 0 : i32
      %dma_start3A_15 = arith.constant 0 : i32
      %dma_start3A_16 = tpu.memref_slice %arg6[%dma_start3A_14, %dma_start3A_15] : memref<1664x16xf32, #tpu.memory_space<vmem>> -> memref<128x16xf32, #tpu.memory_space<vmem>>
      %dma_start3A_17 = arith.constant 0 : i32
      %dma_start3A_18 = tpu.memref_slice %arg5[%dma_start3A, %dma_start3A_17] : memref<13x128xi32, #tpu.memory_space<vmem>> -> memref<1x128xi32, #tpu.memory_space<vmem>>
      %dma_start3A_19 = tpu.memref_squeeze %dma_start3A_18 : memref<1x128xi32, #tpu.memory_space<vmem>> -> memref<128xi32, #tpu.memory_space<vmem>>
      %dma_start3A_20 = arith.constant 0 : i32
      %dma_start3A_21 = arith.constant 0 : i32
      %dma_start3A_22 = tpu.memref_slice %arg2[%dma_start3A_20, %dma_start3A_21] : memref<2600000x16xf32, #tpu.memory_space<hbm>> -> memref<2600000x16xf32, #tpu.memory_space<hbm>>
      tpu.enqueue_indirect_dma source(%dma_start3A_22 : memref<2600000x16xf32, #tpu.memory_space<hbm>>) target(%dma_start3A_16 : memref<128x16xf32, #tpu.memory_space<vmem>>) offsets(%dma_start3A_19 : memref<128xi32, #tpu.memory_space<vmem>>) semaphore(%arg7 : memref<!tpu.dma_semaphore, #tpu.memory_space<semaphore_mem>>)
      %dma_start3A_23 = arith.constant 1 : i32
      %dma_start3A_24 = arith.constant 128 : i32
      %dma_start3A_25 = arith.constant 0 : i32
      %dma_start3A_26 = tpu.memref_slice %arg6[%dma_start3A_24, %dma_start3A_25] : memref<1664x16xf32, #tpu.memory_space<vmem>> -> memref<128x16xf32, #tpu.memory_space<vmem>>
      %dma_start3A_27 = arith.constant 0 : i32
      %dma_start3A_28 = tpu.memref_slice %arg5[%dma_start3A_23, %dma_start3A_27] : memref<13x128xi32, #tpu.memory_space<vmem>> -> memref<1x128xi32, #tpu.memory_space<vmem>>
      %dma_start3A_29 = tpu.memref_squeeze %dma_start3A_28 : memref<1x128xi32, #tpu.memory_space<vmem>> -> memref<128xi32, #tpu.memory_space<vmem>>
      %dma_start3A_30 = arith.constant 0 : i32
      %dma_start3A_31 = arith.constant 0 : i32
      %dma_start3A_32 = tpu.memref_slice %arg2[%dma_start3A_30, %dma_start3A_31] : memref<2600000x16xf32, #tpu.memory_space<hbm>> -> memref<2600000x16xf32, #tpu.memory_space<hbm>>
      tpu.enqueue_indirect_dma source(%dma_start3A_32 : memref<2600000x16xf32, #tpu.memory_space<hbm>>) target(%dma_start3A_26 : memref<128x16xf32, #tpu.memory_space<vmem>>) offsets(%dma_start3A_29 : memref<128xi32, #tpu.memory_space<vmem>>) semaphore(%arg7 : memref<!tpu.dma_semaphore, #tpu.memory_space<semaphore_mem>>)
      %dma_start3A_33 = arith.constant 2 : i32
      %dma_start3A_34 = arith.constant 256 : i32
      %dma_start3A_35 = arith.constant 0 : i32
      %dma_start3A_36 = tpu.memref_slice %arg6[%dma_start3A_34, %dma_start3A_35] : memref<1664x16xf32, #tpu.memory_space<vmem>> -> memref<128x16xf32, #tpu.memory_space<vmem>>
      %dma_start3A_37 = arith.constant 0 : i32
      %dma_start3A_38 = tpu.memref_slice %arg5[%dma_start3A_33, %dma_start3A_37] : memref<13x128xi32, #tpu.memory_space<vmem>> -> memref<1x128xi32, #tpu.memory_space<vmem>>
      %dma_start3A_39 = tpu.memref_squeeze %dma_start3A_38 : memref<1x128xi32, #tpu.memory_space<vmem>> -> memref<128xi32, #tpu.memory_space<vmem>>
      %dma_start3A_40 = arith.constant 0 : i32
      %dma_start3A_41 = arith.constant 0 : i32
      %dma_start3A_42 = tpu.memref_slice %arg2[%dma_start3A_40, %dma_start3A_41] : memref<2600000x16xf32, #tpu.memory_space<hbm>> -> memref<2600000x16xf32, #tpu.memory_space<hbm>>
      tpu.enqueue_indirect_dma source(%dma_start3A_42 : memref<2600000x16xf32, #tpu.memory_space<hbm>>) target(%dma_start3A_36 : memref<128x16xf32, #tpu.memory_space<vmem>>) offsets(%dma_start3A_39 : memref<128xi32, #tpu.memory_space<vmem>>) semaphore(%arg7 : memref<!tpu.dma_semaphore, #tpu.memory_space<semaphore_mem>>)
      %dma_start3A_43 = arith.constant 3 : i32
      %dma_start3A_44 = arith.constant 384 : i32
      %dma_start3A_45 = arith.constant 0 : i32
      %dma_start3A_46 = tpu.memref_slice %arg6[%dma_start3A_44, %dma_start3A_45] : memref<1664x16xf32, #tpu.memory_space<vmem>> -> memref<128x16xf32, #tpu.memory_space<vmem>>
      %dma_start3A_47 = arith.constant 0 : i32
      %dma_start3A_48 = tpu.memref_slice %arg5[%dma_start3A_43, %dma_start3A_47] : memref<13x128xi32, #tpu.memory_space<vmem>> -> memref<1x128xi32, #tpu.memory_space<vmem>>
      %dma_start3A_49 = tpu.memref_squeeze %dma_start3A_48 : memref<1x128xi32, #tpu.memory_space<vmem>> -> memref<128xi32, #tpu.memory_space<vmem>>
      %dma_start3A_50 = arith.constant 0 : i32
      %dma_start3A_51 = arith.constant 0 : i32
      %dma_start3A_52 = tpu.memref_slice %arg2[%dma_start3A_50, %dma_start3A_51] : memref<2600000x16xf32, #tpu.memory_space<hbm>> -> memref<2600000x16xf32, #tpu.memory_space<hbm>>
      tpu.enqueue_indirect_dma source(%dma_start3A_52 : memref<2600000x16xf32, #tpu.memory_space<hbm>>) target(%dma_start3A_46 : memref<128x16xf32, #tpu.memory_space<vmem>>) offsets(%dma_start3A_49 : memref<128xi32, #tpu.memory_space<vmem>>) semaphore(%arg7 : memref<!tpu.dma_semaphore, #tpu.memory_space<semaphore_mem>>)
      %dma_start3A_53 = arith.constant 4 : i32
      %dma_start3A_54 = arith.constant 512 : i32
      %dma_start3A_55 = arith.constant 0 : i32
      %dma_start3A_56 = tpu.memref_slice %arg6[%dma_start3A_54, %dma_start3A_55] : memref<1664x16xf32, #tpu.memory_space<vmem>> -> memref<128x16xf32, #tpu.memory_space<vmem>>
      %dma_start3A_57 = arith.constant 0 : i32
      %dma_start3A_58 = tpu.memref_slice %arg5[%dma_start3A_53, %dma_start3A_57] : memref<13x128xi32, #tpu.memory_space<vmem>> -> memref<1x128xi32, #tpu.memory_space<vmem>>
      %dma_start3A_59 = tpu.memref_squeeze %dma_start3A_58 : memref<1x128xi32, #tpu.memory_space<vmem>> -> memref<128xi32, #tpu.memory_space<vmem>>
      %dma_start3A_60 = arith.constant 0 : i32
      %dma_start3A_61 = arith.constant 0 : i32
      %dma_start3A_62 = tpu.memref_slice %arg2[%dma_start3A_60, %dma_start3A_61] : memref<2600000x16xf32, #tpu.memory_space<hbm>> -> memref<2600000x16xf32, #tpu.memory_space<hbm>>
      tpu.enqueue_indirect_dma source(%dma_start3A_62 : memref<2600000x16xf32, #tpu.memory_space<hbm>>) target(%dma_start3A_56 : memref<128x16xf32, #tpu.memory_space<vmem>>) offsets(%dma_start3A_59 : memref<128xi32, #tpu.memory_space<vmem>>) semaphore(%arg7 : memref<!tpu.dma_semaphore, #tpu.memory_space<semaphore_mem>>)
      %dma_start3A_63 = arith.constant 5 : i32
      %dma_start3A_64 = arith.constant 640 : i32
      %dma_start3A_65 = arith.constant 0 : i32
      %dma_start3A_66 = tpu.memref_slice %arg6[%dma_start3A_64, %dma_start3A_65] : memref<1664x16xf32, #tpu.memory_space<vmem>> -> memref<128x16xf32, #tpu.memory_space<vmem>>
      %dma_start3A_67 = arith.constant 0 : i32
      %dma_start3A_68 = tpu.memref_slice %arg5[%dma_start3A_63, %dma_start3A_67] : memref<13x128xi32, #tpu.memory_space<vmem>> -> memref<1x128xi32, #tpu.memory_space<vmem>>
      %dma_start3A_69 = tpu.memref_squeeze %dma_start3A_68 : memref<1x128xi32, #tpu.memory_space<vmem>> -> memref<128xi32, #tpu.memory_space<vmem>>
      %dma_start3A_70 = arith.constant 0 : i32
      %dma_start3A_71 = arith.constant 0 : i32
      %dma_start3A_72 = tpu.memref_slice %arg2[%dma_start3A_70, %dma_start3A_71] : memref<2600000x16xf32, #tpu.memory_space<hbm>> -> memref<2600000x16xf32, #tpu.memory_space<hbm>>
      tpu.enqueue_indirect_dma source(%dma_start3A_72 : memref<2600000x16xf32, #tpu.memory_space<hbm>>) target(%dma_start3A_66 : memref<128x16xf32, #tpu.memory_space<vmem>>) offsets(%dma_start3A_69 : memref<128xi32, #tpu.memory_space<vmem>>) semaphore(%arg7 : memref<!tpu.dma_semaphore, #tpu.memory_space<semaphore_mem>>)
      %dma_start3A_73 = arith.constant 6 : i32
      %dma_start3A_74 = arith.constant 768 : i32
      %dma_start3A_75 = arith.constant 0 : i32
      %dma_start3A_76 = tpu.memref_slice %arg6[%dma_start3A_74, %dma_start3A_75] : memref<1664x16xf32, #tpu.memory_space<vmem>> -> memref<128x16xf32, #tpu.memory_space<vmem>>
      %dma_start3A_77 = arith.constant 0 : i32
      %dma_start3A_78 = tpu.memref_slice %arg5[%dma_start3A_73, %dma_start3A_77] : memref<13x128xi32, #tpu.memory_space<vmem>> -> memref<1x128xi32, #tpu.memory_space<vmem>>
      %dma_start3A_79 = tpu.memref_squeeze %dma_start3A_78 : memref<1x128xi32, #tpu.memory_space<vmem>> -> memref<128xi32, #tpu.memory_space<vmem>>
      %dma_start3A_80 = arith.constant 0 : i32
      %dma_start3A_81 = arith.constant 0 : i32
      %dma_start3A_82 = tpu.memref_slice %arg2[%dma_start3A_80, %dma_start3A_81] : memref<2600000x16xf32, #tpu.memory_space<hbm>> -> memref<2600000x16xf32, #tpu.memory_space<hbm>>
      tpu.enqueue_indirect_dma source(%dma_start3A_82 : memref<2600000x16xf32, #tpu.memory_space<hbm>>) target(%dma_start3A_76 : memref<128x16xf32, #tpu.memory_space<vmem>>) offsets(%dma_start3A_79 : memref<128xi32, #tpu.memory_space<vmem>>) semaphore(%arg7 : memref<!tpu.dma_semaphore, #tpu.memory_space<semaphore_mem>>)
      %dma_start3A_83 = arith.constant 7 : i32
      %dma_start3A_84 = arith.constant 896 : i32
      %dma_start3A_85 = arith.constant 0 : i32
      %dma_start3A_86 = tpu.memref_slice %arg6[%dma_start3A_84, %dma_start3A_85] : memref<1664x16xf32, #tpu.memory_space<vmem>> -> memref<128x16xf32, #tpu.memory_space<vmem>>
      %dma_start3A_87 = arith.constant 0 : i32
      %dma_start3A_88 = tpu.memref_slice %arg5[%dma_start3A_83, %dma_start3A_87] : memref<13x128xi32, #tpu.memory_space<vmem>> -> memref<1x128xi32, #tpu.memory_space<vmem>>
      %dma_start3A_89 = tpu.memref_squeeze %dma_start3A_88 : memref<1x128xi32, #tpu.memory_space<vmem>> -> memref<128xi32, #tpu.memory_space<vmem>>
      %dma_start3A_90 = arith.constant 0 : i32
      %dma_start3A_91 = arith.constant 0 : i32
      %dma_start3A_92 = tpu.memref_slice %arg2[%dma_start3A_90, %dma_start3A_91] : memref<2600000x16xf32, #tpu.memory_space<hbm>> -> memref<2600000x16xf32, #tpu.memory_space<hbm>>
      tpu.enqueue_indirect_dma source(%dma_start3A_92 : memref<2600000x16xf32, #tpu.memory_space<hbm>>) target(%dma_start3A_86 : memref<128x16xf32, #tpu.memory_space<vmem>>) offsets(%dma_start3A_89 : memref<128xi32, #tpu.memory_space<vmem>>) semaphore(%arg7 : memref<!tpu.dma_semaphore, #tpu.memory_space<semaphore_mem>>)
      %dma_start3A_93 = arith.constant 8 : i32
      %dma_start3A_94 = arith.constant 1024 : i32
      %dma_start3A_95 = arith.constant 0 : i32
      %dma_start3A_96 = tpu.memref_slice %arg6[%dma_start3A_94, %dma_start3A_95] : memref<1664x16xf32, #tpu.memory_space<vmem>> -> memref<128x16xf32, #tpu.memory_space<vmem>>
      %dma_start3A_97 = arith.constant 0 : i32
      %dma_start3A_98 = tpu.memref_slice %arg5[%dma_start3A_93, %dma_start3A_97] : memref<13x128xi32, #tpu.memory_space<vmem>> -> memref<1x128xi32, #tpu.memory_space<vmem>>
      %dma_start3A_99 = tpu.memref_squeeze %dma_start3A_98 : memref<1x128xi32, #tpu.memory_space<vmem>> -> memref<128xi32, #tpu.memory_space<vmem>>
      %dma_start3A_100 = arith.constant 0 : i32
      %dma_start3A_101 = arith.constant 0 : i32
      %dma_start3A_102 = tpu.memref_slice %arg2[%dma_start3A_100, %dma_start3A_101] : memref<2600000x16xf32, #tpu.memory_space<hbm>> -> memref<2600000x16xf32, #tpu.memory_space<hbm>>
      tpu.enqueue_indirect_dma source(%dma_start3A_102 : memref<2600000x16xf32, #tpu.memory_space<hbm>>) target(%dma_start3A_96 : memref<128x16xf32, #tpu.memory_space<vmem>>) offsets(%dma_start3A_99 : memref<128xi32, #tpu.memory_space<vmem>>) semaphore(%arg7 : memref<!tpu.dma_semaphore, #tpu.memory_space<semaphore_mem>>)
      %dma_start3A_103 = arith.constant 9 : i32
      %dma_start3A_104 = arith.constant 1152 : i32
      %dma_start3A_105 = arith.constant 0 : i32
      %dma_start3A_106 = tpu.memref_slice %arg6[%dma_start3A_104, %dma_start3A_105] : memref<1664x16xf32, #tpu.memory_space<vmem>> -> memref<128x16xf32, #tpu.memory_space<vmem>>
      %dma_start3A_107 = arith.constant 0 : i32
      %dma_start3A_108 = tpu.memref_slice %arg5[%dma_start3A_103, %dma_start3A_107] : memref<13x128xi32, #tpu.memory_space<vmem>> -> memref<1x128xi32, #tpu.memory_space<vmem>>
      %dma_start3A_109 = tpu.memref_squeeze %dma_start3A_108 : memref<1x128xi32, #tpu.memory_space<vmem>> -> memref<128xi32, #tpu.memory_space<vmem>>
      %dma_start3A_110 = arith.constant 0 : i32
      %dma_start3A_111 = arith.constant 0 : i32
      %dma_start3A_112 = tpu.memref_slice %arg2[%dma_start3A_110, %dma_start3A_111] : memref<2600000x16xf32, #tpu.memory_space<hbm>> -> memref<2600000x16xf32, #tpu.memory_space<hbm>>
      tpu.enqueue_indirect_dma source(%dma_start3A_112 : memref<2600000x16xf32, #tpu.memory_space<hbm>>) target(%dma_start3A_106 : memref<128x16xf32, #tpu.memory_space<vmem>>) offsets(%dma_start3A_109 : memref<128xi32, #tpu.memory_space<vmem>>) semaphore(%arg7 : memref<!tpu.dma_semaphore, #tpu.memory_space<semaphore_mem>>)
      %dma_start3A_113 = arith.constant 10 : i32
      %dma_start3A_114 = arith.constant 1280 : i32
      %dma_start3A_115 = arith.constant 0 : i32
      %dma_start3A_116 = tpu.memref_slice %arg6[%dma_start3A_114, %dma_start3A_115] : memref<1664x16xf32, #tpu.memory_space<vmem>> -> memref<128x16xf32, #tpu.memory_space<vmem>>
      %dma_start3A_117 = arith.constant 0 : i32
      %dma_start3A_118 = tpu.memref_slice %arg5[%dma_start3A_113, %dma_start3A_117] : memref<13x128xi32, #tpu.memory_space<vmem>> -> memref<1x128xi32, #tpu.memory_space<vmem>>
      %dma_start3A_119 = tpu.memref_squeeze %dma_start3A_118 : memref<1x128xi32, #tpu.memory_space<vmem>> -> memref<128xi32, #tpu.memory_space<vmem>>
      %dma_start3A_120 = arith.constant 0 : i32
      %dma_start3A_121 = arith.constant 0 : i32
      %dma_start3A_122 = tpu.memref_slice %arg2[%dma_start3A_120, %dma_start3A_121] : memref<2600000x16xf32, #tpu.memory_space<hbm>> -> memref<2600000x16xf32, #tpu.memory_space<hbm>>
      tpu.enqueue_indirect_dma source(%dma_start3A_122 : memref<2600000x16xf32, #tpu.memory_space<hbm>>) target(%dma_start3A_116 : memref<128x16xf32, #tpu.memory_space<vmem>>) offsets(%dma_start3A_119 : memref<128xi32, #tpu.memory_space<vmem>>) semaphore(%arg7 : memref<!tpu.dma_semaphore, #tpu.memory_space<semaphore_mem>>)
      %dma_start3A_123 = arith.constant 11 : i32
      %dma_start3A_124 = arith.constant 1408 : i32
      %dma_start3A_125 = arith.constant 0 : i32
      %dma_start3A_126 = tpu.memref_slice %arg6[%dma_start3A_124, %dma_start3A_125] : memref<1664x16xf32, #tpu.memory_space<vmem>> -> memref<128x16xf32, #tpu.memory_space<vmem>>
      %dma_start3A_127 = arith.constant 0 : i32
      %dma_start3A_128 = tpu.memref_slice %arg5[%dma_start3A_123, %dma_start3A_127] : memref<13x128xi32, #tpu.memory_space<vmem>> -> memref<1x128xi32, #tpu.memory_space<vmem>>
      %dma_start3A_129 = tpu.memref_squeeze %dma_start3A_128 : memref<1x128xi32, #tpu.memory_space<vmem>> -> memref<128xi32, #tpu.memory_space<vmem>>
      %dma_start3A_130 = arith.constant 0 : i32
      %dma_start3A_131 = arith.constant 0 : i32
      %dma_start3A_132 = tpu.memref_slice %arg2[%dma_start3A_130, %dma_start3A_131] : memref<2600000x16xf32, #tpu.memory_space<hbm>> -> memref<2600000x16xf32, #tpu.memory_space<hbm>>
      tpu.enqueue_indirect_dma source(%dma_start3A_132 : memref<2600000x16xf32, #tpu.memory_space<hbm>>) target(%dma_start3A_126 : memref<128x16xf32, #tpu.memory_space<vmem>>) offsets(%dma_start3A_129 : memref<128xi32, #tpu.memory_space<vmem>>) semaphore(%arg7 : memref<!tpu.dma_semaphore, #tpu.memory_space<semaphore_mem>>)
      %dma_start3A_133 = arith.constant 12 : i32
      %dma_start3A_134 = arith.constant 1536 : i32
      %dma_start3A_135 = arith.constant 0 : i32
      %dma_start3A_136 = tpu.memref_slice %arg6[%dma_start3A_134, %dma_start3A_135] : memref<1664x16xf32, #tpu.memory_space<vmem>> -> memref<128x16xf32, #tpu.memory_space<vmem>>
      %dma_start3A_137 = arith.constant 0 : i32
      %dma_start3A_138 = tpu.memref_slice %arg5[%dma_start3A_133, %dma_start3A_137] : memref<13x128xi32, #tpu.memory_space<vmem>> -> memref<1x128xi32, #tpu.memory_space<vmem>>
      %dma_start3A_139 = tpu.memref_squeeze %dma_start3A_138 : memref<1x128xi32, #tpu.memory_space<vmem>> -> memref<128xi32, #tpu.memory_space<vmem>>
      %dma_start3A_140 = arith.constant 0 : i32
      %dma_start3A_141 = arith.constant 0 : i32
      %dma_start3A_142 = tpu.memref_slice %arg2[%dma_start3A_140, %dma_start3A_141] : memref<2600000x16xf32, #tpu.memory_space<hbm>> -> memref<2600000x16xf32, #tpu.memory_space<hbm>>
      tpu.enqueue_indirect_dma source(%dma_start3A_142 : memref<2600000x16xf32, #tpu.memory_space<hbm>>) target(%dma_start3A_136 : memref<128x16xf32, #tpu.memory_space<vmem>>) offsets(%dma_start3A_139 : memref<128xi32, #tpu.memory_space<vmem>>) semaphore(%arg7 : memref<!tpu.dma_semaphore, #tpu.memory_space<semaphore_mem>>)
      %dma_wait3A = arith.constant 0 : i32
      %dma_wait3A_143 = arith.constant 0 : i32
      %dma_wait3A_144 = arith.constant 0 : i32
      %dma_wait3A_145 = tpu.memref_slice %arg6[%dma_wait3A_143, %dma_wait3A_144] : memref<1664x16xf32, #tpu.memory_space<vmem>> -> memref<128x16xf32, #tpu.memory_space<vmem>>
      %dma_wait3A_146 = arith.constant 0 : i32
      %dma_wait3A_147 = tpu.memref_slice %arg5[%dma_wait3A, %dma_wait3A_146] : memref<13x128xi32, #tpu.memory_space<vmem>> -> memref<1x128xi32, #tpu.memory_space<vmem>>
      %dma_wait3A_148 = tpu.memref_squeeze %dma_wait3A_147 : memref<1x128xi32, #tpu.memory_space<vmem>> -> memref<128xi32, #tpu.memory_space<vmem>>
      %dma_wait3A_149 = arith.constant 0 : i32
      %dma_wait3A_150 = arith.constant 0 : i32
      %dma_wait3A_151 = tpu.memref_slice %arg2[%dma_wait3A_149, %dma_wait3A_150] : memref<2600000x16xf32, #tpu.memory_space<hbm>> -> memref<2600000x16xf32, #tpu.memory_space<hbm>>
      tpu.wait_indirect_dma semaphore(%arg7 : memref<!tpu.dma_semaphore, #tpu.memory_space<semaphore_mem>>) src(%dma_wait3A_151 : memref<2600000x16xf32, #tpu.memory_space<hbm>>) dst(%dma_wait3A_145 : memref<128x16xf32, #tpu.memory_space<vmem>>)
      %dma_wait3A_152 = arith.constant 1 : i32
      %dma_wait3A_153 = arith.constant 128 : i32
      %dma_wait3A_154 = arith.constant 0 : i32
      %dma_wait3A_155 = tpu.memref_slice %arg6[%dma_wait3A_153, %dma_wait3A_154] : memref<1664x16xf32, #tpu.memory_space<vmem>> -> memref<128x16xf32, #tpu.memory_space<vmem>>
      %dma_wait3A_156 = arith.constant 0 : i32
      %dma_wait3A_157 = tpu.memref_slice %arg5[%dma_wait3A_152, %dma_wait3A_156] : memref<13x128xi32, #tpu.memory_space<vmem>> -> memref<1x128xi32, #tpu.memory_space<vmem>>
      %dma_wait3A_158 = tpu.memref_squeeze %dma_wait3A_157 : memref<1x128xi32, #tpu.memory_space<vmem>> -> memref<128xi32, #tpu.memory_space<vmem>>
      %dma_wait3A_159 = arith.constant 0 : i32
      %dma_wait3A_160 = arith.constant 0 : i32
      %dma_wait3A_161 = tpu.memref_slice %arg2[%dma_wait3A_159, %dma_wait3A_160] : memref<2600000x16xf32, #tpu.memory_space<hbm>> -> memref<2600000x16xf32, #tpu.memory_space<hbm>>
      tpu.wait_indirect_dma semaphore(%arg7 : memref<!tpu.dma_semaphore, #tpu.memory_space<semaphore_mem>>) src(%dma_wait3A_161 : memref<2600000x16xf32, #tpu.memory_space<hbm>>) dst(%dma_wait3A_155 : memref<128x16xf32, #tpu.memory_space<vmem>>)
      %dma_wait3A_162 = arith.constant 2 : i32
      %dma_wait3A_163 = arith.constant 256 : i32
      %dma_wait3A_164 = arith.constant 0 : i32
      %dma_wait3A_165 = tpu.memref_slice %arg6[%dma_wait3A_163, %dma_wait3A_164] : memref<1664x16xf32, #tpu.memory_space<vmem>> -> memref<128x16xf32, #tpu.memory_space<vmem>>
      %dma_wait3A_166 = arith.constant 0 : i32
      %dma_wait3A_167 = tpu.memref_slice %arg5[%dma_wait3A_162, %dma_wait3A_166] : memref<13x128xi32, #tpu.memory_space<vmem>> -> memref<1x128xi32, #tpu.memory_space<vmem>>
      %dma_wait3A_168 = tpu.memref_squeeze %dma_wait3A_167 : memref<1x128xi32, #tpu.memory_space<vmem>> -> memref<128xi32, #tpu.memory_space<vmem>>
      %dma_wait3A_169 = arith.constant 0 : i32
      %dma_wait3A_170 = arith.constant 0 : i32
      %dma_wait3A_171 = tpu.memref_slice %arg2[%dma_wait3A_169, %dma_wait3A_170] : memref<2600000x16xf32, #tpu.memory_space<hbm>> -> memref<2600000x16xf32, #tpu.memory_space<hbm>>
      tpu.wait_indirect_dma semaphore(%arg7 : memref<!tpu.dma_semaphore, #tpu.memory_space<semaphore_mem>>) src(%dma_wait3A_171 : memref<2600000x16xf32, #tpu.memory_space<hbm>>) dst(%dma_wait3A_165 : memref<128x16xf32, #tpu.memory_space<vmem>>)
      %dma_wait3A_172 = arith.constant 3 : i32
      %dma_wait3A_173 = arith.constant 384 : i32
      %dma_wait3A_174 = arith.constant 0 : i32
      %dma_wait3A_175 = tpu.memref_slice %arg6[%dma_wait3A_173, %dma_wait3A_174] : memref<1664x16xf32, #tpu.memory_space<vmem>> -> memref<128x16xf32, #tpu.memory_space<vmem>>
      %dma_wait3A_176 = arith.constant 0 : i32
      %dma_wait3A_177 = tpu.memref_slice %arg5[%dma_wait3A_172, %dma_wait3A_176] : memref<13x128xi32, #tpu.memory_space<vmem>> -> memref<1x128xi32, #tpu.memory_space<vmem>>
      %dma_wait3A_178 = tpu.memref_squeeze %dma_wait3A_177 : memref<1x128xi32, #tpu.memory_space<vmem>> -> memref<128xi32, #tpu.memory_space<vmem>>
      %dma_wait3A_179 = arith.constant 0 : i32
      %dma_wait3A_180 = arith.constant 0 : i32
      %dma_wait3A_181 = tpu.memref_slice %arg2[%dma_wait3A_179, %dma_wait3A_180] : memref<2600000x16xf32, #tpu.memory_space<hbm>> -> memref<2600000x16xf32, #tpu.memory_space<hbm>>
      tpu.wait_indirect_dma semaphore(%arg7 : memref<!tpu.dma_semaphore, #tpu.memory_space<semaphore_mem>>) src(%dma_wait3A_181 : memref<2600000x16xf32, #tpu.memory_space<hbm>>) dst(%dma_wait3A_175 : memref<128x16xf32, #tpu.memory_space<vmem>>)
      %dma_wait3A_182 = arith.constant 4 : i32
      %dma_wait3A_183 = arith.constant 512 : i32
      %dma_wait3A_184 = arith.constant 0 : i32
      %dma_wait3A_185 = tpu.memref_slice %arg6[%dma_wait3A_183, %dma_wait3A_184] : memref<1664x16xf32, #tpu.memory_space<vmem>> -> memref<128x16xf32, #tpu.memory_space<vmem>>
      %dma_wait3A_186 = arith.constant 0 : i32
      %dma_wait3A_187 = tpu.memref_slice %arg5[%dma_wait3A_182, %dma_wait3A_186] : memref<13x128xi32, #tpu.memory_space<vmem>> -> memref<1x128xi32, #tpu.memory_space<vmem>>
      %dma_wait3A_188 = tpu.memref_squeeze %dma_wait3A_187 : memref<1x128xi32, #tpu.memory_space<vmem>> -> memref<128xi32, #tpu.memory_space<vmem>>
      %dma_wait3A_189 = arith.constant 0 : i32
      %dma_wait3A_190 = arith.constant 0 : i32
      %dma_wait3A_191 = tpu.memref_slice %arg2[%dma_wait3A_189, %dma_wait3A_190] : memref<2600000x16xf32, #tpu.memory_space<hbm>> -> memref<2600000x16xf32, #tpu.memory_space<hbm>>
      tpu.wait_indirect_dma semaphore(%arg7 : memref<!tpu.dma_semaphore, #tpu.memory_space<semaphore_mem>>) src(%dma_wait3A_191 : memref<2600000x16xf32, #tpu.memory_space<hbm>>) dst(%dma_wait3A_185 : memref<128x16xf32, #tpu.memory_space<vmem>>)
      %dma_wait3A_192 = arith.constant 5 : i32
      %dma_wait3A_193 = arith.constant 640 : i32
      %dma_wait3A_194 = arith.constant 0 : i32
      %dma_wait3A_195 = tpu.memref_slice %arg6[%dma_wait3A_193, %dma_wait3A_194] : memref<1664x16xf32, #tpu.memory_space<vmem>> -> memref<128x16xf32, #tpu.memory_space<vmem>>
      %dma_wait3A_196 = arith.constant 0 : i32
      %dma_wait3A_197 = tpu.memref_slice %arg5[%dma_wait3A_192, %dma_wait3A_196] : memref<13x128xi32, #tpu.memory_space<vmem>> -> memref<1x128xi32, #tpu.memory_space<vmem>>
      %dma_wait3A_198 = tpu.memref_squeeze %dma_wait3A_197 : memref<1x128xi32, #tpu.memory_space<vmem>> -> memref<128xi32, #tpu.memory_space<vmem>>
      %dma_wait3A_199 = arith.constant 0 : i32
      %dma_wait3A_200 = arith.constant 0 : i32
      %dma_wait3A_201 = tpu.memref_slice %arg2[%dma_wait3A_199, %dma_wait3A_200] : memref<2600000x16xf32, #tpu.memory_space<hbm>> -> memref<2600000x16xf32, #tpu.memory_space<hbm>>
      tpu.wait_indirect_dma semaphore(%arg7 : memref<!tpu.dma_semaphore, #tpu.memory_space<semaphore_mem>>) src(%dma_wait3A_201 : memref<2600000x16xf32, #tpu.memory_space<hbm>>) dst(%dma_wait3A_195 : memref<128x16xf32, #tpu.memory_space<vmem>>)
      %dma_wait3A_202 = arith.constant 6 : i32
      %dma_wait3A_203 = arith.constant 768 : i32
      %dma_wait3A_204 = arith.constant 0 : i32
      %dma_wait3A_205 = tpu.memref_slice %arg6[%dma_wait3A_203, %dma_wait3A_204] : memref<1664x16xf32, #tpu.memory_space<vmem>> -> memref<128x16xf32, #tpu.memory_space<vmem>>
      %dma_wait3A_206 = arith.constant 0 : i32
      %dma_wait3A_207 = tpu.memref_slice %arg5[%dma_wait3A_202, %dma_wait3A_206] : memref<13x128xi32, #tpu.memory_space<vmem>> -> memref<1x128xi32, #tpu.memory_space<vmem>>
      %dma_wait3A_208 = tpu.memref_squeeze %dma_wait3A_207 : memref<1x128xi32, #tpu.memory_space<vmem>> -> memref<128xi32, #tpu.memory_space<vmem>>
      %dma_wait3A_209 = arith.constant 0 : i32
      %dma_wait3A_210 = arith.constant 0 : i32
      %dma_wait3A_211 = tpu.memref_slice %arg2[%dma_wait3A_209, %dma_wait3A_210] : memref<2600000x16xf32, #tpu.memory_space<hbm>> -> memref<2600000x16xf32, #tpu.memory_space<hbm>>
      tpu.wait_indirect_dma semaphore(%arg7 : memref<!tpu.dma_semaphore, #tpu.memory_space<semaphore_mem>>) src(%dma_wait3A_211 : memref<2600000x16xf32, #tpu.memory_space<hbm>>) dst(%dma_wait3A_205 : memref<128x16xf32, #tpu.memory_space<vmem>>)
      %dma_wait3A_212 = arith.constant 7 : i32
      %dma_wait3A_213 = arith.constant 896 : i32
      %dma_wait3A_214 = arith.constant 0 : i32
      %dma_wait3A_215 = tpu.memref_slice %arg6[%dma_wait3A_213, %dma_wait3A_214] : memref<1664x16xf32, #tpu.memory_space<vmem>> -> memref<128x16xf32, #tpu.memory_space<vmem>>
      %dma_wait3A_216 = arith.constant 0 : i32
      %dma_wait3A_217 = tpu.memref_slice %arg5[%dma_wait3A_212, %dma_wait3A_216] : memref<13x128xi32, #tpu.memory_space<vmem>> -> memref<1x128xi32, #tpu.memory_space<vmem>>
      %dma_wait3A_218 = tpu.memref_squeeze %dma_wait3A_217 : memref<1x128xi32, #tpu.memory_space<vmem>> -> memref<128xi32, #tpu.memory_space<vmem>>
      %dma_wait3A_219 = arith.constant 0 : i32
      %dma_wait3A_220 = arith.constant 0 : i32
      %dma_wait3A_221 = tpu.memref_slice %arg2[%dma_wait3A_219, %dma_wait3A_220] : memref<2600000x16xf32, #tpu.memory_space<hbm>> -> memref<2600000x16xf32, #tpu.memory_space<hbm>>
      tpu.wait_indirect_dma semaphore(%arg7 : memref<!tpu.dma_semaphore, #tpu.memory_space<semaphore_mem>>) src(%dma_wait3A_221 : memref<2600000x16xf32, #tpu.memory_space<hbm>>) dst(%dma_wait3A_215 : memref<128x16xf32, #tpu.memory_space<vmem>>)
      %dma_wait3A_222 = arith.constant 8 : i32
      %dma_wait3A_223 = arith.constant 1024 : i32
      %dma_wait3A_224 = arith.constant 0 : i32
      %dma_wait3A_225 = tpu.memref_slice %arg6[%dma_wait3A_223, %dma_wait3A_224] : memref<1664x16xf32, #tpu.memory_space<vmem>> -> memref<128x16xf32, #tpu.memory_space<vmem>>
      %dma_wait3A_226 = arith.constant 0 : i32
      %dma_wait3A_227 = tpu.memref_slice %arg5[%dma_wait3A_222, %dma_wait3A_226] : memref<13x128xi32, #tpu.memory_space<vmem>> -> memref<1x128xi32, #tpu.memory_space<vmem>>
      %dma_wait3A_228 = tpu.memref_squeeze %dma_wait3A_227 : memref<1x128xi32, #tpu.memory_space<vmem>> -> memref<128xi32, #tpu.memory_space<vmem>>
      %dma_wait3A_229 = arith.constant 0 : i32
      %dma_wait3A_230 = arith.constant 0 : i32
      %dma_wait3A_231 = tpu.memref_slice %arg2[%dma_wait3A_229, %dma_wait3A_230] : memref<2600000x16xf32, #tpu.memory_space<hbm>> -> memref<2600000x16xf32, #tpu.memory_space<hbm>>
      tpu.wait_indirect_dma semaphore(%arg7 : memref<!tpu.dma_semaphore, #tpu.memory_space<semaphore_mem>>) src(%dma_wait3A_231 : memref<2600000x16xf32, #tpu.memory_space<hbm>>) dst(%dma_wait3A_225 : memref<128x16xf32, #tpu.memory_space<vmem>>)
      %dma_wait3A_232 = arith.constant 9 : i32
      %dma_wait3A_233 = arith.constant 1152 : i32
      %dma_wait3A_234 = arith.constant 0 : i32
      %dma_wait3A_235 = tpu.memref_slice %arg6[%dma_wait3A_233, %dma_wait3A_234] : memref<1664x16xf32, #tpu.memory_space<vmem>> -> memref<128x16xf32, #tpu.memory_space<vmem>>
      %dma_wait3A_236 = arith.constant 0 : i32
      %dma_wait3A_237 = tpu.memref_slice %arg5[%dma_wait3A_232, %dma_wait3A_236] : memref<13x128xi32, #tpu.memory_space<vmem>> -> memref<1x128xi32, #tpu.memory_space<vmem>>
      %dma_wait3A_238 = tpu.memref_squeeze %dma_wait3A_237 : memref<1x128xi32, #tpu.memory_space<vmem>> -> memref<128xi32, #tpu.memory_space<vmem>>
      %dma_wait3A_239 = arith.constant 0 : i32
      %dma_wait3A_240 = arith.constant 0 : i32
      %dma_wait3A_241 = tpu.memref_slice %arg2[%dma_wait3A_239, %dma_wait3A_240] : memref<2600000x16xf32, #tpu.memory_space<hbm>> -> memref<2600000x16xf32, #tpu.memory_space<hbm>>
      tpu.wait_indirect_dma semaphore(%arg7 : memref<!tpu.dma_semaphore, #tpu.memory_space<semaphore_mem>>) src(%dma_wait3A_241 : memref<2600000x16xf32, #tpu.memory_space<hbm>>) dst(%dma_wait3A_235 : memref<128x16xf32, #tpu.memory_space<vmem>>)
      %dma_wait3A_242 = arith.constant 10 : i32
      %dma_wait3A_243 = arith.constant 1280 : i32
      %dma_wait3A_244 = arith.constant 0 : i32
      %dma_wait3A_245 = tpu.memref_slice %arg6[%dma_wait3A_243, %dma_wait3A_244] : memref<1664x16xf32, #tpu.memory_space<vmem>> -> memref<128x16xf32, #tpu.memory_space<vmem>>
      %dma_wait3A_246 = arith.constant 0 : i32
      %dma_wait3A_247 = tpu.memref_slice %arg5[%dma_wait3A_242, %dma_wait3A_246] : memref<13x128xi32, #tpu.memory_space<vmem>> -> memref<1x128xi32, #tpu.memory_space<vmem>>
      %dma_wait3A_248 = tpu.memref_squeeze %dma_wait3A_247 : memref<1x128xi32, #tpu.memory_space<vmem>> -> memref<128xi32, #tpu.memory_space<vmem>>
      %dma_wait3A_249 = arith.constant 0 : i32
      %dma_wait3A_250 = arith.constant 0 : i32
      %dma_wait3A_251 = tpu.memref_slice %arg2[%dma_wait3A_249, %dma_wait3A_250] : memref<2600000x16xf32, #tpu.memory_space<hbm>> -> memref<2600000x16xf32, #tpu.memory_space<hbm>>
      tpu.wait_indirect_dma semaphore(%arg7 : memref<!tpu.dma_semaphore, #tpu.memory_space<semaphore_mem>>) src(%dma_wait3A_251 : memref<2600000x16xf32, #tpu.memory_space<hbm>>) dst(%dma_wait3A_245 : memref<128x16xf32, #tpu.memory_space<vmem>>)
      %dma_wait3A_252 = arith.constant 11 : i32
      %dma_wait3A_253 = arith.constant 1408 : i32
      %dma_wait3A_254 = arith.constant 0 : i32
      %dma_wait3A_255 = tpu.memref_slice %arg6[%dma_wait3A_253, %dma_wait3A_254] : memref<1664x16xf32, #tpu.memory_space<vmem>> -> memref<128x16xf32, #tpu.memory_space<vmem>>
      %dma_wait3A_256 = arith.constant 0 : i32
      %dma_wait3A_257 = tpu.memref_slice %arg5[%dma_wait3A_252, %dma_wait3A_256] : memref<13x128xi32, #tpu.memory_space<vmem>> -> memref<1x128xi32, #tpu.memory_space<vmem>>
      %dma_wait3A_258 = tpu.memref_squeeze %dma_wait3A_257 : memref<1x128xi32, #tpu.memory_space<vmem>> -> memref<128xi32, #tpu.memory_space<vmem>>
      %dma_wait3A_259 = arith.constant 0 : i32
      %dma_wait3A_260 = arith.constant 0 : i32
      %dma_wait3A_261 = tpu.memref_slice %arg2[%dma_wait3A_259, %dma_wait3A_260] : memref<2600000x16xf32, #tpu.memory_space<hbm>> -> memref<2600000x16xf32, #tpu.memory_space<hbm>>
      tpu.wait_indirect_dma semaphore(%arg7 : memref<!tpu.dma_semaphore, #tpu.memory_space<semaphore_mem>>) src(%dma_wait3A_261 : memref<2600000x16xf32, #tpu.memory_space<hbm>>) dst(%dma_wait3A_255 : memref<128x16xf32, #tpu.memory_space<vmem>>)
      %dma_wait3A_262 = arith.constant 12 : i32
      %dma_wait3A_263 = arith.constant 1536 : i32
      %dma_wait3A_264 = arith.constant 0 : i32
      %dma_wait3A_265 = tpu.memref_slice %arg6[%dma_wait3A_263, %dma_wait3A_264] : memref<1664x16xf32, #tpu.memory_space<vmem>> -> memref<128x16xf32, #tpu.memory_space<vmem>>
      %dma_wait3A_266 = arith.constant 0 : i32
      %dma_wait3A_267 = tpu.memref_slice %arg5[%dma_wait3A_262, %dma_wait3A_266] : memref<13x128xi32, #tpu.memory_space<vmem>> -> memref<1x128xi32, #tpu.memory_space<vmem>>
      %dma_wait3A_268 = tpu.memref_squeeze %dma_wait3A_267 : memref<1x128xi32, #tpu.memory_space<vmem>> -> memref<128xi32, #tpu.memory_space<vmem>>
      %dma_wait3A_269 = arith.constant 0 : i32
      %dma_wait3A_270 = arith.constant 0 : i32
      %dma_wait3A_271 = tpu.memref_slice %arg2[%dma_wait3A_269, %dma_wait3A_270] : memref<2600000x16xf32, #tpu.memory_space<hbm>> -> memref<2600000x16xf32, #tpu.memory_space<hbm>>
      tpu.wait_indirect_dma semaphore(%arg7 : memref<!tpu.dma_semaphore, #tpu.memory_space<semaphore_mem>>) src(%dma_wait3A_271 : memref<2600000x16xf32, #tpu.memory_space<hbm>>) dst(%dma_wait3A_265 : memref<128x16xf32, #tpu.memory_space<vmem>>)
      %mul3A_272 = arith.constant 128 : i32
      %mul3A_273 = arith.muli %add3A_13, %mul3A_272 : i32
      "tpu.region"() ({
        %run_scoped3A = tpu.sem_alloc : memref<!tpu.dma_semaphore, #tpu.memory_space<semaphore_mem>>
        %dma_start3A_275 = arith.constant 0 : i32
        %dma_start3A_276 = tpu.memref_slice %arg4[%mul3A_273, %dma_start3A_275] : memref<425984x16xf32, #tpu.memory_space<hbm>> -> memref<1664x16xf32, #tpu.memory_space<hbm>>
        %dma_start3A_277 = arith.constant 0 : i32
        %dma_start3A_278 = tpu.memref_slice %arg4[%mul3A_273, %dma_start3A_277] : memref<425984x16xf32, #tpu.memory_space<hbm>> -> memref<1664x16xf32, #tpu.memory_space<hbm>>
        tpu.enqueue_dma source(%arg6 : memref<1664x16xf32, #tpu.memory_space<vmem>>) target(%dma_start3A_278 : memref<1664x16xf32, #tpu.memory_space<hbm>>) target_semaphore(%run_scoped3A : memref<!tpu.dma_semaphore, #tpu.memory_space<semaphore_mem>>)
        %dma_wait3A_279 = arith.constant 0 : i32
        %dma_wait3A_280 = tpu.memref_slice %arg4[%mul3A_273, %dma_wait3A_279] : memref<425984x16xf32, #tpu.memory_space<hbm>> -> memref<1664x16xf32, #tpu.memory_space<hbm>>
        %dma_wait3A_281 = arith.constant 0 : i32
        %dma_wait3A_282 = tpu.memref_slice %arg4[%mul3A_273, %dma_wait3A_281] : memref<425984x16xf32, #tpu.memory_space<hbm>> -> memref<1664x16xf32, #tpu.memory_space<hbm>>
        tpu.wait_dma2 semaphore(%run_scoped3A : memref<!tpu.dma_semaphore, #tpu.memory_space<semaphore_mem>>) src(%arg6 : memref<1664x16xf32, #tpu.memory_space<vmem>>) dst(%dma_wait3A_282 : memref<1664x16xf32, #tpu.memory_space<hbm>>)
        tpu.yield
      }) : () -> ()
      %scan3A_274 = arith.constant 0 : i32
      scf.yield %scan3A_274 : i32
    }
    %scan3A_6 = arith.constant 8 : i32
    return
  }
}

#map = affine_map<(d0, d1) -> (0)>
#map1 = affine_map<(d0, d1) -> (0, 0)>
module attributes {stable_mosaic.version = 14 : i64} {
  func.func @sc_lin(%arg0: i32, %arg1: i32, %arg2: memref<2600000xf32, #tpu.memory_space<hbm>>, %arg3: memref<3328x128xi32, #tpu.memory_space<hbm>>, %arg4: memref<425984xf32, #tpu.memory_space<hbm>>, %arg5: memref<13x128xi32, #tpu.memory_space<vmem>>, %arg6: memref<1664xf32, #tpu.memory_space<vmem>>, %arg7: memref<!tpu.dma_semaphore, #tpu.memory_space<semaphore_mem>>) attributes {dimension_semantics = [#tpu.dimension_semantics<core_parallel>, #tpu.dimension_semantics<subcore_parallel>], iteration_bounds = array<i64: 2, 16>, scalar_prefetch = 0 : i64, scratch_operands = 3 : i64, tpu.core_type = #tpu.core_type<sc_vector_subcore>, window_params = [{transform_indices = #map}, {transform_indices = #map1}, {transform_indices = #map}]} {
    %mul3A = arith.constant 2 : i32
    %mul3A_0 = arith.muli %arg1, %mul3A : i32
    %add3A = arith.addi %mul3A_0, %arg0 : i32
    %mul3A_1 = arith.constant 104 : i32
    %mul3A_2 = arith.muli %add3A, %mul3A_1 : i32
    %add3A_3 = arith.constant 0 : i32
    %add3A_4 = arith.addi %mul3A_2, %add3A_3 : i32
    "tpu.region"() ({
      %run_scoped3A = tpu.sem_alloc : memref<!tpu.dma_semaphore, #tpu.memory_space<semaphore_mem>>
      %dma_start3A_1711 = arith.constant 0 : i32
      %dma_start3A_1712 = tpu.memref_slice %arg3[%add3A_4, %dma_start3A_1711] : memref<3328x128xi32, #tpu.memory_space<hbm>> -> memref<13x128xi32, #tpu.memory_space<hbm>>
      %dma_start3A_1713 = arith.constant 0 : i32
      %dma_start3A_1714 = tpu.memref_slice %arg3[%add3A_4, %dma_start3A_1713] : memref<3328x128xi32, #tpu.memory_space<hbm>> -> memref<13x128xi32, #tpu.memory_space<hbm>>
      tpu.enqueue_dma source(%dma_start3A_1714 : memref<13x128xi32, #tpu.memory_space<hbm>>) target(%arg5 : memref<13x128xi32, #tpu.memory_space<vmem>>) target_semaphore(%run_scoped3A : memref<!tpu.dma_semaphore, #tpu.memory_space<semaphore_mem>>)
      %dma_wait3A_1715 = arith.constant 0 : i32
      %dma_wait3A_1716 = tpu.memref_slice %arg3[%add3A_4, %dma_wait3A_1715] : memref<3328x128xi32, #tpu.memory_space<hbm>> -> memref<13x128xi32, #tpu.memory_space<hbm>>
      %dma_wait3A_1717 = arith.constant 0 : i32
      %dma_wait3A_1718 = tpu.memref_slice %arg3[%add3A_4, %dma_wait3A_1717] : memref<3328x128xi32, #tpu.memory_space<hbm>> -> memref<13x128xi32, #tpu.memory_space<hbm>>
      tpu.wait_dma2 semaphore(%run_scoped3A : memref<!tpu.dma_semaphore, #tpu.memory_space<semaphore_mem>>) src(%dma_wait3A_1718 : memref<13x128xi32, #tpu.memory_space<hbm>>) dst(%arg5 : memref<13x128xi32, #tpu.memory_space<vmem>>)
      tpu.yield
    }) : () -> ()
    %dma_start3A = arith.constant 0 : i32
    %dma_start3A_5 = arith.constant 0 : i32
    %dma_start3A_6 = tpu.memref_slice %arg6[%dma_start3A_5] : memref<1664xf32, #tpu.memory_space<vmem>> -> memref<128xf32, #tpu.memory_space<vmem>>
    %dma_start3A_7 = arith.constant 0 : i32
    %dma_start3A_8 = tpu.memref_slice %arg5[%dma_start3A, %dma_start3A_7] : memref<13x128xi32, #tpu.memory_space<vmem>> -> memref<1x128xi32, #tpu.memory_space<vmem>>
    %dma_start3A_9 = tpu.memref_squeeze %dma_start3A_8 : memref<1x128xi32, #tpu.memory_space<vmem>> -> memref<128xi32, #tpu.memory_space<vmem>>
    %dma_start3A_10 = arith.constant 0 : i32
    %dma_start3A_11 = tpu.memref_slice %arg2[%dma_start3A_10] : memref<2600000xf32, #tpu.memory_space<hbm>> -> memref<2600000xf32, #tpu.memory_space<hbm>>
    tpu.enqueue_indirect_dma source(%dma_start3A_11 : memref<2600000xf32, #tpu.memory_space<hbm>>) target(%dma_start3A_6 : memref<128xf32, #tpu.memory_space<vmem>>) offsets(%dma_start3A_9 : memref<128xi32, #tpu.memory_space<vmem>>) semaphore(%arg7 : memref<!tpu.dma_semaphore, #tpu.memory_space<semaphore_mem>>)
    %dma_start3A_12 = arith.constant 1 : i32
    %dma_start3A_13 = arith.constant 128 : i32
    %dma_start3A_14 = tpu.memref_slice %arg6[%dma_start3A_13] : memref<1664xf32, #tpu.memory_space<vmem>> -> memref<128xf32, #tpu.memory_space<vmem>>
    %dma_start3A_15 = arith.constant 0 : i32
    %dma_start3A_16 = tpu.memref_slice %arg5[%dma_start3A_12, %dma_start3A_15] : memref<13x128xi32, #tpu.memory_space<vmem>> -> memref<1x128xi32, #tpu.memory_space<vmem>>
    %dma_start3A_17 = tpu.memref_squeeze %dma_start3A_16 : memref<1x128xi32, #tpu.memory_space<vmem>> -> memref<128xi32, #tpu.memory_space<vmem>>
    %dma_start3A_18 = arith.constant 0 : i32
    %dma_start3A_19 = tpu.memref_slice %arg2[%dma_start3A_18] : memref<2600000xf32, #tpu.memory_space<hbm>> -> memref<2600000xf32, #tpu.memory_space<hbm>>
    tpu.enqueue_indirect_dma source(%dma_start3A_19 : memref<2600000xf32, #tpu.memory_space<hbm>>) target(%dma_start3A_14 : memref<128xf32, #tpu.memory_space<vmem>>) offsets(%dma_start3A_17 : memref<128xi32, #tpu.memory_space<vmem>>) semaphore(%arg7 : memref<!tpu.dma_semaphore, #tpu.memory_space<semaphore_mem>>)
    %dma_start3A_20 = arith.constant 2 : i32
    %dma_start3A_21 = arith.constant 256 : i32
    %dma_start3A_22 = tpu.memref_slice %arg6[%dma_start3A_21] : memref<1664xf32, #tpu.memory_space<vmem>> -> memref<128xf32, #tpu.memory_space<vmem>>
    %dma_start3A_23 = arith.constant 0 : i32
    %dma_start3A_24 = tpu.memref_slice %arg5[%dma_start3A_20, %dma_start3A_23] : memref<13x128xi32, #tpu.memory_space<vmem>> -> memref<1x128xi32, #tpu.memory_space<vmem>>
    %dma_start3A_25 = tpu.memref_squeeze %dma_start3A_24 : memref<1x128xi32, #tpu.memory_space<vmem>> -> memref<128xi32, #tpu.memory_space<vmem>>
    %dma_start3A_26 = arith.constant 0 : i32
    %dma_start3A_27 = tpu.memref_slice %arg2[%dma_start3A_26] : memref<2600000xf32, #tpu.memory_space<hbm>> -> memref<2600000xf32, #tpu.memory_space<hbm>>
    tpu.enqueue_indirect_dma source(%dma_start3A_27 : memref<2600000xf32, #tpu.memory_space<hbm>>) target(%dma_start3A_22 : memref<128xf32, #tpu.memory_space<vmem>>) offsets(%dma_start3A_25 : memref<128xi32, #tpu.memory_space<vmem>>) semaphore(%arg7 : memref<!tpu.dma_semaphore, #tpu.memory_space<semaphore_mem>>)
    %dma_start3A_28 = arith.constant 3 : i32
    %dma_start3A_29 = arith.constant 384 : i32
    %dma_start3A_30 = tpu.memref_slice %arg6[%dma_start3A_29] : memref<1664xf32, #tpu.memory_space<vmem>> -> memref<128xf32, #tpu.memory_space<vmem>>
    %dma_start3A_31 = arith.constant 0 : i32
    %dma_start3A_32 = tpu.memref_slice %arg5[%dma_start3A_28, %dma_start3A_31] : memref<13x128xi32, #tpu.memory_space<vmem>> -> memref<1x128xi32, #tpu.memory_space<vmem>>
    %dma_start3A_33 = tpu.memref_squeeze %dma_start3A_32 : memref<1x128xi32, #tpu.memory_space<vmem>> -> memref<128xi32, #tpu.memory_space<vmem>>
    %dma_start3A_34 = arith.constant 0 : i32
    %dma_start3A_35 = tpu.memref_slice %arg2[%dma_start3A_34] : memref<2600000xf32, #tpu.memory_space<hbm>> -> memref<2600000xf32, #tpu.memory_space<hbm>>
    tpu.enqueue_indirect_dma source(%dma_start3A_35 : memref<2600000xf32, #tpu.memory_space<hbm>>) target(%dma_start3A_30 : memref<128xf32, #tpu.memory_space<vmem>>) offsets(%dma_start3A_33 : memref<128xi32, #tpu.memory_space<vmem>>) semaphore(%arg7 : memref<!tpu.dma_semaphore, #tpu.memory_space<semaphore_mem>>)
    %dma_start3A_36 = arith.constant 4 : i32
    %dma_start3A_37 = arith.constant 512 : i32
    %dma_start3A_38 = tpu.memref_slice %arg6[%dma_start3A_37] : memref<1664xf32, #tpu.memory_space<vmem>> -> memref<128xf32, #tpu.memory_space<vmem>>
    %dma_start3A_39 = arith.constant 0 : i32
    %dma_start3A_40 = tpu.memref_slice %arg5[%dma_start3A_36, %dma_start3A_39] : memref<13x128xi32, #tpu.memory_space<vmem>> -> memref<1x128xi32, #tpu.memory_space<vmem>>
    %dma_start3A_41 = tpu.memref_squeeze %dma_start3A_40 : memref<1x128xi32, #tpu.memory_space<vmem>> -> memref<128xi32, #tpu.memory_space<vmem>>
    %dma_start3A_42 = arith.constant 0 : i32
    %dma_start3A_43 = tpu.memref_slice %arg2[%dma_start3A_42] : memref<2600000xf32, #tpu.memory_space<hbm>> -> memref<2600000xf32, #tpu.memory_space<hbm>>
    tpu.enqueue_indirect_dma source(%dma_start3A_43 : memref<2600000xf32, #tpu.memory_space<hbm>>) target(%dma_start3A_38 : memref<128xf32, #tpu.memory_space<vmem>>) offsets(%dma_start3A_41 : memref<128xi32, #tpu.memory_space<vmem>>) semaphore(%arg7 : memref<!tpu.dma_semaphore, #tpu.memory_space<semaphore_mem>>)
    %dma_start3A_44 = arith.constant 5 : i32
    %dma_start3A_45 = arith.constant 640 : i32
    %dma_start3A_46 = tpu.memref_slice %arg6[%dma_start3A_45] : memref<1664xf32, #tpu.memory_space<vmem>> -> memref<128xf32, #tpu.memory_space<vmem>>
    %dma_start3A_47 = arith.constant 0 : i32
    %dma_start3A_48 = tpu.memref_slice %arg5[%dma_start3A_44, %dma_start3A_47] : memref<13x128xi32, #tpu.memory_space<vmem>> -> memref<1x128xi32, #tpu.memory_space<vmem>>
    %dma_start3A_49 = tpu.memref_squeeze %dma_start3A_48 : memref<1x128xi32, #tpu.memory_space<vmem>> -> memref<128xi32, #tpu.memory_space<vmem>>
    %dma_start3A_50 = arith.constant 0 : i32
    %dma_start3A_51 = tpu.memref_slice %arg2[%dma_start3A_50] : memref<2600000xf32, #tpu.memory_space<hbm>> -> memref<2600000xf32, #tpu.memory_space<hbm>>
    tpu.enqueue_indirect_dma source(%dma_start3A_51 : memref<2600000xf32, #tpu.memory_space<hbm>>) target(%dma_start3A_46 : memref<128xf32, #tpu.memory_space<vmem>>) offsets(%dma_start3A_49 : memref<128xi32, #tpu.memory_space<vmem>>) semaphore(%arg7 : memref<!tpu.dma_semaphore, #tpu.memory_space<semaphore_mem>>)
    %dma_start3A_52 = arith.constant 6 : i32
    %dma_start3A_53 = arith.constant 768 : i32
    %dma_start3A_54 = tpu.memref_slice %arg6[%dma_start3A_53] : memref<1664xf32, #tpu.memory_space<vmem>> -> memref<128xf32, #tpu.memory_space<vmem>>
    %dma_start3A_55 = arith.constant 0 : i32
    %dma_start3A_56 = tpu.memref_slice %arg5[%dma_start3A_52, %dma_start3A_55] : memref<13x128xi32, #tpu.memory_space<vmem>> -> memref<1x128xi32, #tpu.memory_space<vmem>>
    %dma_start3A_57 = tpu.memref_squeeze %dma_start3A_56 : memref<1x128xi32, #tpu.memory_space<vmem>> -> memref<128xi32, #tpu.memory_space<vmem>>
    %dma_start3A_58 = arith.constant 0 : i32
    %dma_start3A_59 = tpu.memref_slice %arg2[%dma_start3A_58] : memref<2600000xf32, #tpu.memory_space<hbm>> -> memref<2600000xf32, #tpu.memory_space<hbm>>
    tpu.enqueue_indirect_dma source(%dma_start3A_59 : memref<2600000xf32, #tpu.memory_space<hbm>>) target(%dma_start3A_54 : memref<128xf32, #tpu.memory_space<vmem>>) offsets(%dma_start3A_57 : memref<128xi32, #tpu.memory_space<vmem>>) semaphore(%arg7 : memref<!tpu.dma_semaphore, #tpu.memory_space<semaphore_mem>>)
    %dma_start3A_60 = arith.constant 7 : i32
    %dma_start3A_61 = arith.constant 896 : i32
    %dma_start3A_62 = tpu.memref_slice %arg6[%dma_start3A_61] : memref<1664xf32, #tpu.memory_space<vmem>> -> memref<128xf32, #tpu.memory_space<vmem>>
    %dma_start3A_63 = arith.constant 0 : i32
    %dma_start3A_64 = tpu.memref_slice %arg5[%dma_start3A_60, %dma_start3A_63] : memref<13x128xi32, #tpu.memory_space<vmem>> -> memref<1x128xi32, #tpu.memory_space<vmem>>
    %dma_start3A_65 = tpu.memref_squeeze %dma_start3A_64 : memref<1x128xi32, #tpu.memory_space<vmem>> -> memref<128xi32, #tpu.memory_space<vmem>>
    %dma_start3A_66 = arith.constant 0 : i32
    %dma_start3A_67 = tpu.memref_slice %arg2[%dma_start3A_66] : memref<2600000xf32, #tpu.memory_space<hbm>> -> memref<2600000xf32, #tpu.memory_space<hbm>>
    tpu.enqueue_indirect_dma source(%dma_start3A_67 : memref<2600000xf32, #tpu.memory_space<hbm>>) target(%dma_start3A_62 : memref<128xf32, #tpu.memory_space<vmem>>) offsets(%dma_start3A_65 : memref<128xi32, #tpu.memory_space<vmem>>) semaphore(%arg7 : memref<!tpu.dma_semaphore, #tpu.memory_space<semaphore_mem>>)
    %dma_start3A_68 = arith.constant 8 : i32
    %dma_start3A_69 = arith.constant 1024 : i32
    %dma_start3A_70 = tpu.memref_slice %arg6[%dma_start3A_69] : memref<1664xf32, #tpu.memory_space<vmem>> -> memref<128xf32, #tpu.memory_space<vmem>>
    %dma_start3A_71 = arith.constant 0 : i32
    %dma_start3A_72 = tpu.memref_slice %arg5[%dma_start3A_68, %dma_start3A_71] : memref<13x128xi32, #tpu.memory_space<vmem>> -> memref<1x128xi32, #tpu.memory_space<vmem>>
    %dma_start3A_73 = tpu.memref_squeeze %dma_start3A_72 : memref<1x128xi32, #tpu.memory_space<vmem>> -> memref<128xi32, #tpu.memory_space<vmem>>
    %dma_start3A_74 = arith.constant 0 : i32
    %dma_start3A_75 = tpu.memref_slice %arg2[%dma_start3A_74] : memref<2600000xf32, #tpu.memory_space<hbm>> -> memref<2600000xf32, #tpu.memory_space<hbm>>
    tpu.enqueue_indirect_dma source(%dma_start3A_75 : memref<2600000xf32, #tpu.memory_space<hbm>>) target(%dma_start3A_70 : memref<128xf32, #tpu.memory_space<vmem>>) offsets(%dma_start3A_73 : memref<128xi32, #tpu.memory_space<vmem>>) semaphore(%arg7 : memref<!tpu.dma_semaphore, #tpu.memory_space<semaphore_mem>>)
    %dma_start3A_76 = arith.constant 9 : i32
    %dma_start3A_77 = arith.constant 1152 : i32
    %dma_start3A_78 = tpu.memref_slice %arg6[%dma_start3A_77] : memref<1664xf32, #tpu.memory_space<vmem>> -> memref<128xf32, #tpu.memory_space<vmem>>
    %dma_start3A_79 = arith.constant 0 : i32
    %dma_start3A_80 = tpu.memref_slice %arg5[%dma_start3A_76, %dma_start3A_79] : memref<13x128xi32, #tpu.memory_space<vmem>> -> memref<1x128xi32, #tpu.memory_space<vmem>>
    %dma_start3A_81 = tpu.memref_squeeze %dma_start3A_80 : memref<1x128xi32, #tpu.memory_space<vmem>> -> memref<128xi32, #tpu.memory_space<vmem>>
    %dma_start3A_82 = arith.constant 0 : i32
    %dma_start3A_83 = tpu.memref_slice %arg2[%dma_start3A_82] : memref<2600000xf32, #tpu.memory_space<hbm>> -> memref<2600000xf32, #tpu.memory_space<hbm>>
    tpu.enqueue_indirect_dma source(%dma_start3A_83 : memref<2600000xf32, #tpu.memory_space<hbm>>) target(%dma_start3A_78 : memref<128xf32, #tpu.memory_space<vmem>>) offsets(%dma_start3A_81 : memref<128xi32, #tpu.memory_space<vmem>>) semaphore(%arg7 : memref<!tpu.dma_semaphore, #tpu.memory_space<semaphore_mem>>)
    %dma_start3A_84 = arith.constant 10 : i32
    %dma_start3A_85 = arith.constant 1280 : i32
    %dma_start3A_86 = tpu.memref_slice %arg6[%dma_start3A_85] : memref<1664xf32, #tpu.memory_space<vmem>> -> memref<128xf32, #tpu.memory_space<vmem>>
    %dma_start3A_87 = arith.constant 0 : i32
    %dma_start3A_88 = tpu.memref_slice %arg5[%dma_start3A_84, %dma_start3A_87] : memref<13x128xi32, #tpu.memory_space<vmem>> -> memref<1x128xi32, #tpu.memory_space<vmem>>
    %dma_start3A_89 = tpu.memref_squeeze %dma_start3A_88 : memref<1x128xi32, #tpu.memory_space<vmem>> -> memref<128xi32, #tpu.memory_space<vmem>>
    %dma_start3A_90 = arith.constant 0 : i32
    %dma_start3A_91 = tpu.memref_slice %arg2[%dma_start3A_90] : memref<2600000xf32, #tpu.memory_space<hbm>> -> memref<2600000xf32, #tpu.memory_space<hbm>>
    tpu.enqueue_indirect_dma source(%dma_start3A_91 : memref<2600000xf32, #tpu.memory_space<hbm>>) target(%dma_start3A_86 : memref<128xf32, #tpu.memory_space<vmem>>) offsets(%dma_start3A_89 : memref<128xi32, #tpu.memory_space<vmem>>) semaphore(%arg7 : memref<!tpu.dma_semaphore, #tpu.memory_space<semaphore_mem>>)
    %dma_start3A_92 = arith.constant 11 : i32
    %dma_start3A_93 = arith.constant 1408 : i32
    %dma_start3A_94 = tpu.memref_slice %arg6[%dma_start3A_93] : memref<1664xf32, #tpu.memory_space<vmem>> -> memref<128xf32, #tpu.memory_space<vmem>>
    %dma_start3A_95 = arith.constant 0 : i32
    %dma_start3A_96 = tpu.memref_slice %arg5[%dma_start3A_92, %dma_start3A_95] : memref<13x128xi32, #tpu.memory_space<vmem>> -> memref<1x128xi32, #tpu.memory_space<vmem>>
    %dma_start3A_97 = tpu.memref_squeeze %dma_start3A_96 : memref<1x128xi32, #tpu.memory_space<vmem>> -> memref<128xi32, #tpu.memory_space<vmem>>
    %dma_start3A_98 = arith.constant 0 : i32
    %dma_start3A_99 = tpu.memref_slice %arg2[%dma_start3A_98] : memref<2600000xf32, #tpu.memory_space<hbm>> -> memref<2600000xf32, #tpu.memory_space<hbm>>
    tpu.enqueue_indirect_dma source(%dma_start3A_99 : memref<2600000xf32, #tpu.memory_space<hbm>>) target(%dma_start3A_94 : memref<128xf32, #tpu.memory_space<vmem>>) offsets(%dma_start3A_97 : memref<128xi32, #tpu.memory_space<vmem>>) semaphore(%arg7 : memref<!tpu.dma_semaphore, #tpu.memory_space<semaphore_mem>>)
    %dma_start3A_100 = arith.constant 12 : i32
    %dma_start3A_101 = arith.constant 1536 : i32
    %dma_start3A_102 = tpu.memref_slice %arg6[%dma_start3A_101] : memref<1664xf32, #tpu.memory_space<vmem>> -> memref<128xf32, #tpu.memory_space<vmem>>
    %dma_start3A_103 = arith.constant 0 : i32
    %dma_start3A_104 = tpu.memref_slice %arg5[%dma_start3A_100, %dma_start3A_103] : memref<13x128xi32, #tpu.memory_space<vmem>> -> memref<1x128xi32, #tpu.memory_space<vmem>>
    %dma_start3A_105 = tpu.memref_squeeze %dma_start3A_104 : memref<1x128xi32, #tpu.memory_space<vmem>> -> memref<128xi32, #tpu.memory_space<vmem>>
    %dma_start3A_106 = arith.constant 0 : i32
    %dma_start3A_107 = tpu.memref_slice %arg2[%dma_start3A_106] : memref<2600000xf32, #tpu.memory_space<hbm>> -> memref<2600000xf32, #tpu.memory_space<hbm>>
    tpu.enqueue_indirect_dma source(%dma_start3A_107 : memref<2600000xf32, #tpu.memory_space<hbm>>) target(%dma_start3A_102 : memref<128xf32, #tpu.memory_space<vmem>>) offsets(%dma_start3A_105 : memref<128xi32, #tpu.memory_space<vmem>>) semaphore(%arg7 : memref<!tpu.dma_semaphore, #tpu.memory_space<semaphore_mem>>)
    %dma_wait3A = arith.constant 0 : i32
    %dma_wait3A_108 = arith.constant 0 : i32
    %dma_wait3A_109 = tpu.memref_slice %arg6[%dma_wait3A_108] : memref<1664xf32, #tpu.memory_space<vmem>> -> memref<128xf32, #tpu.memory_space<vmem>>
    %dma_wait3A_110 = arith.constant 0 : i32
    %dma_wait3A_111 = tpu.memref_slice %arg5[%dma_wait3A, %dma_wait3A_110] : memref<13x128xi32, #tpu.memory_space<vmem>> -> memref<1x128xi32, #tpu.memory_space<vmem>>
    %dma_wait3A_112 = tpu.memref_squeeze %dma_wait3A_111 : memref<1x128xi32, #tpu.memory_space<vmem>> -> memref<128xi32, #tpu.memory_space<vmem>>
    %dma_wait3A_113 = arith.constant 0 : i32
    %dma_wait3A_114 = tpu.memref_slice %arg2[%dma_wait3A_113] : memref<2600000xf32, #tpu.memory_space<hbm>> -> memref<2600000xf32, #tpu.memory_space<hbm>>
    tpu.wait_indirect_dma semaphore(%arg7 : memref<!tpu.dma_semaphore, #tpu.memory_space<semaphore_mem>>) src(%dma_wait3A_114 : memref<2600000xf32, #tpu.memory_space<hbm>>) dst(%dma_wait3A_109 : memref<128xf32, #tpu.memory_space<vmem>>)
    %dma_wait3A_115 = arith.constant 1 : i32
    %dma_wait3A_116 = arith.constant 128 : i32
    %dma_wait3A_117 = tpu.memref_slice %arg6[%dma_wait3A_116] : memref<1664xf32, #tpu.memory_space<vmem>> -> memref<128xf32, #tpu.memory_space<vmem>>
    %dma_wait3A_118 = arith.constant 0 : i32
    %dma_wait3A_119 = tpu.memref_slice %arg5[%dma_wait3A_115, %dma_wait3A_118] : memref<13x128xi32, #tpu.memory_space<vmem>> -> memref<1x128xi32, #tpu.memory_space<vmem>>
    %dma_wait3A_120 = tpu.memref_squeeze %dma_wait3A_119 : memref<1x128xi32, #tpu.memory_space<vmem>> -> memref<128xi32, #tpu.memory_space<vmem>>
    %dma_wait3A_121 = arith.constant 0 : i32
    %dma_wait3A_122 = tpu.memref_slice %arg2[%dma_wait3A_121] : memref<2600000xf32, #tpu.memory_space<hbm>> -> memref<2600000xf32, #tpu.memory_space<hbm>>
    tpu.wait_indirect_dma semaphore(%arg7 : memref<!tpu.dma_semaphore, #tpu.memory_space<semaphore_mem>>) src(%dma_wait3A_122 : memref<2600000xf32, #tpu.memory_space<hbm>>) dst(%dma_wait3A_117 : memref<128xf32, #tpu.memory_space<vmem>>)
    %dma_wait3A_123 = arith.constant 2 : i32
    %dma_wait3A_124 = arith.constant 256 : i32
    %dma_wait3A_125 = tpu.memref_slice %arg6[%dma_wait3A_124] : memref<1664xf32, #tpu.memory_space<vmem>> -> memref<128xf32, #tpu.memory_space<vmem>>
    %dma_wait3A_126 = arith.constant 0 : i32
    %dma_wait3A_127 = tpu.memref_slice %arg5[%dma_wait3A_123, %dma_wait3A_126] : memref<13x128xi32, #tpu.memory_space<vmem>> -> memref<1x128xi32, #tpu.memory_space<vmem>>
    %dma_wait3A_128 = tpu.memref_squeeze %dma_wait3A_127 : memref<1x128xi32, #tpu.memory_space<vmem>> -> memref<128xi32, #tpu.memory_space<vmem>>
    %dma_wait3A_129 = arith.constant 0 : i32
    %dma_wait3A_130 = tpu.memref_slice %arg2[%dma_wait3A_129] : memref<2600000xf32, #tpu.memory_space<hbm>> -> memref<2600000xf32, #tpu.memory_space<hbm>>
    tpu.wait_indirect_dma semaphore(%arg7 : memref<!tpu.dma_semaphore, #tpu.memory_space<semaphore_mem>>) src(%dma_wait3A_130 : memref<2600000xf32, #tpu.memory_space<hbm>>) dst(%dma_wait3A_125 : memref<128xf32, #tpu.memory_space<vmem>>)
    %dma_wait3A_131 = arith.constant 3 : i32
    %dma_wait3A_132 = arith.constant 384 : i32
    %dma_wait3A_133 = tpu.memref_slice %arg6[%dma_wait3A_132] : memref<1664xf32, #tpu.memory_space<vmem>> -> memref<128xf32, #tpu.memory_space<vmem>>
    %dma_wait3A_134 = arith.constant 0 : i32
    %dma_wait3A_135 = tpu.memref_slice %arg5[%dma_wait3A_131, %dma_wait3A_134] : memref<13x128xi32, #tpu.memory_space<vmem>> -> memref<1x128xi32, #tpu.memory_space<vmem>>
    %dma_wait3A_136 = tpu.memref_squeeze %dma_wait3A_135 : memref<1x128xi32, #tpu.memory_space<vmem>> -> memref<128xi32, #tpu.memory_space<vmem>>
    %dma_wait3A_137 = arith.constant 0 : i32
    %dma_wait3A_138 = tpu.memref_slice %arg2[%dma_wait3A_137] : memref<2600000xf32, #tpu.memory_space<hbm>> -> memref<2600000xf32, #tpu.memory_space<hbm>>
    tpu.wait_indirect_dma semaphore(%arg7 : memref<!tpu.dma_semaphore, #tpu.memory_space<semaphore_mem>>) src(%dma_wait3A_138 : memref<2600000xf32, #tpu.memory_space<hbm>>) dst(%dma_wait3A_133 : memref<128xf32, #tpu.memory_space<vmem>>)
    %dma_wait3A_139 = arith.constant 4 : i32
    %dma_wait3A_140 = arith.constant 512 : i32
    %dma_wait3A_141 = tpu.memref_slice %arg6[%dma_wait3A_140] : memref<1664xf32, #tpu.memory_space<vmem>> -> memref<128xf32, #tpu.memory_space<vmem>>
    %dma_wait3A_142 = arith.constant 0 : i32
    %dma_wait3A_143 = tpu.memref_slice %arg5[%dma_wait3A_139, %dma_wait3A_142] : memref<13x128xi32, #tpu.memory_space<vmem>> -> memref<1x128xi32, #tpu.memory_space<vmem>>
    %dma_wait3A_144 = tpu.memref_squeeze %dma_wait3A_143 : memref<1x128xi32, #tpu.memory_space<vmem>> -> memref<128xi32, #tpu.memory_space<vmem>>
    %dma_wait3A_145 = arith.constant 0 : i32
    %dma_wait3A_146 = tpu.memref_slice %arg2[%dma_wait3A_145] : memref<2600000xf32, #tpu.memory_space<hbm>> -> memref<2600000xf32, #tpu.memory_space<hbm>>
    tpu.wait_indirect_dma semaphore(%arg7 : memref<!tpu.dma_semaphore, #tpu.memory_space<semaphore_mem>>) src(%dma_wait3A_146 : memref<2600000xf32, #tpu.memory_space<hbm>>) dst(%dma_wait3A_141 : memref<128xf32, #tpu.memory_space<vmem>>)
    %dma_wait3A_147 = arith.constant 5 : i32
    %dma_wait3A_148 = arith.constant 640 : i32
    %dma_wait3A_149 = tpu.memref_slice %arg6[%dma_wait3A_148] : memref<1664xf32, #tpu.memory_space<vmem>> -> memref<128xf32, #tpu.memory_space<vmem>>
    %dma_wait3A_150 = arith.constant 0 : i32
    %dma_wait3A_151 = tpu.memref_slice %arg5[%dma_wait3A_147, %dma_wait3A_150] : memref<13x128xi32, #tpu.memory_space<vmem>> -> memref<1x128xi32, #tpu.memory_space<vmem>>
    %dma_wait3A_152 = tpu.memref_squeeze %dma_wait3A_151 : memref<1x128xi32, #tpu.memory_space<vmem>> -> memref<128xi32, #tpu.memory_space<vmem>>
    %dma_wait3A_153 = arith.constant 0 : i32
    %dma_wait3A_154 = tpu.memref_slice %arg2[%dma_wait3A_153] : memref<2600000xf32, #tpu.memory_space<hbm>> -> memref<2600000xf32, #tpu.memory_space<hbm>>
    tpu.wait_indirect_dma semaphore(%arg7 : memref<!tpu.dma_semaphore, #tpu.memory_space<semaphore_mem>>) src(%dma_wait3A_154 : memref<2600000xf32, #tpu.memory_space<hbm>>) dst(%dma_wait3A_149 : memref<128xf32, #tpu.memory_space<vmem>>)
    %dma_wait3A_155 = arith.constant 6 : i32
    %dma_wait3A_156 = arith.constant 768 : i32
    %dma_wait3A_157 = tpu.memref_slice %arg6[%dma_wait3A_156] : memref<1664xf32, #tpu.memory_space<vmem>> -> memref<128xf32, #tpu.memory_space<vmem>>
    %dma_wait3A_158 = arith.constant 0 : i32
    %dma_wait3A_159 = tpu.memref_slice %arg5[%dma_wait3A_155, %dma_wait3A_158] : memref<13x128xi32, #tpu.memory_space<vmem>> -> memref<1x128xi32, #tpu.memory_space<vmem>>
    %dma_wait3A_160 = tpu.memref_squeeze %dma_wait3A_159 : memref<1x128xi32, #tpu.memory_space<vmem>> -> memref<128xi32, #tpu.memory_space<vmem>>
    %dma_wait3A_161 = arith.constant 0 : i32
    %dma_wait3A_162 = tpu.memref_slice %arg2[%dma_wait3A_161] : memref<2600000xf32, #tpu.memory_space<hbm>> -> memref<2600000xf32, #tpu.memory_space<hbm>>
    tpu.wait_indirect_dma semaphore(%arg7 : memref<!tpu.dma_semaphore, #tpu.memory_space<semaphore_mem>>) src(%dma_wait3A_162 : memref<2600000xf32, #tpu.memory_space<hbm>>) dst(%dma_wait3A_157 : memref<128xf32, #tpu.memory_space<vmem>>)
    %dma_wait3A_163 = arith.constant 7 : i32
    %dma_wait3A_164 = arith.constant 896 : i32
    %dma_wait3A_165 = tpu.memref_slice %arg6[%dma_wait3A_164] : memref<1664xf32, #tpu.memory_space<vmem>> -> memref<128xf32, #tpu.memory_space<vmem>>
    %dma_wait3A_166 = arith.constant 0 : i32
    %dma_wait3A_167 = tpu.memref_slice %arg5[%dma_wait3A_163, %dma_wait3A_166] : memref<13x128xi32, #tpu.memory_space<vmem>> -> memref<1x128xi32, #tpu.memory_space<vmem>>
    %dma_wait3A_168 = tpu.memref_squeeze %dma_wait3A_167 : memref<1x128xi32, #tpu.memory_space<vmem>> -> memref<128xi32, #tpu.memory_space<vmem>>
    %dma_wait3A_169 = arith.constant 0 : i32
    %dma_wait3A_170 = tpu.memref_slice %arg2[%dma_wait3A_169] : memref<2600000xf32, #tpu.memory_space<hbm>> -> memref<2600000xf32, #tpu.memory_space<hbm>>
    tpu.wait_indirect_dma semaphore(%arg7 : memref<!tpu.dma_semaphore, #tpu.memory_space<semaphore_mem>>) src(%dma_wait3A_170 : memref<2600000xf32, #tpu.memory_space<hbm>>) dst(%dma_wait3A_165 : memref<128xf32, #tpu.memory_space<vmem>>)
    %dma_wait3A_171 = arith.constant 8 : i32
    %dma_wait3A_172 = arith.constant 1024 : i32
    %dma_wait3A_173 = tpu.memref_slice %arg6[%dma_wait3A_172] : memref<1664xf32, #tpu.memory_space<vmem>> -> memref<128xf32, #tpu.memory_space<vmem>>
    %dma_wait3A_174 = arith.constant 0 : i32
    %dma_wait3A_175 = tpu.memref_slice %arg5[%dma_wait3A_171, %dma_wait3A_174] : memref<13x128xi32, #tpu.memory_space<vmem>> -> memref<1x128xi32, #tpu.memory_space<vmem>>
    %dma_wait3A_176 = tpu.memref_squeeze %dma_wait3A_175 : memref<1x128xi32, #tpu.memory_space<vmem>> -> memref<128xi32, #tpu.memory_space<vmem>>
    %dma_wait3A_177 = arith.constant 0 : i32
    %dma_wait3A_178 = tpu.memref_slice %arg2[%dma_wait3A_177] : memref<2600000xf32, #tpu.memory_space<hbm>> -> memref<2600000xf32, #tpu.memory_space<hbm>>
    tpu.wait_indirect_dma semaphore(%arg7 : memref<!tpu.dma_semaphore, #tpu.memory_space<semaphore_mem>>) src(%dma_wait3A_178 : memref<2600000xf32, #tpu.memory_space<hbm>>) dst(%dma_wait3A_173 : memref<128xf32, #tpu.memory_space<vmem>>)
    %dma_wait3A_179 = arith.constant 9 : i32
    %dma_wait3A_180 = arith.constant 1152 : i32
    %dma_wait3A_181 = tpu.memref_slice %arg6[%dma_wait3A_180] : memref<1664xf32, #tpu.memory_space<vmem>> -> memref<128xf32, #tpu.memory_space<vmem>>
    %dma_wait3A_182 = arith.constant 0 : i32
    %dma_wait3A_183 = tpu.memref_slice %arg5[%dma_wait3A_179, %dma_wait3A_182] : memref<13x128xi32, #tpu.memory_space<vmem>> -> memref<1x128xi32, #tpu.memory_space<vmem>>
    %dma_wait3A_184 = tpu.memref_squeeze %dma_wait3A_183 : memref<1x128xi32, #tpu.memory_space<vmem>> -> memref<128xi32, #tpu.memory_space<vmem>>
    %dma_wait3A_185 = arith.constant 0 : i32
    %dma_wait3A_186 = tpu.memref_slice %arg2[%dma_wait3A_185] : memref<2600000xf32, #tpu.memory_space<hbm>> -> memref<2600000xf32, #tpu.memory_space<hbm>>
    tpu.wait_indirect_dma semaphore(%arg7 : memref<!tpu.dma_semaphore, #tpu.memory_space<semaphore_mem>>) src(%dma_wait3A_186 : memref<2600000xf32, #tpu.memory_space<hbm>>) dst(%dma_wait3A_181 : memref<128xf32, #tpu.memory_space<vmem>>)
    %dma_wait3A_187 = arith.constant 10 : i32
    %dma_wait3A_188 = arith.constant 1280 : i32
    %dma_wait3A_189 = tpu.memref_slice %arg6[%dma_wait3A_188] : memref<1664xf32, #tpu.memory_space<vmem>> -> memref<128xf32, #tpu.memory_space<vmem>>
    %dma_wait3A_190 = arith.constant 0 : i32
    %dma_wait3A_191 = tpu.memref_slice %arg5[%dma_wait3A_187, %dma_wait3A_190] : memref<13x128xi32, #tpu.memory_space<vmem>> -> memref<1x128xi32, #tpu.memory_space<vmem>>
    %dma_wait3A_192 = tpu.memref_squeeze %dma_wait3A_191 : memref<1x128xi32, #tpu.memory_space<vmem>> -> memref<128xi32, #tpu.memory_space<vmem>>
    %dma_wait3A_193 = arith.constant 0 : i32
    %dma_wait3A_194 = tpu.memref_slice %arg2[%dma_wait3A_193] : memref<2600000xf32, #tpu.memory_space<hbm>> -> memref<2600000xf32, #tpu.memory_space<hbm>>
    tpu.wait_indirect_dma semaphore(%arg7 : memref<!tpu.dma_semaphore, #tpu.memory_space<semaphore_mem>>) src(%dma_wait3A_194 : memref<2600000xf32, #tpu.memory_space<hbm>>) dst(%dma_wait3A_189 : memref<128xf32, #tpu.memory_space<vmem>>)
    %dma_wait3A_195 = arith.constant 11 : i32
    %dma_wait3A_196 = arith.constant 1408 : i32
    %dma_wait3A_197 = tpu.memref_slice %arg6[%dma_wait3A_196] : memref<1664xf32, #tpu.memory_space<vmem>> -> memref<128xf32, #tpu.memory_space<vmem>>
    %dma_wait3A_198 = arith.constant 0 : i32
    %dma_wait3A_199 = tpu.memref_slice %arg5[%dma_wait3A_195, %dma_wait3A_198] : memref<13x128xi32, #tpu.memory_space<vmem>> -> memref<1x128xi32, #tpu.memory_space<vmem>>
    %dma_wait3A_200 = tpu.memref_squeeze %dma_wait3A_199 : memref<1x128xi32, #tpu.memory_space<vmem>> -> memref<128xi32, #tpu.memory_space<vmem>>
    %dma_wait3A_201 = arith.constant 0 : i32
    %dma_wait3A_202 = tpu.memref_slice %arg2[%dma_wait3A_201] : memref<2600000xf32, #tpu.memory_space<hbm>> -> memref<2600000xf32, #tpu.memory_space<hbm>>
    tpu.wait_indirect_dma semaphore(%arg7 : memref<!tpu.dma_semaphore, #tpu.memory_space<semaphore_mem>>) src(%dma_wait3A_202 : memref<2600000xf32, #tpu.memory_space<hbm>>) dst(%dma_wait3A_197 : memref<128xf32, #tpu.memory_space<vmem>>)
    %dma_wait3A_203 = arith.constant 12 : i32
    %dma_wait3A_204 = arith.constant 1536 : i32
    %dma_wait3A_205 = tpu.memref_slice %arg6[%dma_wait3A_204] : memref<1664xf32, #tpu.memory_space<vmem>> -> memref<128xf32, #tpu.memory_space<vmem>>
    %dma_wait3A_206 = arith.constant 0 : i32
    %dma_wait3A_207 = tpu.memref_slice %arg5[%dma_wait3A_203, %dma_wait3A_206] : memref<13x128xi32, #tpu.memory_space<vmem>> -> memref<1x128xi32, #tpu.memory_space<vmem>>
    %dma_wait3A_208 = tpu.memref_squeeze %dma_wait3A_207 : memref<1x128xi32, #tpu.memory_space<vmem>> -> memref<128xi32, #tpu.memory_space<vmem>>
    %dma_wait3A_209 = arith.constant 0 : i32
    %dma_wait3A_210 = tpu.memref_slice %arg2[%dma_wait3A_209] : memref<2600000xf32, #tpu.memory_space<hbm>> -> memref<2600000xf32, #tpu.memory_space<hbm>>
    tpu.wait_indirect_dma semaphore(%arg7 : memref<!tpu.dma_semaphore, #tpu.memory_space<semaphore_mem>>) src(%dma_wait3A_210 : memref<2600000xf32, #tpu.memory_space<hbm>>) dst(%dma_wait3A_205 : memref<128xf32, #tpu.memory_space<vmem>>)
    %mul3A_211 = arith.constant 128 : i32
    %mul3A_212 = arith.muli %add3A_4, %mul3A_211 : i32
    "tpu.region"() ({
      %run_scoped3A = tpu.sem_alloc : memref<!tpu.dma_semaphore, #tpu.memory_space<semaphore_mem>>
      %dma_start3A_1711 = tpu.memref_slice %arg4[%mul3A_212] : memref<425984xf32, #tpu.memory_space<hbm>> -> memref<1664xf32, #tpu.memory_space<hbm>>
      %dma_start3A_1712 = tpu.memref_slice %arg4[%mul3A_212] : memref<425984xf32, #tpu.memory_space<hbm>> -> memref<1664xf32, #tpu.memory_space<hbm>>
      tpu.enqueue_dma source(%arg6 : memref<1664xf32, #tpu.memory_space<vmem>>) target(%dma_start3A_1712 : memref<1664xf32, #tpu.memory_space<hbm>>) target_semaphore(%run_scoped3A : memref<!tpu.dma_semaphore, #tpu.memory_space<semaphore_mem>>)
      %dma_wait3A_1713 = tpu.memref_slice %arg4[%mul3A_212] : memref<425984xf32, #tpu.memory_space<hbm>> -> memref<1664xf32, #tpu.memory_space<hbm>>
      %dma_wait3A_1714 = tpu.memref_slice %arg4[%mul3A_212] : memref<425984xf32, #tpu.memory_space<hbm>> -> memref<1664xf32, #tpu.memory_space<hbm>>
      tpu.wait_dma2 semaphore(%run_scoped3A : memref<!tpu.dma_semaphore, #tpu.memory_space<semaphore_mem>>) src(%arg6 : memref<1664xf32, #tpu.memory_space<vmem>>) dst(%dma_wait3A_1714 : memref<1664xf32, #tpu.memory_space<hbm>>)
      tpu.yield
    }) : () -> ()
    %mul3A_213 = arith.constant 104 : i32
    %mul3A_214 = arith.muli %add3A, %mul3A_213 : i32
    %add3A_215 = arith.constant 13 : i32
    %add3A_216 = arith.addi %mul3A_214, %add3A_215 : i32
    "tpu.region"() ({
      %run_scoped3A = tpu.sem_alloc : memref<!tpu.dma_semaphore, #tpu.memory_space<semaphore_mem>>
      %dma_start3A_1711 = arith.constant 0 : i32
      %dma_start3A_1712 = tpu.memref_slice %arg3[%add3A_216, %dma_start3A_1711] : memref<3328x128xi32, #tpu.memory_space<hbm>> -> memref<13x128xi32, #tpu.memory_space<hbm>>
      %dma_start3A_1713 = arith.constant 0 : i32
      %dma_start3A_1714 = tpu.memref_slice %arg3[%add3A_216, %dma_start3A_1713] : memref<3328x128xi32, #tpu.memory_space<hbm>> -> memref<13x128xi32, #tpu.memory_space<hbm>>
      tpu.enqueue_dma source(%dma_start3A_1714 : memref<13x128xi32, #tpu.memory_space<hbm>>) target(%arg5 : memref<13x128xi32, #tpu.memory_space<vmem>>) target_semaphore(%run_scoped3A : memref<!tpu.dma_semaphore, #tpu.memory_space<semaphore_mem>>)
      %dma_wait3A_1715 = arith.constant 0 : i32
      %dma_wait3A_1716 = tpu.memref_slice %arg3[%add3A_216, %dma_wait3A_1715] : memref<3328x128xi32, #tpu.memory_space<hbm>> -> memref<13x128xi32, #tpu.memory_space<hbm>>
      %dma_wait3A_1717 = arith.constant 0 : i32
      %dma_wait3A_1718 = tpu.memref_slice %arg3[%add3A_216, %dma_wait3A_1717] : memref<3328x128xi32, #tpu.memory_space<hbm>> -> memref<13x128xi32, #tpu.memory_space<hbm>>
      tpu.wait_dma2 semaphore(%run_scoped3A : memref<!tpu.dma_semaphore, #tpu.memory_space<semaphore_mem>>) src(%dma_wait3A_1718 : memref<13x128xi32, #tpu.memory_space<hbm>>) dst(%arg5 : memref<13x128xi32, #tpu.memory_space<vmem>>)
      tpu.yield
    }) : () -> ()
    %dma_start3A_217 = arith.constant 0 : i32
    %dma_start3A_218 = arith.constant 0 : i32
    %dma_start3A_219 = tpu.memref_slice %arg6[%dma_start3A_218] : memref<1664xf32, #tpu.memory_space<vmem>> -> memref<128xf32, #tpu.memory_space<vmem>>
    %dma_start3A_220 = arith.constant 0 : i32
    %dma_start3A_221 = tpu.memref_slice %arg5[%dma_start3A_217, %dma_start3A_220] : memref<13x128xi32, #tpu.memory_space<vmem>> -> memref<1x128xi32, #tpu.memory_space<vmem>>
    %dma_start3A_222 = tpu.memref_squeeze %dma_start3A_221 : memref<1x128xi32, #tpu.memory_space<vmem>> -> memref<128xi32, #tpu.memory_space<vmem>>
    %dma_start3A_223 = arith.constant 0 : i32
    %dma_start3A_224 = tpu.memref_slice %arg2[%dma_start3A_223] : memref<2600000xf32, #tpu.memory_space<hbm>> -> memref<2600000xf32, #tpu.memory_space<hbm>>
    tpu.enqueue_indirect_dma source(%dma_start3A_224 : memref<2600000xf32, #tpu.memory_space<hbm>>) target(%dma_start3A_219 : memref<128xf32, #tpu.memory_space<vmem>>) offsets(%dma_start3A_222 : memref<128xi32, #tpu.memory_space<vmem>>) semaphore(%arg7 : memref<!tpu.dma_semaphore, #tpu.memory_space<semaphore_mem>>)
    %dma_start3A_225 = arith.constant 1 : i32
    %dma_start3A_226 = arith.constant 128 : i32
    %dma_start3A_227 = tpu.memref_slice %arg6[%dma_start3A_226] : memref<1664xf32, #tpu.memory_space<vmem>> -> memref<128xf32, #tpu.memory_space<vmem>>
    %dma_start3A_228 = arith.constant 0 : i32
    %dma_start3A_229 = tpu.memref_slice %arg5[%dma_start3A_225, %dma_start3A_228] : memref<13x128xi32, #tpu.memory_space<vmem>> -> memref<1x128xi32, #tpu.memory_space<vmem>>
    %dma_start3A_230 = tpu.memref_squeeze %dma_start3A_229 : memref<1x128xi32, #tpu.memory_space<vmem>> -> memref<128xi32, #tpu.memory_space<vmem>>
    %dma_start3A_231 = arith.constant 0 : i32
    %dma_start3A_232 = tpu.memref_slice %arg2[%dma_start3A_231] : memref<2600000xf32, #tpu.memory_space<hbm>> -> memref<2600000xf32, #tpu.memory_space<hbm>>
    tpu.enqueue_indirect_dma source(%dma_start3A_232 : memref<2600000xf32, #tpu.memory_space<hbm>>) target(%dma_start3A_227 : memref<128xf32, #tpu.memory_space<vmem>>) offsets(%dma_start3A_230 : memref<128xi32, #tpu.memory_space<vmem>>) semaphore(%arg7 : memref<!tpu.dma_semaphore, #tpu.memory_space<semaphore_mem>>)
    %dma_start3A_233 = arith.constant 2 : i32
    %dma_start3A_234 = arith.constant 256 : i32
    %dma_start3A_235 = tpu.memref_slice %arg6[%dma_start3A_234] : memref<1664xf32, #tpu.memory_space<vmem>> -> memref<128xf32, #tpu.memory_space<vmem>>
    %dma_start3A_236 = arith.constant 0 : i32
    %dma_start3A_237 = tpu.memref_slice %arg5[%dma_start3A_233, %dma_start3A_236] : memref<13x128xi32, #tpu.memory_space<vmem>> -> memref<1x128xi32, #tpu.memory_space<vmem>>
    %dma_start3A_238 = tpu.memref_squeeze %dma_start3A_237 : memref<1x128xi32, #tpu.memory_space<vmem>> -> memref<128xi32, #tpu.memory_space<vmem>>
    %dma_start3A_239 = arith.constant 0 : i32
    %dma_start3A_240 = tpu.memref_slice %arg2[%dma_start3A_239] : memref<2600000xf32, #tpu.memory_space<hbm>> -> memref<2600000xf32, #tpu.memory_space<hbm>>
    tpu.enqueue_indirect_dma source(%dma_start3A_240 : memref<2600000xf32, #tpu.memory_space<hbm>>) target(%dma_start3A_235 : memref<128xf32, #tpu.memory_space<vmem>>) offsets(%dma_start3A_238 : memref<128xi32, #tpu.memory_space<vmem>>) semaphore(%arg7 : memref<!tpu.dma_semaphore, #tpu.memory_space<semaphore_mem>>)
    %dma_start3A_241 = arith.constant 3 : i32
    %dma_start3A_242 = arith.constant 384 : i32
    %dma_start3A_243 = tpu.memref_slice %arg6[%dma_start3A_242] : memref<1664xf32, #tpu.memory_space<vmem>> -> memref<128xf32, #tpu.memory_space<vmem>>
    %dma_start3A_244 = arith.constant 0 : i32
    %dma_start3A_245 = tpu.memref_slice %arg5[%dma_start3A_241, %dma_start3A_244] : memref<13x128xi32, #tpu.memory_space<vmem>> -> memref<1x128xi32, #tpu.memory_space<vmem>>
    %dma_start3A_246 = tpu.memref_squeeze %dma_start3A_245 : memref<1x128xi32, #tpu.memory_space<vmem>> -> memref<128xi32, #tpu.memory_space<vmem>>
    %dma_start3A_247 = arith.constant 0 : i32
    %dma_start3A_248 = tpu.memref_slice %arg2[%dma_start3A_247] : memref<2600000xf32, #tpu.memory_space<hbm>> -> memref<2600000xf32, #tpu.memory_space<hbm>>
    tpu.enqueue_indirect_dma source(%dma_start3A_248 : memref<2600000xf32, #tpu.memory_space<hbm>>) target(%dma_start3A_243 : memref<128xf32, #tpu.memory_space<vmem>>) offsets(%dma_start3A_246 : memref<128xi32, #tpu.memory_space<vmem>>) semaphore(%arg7 : memref<!tpu.dma_semaphore, #tpu.memory_space<semaphore_mem>>)
    %dma_start3A_249 = arith.constant 4 : i32
    %dma_start3A_250 = arith.constant 512 : i32
    %dma_start3A_251 = tpu.memref_slice %arg6[%dma_start3A_250] : memref<1664xf32, #tpu.memory_space<vmem>> -> memref<128xf32, #tpu.memory_space<vmem>>
    %dma_start3A_252 = arith.constant 0 : i32
    %dma_start3A_253 = tpu.memref_slice %arg5[%dma_start3A_249, %dma_start3A_252] : memref<13x128xi32, #tpu.memory_space<vmem>> -> memref<1x128xi32, #tpu.memory_space<vmem>>
    %dma_start3A_254 = tpu.memref_squeeze %dma_start3A_253 : memref<1x128xi32, #tpu.memory_space<vmem>> -> memref<128xi32, #tpu.memory_space<vmem>>
    %dma_start3A_255 = arith.constant 0 : i32
    %dma_start3A_256 = tpu.memref_slice %arg2[%dma_start3A_255] : memref<2600000xf32, #tpu.memory_space<hbm>> -> memref<2600000xf32, #tpu.memory_space<hbm>>
    tpu.enqueue_indirect_dma source(%dma_start3A_256 : memref<2600000xf32, #tpu.memory_space<hbm>>) target(%dma_start3A_251 : memref<128xf32, #tpu.memory_space<vmem>>) offsets(%dma_start3A_254 : memref<128xi32, #tpu.memory_space<vmem>>) semaphore(%arg7 : memref<!tpu.dma_semaphore, #tpu.memory_space<semaphore_mem>>)
    %dma_start3A_257 = arith.constant 5 : i32
    %dma_start3A_258 = arith.constant 640 : i32
    %dma_start3A_259 = tpu.memref_slice %arg6[%dma_start3A_258] : memref<1664xf32, #tpu.memory_space<vmem>> -> memref<128xf32, #tpu.memory_space<vmem>>
    %dma_start3A_260 = arith.constant 0 : i32
    %dma_start3A_261 = tpu.memref_slice %arg5[%dma_start3A_257, %dma_start3A_260] : memref<13x128xi32, #tpu.memory_space<vmem>> -> memref<1x128xi32, #tpu.memory_space<vmem>>
    %dma_start3A_262 = tpu.memref_squeeze %dma_start3A_261 : memref<1x128xi32, #tpu.memory_space<vmem>> -> memref<128xi32, #tpu.memory_space<vmem>>
    %dma_start3A_263 = arith.constant 0 : i32
    %dma_start3A_264 = tpu.memref_slice %arg2[%dma_start3A_263] : memref<2600000xf32, #tpu.memory_space<hbm>> -> memref<2600000xf32, #tpu.memory_space<hbm>>
    tpu.enqueue_indirect_dma source(%dma_start3A_264 : memref<2600000xf32, #tpu.memory_space<hbm>>) target(%dma_start3A_259 : memref<128xf32, #tpu.memory_space<vmem>>) offsets(%dma_start3A_262 : memref<128xi32, #tpu.memory_space<vmem>>) semaphore(%arg7 : memref<!tpu.dma_semaphore, #tpu.memory_space<semaphore_mem>>)
    %dma_start3A_265 = arith.constant 6 : i32
    %dma_start3A_266 = arith.constant 768 : i32
    %dma_start3A_267 = tpu.memref_slice %arg6[%dma_start3A_266] : memref<1664xf32, #tpu.memory_space<vmem>> -> memref<128xf32, #tpu.memory_space<vmem>>
    %dma_start3A_268 = arith.constant 0 : i32
    %dma_start3A_269 = tpu.memref_slice %arg5[%dma_start3A_265, %dma_start3A_268] : memref<13x128xi32, #tpu.memory_space<vmem>> -> memref<1x128xi32, #tpu.memory_space<vmem>>
    %dma_start3A_270 = tpu.memref_squeeze %dma_start3A_269 : memref<1x128xi32, #tpu.memory_space<vmem>> -> memref<128xi32, #tpu.memory_space<vmem>>
    %dma_start3A_271 = arith.constant 0 : i32
    %dma_start3A_272 = tpu.memref_slice %arg2[%dma_start3A_271] : memref<2600000xf32, #tpu.memory_space<hbm>> -> memref<2600000xf32, #tpu.memory_space<hbm>>
    tpu.enqueue_indirect_dma source(%dma_start3A_272 : memref<2600000xf32, #tpu.memory_space<hbm>>) target(%dma_start3A_267 : memref<128xf32, #tpu.memory_space<vmem>>) offsets(%dma_start3A_270 : memref<128xi32, #tpu.memory_space<vmem>>) semaphore(%arg7 : memref<!tpu.dma_semaphore, #tpu.memory_space<semaphore_mem>>)
    %dma_start3A_273 = arith.constant 7 : i32
    %dma_start3A_274 = arith.constant 896 : i32
    %dma_start3A_275 = tpu.memref_slice %arg6[%dma_start3A_274] : memref<1664xf32, #tpu.memory_space<vmem>> -> memref<128xf32, #tpu.memory_space<vmem>>
    %dma_start3A_276 = arith.constant 0 : i32
    %dma_start3A_277 = tpu.memref_slice %arg5[%dma_start3A_273, %dma_start3A_276] : memref<13x128xi32, #tpu.memory_space<vmem>> -> memref<1x128xi32, #tpu.memory_space<vmem>>
    %dma_start3A_278 = tpu.memref_squeeze %dma_start3A_277 : memref<1x128xi32, #tpu.memory_space<vmem>> -> memref<128xi32, #tpu.memory_space<vmem>>
    %dma_start3A_279 = arith.constant 0 : i32
    %dma_start3A_280 = tpu.memref_slice %arg2[%dma_start3A_279] : memref<2600000xf32, #tpu.memory_space<hbm>> -> memref<2600000xf32, #tpu.memory_space<hbm>>
    tpu.enqueue_indirect_dma source(%dma_start3A_280 : memref<2600000xf32, #tpu.memory_space<hbm>>) target(%dma_start3A_275 : memref<128xf32, #tpu.memory_space<vmem>>) offsets(%dma_start3A_278 : memref<128xi32, #tpu.memory_space<vmem>>) semaphore(%arg7 : memref<!tpu.dma_semaphore, #tpu.memory_space<semaphore_mem>>)
    %dma_start3A_281 = arith.constant 8 : i32
    %dma_start3A_282 = arith.constant 1024 : i32
    %dma_start3A_283 = tpu.memref_slice %arg6[%dma_start3A_282] : memref<1664xf32, #tpu.memory_space<vmem>> -> memref<128xf32, #tpu.memory_space<vmem>>
    %dma_start3A_284 = arith.constant 0 : i32
    %dma_start3A_285 = tpu.memref_slice %arg5[%dma_start3A_281, %dma_start3A_284] : memref<13x128xi32, #tpu.memory_space<vmem>> -> memref<1x128xi32, #tpu.memory_space<vmem>>
    %dma_start3A_286 = tpu.memref_squeeze %dma_start3A_285 : memref<1x128xi32, #tpu.memory_space<vmem>> -> memref<128xi32, #tpu.memory_space<vmem>>
    %dma_start3A_287 = arith.constant 0 : i32
    %dma_start3A_288 = tpu.memref_slice %arg2[%dma_start3A_287] : memref<2600000xf32, #tpu.memory_space<hbm>> -> memref<2600000xf32, #tpu.memory_space<hbm>>
    tpu.enqueue_indirect_dma source(%dma_start3A_288 : memref<2600000xf32, #tpu.memory_space<hbm>>) target(%dma_start3A_283 : memref<128xf32, #tpu.memory_space<vmem>>) offsets(%dma_start3A_286 : memref<128xi32, #tpu.memory_space<vmem>>) semaphore(%arg7 : memref<!tpu.dma_semaphore, #tpu.memory_space<semaphore_mem>>)
    %dma_start3A_289 = arith.constant 9 : i32
    %dma_start3A_290 = arith.constant 1152 : i32
    %dma_start3A_291 = tpu.memref_slice %arg6[%dma_start3A_290] : memref<1664xf32, #tpu.memory_space<vmem>> -> memref<128xf32, #tpu.memory_space<vmem>>
    %dma_start3A_292 = arith.constant 0 : i32
    %dma_start3A_293 = tpu.memref_slice %arg5[%dma_start3A_289, %dma_start3A_292] : memref<13x128xi32, #tpu.memory_space<vmem>> -> memref<1x128xi32, #tpu.memory_space<vmem>>
    %dma_start3A_294 = tpu.memref_squeeze %dma_start3A_293 : memref<1x128xi32, #tpu.memory_space<vmem>> -> memref<128xi32, #tpu.memory_space<vmem>>
    %dma_start3A_295 = arith.constant 0 : i32
    %dma_start3A_296 = tpu.memref_slice %arg2[%dma_start3A_295] : memref<2600000xf32, #tpu.memory_space<hbm>> -> memref<2600000xf32, #tpu.memory_space<hbm>>
    tpu.enqueue_indirect_dma source(%dma_start3A_296 : memref<2600000xf32, #tpu.memory_space<hbm>>) target(%dma_start3A_291 : memref<128xf32, #tpu.memory_space<vmem>>) offsets(%dma_start3A_294 : memref<128xi32, #tpu.memory_space<vmem>>) semaphore(%arg7 : memref<!tpu.dma_semaphore, #tpu.memory_space<semaphore_mem>>)
    %dma_start3A_297 = arith.constant 10 : i32
    %dma_start3A_298 = arith.constant 1280 : i32
    %dma_start3A_299 = tpu.memref_slice %arg6[%dma_start3A_298] : memref<1664xf32, #tpu.memory_space<vmem>> -> memref<128xf32, #tpu.memory_space<vmem>>
    %dma_start3A_300 = arith.constant 0 : i32
    %dma_start3A_301 = tpu.memref_slice %arg5[%dma_start3A_297, %dma_start3A_300] : memref<13x128xi32, #tpu.memory_space<vmem>> -> memref<1x128xi32, #tpu.memory_space<vmem>>
    %dma_start3A_302 = tpu.memref_squeeze %dma_start3A_301 : memref<1x128xi32, #tpu.memory_space<vmem>> -> memref<128xi32, #tpu.memory_space<vmem>>
    %dma_start3A_303 = arith.constant 0 : i32
    %dma_start3A_304 = tpu.memref_slice %arg2[%dma_start3A_303] : memref<2600000xf32, #tpu.memory_space<hbm>> -> memref<2600000xf32, #tpu.memory_space<hbm>>
    tpu.enqueue_indirect_dma source(%dma_start3A_304 : memref<2600000xf32, #tpu.memory_space<hbm>>) target(%dma_start3A_299 : memref<128xf32, #tpu.memory_space<vmem>>) offsets(%dma_start3A_302 : memref<128xi32, #tpu.memory_space<vmem>>) semaphore(%arg7 : memref<!tpu.dma_semaphore, #tpu.memory_space<semaphore_mem>>)
    %dma_start3A_305 = arith.constant 11 : i32
    %dma_start3A_306 = arith.constant 1408 : i32
    %dma_start3A_307 = tpu.memref_slice %arg6[%dma_start3A_306] : memref<1664xf32, #tpu.memory_space<vmem>> -> memref<128xf32, #tpu.memory_space<vmem>>
    %dma_start3A_308 = arith.constant 0 : i32
    %dma_start3A_309 = tpu.memref_slice %arg5[%dma_start3A_305, %dma_start3A_308] : memref<13x128xi32, #tpu.memory_space<vmem>> -> memref<1x128xi32, #tpu.memory_space<vmem>>
    %dma_start3A_310 = tpu.memref_squeeze %dma_start3A_309 : memref<1x128xi32, #tpu.memory_space<vmem>> -> memref<128xi32, #tpu.memory_space<vmem>>
    %dma_start3A_311 = arith.constant 0 : i32
    %dma_start3A_312 = tpu.memref_slice %arg2[%dma_start3A_311] : memref<2600000xf32, #tpu.memory_space<hbm>> -> memref<2600000xf32, #tpu.memory_space<hbm>>
    tpu.enqueue_indirect_dma source(%dma_start3A_312 : memref<2600000xf32, #tpu.memory_space<hbm>>) target(%dma_start3A_307 : memref<128xf32, #tpu.memory_space<vmem>>) offsets(%dma_start3A_310 : memref<128xi32, #tpu.memory_space<vmem>>) semaphore(%arg7 : memref<!tpu.dma_semaphore, #tpu.memory_space<semaphore_mem>>)
    %dma_start3A_313 = arith.constant 12 : i32
    %dma_start3A_314 = arith.constant 1536 : i32
    %dma_start3A_315 = tpu.memref_slice %arg6[%dma_start3A_314] : memref<1664xf32, #tpu.memory_space<vmem>> -> memref<128xf32, #tpu.memory_space<vmem>>
    %dma_start3A_316 = arith.constant 0 : i32
    %dma_start3A_317 = tpu.memref_slice %arg5[%dma_start3A_313, %dma_start3A_316] : memref<13x128xi32, #tpu.memory_space<vmem>> -> memref<1x128xi32, #tpu.memory_space<vmem>>
    %dma_start3A_318 = tpu.memref_squeeze %dma_start3A_317 : memref<1x128xi32, #tpu.memory_space<vmem>> -> memref<128xi32, #tpu.memory_space<vmem>>
    %dma_start3A_319 = arith.constant 0 : i32
    %dma_start3A_320 = tpu.memref_slice %arg2[%dma_start3A_319] : memref<2600000xf32, #tpu.memory_space<hbm>> -> memref<2600000xf32, #tpu.memory_space<hbm>>
    tpu.enqueue_indirect_dma source(%dma_start3A_320 : memref<2600000xf32, #tpu.memory_space<hbm>>) target(%dma_start3A_315 : memref<128xf32, #tpu.memory_space<vmem>>) offsets(%dma_start3A_318 : memref<128xi32, #tpu.memory_space<vmem>>) semaphore(%arg7 : memref<!tpu.dma_semaphore, #tpu.memory_space<semaphore_mem>>)
    %dma_wait3A_321 = arith.constant 0 : i32
    %dma_wait3A_322 = arith.constant 0 : i32
    %dma_wait3A_323 = tpu.memref_slice %arg6[%dma_wait3A_322] : memref<1664xf32, #tpu.memory_space<vmem>> -> memref<128xf32, #tpu.memory_space<vmem>>
    %dma_wait3A_324 = arith.constant 0 : i32
    %dma_wait3A_325 = tpu.memref_slice %arg5[%dma_wait3A_321, %dma_wait3A_324] : memref<13x128xi32, #tpu.memory_space<vmem>> -> memref<1x128xi32, #tpu.memory_space<vmem>>
    %dma_wait3A_326 = tpu.memref_squeeze %dma_wait3A_325 : memref<1x128xi32, #tpu.memory_space<vmem>> -> memref<128xi32, #tpu.memory_space<vmem>>
    %dma_wait3A_327 = arith.constant 0 : i32
    %dma_wait3A_328 = tpu.memref_slice %arg2[%dma_wait3A_327] : memref<2600000xf32, #tpu.memory_space<hbm>> -> memref<2600000xf32, #tpu.memory_space<hbm>>
    tpu.wait_indirect_dma semaphore(%arg7 : memref<!tpu.dma_semaphore, #tpu.memory_space<semaphore_mem>>) src(%dma_wait3A_328 : memref<2600000xf32, #tpu.memory_space<hbm>>) dst(%dma_wait3A_323 : memref<128xf32, #tpu.memory_space<vmem>>)
    %dma_wait3A_329 = arith.constant 1 : i32
    %dma_wait3A_330 = arith.constant 128 : i32
    %dma_wait3A_331 = tpu.memref_slice %arg6[%dma_wait3A_330] : memref<1664xf32, #tpu.memory_space<vmem>> -> memref<128xf32, #tpu.memory_space<vmem>>
    %dma_wait3A_332 = arith.constant 0 : i32
    %dma_wait3A_333 = tpu.memref_slice %arg5[%dma_wait3A_329, %dma_wait3A_332] : memref<13x128xi32, #tpu.memory_space<vmem>> -> memref<1x128xi32, #tpu.memory_space<vmem>>
    %dma_wait3A_334 = tpu.memref_squeeze %dma_wait3A_333 : memref<1x128xi32, #tpu.memory_space<vmem>> -> memref<128xi32, #tpu.memory_space<vmem>>
    %dma_wait3A_335 = arith.constant 0 : i32
    %dma_wait3A_336 = tpu.memref_slice %arg2[%dma_wait3A_335] : memref<2600000xf32, #tpu.memory_space<hbm>> -> memref<2600000xf32, #tpu.memory_space<hbm>>
    tpu.wait_indirect_dma semaphore(%arg7 : memref<!tpu.dma_semaphore, #tpu.memory_space<semaphore_mem>>) src(%dma_wait3A_336 : memref<2600000xf32, #tpu.memory_space<hbm>>) dst(%dma_wait3A_331 : memref<128xf32, #tpu.memory_space<vmem>>)
    %dma_wait3A_337 = arith.constant 2 : i32
    %dma_wait3A_338 = arith.constant 256 : i32
    %dma_wait3A_339 = tpu.memref_slice %arg6[%dma_wait3A_338] : memref<1664xf32, #tpu.memory_space<vmem>> -> memref<128xf32, #tpu.memory_space<vmem>>
    %dma_wait3A_340 = arith.constant 0 : i32
    %dma_wait3A_341 = tpu.memref_slice %arg5[%dma_wait3A_337, %dma_wait3A_340] : memref<13x128xi32, #tpu.memory_space<vmem>> -> memref<1x128xi32, #tpu.memory_space<vmem>>
    %dma_wait3A_342 = tpu.memref_squeeze %dma_wait3A_341 : memref<1x128xi32, #tpu.memory_space<vmem>> -> memref<128xi32, #tpu.memory_space<vmem>>
    %dma_wait3A_343 = arith.constant 0 : i32
    %dma_wait3A_344 = tpu.memref_slice %arg2[%dma_wait3A_343] : memref<2600000xf32, #tpu.memory_space<hbm>> -> memref<2600000xf32, #tpu.memory_space<hbm>>
    tpu.wait_indirect_dma semaphore(%arg7 : memref<!tpu.dma_semaphore, #tpu.memory_space<semaphore_mem>>) src(%dma_wait3A_344 : memref<2600000xf32, #tpu.memory_space<hbm>>) dst(%dma_wait3A_339 : memref<128xf32, #tpu.memory_space<vmem>>)
    %dma_wait3A_345 = arith.constant 3 : i32
    %dma_wait3A_346 = arith.constant 384 : i32
    %dma_wait3A_347 = tpu.memref_slice %arg6[%dma_wait3A_346] : memref<1664xf32, #tpu.memory_space<vmem>> -> memref<128xf32, #tpu.memory_space<vmem>>
    %dma_wait3A_348 = arith.constant 0 : i32
    %dma_wait3A_349 = tpu.memref_slice %arg5[%dma_wait3A_345, %dma_wait3A_348] : memref<13x128xi32, #tpu.memory_space<vmem>> -> memref<1x128xi32, #tpu.memory_space<vmem>>
    %dma_wait3A_350 = tpu.memref_squeeze %dma_wait3A_349 : memref<1x128xi32, #tpu.memory_space<vmem>> -> memref<128xi32, #tpu.memory_space<vmem>>
    %dma_wait3A_351 = arith.constant 0 : i32
    %dma_wait3A_352 = tpu.memref_slice %arg2[%dma_wait3A_351] : memref<2600000xf32, #tpu.memory_space<hbm>> -> memref<2600000xf32, #tpu.memory_space<hbm>>
    tpu.wait_indirect_dma semaphore(%arg7 : memref<!tpu.dma_semaphore, #tpu.memory_space<semaphore_mem>>) src(%dma_wait3A_352 : memref<2600000xf32, #tpu.memory_space<hbm>>) dst(%dma_wait3A_347 : memref<128xf32, #tpu.memory_space<vmem>>)
    %dma_wait3A_353 = arith.constant 4 : i32
    %dma_wait3A_354 = arith.constant 512 : i32
    %dma_wait3A_355 = tpu.memref_slice %arg6[%dma_wait3A_354] : memref<1664xf32, #tpu.memory_space<vmem>> -> memref<128xf32, #tpu.memory_space<vmem>>
    %dma_wait3A_356 = arith.constant 0 : i32
    %dma_wait3A_357 = tpu.memref_slice %arg5[%dma_wait3A_353, %dma_wait3A_356] : memref<13x128xi32, #tpu.memory_space<vmem>> -> memref<1x128xi32, #tpu.memory_space<vmem>>
    %dma_wait3A_358 = tpu.memref_squeeze %dma_wait3A_357 : memref<1x128xi32, #tpu.memory_space<vmem>> -> memref<128xi32, #tpu.memory_space<vmem>>
    %dma_wait3A_359 = arith.constant 0 : i32
    %dma_wait3A_360 = tpu.memref_slice %arg2[%dma_wait3A_359] : memref<2600000xf32, #tpu.memory_space<hbm>> -> memref<2600000xf32, #tpu.memory_space<hbm>>
    tpu.wait_indirect_dma semaphore(%arg7 : memref<!tpu.dma_semaphore, #tpu.memory_space<semaphore_mem>>) src(%dma_wait3A_360 : memref<2600000xf32, #tpu.memory_space<hbm>>) dst(%dma_wait3A_355 : memref<128xf32, #tpu.memory_space<vmem>>)
    %dma_wait3A_361 = arith.constant 5 : i32
    %dma_wait3A_362 = arith.constant 640 : i32
    %dma_wait3A_363 = tpu.memref_slice %arg6[%dma_wait3A_362] : memref<1664xf32, #tpu.memory_space<vmem>> -> memref<128xf32, #tpu.memory_space<vmem>>
    %dma_wait3A_364 = arith.constant 0 : i32
    %dma_wait3A_365 = tpu.memref_slice %arg5[%dma_wait3A_361, %dma_wait3A_364] : memref<13x128xi32, #tpu.memory_space<vmem>> -> memref<1x128xi32, #tpu.memory_space<vmem>>
    %dma_wait3A_366 = tpu.memref_squeeze %dma_wait3A_365 : memref<1x128xi32, #tpu.memory_space<vmem>> -> memref<128xi32, #tpu.memory_space<vmem>>
    %dma_wait3A_367 = arith.constant 0 : i32
    %dma_wait3A_368 = tpu.memref_slice %arg2[%dma_wait3A_367] : memref<2600000xf32, #tpu.memory_space<hbm>> -> memref<2600000xf32, #tpu.memory_space<hbm>>
    tpu.wait_indirect_dma semaphore(%arg7 : memref<!tpu.dma_semaphore, #tpu.memory_space<semaphore_mem>>) src(%dma_wait3A_368 : memref<2600000xf32, #tpu.memory_space<hbm>>) dst(%dma_wait3A_363 : memref<128xf32, #tpu.memory_space<vmem>>)
    %dma_wait3A_369 = arith.constant 6 : i32
    %dma_wait3A_370 = arith.constant 768 : i32
    %dma_wait3A_371 = tpu.memref_slice %arg6[%dma_wait3A_370] : memref<1664xf32, #tpu.memory_space<vmem>> -> memref<128xf32, #tpu.memory_space<vmem>>
    %dma_wait3A_372 = arith.constant 0 : i32
    %dma_wait3A_373 = tpu.memref_slice %arg5[%dma_wait3A_369, %dma_wait3A_372] : memref<13x128xi32, #tpu.memory_space<vmem>> -> memref<1x128xi32, #tpu.memory_space<vmem>>
    %dma_wait3A_374 = tpu.memref_squeeze %dma_wait3A_373 : memref<1x128xi32, #tpu.memory_space<vmem>> -> memref<128xi32, #tpu.memory_space<vmem>>
    %dma_wait3A_375 = arith.constant 0 : i32
    %dma_wait3A_376 = tpu.memref_slice %arg2[%dma_wait3A_375] : memref<2600000xf32, #tpu.memory_space<hbm>> -> memref<2600000xf32, #tpu.memory_space<hbm>>
    tpu.wait_indirect_dma semaphore(%arg7 : memref<!tpu.dma_semaphore, #tpu.memory_space<semaphore_mem>>) src(%dma_wait3A_376 : memref<2600000xf32, #tpu.memory_space<hbm>>) dst(%dma_wait3A_371 : memref<128xf32, #tpu.memory_space<vmem>>)
    %dma_wait3A_377 = arith.constant 7 : i32
    %dma_wait3A_378 = arith.constant 896 : i32
    %dma_wait3A_379 = tpu.memref_slice %arg6[%dma_wait3A_378] : memref<1664xf32, #tpu.memory_space<vmem>> -> memref<128xf32, #tpu.memory_space<vmem>>
    %dma_wait3A_380 = arith.constant 0 : i32
    %dma_wait3A_381 = tpu.memref_slice %arg5[%dma_wait3A_377, %dma_wait3A_380] : memref<13x128xi32, #tpu.memory_space<vmem>> -> memref<1x128xi32, #tpu.memory_space<vmem>>
    %dma_wait3A_382 = tpu.memref_squeeze %dma_wait3A_381 : memref<1x128xi32, #tpu.memory_space<vmem>> -> memref<128xi32, #tpu.memory_space<vmem>>
    %dma_wait3A_383 = arith.constant 0 : i32
    %dma_wait3A_384 = tpu.memref_slice %arg2[%dma_wait3A_383] : memref<2600000xf32, #tpu.memory_space<hbm>> -> memref<2600000xf32, #tpu.memory_space<hbm>>
    tpu.wait_indirect_dma semaphore(%arg7 : memref<!tpu.dma_semaphore, #tpu.memory_space<semaphore_mem>>) src(%dma_wait3A_384 : memref<2600000xf32, #tpu.memory_space<hbm>>) dst(%dma_wait3A_379 : memref<128xf32, #tpu.memory_space<vmem>>)
    %dma_wait3A_385 = arith.constant 8 : i32
    %dma_wait3A_386 = arith.constant 1024 : i32
    %dma_wait3A_387 = tpu.memref_slice %arg6[%dma_wait3A_386] : memref<1664xf32, #tpu.memory_space<vmem>> -> memref<128xf32, #tpu.memory_space<vmem>>
    %dma_wait3A_388 = arith.constant 0 : i32
    %dma_wait3A_389 = tpu.memref_slice %arg5[%dma_wait3A_385, %dma_wait3A_388] : memref<13x128xi32, #tpu.memory_space<vmem>> -> memref<1x128xi32, #tpu.memory_space<vmem>>
    %dma_wait3A_390 = tpu.memref_squeeze %dma_wait3A_389 : memref<1x128xi32, #tpu.memory_space<vmem>> -> memref<128xi32, #tpu.memory_space<vmem>>
    %dma_wait3A_391 = arith.constant 0 : i32
    %dma_wait3A_392 = tpu.memref_slice %arg2[%dma_wait3A_391] : memref<2600000xf32, #tpu.memory_space<hbm>> -> memref<2600000xf32, #tpu.memory_space<hbm>>
    tpu.wait_indirect_dma semaphore(%arg7 : memref<!tpu.dma_semaphore, #tpu.memory_space<semaphore_mem>>) src(%dma_wait3A_392 : memref<2600000xf32, #tpu.memory_space<hbm>>) dst(%dma_wait3A_387 : memref<128xf32, #tpu.memory_space<vmem>>)
    %dma_wait3A_393 = arith.constant 9 : i32
    %dma_wait3A_394 = arith.constant 1152 : i32
    %dma_wait3A_395 = tpu.memref_slice %arg6[%dma_wait3A_394] : memref<1664xf32, #tpu.memory_space<vmem>> -> memref<128xf32, #tpu.memory_space<vmem>>
    %dma_wait3A_396 = arith.constant 0 : i32
    %dma_wait3A_397 = tpu.memref_slice %arg5[%dma_wait3A_393, %dma_wait3A_396] : memref<13x128xi32, #tpu.memory_space<vmem>> -> memref<1x128xi32, #tpu.memory_space<vmem>>
    %dma_wait3A_398 = tpu.memref_squeeze %dma_wait3A_397 : memref<1x128xi32, #tpu.memory_space<vmem>> -> memref<128xi32, #tpu.memory_space<vmem>>
    %dma_wait3A_399 = arith.constant 0 : i32
    %dma_wait3A_400 = tpu.memref_slice %arg2[%dma_wait3A_399] : memref<2600000xf32, #tpu.memory_space<hbm>> -> memref<2600000xf32, #tpu.memory_space<hbm>>
    tpu.wait_indirect_dma semaphore(%arg7 : memref<!tpu.dma_semaphore, #tpu.memory_space<semaphore_mem>>) src(%dma_wait3A_400 : memref<2600000xf32, #tpu.memory_space<hbm>>) dst(%dma_wait3A_395 : memref<128xf32, #tpu.memory_space<vmem>>)
    %dma_wait3A_401 = arith.constant 10 : i32
    %dma_wait3A_402 = arith.constant 1280 : i32
    %dma_wait3A_403 = tpu.memref_slice %arg6[%dma_wait3A_402] : memref<1664xf32, #tpu.memory_space<vmem>> -> memref<128xf32, #tpu.memory_space<vmem>>
    %dma_wait3A_404 = arith.constant 0 : i32
    %dma_wait3A_405 = tpu.memref_slice %arg5[%dma_wait3A_401, %dma_wait3A_404] : memref<13x128xi32, #tpu.memory_space<vmem>> -> memref<1x128xi32, #tpu.memory_space<vmem>>
    %dma_wait3A_406 = tpu.memref_squeeze %dma_wait3A_405 : memref<1x128xi32, #tpu.memory_space<vmem>> -> memref<128xi32, #tpu.memory_space<vmem>>
    %dma_wait3A_407 = arith.constant 0 : i32
    %dma_wait3A_408 = tpu.memref_slice %arg2[%dma_wait3A_407] : memref<2600000xf32, #tpu.memory_space<hbm>> -> memref<2600000xf32, #tpu.memory_space<hbm>>
    tpu.wait_indirect_dma semaphore(%arg7 : memref<!tpu.dma_semaphore, #tpu.memory_space<semaphore_mem>>) src(%dma_wait3A_408 : memref<2600000xf32, #tpu.memory_space<hbm>>) dst(%dma_wait3A_403 : memref<128xf32, #tpu.memory_space<vmem>>)
    %dma_wait3A_409 = arith.constant 11 : i32
    %dma_wait3A_410 = arith.constant 1408 : i32
    %dma_wait3A_411 = tpu.memref_slice %arg6[%dma_wait3A_410] : memref<1664xf32, #tpu.memory_space<vmem>> -> memref<128xf32, #tpu.memory_space<vmem>>
    %dma_wait3A_412 = arith.constant 0 : i32
    %dma_wait3A_413 = tpu.memref_slice %arg5[%dma_wait3A_409, %dma_wait3A_412] : memref<13x128xi32, #tpu.memory_space<vmem>> -> memref<1x128xi32, #tpu.memory_space<vmem>>
    %dma_wait3A_414 = tpu.memref_squeeze %dma_wait3A_413 : memref<1x128xi32, #tpu.memory_space<vmem>> -> memref<128xi32, #tpu.memory_space<vmem>>
    %dma_wait3A_415 = arith.constant 0 : i32
    %dma_wait3A_416 = tpu.memref_slice %arg2[%dma_wait3A_415] : memref<2600000xf32, #tpu.memory_space<hbm>> -> memref<2600000xf32, #tpu.memory_space<hbm>>
    tpu.wait_indirect_dma semaphore(%arg7 : memref<!tpu.dma_semaphore, #tpu.memory_space<semaphore_mem>>) src(%dma_wait3A_416 : memref<2600000xf32, #tpu.memory_space<hbm>>) dst(%dma_wait3A_411 : memref<128xf32, #tpu.memory_space<vmem>>)
    %dma_wait3A_417 = arith.constant 12 : i32
    %dma_wait3A_418 = arith.constant 1536 : i32
    %dma_wait3A_419 = tpu.memref_slice %arg6[%dma_wait3A_418] : memref<1664xf32, #tpu.memory_space<vmem>> -> memref<128xf32, #tpu.memory_space<vmem>>
    %dma_wait3A_420 = arith.constant 0 : i32
    %dma_wait3A_421 = tpu.memref_slice %arg5[%dma_wait3A_417, %dma_wait3A_420] : memref<13x128xi32, #tpu.memory_space<vmem>> -> memref<1x128xi32, #tpu.memory_space<vmem>>
    %dma_wait3A_422 = tpu.memref_squeeze %dma_wait3A_421 : memref<1x128xi32, #tpu.memory_space<vmem>> -> memref<128xi32, #tpu.memory_space<vmem>>
    %dma_wait3A_423 = arith.constant 0 : i32
    %dma_wait3A_424 = tpu.memref_slice %arg2[%dma_wait3A_423] : memref<2600000xf32, #tpu.memory_space<hbm>> -> memref<2600000xf32, #tpu.memory_space<hbm>>
    tpu.wait_indirect_dma semaphore(%arg7 : memref<!tpu.dma_semaphore, #tpu.memory_space<semaphore_mem>>) src(%dma_wait3A_424 : memref<2600000xf32, #tpu.memory_space<hbm>>) dst(%dma_wait3A_419 : memref<128xf32, #tpu.memory_space<vmem>>)
    %mul3A_425 = arith.constant 128 : i32
    %mul3A_426 = arith.muli %add3A_216, %mul3A_425 : i32
    "tpu.region"() ({
      %run_scoped3A = tpu.sem_alloc : memref<!tpu.dma_semaphore, #tpu.memory_space<semaphore_mem>>
      %dma_start3A_1711 = tpu.memref_slice %arg4[%mul3A_426] : memref<425984xf32, #tpu.memory_space<hbm>> -> memref<1664xf32, #tpu.memory_space<hbm>>
      %dma_start3A_1712 = tpu.memref_slice %arg4[%mul3A_426] : memref<425984xf32, #tpu.memory_space<hbm>> -> memref<1664xf32, #tpu.memory_space<hbm>>
      tpu.enqueue_dma source(%arg6 : memref<1664xf32, #tpu.memory_space<vmem>>) target(%dma_start3A_1712 : memref<1664xf32, #tpu.memory_space<hbm>>) target_semaphore(%run_scoped3A : memref<!tpu.dma_semaphore, #tpu.memory_space<semaphore_mem>>)
      %dma_wait3A_1713 = tpu.memref_slice %arg4[%mul3A_426] : memref<425984xf32, #tpu.memory_space<hbm>> -> memref<1664xf32, #tpu.memory_space<hbm>>
      %dma_wait3A_1714 = tpu.memref_slice %arg4[%mul3A_426] : memref<425984xf32, #tpu.memory_space<hbm>> -> memref<1664xf32, #tpu.memory_space<hbm>>
      tpu.wait_dma2 semaphore(%run_scoped3A : memref<!tpu.dma_semaphore, #tpu.memory_space<semaphore_mem>>) src(%arg6 : memref<1664xf32, #tpu.memory_space<vmem>>) dst(%dma_wait3A_1714 : memref<1664xf32, #tpu.memory_space<hbm>>)
      tpu.yield
    }) : () -> ()
    %mul3A_427 = arith.constant 104 : i32
    %mul3A_428 = arith.muli %add3A, %mul3A_427 : i32
    %add3A_429 = arith.constant 26 : i32
    %add3A_430 = arith.addi %mul3A_428, %add3A_429 : i32
    "tpu.region"() ({
      %run_scoped3A = tpu.sem_alloc : memref<!tpu.dma_semaphore, #tpu.memory_space<semaphore_mem>>
      %dma_start3A_1711 = arith.constant 0 : i32
      %dma_start3A_1712 = tpu.memref_slice %arg3[%add3A_430, %dma_start3A_1711] : memref<3328x128xi32, #tpu.memory_space<hbm>> -> memref<13x128xi32, #tpu.memory_space<hbm>>
      %dma_start3A_1713 = arith.constant 0 : i32
      %dma_start3A_1714 = tpu.memref_slice %arg3[%add3A_430, %dma_start3A_1713] : memref<3328x128xi32, #tpu.memory_space<hbm>> -> memref<13x128xi32, #tpu.memory_space<hbm>>
      tpu.enqueue_dma source(%dma_start3A_1714 : memref<13x128xi32, #tpu.memory_space<hbm>>) target(%arg5 : memref<13x128xi32, #tpu.memory_space<vmem>>) target_semaphore(%run_scoped3A : memref<!tpu.dma_semaphore, #tpu.memory_space<semaphore_mem>>)
      %dma_wait3A_1715 = arith.constant 0 : i32
      %dma_wait3A_1716 = tpu.memref_slice %arg3[%add3A_430, %dma_wait3A_1715] : memref<3328x128xi32, #tpu.memory_space<hbm>> -> memref<13x128xi32, #tpu.memory_space<hbm>>
      %dma_wait3A_1717 = arith.constant 0 : i32
      %dma_wait3A_1718 = tpu.memref_slice %arg3[%add3A_430, %dma_wait3A_1717] : memref<3328x128xi32, #tpu.memory_space<hbm>> -> memref<13x128xi32, #tpu.memory_space<hbm>>
      tpu.wait_dma2 semaphore(%run_scoped3A : memref<!tpu.dma_semaphore, #tpu.memory_space<semaphore_mem>>) src(%dma_wait3A_1718 : memref<13x128xi32, #tpu.memory_space<hbm>>) dst(%arg5 : memref<13x128xi32, #tpu.memory_space<vmem>>)
      tpu.yield
    }) : () -> ()
    %dma_start3A_431 = arith.constant 0 : i32
    %dma_start3A_432 = arith.constant 0 : i32
    %dma_start3A_433 = tpu.memref_slice %arg6[%dma_start3A_432] : memref<1664xf32, #tpu.memory_space<vmem>> -> memref<128xf32, #tpu.memory_space<vmem>>
    %dma_start3A_434 = arith.constant 0 : i32
    %dma_start3A_435 = tpu.memref_slice %arg5[%dma_start3A_431, %dma_start3A_434] : memref<13x128xi32, #tpu.memory_space<vmem>> -> memref<1x128xi32, #tpu.memory_space<vmem>>
    %dma_start3A_436 = tpu.memref_squeeze %dma_start3A_435 : memref<1x128xi32, #tpu.memory_space<vmem>> -> memref<128xi32, #tpu.memory_space<vmem>>
    %dma_start3A_437 = arith.constant 0 : i32
    %dma_start3A_438 = tpu.memref_slice %arg2[%dma_start3A_437] : memref<2600000xf32, #tpu.memory_space<hbm>> -> memref<2600000xf32, #tpu.memory_space<hbm>>
    tpu.enqueue_indirect_dma source(%dma_start3A_438 : memref<2600000xf32, #tpu.memory_space<hbm>>) target(%dma_start3A_433 : memref<128xf32, #tpu.memory_space<vmem>>) offsets(%dma_start3A_436 : memref<128xi32, #tpu.memory_space<vmem>>) semaphore(%arg7 : memref<!tpu.dma_semaphore, #tpu.memory_space<semaphore_mem>>)
    %dma_start3A_439 = arith.constant 1 : i32
    %dma_start3A_440 = arith.constant 128 : i32
    %dma_start3A_441 = tpu.memref_slice %arg6[%dma_start3A_440] : memref<1664xf32, #tpu.memory_space<vmem>> -> memref<128xf32, #tpu.memory_space<vmem>>
    %dma_start3A_442 = arith.constant 0 : i32
    %dma_start3A_443 = tpu.memref_slice %arg5[%dma_start3A_439, %dma_start3A_442] : memref<13x128xi32, #tpu.memory_space<vmem>> -> memref<1x128xi32, #tpu.memory_space<vmem>>
    %dma_start3A_444 = tpu.memref_squeeze %dma_start3A_443 : memref<1x128xi32, #tpu.memory_space<vmem>> -> memref<128xi32, #tpu.memory_space<vmem>>
    %dma_start3A_445 = arith.constant 0 : i32
    %dma_start3A_446 = tpu.memref_slice %arg2[%dma_start3A_445] : memref<2600000xf32, #tpu.memory_space<hbm>> -> memref<2600000xf32, #tpu.memory_space<hbm>>
    tpu.enqueue_indirect_dma source(%dma_start3A_446 : memref<2600000xf32, #tpu.memory_space<hbm>>) target(%dma_start3A_441 : memref<128xf32, #tpu.memory_space<vmem>>) offsets(%dma_start3A_444 : memref<128xi32, #tpu.memory_space<vmem>>) semaphore(%arg7 : memref<!tpu.dma_semaphore, #tpu.memory_space<semaphore_mem>>)
    %dma_start3A_447 = arith.constant 2 : i32
    %dma_start3A_448 = arith.constant 256 : i32
    %dma_start3A_449 = tpu.memref_slice %arg6[%dma_start3A_448] : memref<1664xf32, #tpu.memory_space<vmem>> -> memref<128xf32, #tpu.memory_space<vmem>>
    %dma_start3A_450 = arith.constant 0 : i32
    %dma_start3A_451 = tpu.memref_slice %arg5[%dma_start3A_447, %dma_start3A_450] : memref<13x128xi32, #tpu.memory_space<vmem>> -> memref<1x128xi32, #tpu.memory_space<vmem>>
    %dma_start3A_452 = tpu.memref_squeeze %dma_start3A_451 : memref<1x128xi32, #tpu.memory_space<vmem>> -> memref<128xi32, #tpu.memory_space<vmem>>
    %dma_start3A_453 = arith.constant 0 : i32
    %dma_start3A_454 = tpu.memref_slice %arg2[%dma_start3A_453] : memref<2600000xf32, #tpu.memory_space<hbm>> -> memref<2600000xf32, #tpu.memory_space<hbm>>
    tpu.enqueue_indirect_dma source(%dma_start3A_454 : memref<2600000xf32, #tpu.memory_space<hbm>>) target(%dma_start3A_449 : memref<128xf32, #tpu.memory_space<vmem>>) offsets(%dma_start3A_452 : memref<128xi32, #tpu.memory_space<vmem>>) semaphore(%arg7 : memref<!tpu.dma_semaphore, #tpu.memory_space<semaphore_mem>>)
    %dma_start3A_455 = arith.constant 3 : i32
    %dma_start3A_456 = arith.constant 384 : i32
    %dma_start3A_457 = tpu.memref_slice %arg6[%dma_start3A_456] : memref<1664xf32, #tpu.memory_space<vmem>> -> memref<128xf32, #tpu.memory_space<vmem>>
    %dma_start3A_458 = arith.constant 0 : i32
    %dma_start3A_459 = tpu.memref_slice %arg5[%dma_start3A_455, %dma_start3A_458] : memref<13x128xi32, #tpu.memory_space<vmem>> -> memref<1x128xi32, #tpu.memory_space<vmem>>
    %dma_start3A_460 = tpu.memref_squeeze %dma_start3A_459 : memref<1x128xi32, #tpu.memory_space<vmem>> -> memref<128xi32, #tpu.memory_space<vmem>>
    %dma_start3A_461 = arith.constant 0 : i32
    %dma_start3A_462 = tpu.memref_slice %arg2[%dma_start3A_461] : memref<2600000xf32, #tpu.memory_space<hbm>> -> memref<2600000xf32, #tpu.memory_space<hbm>>
    tpu.enqueue_indirect_dma source(%dma_start3A_462 : memref<2600000xf32, #tpu.memory_space<hbm>>) target(%dma_start3A_457 : memref<128xf32, #tpu.memory_space<vmem>>) offsets(%dma_start3A_460 : memref<128xi32, #tpu.memory_space<vmem>>) semaphore(%arg7 : memref<!tpu.dma_semaphore, #tpu.memory_space<semaphore_mem>>)
    %dma_start3A_463 = arith.constant 4 : i32
    %dma_start3A_464 = arith.constant 512 : i32
    %dma_start3A_465 = tpu.memref_slice %arg6[%dma_start3A_464] : memref<1664xf32, #tpu.memory_space<vmem>> -> memref<128xf32, #tpu.memory_space<vmem>>
    %dma_start3A_466 = arith.constant 0 : i32
    %dma_start3A_467 = tpu.memref_slice %arg5[%dma_start3A_463, %dma_start3A_466] : memref<13x128xi32, #tpu.memory_space<vmem>> -> memref<1x128xi32, #tpu.memory_space<vmem>>
    %dma_start3A_468 = tpu.memref_squeeze %dma_start3A_467 : memref<1x128xi32, #tpu.memory_space<vmem>> -> memref<128xi32, #tpu.memory_space<vmem>>
    %dma_start3A_469 = arith.constant 0 : i32
    %dma_start3A_470 = tpu.memref_slice %arg2[%dma_start3A_469] : memref<2600000xf32, #tpu.memory_space<hbm>> -> memref<2600000xf32, #tpu.memory_space<hbm>>
    tpu.enqueue_indirect_dma source(%dma_start3A_470 : memref<2600000xf32, #tpu.memory_space<hbm>>) target(%dma_start3A_465 : memref<128xf32, #tpu.memory_space<vmem>>) offsets(%dma_start3A_468 : memref<128xi32, #tpu.memory_space<vmem>>) semaphore(%arg7 : memref<!tpu.dma_semaphore, #tpu.memory_space<semaphore_mem>>)
    %dma_start3A_471 = arith.constant 5 : i32
    %dma_start3A_472 = arith.constant 640 : i32
    %dma_start3A_473 = tpu.memref_slice %arg6[%dma_start3A_472] : memref<1664xf32, #tpu.memory_space<vmem>> -> memref<128xf32, #tpu.memory_space<vmem>>
    %dma_start3A_474 = arith.constant 0 : i32
    %dma_start3A_475 = tpu.memref_slice %arg5[%dma_start3A_471, %dma_start3A_474] : memref<13x128xi32, #tpu.memory_space<vmem>> -> memref<1x128xi32, #tpu.memory_space<vmem>>
    %dma_start3A_476 = tpu.memref_squeeze %dma_start3A_475 : memref<1x128xi32, #tpu.memory_space<vmem>> -> memref<128xi32, #tpu.memory_space<vmem>>
    %dma_start3A_477 = arith.constant 0 : i32
    %dma_start3A_478 = tpu.memref_slice %arg2[%dma_start3A_477] : memref<2600000xf32, #tpu.memory_space<hbm>> -> memref<2600000xf32, #tpu.memory_space<hbm>>
    tpu.enqueue_indirect_dma source(%dma_start3A_478 : memref<2600000xf32, #tpu.memory_space<hbm>>) target(%dma_start3A_473 : memref<128xf32, #tpu.memory_space<vmem>>) offsets(%dma_start3A_476 : memref<128xi32, #tpu.memory_space<vmem>>) semaphore(%arg7 : memref<!tpu.dma_semaphore, #tpu.memory_space<semaphore_mem>>)
    %dma_start3A_479 = arith.constant 6 : i32
    %dma_start3A_480 = arith.constant 768 : i32
    %dma_start3A_481 = tpu.memref_slice %arg6[%dma_start3A_480] : memref<1664xf32, #tpu.memory_space<vmem>> -> memref<128xf32, #tpu.memory_space<vmem>>
    %dma_start3A_482 = arith.constant 0 : i32
    %dma_start3A_483 = tpu.memref_slice %arg5[%dma_start3A_479, %dma_start3A_482] : memref<13x128xi32, #tpu.memory_space<vmem>> -> memref<1x128xi32, #tpu.memory_space<vmem>>
    %dma_start3A_484 = tpu.memref_squeeze %dma_start3A_483 : memref<1x128xi32, #tpu.memory_space<vmem>> -> memref<128xi32, #tpu.memory_space<vmem>>
    %dma_start3A_485 = arith.constant 0 : i32
    %dma_start3A_486 = tpu.memref_slice %arg2[%dma_start3A_485] : memref<2600000xf32, #tpu.memory_space<hbm>> -> memref<2600000xf32, #tpu.memory_space<hbm>>
    tpu.enqueue_indirect_dma source(%dma_start3A_486 : memref<2600000xf32, #tpu.memory_space<hbm>>) target(%dma_start3A_481 : memref<128xf32, #tpu.memory_space<vmem>>) offsets(%dma_start3A_484 : memref<128xi32, #tpu.memory_space<vmem>>) semaphore(%arg7 : memref<!tpu.dma_semaphore, #tpu.memory_space<semaphore_mem>>)
    %dma_start3A_487 = arith.constant 7 : i32
    %dma_start3A_488 = arith.constant 896 : i32
    %dma_start3A_489 = tpu.memref_slice %arg6[%dma_start3A_488] : memref<1664xf32, #tpu.memory_space<vmem>> -> memref<128xf32, #tpu.memory_space<vmem>>
    %dma_start3A_490 = arith.constant 0 : i32
    %dma_start3A_491 = tpu.memref_slice %arg5[%dma_start3A_487, %dma_start3A_490] : memref<13x128xi32, #tpu.memory_space<vmem>> -> memref<1x128xi32, #tpu.memory_space<vmem>>
    %dma_start3A_492 = tpu.memref_squeeze %dma_start3A_491 : memref<1x128xi32, #tpu.memory_space<vmem>> -> memref<128xi32, #tpu.memory_space<vmem>>
    %dma_start3A_493 = arith.constant 0 : i32
    %dma_start3A_494 = tpu.memref_slice %arg2[%dma_start3A_493] : memref<2600000xf32, #tpu.memory_space<hbm>> -> memref<2600000xf32, #tpu.memory_space<hbm>>
    tpu.enqueue_indirect_dma source(%dma_start3A_494 : memref<2600000xf32, #tpu.memory_space<hbm>>) target(%dma_start3A_489 : memref<128xf32, #tpu.memory_space<vmem>>) offsets(%dma_start3A_492 : memref<128xi32, #tpu.memory_space<vmem>>) semaphore(%arg7 : memref<!tpu.dma_semaphore, #tpu.memory_space<semaphore_mem>>)
    %dma_start3A_495 = arith.constant 8 : i32
    %dma_start3A_496 = arith.constant 1024 : i32
    %dma_start3A_497 = tpu.memref_slice %arg6[%dma_start3A_496] : memref<1664xf32, #tpu.memory_space<vmem>> -> memref<128xf32, #tpu.memory_space<vmem>>
    %dma_start3A_498 = arith.constant 0 : i32
    %dma_start3A_499 = tpu.memref_slice %arg5[%dma_start3A_495, %dma_start3A_498] : memref<13x128xi32, #tpu.memory_space<vmem>> -> memref<1x128xi32, #tpu.memory_space<vmem>>
    %dma_start3A_500 = tpu.memref_squeeze %dma_start3A_499 : memref<1x128xi32, #tpu.memory_space<vmem>> -> memref<128xi32, #tpu.memory_space<vmem>>
    %dma_start3A_501 = arith.constant 0 : i32
    %dma_start3A_502 = tpu.memref_slice %arg2[%dma_start3A_501] : memref<2600000xf32, #tpu.memory_space<hbm>> -> memref<2600000xf32, #tpu.memory_space<hbm>>
    tpu.enqueue_indirect_dma source(%dma_start3A_502 : memref<2600000xf32, #tpu.memory_space<hbm>>) target(%dma_start3A_497 : memref<128xf32, #tpu.memory_space<vmem>>) offsets(%dma_start3A_500 : memref<128xi32, #tpu.memory_space<vmem>>) semaphore(%arg7 : memref<!tpu.dma_semaphore, #tpu.memory_space<semaphore_mem>>)
    %dma_start3A_503 = arith.constant 9 : i32
    %dma_start3A_504 = arith.constant 1152 : i32
    %dma_start3A_505 = tpu.memref_slice %arg6[%dma_start3A_504] : memref<1664xf32, #tpu.memory_space<vmem>> -> memref<128xf32, #tpu.memory_space<vmem>>
    %dma_start3A_506 = arith.constant 0 : i32
    %dma_start3A_507 = tpu.memref_slice %arg5[%dma_start3A_503, %dma_start3A_506] : memref<13x128xi32, #tpu.memory_space<vmem>> -> memref<1x128xi32, #tpu.memory_space<vmem>>
    %dma_start3A_508 = tpu.memref_squeeze %dma_start3A_507 : memref<1x128xi32, #tpu.memory_space<vmem>> -> memref<128xi32, #tpu.memory_space<vmem>>
    %dma_start3A_509 = arith.constant 0 : i32
    %dma_start3A_510 = tpu.memref_slice %arg2[%dma_start3A_509] : memref<2600000xf32, #tpu.memory_space<hbm>> -> memref<2600000xf32, #tpu.memory_space<hbm>>
    tpu.enqueue_indirect_dma source(%dma_start3A_510 : memref<2600000xf32, #tpu.memory_space<hbm>>) target(%dma_start3A_505 : memref<128xf32, #tpu.memory_space<vmem>>) offsets(%dma_start3A_508 : memref<128xi32, #tpu.memory_space<vmem>>) semaphore(%arg7 : memref<!tpu.dma_semaphore, #tpu.memory_space<semaphore_mem>>)
    %dma_start3A_511 = arith.constant 10 : i32
    %dma_start3A_512 = arith.constant 1280 : i32
    %dma_start3A_513 = tpu.memref_slice %arg6[%dma_start3A_512] : memref<1664xf32, #tpu.memory_space<vmem>> -> memref<128xf32, #tpu.memory_space<vmem>>
    %dma_start3A_514 = arith.constant 0 : i32
    %dma_start3A_515 = tpu.memref_slice %arg5[%dma_start3A_511, %dma_start3A_514] : memref<13x128xi32, #tpu.memory_space<vmem>> -> memref<1x128xi32, #tpu.memory_space<vmem>>
    %dma_start3A_516 = tpu.memref_squeeze %dma_start3A_515 : memref<1x128xi32, #tpu.memory_space<vmem>> -> memref<128xi32, #tpu.memory_space<vmem>>
    %dma_start3A_517 = arith.constant 0 : i32
    %dma_start3A_518 = tpu.memref_slice %arg2[%dma_start3A_517] : memref<2600000xf32, #tpu.memory_space<hbm>> -> memref<2600000xf32, #tpu.memory_space<hbm>>
    tpu.enqueue_indirect_dma source(%dma_start3A_518 : memref<2600000xf32, #tpu.memory_space<hbm>>) target(%dma_start3A_513 : memref<128xf32, #tpu.memory_space<vmem>>) offsets(%dma_start3A_516 : memref<128xi32, #tpu.memory_space<vmem>>) semaphore(%arg7 : memref<!tpu.dma_semaphore, #tpu.memory_space<semaphore_mem>>)
    %dma_start3A_519 = arith.constant 11 : i32
    %dma_start3A_520 = arith.constant 1408 : i32
    %dma_start3A_521 = tpu.memref_slice %arg6[%dma_start3A_520] : memref<1664xf32, #tpu.memory_space<vmem>> -> memref<128xf32, #tpu.memory_space<vmem>>
    %dma_start3A_522 = arith.constant 0 : i32
    %dma_start3A_523 = tpu.memref_slice %arg5[%dma_start3A_519, %dma_start3A_522] : memref<13x128xi32, #tpu.memory_space<vmem>> -> memref<1x128xi32, #tpu.memory_space<vmem>>
    %dma_start3A_524 = tpu.memref_squeeze %dma_start3A_523 : memref<1x128xi32, #tpu.memory_space<vmem>> -> memref<128xi32, #tpu.memory_space<vmem>>
    %dma_start3A_525 = arith.constant 0 : i32
    %dma_start3A_526 = tpu.memref_slice %arg2[%dma_start3A_525] : memref<2600000xf32, #tpu.memory_space<hbm>> -> memref<2600000xf32, #tpu.memory_space<hbm>>
    tpu.enqueue_indirect_dma source(%dma_start3A_526 : memref<2600000xf32, #tpu.memory_space<hbm>>) target(%dma_start3A_521 : memref<128xf32, #tpu.memory_space<vmem>>) offsets(%dma_start3A_524 : memref<128xi32, #tpu.memory_space<vmem>>) semaphore(%arg7 : memref<!tpu.dma_semaphore, #tpu.memory_space<semaphore_mem>>)
    %dma_start3A_527 = arith.constant 12 : i32
    %dma_start3A_528 = arith.constant 1536 : i32
    %dma_start3A_529 = tpu.memref_slice %arg6[%dma_start3A_528] : memref<1664xf32, #tpu.memory_space<vmem>> -> memref<128xf32, #tpu.memory_space<vmem>>
    %dma_start3A_530 = arith.constant 0 : i32
    %dma_start3A_531 = tpu.memref_slice %arg5[%dma_start3A_527, %dma_start3A_530] : memref<13x128xi32, #tpu.memory_space<vmem>> -> memref<1x128xi32, #tpu.memory_space<vmem>>
    %dma_start3A_532 = tpu.memref_squeeze %dma_start3A_531 : memref<1x128xi32, #tpu.memory_space<vmem>> -> memref<128xi32, #tpu.memory_space<vmem>>
    %dma_start3A_533 = arith.constant 0 : i32
    %dma_start3A_534 = tpu.memref_slice %arg2[%dma_start3A_533] : memref<2600000xf32, #tpu.memory_space<hbm>> -> memref<2600000xf32, #tpu.memory_space<hbm>>
    tpu.enqueue_indirect_dma source(%dma_start3A_534 : memref<2600000xf32, #tpu.memory_space<hbm>>) target(%dma_start3A_529 : memref<128xf32, #tpu.memory_space<vmem>>) offsets(%dma_start3A_532 : memref<128xi32, #tpu.memory_space<vmem>>) semaphore(%arg7 : memref<!tpu.dma_semaphore, #tpu.memory_space<semaphore_mem>>)
    %dma_wait3A_535 = arith.constant 0 : i32
    %dma_wait3A_536 = arith.constant 0 : i32
    %dma_wait3A_537 = tpu.memref_slice %arg6[%dma_wait3A_536] : memref<1664xf32, #tpu.memory_space<vmem>> -> memref<128xf32, #tpu.memory_space<vmem>>
    %dma_wait3A_538 = arith.constant 0 : i32
    %dma_wait3A_539 = tpu.memref_slice %arg5[%dma_wait3A_535, %dma_wait3A_538] : memref<13x128xi32, #tpu.memory_space<vmem>> -> memref<1x128xi32, #tpu.memory_space<vmem>>
    %dma_wait3A_540 = tpu.memref_squeeze %dma_wait3A_539 : memref<1x128xi32, #tpu.memory_space<vmem>> -> memref<128xi32, #tpu.memory_space<vmem>>
    %dma_wait3A_541 = arith.constant 0 : i32
    %dma_wait3A_542 = tpu.memref_slice %arg2[%dma_wait3A_541] : memref<2600000xf32, #tpu.memory_space<hbm>> -> memref<2600000xf32, #tpu.memory_space<hbm>>
    tpu.wait_indirect_dma semaphore(%arg7 : memref<!tpu.dma_semaphore, #tpu.memory_space<semaphore_mem>>) src(%dma_wait3A_542 : memref<2600000xf32, #tpu.memory_space<hbm>>) dst(%dma_wait3A_537 : memref<128xf32, #tpu.memory_space<vmem>>)
    %dma_wait3A_543 = arith.constant 1 : i32
    %dma_wait3A_544 = arith.constant 128 : i32
    %dma_wait3A_545 = tpu.memref_slice %arg6[%dma_wait3A_544] : memref<1664xf32, #tpu.memory_space<vmem>> -> memref<128xf32, #tpu.memory_space<vmem>>
    %dma_wait3A_546 = arith.constant 0 : i32
    %dma_wait3A_547 = tpu.memref_slice %arg5[%dma_wait3A_543, %dma_wait3A_546] : memref<13x128xi32, #tpu.memory_space<vmem>> -> memref<1x128xi32, #tpu.memory_space<vmem>>
    %dma_wait3A_548 = tpu.memref_squeeze %dma_wait3A_547 : memref<1x128xi32, #tpu.memory_space<vmem>> -> memref<128xi32, #tpu.memory_space<vmem>>
    %dma_wait3A_549 = arith.constant 0 : i32
    %dma_wait3A_550 = tpu.memref_slice %arg2[%dma_wait3A_549] : memref<2600000xf32, #tpu.memory_space<hbm>> -> memref<2600000xf32, #tpu.memory_space<hbm>>
    tpu.wait_indirect_dma semaphore(%arg7 : memref<!tpu.dma_semaphore, #tpu.memory_space<semaphore_mem>>) src(%dma_wait3A_550 : memref<2600000xf32, #tpu.memory_space<hbm>>) dst(%dma_wait3A_545 : memref<128xf32, #tpu.memory_space<vmem>>)
    %dma_wait3A_551 = arith.constant 2 : i32
    %dma_wait3A_552 = arith.constant 256 : i32
    %dma_wait3A_553 = tpu.memref_slice %arg6[%dma_wait3A_552] : memref<1664xf32, #tpu.memory_space<vmem>> -> memref<128xf32, #tpu.memory_space<vmem>>
    %dma_wait3A_554 = arith.constant 0 : i32
    %dma_wait3A_555 = tpu.memref_slice %arg5[%dma_wait3A_551, %dma_wait3A_554] : memref<13x128xi32, #tpu.memory_space<vmem>> -> memref<1x128xi32, #tpu.memory_space<vmem>>
    %dma_wait3A_556 = tpu.memref_squeeze %dma_wait3A_555 : memref<1x128xi32, #tpu.memory_space<vmem>> -> memref<128xi32, #tpu.memory_space<vmem>>
    %dma_wait3A_557 = arith.constant 0 : i32
    %dma_wait3A_558 = tpu.memref_slice %arg2[%dma_wait3A_557] : memref<2600000xf32, #tpu.memory_space<hbm>> -> memref<2600000xf32, #tpu.memory_space<hbm>>
    tpu.wait_indirect_dma semaphore(%arg7 : memref<!tpu.dma_semaphore, #tpu.memory_space<semaphore_mem>>) src(%dma_wait3A_558 : memref<2600000xf32, #tpu.memory_space<hbm>>) dst(%dma_wait3A_553 : memref<128xf32, #tpu.memory_space<vmem>>)
    %dma_wait3A_559 = arith.constant 3 : i32
    %dma_wait3A_560 = arith.constant 384 : i32
    %dma_wait3A_561 = tpu.memref_slice %arg6[%dma_wait3A_560] : memref<1664xf32, #tpu.memory_space<vmem>> -> memref<128xf32, #tpu.memory_space<vmem>>
    %dma_wait3A_562 = arith.constant 0 : i32
    %dma_wait3A_563 = tpu.memref_slice %arg5[%dma_wait3A_559, %dma_wait3A_562] : memref<13x128xi32, #tpu.memory_space<vmem>> -> memref<1x128xi32, #tpu.memory_space<vmem>>
    %dma_wait3A_564 = tpu.memref_squeeze %dma_wait3A_563 : memref<1x128xi32, #tpu.memory_space<vmem>> -> memref<128xi32, #tpu.memory_space<vmem>>
    %dma_wait3A_565 = arith.constant 0 : i32
    %dma_wait3A_566 = tpu.memref_slice %arg2[%dma_wait3A_565] : memref<2600000xf32, #tpu.memory_space<hbm>> -> memref<2600000xf32, #tpu.memory_space<hbm>>
    tpu.wait_indirect_dma semaphore(%arg7 : memref<!tpu.dma_semaphore, #tpu.memory_space<semaphore_mem>>) src(%dma_wait3A_566 : memref<2600000xf32, #tpu.memory_space<hbm>>) dst(%dma_wait3A_561 : memref<128xf32, #tpu.memory_space<vmem>>)
    %dma_wait3A_567 = arith.constant 4 : i32
    %dma_wait3A_568 = arith.constant 512 : i32
    %dma_wait3A_569 = tpu.memref_slice %arg6[%dma_wait3A_568] : memref<1664xf32, #tpu.memory_space<vmem>> -> memref<128xf32, #tpu.memory_space<vmem>>
    %dma_wait3A_570 = arith.constant 0 : i32
    %dma_wait3A_571 = tpu.memref_slice %arg5[%dma_wait3A_567, %dma_wait3A_570] : memref<13x128xi32, #tpu.memory_space<vmem>> -> memref<1x128xi32, #tpu.memory_space<vmem>>
    %dma_wait3A_572 = tpu.memref_squeeze %dma_wait3A_571 : memref<1x128xi32, #tpu.memory_space<vmem>> -> memref<128xi32, #tpu.memory_space<vmem>>
    %dma_wait3A_573 = arith.constant 0 : i32
    %dma_wait3A_574 = tpu.memref_slice %arg2[%dma_wait3A_573] : memref<2600000xf32, #tpu.memory_space<hbm>> -> memref<2600000xf32, #tpu.memory_space<hbm>>
    tpu.wait_indirect_dma semaphore(%arg7 : memref<!tpu.dma_semaphore, #tpu.memory_space<semaphore_mem>>) src(%dma_wait3A_574 : memref<2600000xf32, #tpu.memory_space<hbm>>) dst(%dma_wait3A_569 : memref<128xf32, #tpu.memory_space<vmem>>)
    %dma_wait3A_575 = arith.constant 5 : i32
    %dma_wait3A_576 = arith.constant 640 : i32
    %dma_wait3A_577 = tpu.memref_slice %arg6[%dma_wait3A_576] : memref<1664xf32, #tpu.memory_space<vmem>> -> memref<128xf32, #tpu.memory_space<vmem>>
    %dma_wait3A_578 = arith.constant 0 : i32
    %dma_wait3A_579 = tpu.memref_slice %arg5[%dma_wait3A_575, %dma_wait3A_578] : memref<13x128xi32, #tpu.memory_space<vmem>> -> memref<1x128xi32, #tpu.memory_space<vmem>>
    %dma_wait3A_580 = tpu.memref_squeeze %dma_wait3A_579 : memref<1x128xi32, #tpu.memory_space<vmem>> -> memref<128xi32, #tpu.memory_space<vmem>>
    %dma_wait3A_581 = arith.constant 0 : i32
    %dma_wait3A_582 = tpu.memref_slice %arg2[%dma_wait3A_581] : memref<2600000xf32, #tpu.memory_space<hbm>> -> memref<2600000xf32, #tpu.memory_space<hbm>>
    tpu.wait_indirect_dma semaphore(%arg7 : memref<!tpu.dma_semaphore, #tpu.memory_space<semaphore_mem>>) src(%dma_wait3A_582 : memref<2600000xf32, #tpu.memory_space<hbm>>) dst(%dma_wait3A_577 : memref<128xf32, #tpu.memory_space<vmem>>)
    %dma_wait3A_583 = arith.constant 6 : i32
    %dma_wait3A_584 = arith.constant 768 : i32
    %dma_wait3A_585 = tpu.memref_slice %arg6[%dma_wait3A_584] : memref<1664xf32, #tpu.memory_space<vmem>> -> memref<128xf32, #tpu.memory_space<vmem>>
    %dma_wait3A_586 = arith.constant 0 : i32
    %dma_wait3A_587 = tpu.memref_slice %arg5[%dma_wait3A_583, %dma_wait3A_586] : memref<13x128xi32, #tpu.memory_space<vmem>> -> memref<1x128xi32, #tpu.memory_space<vmem>>
    %dma_wait3A_588 = tpu.memref_squeeze %dma_wait3A_587 : memref<1x128xi32, #tpu.memory_space<vmem>> -> memref<128xi32, #tpu.memory_space<vmem>>
    %dma_wait3A_589 = arith.constant 0 : i32
    %dma_wait3A_590 = tpu.memref_slice %arg2[%dma_wait3A_589] : memref<2600000xf32, #tpu.memory_space<hbm>> -> memref<2600000xf32, #tpu.memory_space<hbm>>
    tpu.wait_indirect_dma semaphore(%arg7 : memref<!tpu.dma_semaphore, #tpu.memory_space<semaphore_mem>>) src(%dma_wait3A_590 : memref<2600000xf32, #tpu.memory_space<hbm>>) dst(%dma_wait3A_585 : memref<128xf32, #tpu.memory_space<vmem>>)
    %dma_wait3A_591 = arith.constant 7 : i32
    %dma_wait3A_592 = arith.constant 896 : i32
    %dma_wait3A_593 = tpu.memref_slice %arg6[%dma_wait3A_592] : memref<1664xf32, #tpu.memory_space<vmem>> -> memref<128xf32, #tpu.memory_space<vmem>>
    %dma_wait3A_594 = arith.constant 0 : i32
    %dma_wait3A_595 = tpu.memref_slice %arg5[%dma_wait3A_591, %dma_wait3A_594] : memref<13x128xi32, #tpu.memory_space<vmem>> -> memref<1x128xi32, #tpu.memory_space<vmem>>
    %dma_wait3A_596 = tpu.memref_squeeze %dma_wait3A_595 : memref<1x128xi32, #tpu.memory_space<vmem>> -> memref<128xi32, #tpu.memory_space<vmem>>
    %dma_wait3A_597 = arith.constant 0 : i32
    %dma_wait3A_598 = tpu.memref_slice %arg2[%dma_wait3A_597] : memref<2600000xf32, #tpu.memory_space<hbm>> -> memref<2600000xf32, #tpu.memory_space<hbm>>
    tpu.wait_indirect_dma semaphore(%arg7 : memref<!tpu.dma_semaphore, #tpu.memory_space<semaphore_mem>>) src(%dma_wait3A_598 : memref<2600000xf32, #tpu.memory_space<hbm>>) dst(%dma_wait3A_593 : memref<128xf32, #tpu.memory_space<vmem>>)
    %dma_wait3A_599 = arith.constant 8 : i32
    %dma_wait3A_600 = arith.constant 1024 : i32
    %dma_wait3A_601 = tpu.memref_slice %arg6[%dma_wait3A_600] : memref<1664xf32, #tpu.memory_space<vmem>> -> memref<128xf32, #tpu.memory_space<vmem>>
    %dma_wait3A_602 = arith.constant 0 : i32
    %dma_wait3A_603 = tpu.memref_slice %arg5[%dma_wait3A_599, %dma_wait3A_602] : memref<13x128xi32, #tpu.memory_space<vmem>> -> memref<1x128xi32, #tpu.memory_space<vmem>>
    %dma_wait3A_604 = tpu.memref_squeeze %dma_wait3A_603 : memref<1x128xi32, #tpu.memory_space<vmem>> -> memref<128xi32, #tpu.memory_space<vmem>>
    %dma_wait3A_605 = arith.constant 0 : i32
    %dma_wait3A_606 = tpu.memref_slice %arg2[%dma_wait3A_605] : memref<2600000xf32, #tpu.memory_space<hbm>> -> memref<2600000xf32, #tpu.memory_space<hbm>>
    tpu.wait_indirect_dma semaphore(%arg7 : memref<!tpu.dma_semaphore, #tpu.memory_space<semaphore_mem>>) src(%dma_wait3A_606 : memref<2600000xf32, #tpu.memory_space<hbm>>) dst(%dma_wait3A_601 : memref<128xf32, #tpu.memory_space<vmem>>)
    %dma_wait3A_607 = arith.constant 9 : i32
    %dma_wait3A_608 = arith.constant 1152 : i32
    %dma_wait3A_609 = tpu.memref_slice %arg6[%dma_wait3A_608] : memref<1664xf32, #tpu.memory_space<vmem>> -> memref<128xf32, #tpu.memory_space<vmem>>
    %dma_wait3A_610 = arith.constant 0 : i32
    %dma_wait3A_611 = tpu.memref_slice %arg5[%dma_wait3A_607, %dma_wait3A_610] : memref<13x128xi32, #tpu.memory_space<vmem>> -> memref<1x128xi32, #tpu.memory_space<vmem>>
    %dma_wait3A_612 = tpu.memref_squeeze %dma_wait3A_611 : memref<1x128xi32, #tpu.memory_space<vmem>> -> memref<128xi32, #tpu.memory_space<vmem>>
    %dma_wait3A_613 = arith.constant 0 : i32
    %dma_wait3A_614 = tpu.memref_slice %arg2[%dma_wait3A_613] : memref<2600000xf32, #tpu.memory_space<hbm>> -> memref<2600000xf32, #tpu.memory_space<hbm>>
    tpu.wait_indirect_dma semaphore(%arg7 : memref<!tpu.dma_semaphore, #tpu.memory_space<semaphore_mem>>) src(%dma_wait3A_614 : memref<2600000xf32, #tpu.memory_space<hbm>>) dst(%dma_wait3A_609 : memref<128xf32, #tpu.memory_space<vmem>>)
    %dma_wait3A_615 = arith.constant 10 : i32
    %dma_wait3A_616 = arith.constant 1280 : i32
    %dma_wait3A_617 = tpu.memref_slice %arg6[%dma_wait3A_616] : memref<1664xf32, #tpu.memory_space<vmem>> -> memref<128xf32, #tpu.memory_space<vmem>>
    %dma_wait3A_618 = arith.constant 0 : i32
    %dma_wait3A_619 = tpu.memref_slice %arg5[%dma_wait3A_615, %dma_wait3A_618] : memref<13x128xi32, #tpu.memory_space<vmem>> -> memref<1x128xi32, #tpu.memory_space<vmem>>
    %dma_wait3A_620 = tpu.memref_squeeze %dma_wait3A_619 : memref<1x128xi32, #tpu.memory_space<vmem>> -> memref<128xi32, #tpu.memory_space<vmem>>
    %dma_wait3A_621 = arith.constant 0 : i32
    %dma_wait3A_622 = tpu.memref_slice %arg2[%dma_wait3A_621] : memref<2600000xf32, #tpu.memory_space<hbm>> -> memref<2600000xf32, #tpu.memory_space<hbm>>
    tpu.wait_indirect_dma semaphore(%arg7 : memref<!tpu.dma_semaphore, #tpu.memory_space<semaphore_mem>>) src(%dma_wait3A_622 : memref<2600000xf32, #tpu.memory_space<hbm>>) dst(%dma_wait3A_617 : memref<128xf32, #tpu.memory_space<vmem>>)
    %dma_wait3A_623 = arith.constant 11 : i32
    %dma_wait3A_624 = arith.constant 1408 : i32
    %dma_wait3A_625 = tpu.memref_slice %arg6[%dma_wait3A_624] : memref<1664xf32, #tpu.memory_space<vmem>> -> memref<128xf32, #tpu.memory_space<vmem>>
    %dma_wait3A_626 = arith.constant 0 : i32
    %dma_wait3A_627 = tpu.memref_slice %arg5[%dma_wait3A_623, %dma_wait3A_626] : memref<13x128xi32, #tpu.memory_space<vmem>> -> memref<1x128xi32, #tpu.memory_space<vmem>>
    %dma_wait3A_628 = tpu.memref_squeeze %dma_wait3A_627 : memref<1x128xi32, #tpu.memory_space<vmem>> -> memref<128xi32, #tpu.memory_space<vmem>>
    %dma_wait3A_629 = arith.constant 0 : i32
    %dma_wait3A_630 = tpu.memref_slice %arg2[%dma_wait3A_629] : memref<2600000xf32, #tpu.memory_space<hbm>> -> memref<2600000xf32, #tpu.memory_space<hbm>>
    tpu.wait_indirect_dma semaphore(%arg7 : memref<!tpu.dma_semaphore, #tpu.memory_space<semaphore_mem>>) src(%dma_wait3A_630 : memref<2600000xf32, #tpu.memory_space<hbm>>) dst(%dma_wait3A_625 : memref<128xf32, #tpu.memory_space<vmem>>)
    %dma_wait3A_631 = arith.constant 12 : i32
    %dma_wait3A_632 = arith.constant 1536 : i32
    %dma_wait3A_633 = tpu.memref_slice %arg6[%dma_wait3A_632] : memref<1664xf32, #tpu.memory_space<vmem>> -> memref<128xf32, #tpu.memory_space<vmem>>
    %dma_wait3A_634 = arith.constant 0 : i32
    %dma_wait3A_635 = tpu.memref_slice %arg5[%dma_wait3A_631, %dma_wait3A_634] : memref<13x128xi32, #tpu.memory_space<vmem>> -> memref<1x128xi32, #tpu.memory_space<vmem>>
    %dma_wait3A_636 = tpu.memref_squeeze %dma_wait3A_635 : memref<1x128xi32, #tpu.memory_space<vmem>> -> memref<128xi32, #tpu.memory_space<vmem>>
    %dma_wait3A_637 = arith.constant 0 : i32
    %dma_wait3A_638 = tpu.memref_slice %arg2[%dma_wait3A_637] : memref<2600000xf32, #tpu.memory_space<hbm>> -> memref<2600000xf32, #tpu.memory_space<hbm>>
    tpu.wait_indirect_dma semaphore(%arg7 : memref<!tpu.dma_semaphore, #tpu.memory_space<semaphore_mem>>) src(%dma_wait3A_638 : memref<2600000xf32, #tpu.memory_space<hbm>>) dst(%dma_wait3A_633 : memref<128xf32, #tpu.memory_space<vmem>>)
    %mul3A_639 = arith.constant 128 : i32
    %mul3A_640 = arith.muli %add3A_430, %mul3A_639 : i32
    "tpu.region"() ({
      %run_scoped3A = tpu.sem_alloc : memref<!tpu.dma_semaphore, #tpu.memory_space<semaphore_mem>>
      %dma_start3A_1711 = tpu.memref_slice %arg4[%mul3A_640] : memref<425984xf32, #tpu.memory_space<hbm>> -> memref<1664xf32, #tpu.memory_space<hbm>>
      %dma_start3A_1712 = tpu.memref_slice %arg4[%mul3A_640] : memref<425984xf32, #tpu.memory_space<hbm>> -> memref<1664xf32, #tpu.memory_space<hbm>>
      tpu.enqueue_dma source(%arg6 : memref<1664xf32, #tpu.memory_space<vmem>>) target(%dma_start3A_1712 : memref<1664xf32, #tpu.memory_space<hbm>>) target_semaphore(%run_scoped3A : memref<!tpu.dma_semaphore, #tpu.memory_space<semaphore_mem>>)
      %dma_wait3A_1713 = tpu.memref_slice %arg4[%mul3A_640] : memref<425984xf32, #tpu.memory_space<hbm>> -> memref<1664xf32, #tpu.memory_space<hbm>>
      %dma_wait3A_1714 = tpu.memref_slice %arg4[%mul3A_640] : memref<425984xf32, #tpu.memory_space<hbm>> -> memref<1664xf32, #tpu.memory_space<hbm>>
      tpu.wait_dma2 semaphore(%run_scoped3A : memref<!tpu.dma_semaphore, #tpu.memory_space<semaphore_mem>>) src(%arg6 : memref<1664xf32, #tpu.memory_space<vmem>>) dst(%dma_wait3A_1714 : memref<1664xf32, #tpu.memory_space<hbm>>)
      tpu.yield
    }) : () -> ()
    %mul3A_641 = arith.constant 104 : i32
    %mul3A_642 = arith.muli %add3A, %mul3A_641 : i32
    %add3A_643 = arith.constant 39 : i32
    %add3A_644 = arith.addi %mul3A_642, %add3A_643 : i32
    "tpu.region"() ({
      %run_scoped3A = tpu.sem_alloc : memref<!tpu.dma_semaphore, #tpu.memory_space<semaphore_mem>>
      %dma_start3A_1711 = arith.constant 0 : i32
      %dma_start3A_1712 = tpu.memref_slice %arg3[%add3A_644, %dma_start3A_1711] : memref<3328x128xi32, #tpu.memory_space<hbm>> -> memref<13x128xi32, #tpu.memory_space<hbm>>
      %dma_start3A_1713 = arith.constant 0 : i32
      %dma_start3A_1714 = tpu.memref_slice %arg3[%add3A_644, %dma_start3A_1713] : memref<3328x128xi32, #tpu.memory_space<hbm>> -> memref<13x128xi32, #tpu.memory_space<hbm>>
      tpu.enqueue_dma source(%dma_start3A_1714 : memref<13x128xi32, #tpu.memory_space<hbm>>) target(%arg5 : memref<13x128xi32, #tpu.memory_space<vmem>>) target_semaphore(%run_scoped3A : memref<!tpu.dma_semaphore, #tpu.memory_space<semaphore_mem>>)
      %dma_wait3A_1715 = arith.constant 0 : i32
      %dma_wait3A_1716 = tpu.memref_slice %arg3[%add3A_644, %dma_wait3A_1715] : memref<3328x128xi32, #tpu.memory_space<hbm>> -> memref<13x128xi32, #tpu.memory_space<hbm>>
      %dma_wait3A_1717 = arith.constant 0 : i32
      %dma_wait3A_1718 = tpu.memref_slice %arg3[%add3A_644, %dma_wait3A_1717] : memref<3328x128xi32, #tpu.memory_space<hbm>> -> memref<13x128xi32, #tpu.memory_space<hbm>>
      tpu.wait_dma2 semaphore(%run_scoped3A : memref<!tpu.dma_semaphore, #tpu.memory_space<semaphore_mem>>) src(%dma_wait3A_1718 : memref<13x128xi32, #tpu.memory_space<hbm>>) dst(%arg5 : memref<13x128xi32, #tpu.memory_space<vmem>>)
      tpu.yield
    }) : () -> ()
    %dma_start3A_645 = arith.constant 0 : i32
    %dma_start3A_646 = arith.constant 0 : i32
    %dma_start3A_647 = tpu.memref_slice %arg6[%dma_start3A_646] : memref<1664xf32, #tpu.memory_space<vmem>> -> memref<128xf32, #tpu.memory_space<vmem>>
    %dma_start3A_648 = arith.constant 0 : i32
    %dma_start3A_649 = tpu.memref_slice %arg5[%dma_start3A_645, %dma_start3A_648] : memref<13x128xi32, #tpu.memory_space<vmem>> -> memref<1x128xi32, #tpu.memory_space<vmem>>
    %dma_start3A_650 = tpu.memref_squeeze %dma_start3A_649 : memref<1x128xi32, #tpu.memory_space<vmem>> -> memref<128xi32, #tpu.memory_space<vmem>>
    %dma_start3A_651 = arith.constant 0 : i32
    %dma_start3A_652 = tpu.memref_slice %arg2[%dma_start3A_651] : memref<2600000xf32, #tpu.memory_space<hbm>> -> memref<2600000xf32, #tpu.memory_space<hbm>>
    tpu.enqueue_indirect_dma source(%dma_start3A_652 : memref<2600000xf32, #tpu.memory_space<hbm>>) target(%dma_start3A_647 : memref<128xf32, #tpu.memory_space<vmem>>) offsets(%dma_start3A_650 : memref<128xi32, #tpu.memory_space<vmem>>) semaphore(%arg7 : memref<!tpu.dma_semaphore, #tpu.memory_space<semaphore_mem>>)
    %dma_start3A_653 = arith.constant 1 : i32
    %dma_start3A_654 = arith.constant 128 : i32
    %dma_start3A_655 = tpu.memref_slice %arg6[%dma_start3A_654] : memref<1664xf32, #tpu.memory_space<vmem>> -> memref<128xf32, #tpu.memory_space<vmem>>
    %dma_start3A_656 = arith.constant 0 : i32
    %dma_start3A_657 = tpu.memref_slice %arg5[%dma_start3A_653, %dma_start3A_656] : memref<13x128xi32, #tpu.memory_space<vmem>> -> memref<1x128xi32, #tpu.memory_space<vmem>>
    %dma_start3A_658 = tpu.memref_squeeze %dma_start3A_657 : memref<1x128xi32, #tpu.memory_space<vmem>> -> memref<128xi32, #tpu.memory_space<vmem>>
    %dma_start3A_659 = arith.constant 0 : i32
    %dma_start3A_660 = tpu.memref_slice %arg2[%dma_start3A_659] : memref<2600000xf32, #tpu.memory_space<hbm>> -> memref<2600000xf32, #tpu.memory_space<hbm>>
    tpu.enqueue_indirect_dma source(%dma_start3A_660 : memref<2600000xf32, #tpu.memory_space<hbm>>) target(%dma_start3A_655 : memref<128xf32, #tpu.memory_space<vmem>>) offsets(%dma_start3A_658 : memref<128xi32, #tpu.memory_space<vmem>>) semaphore(%arg7 : memref<!tpu.dma_semaphore, #tpu.memory_space<semaphore_mem>>)
    %dma_start3A_661 = arith.constant 2 : i32
    %dma_start3A_662 = arith.constant 256 : i32
    %dma_start3A_663 = tpu.memref_slice %arg6[%dma_start3A_662] : memref<1664xf32, #tpu.memory_space<vmem>> -> memref<128xf32, #tpu.memory_space<vmem>>
    %dma_start3A_664 = arith.constant 0 : i32
    %dma_start3A_665 = tpu.memref_slice %arg5[%dma_start3A_661, %dma_start3A_664] : memref<13x128xi32, #tpu.memory_space<vmem>> -> memref<1x128xi32, #tpu.memory_space<vmem>>
    %dma_start3A_666 = tpu.memref_squeeze %dma_start3A_665 : memref<1x128xi32, #tpu.memory_space<vmem>> -> memref<128xi32, #tpu.memory_space<vmem>>
    %dma_start3A_667 = arith.constant 0 : i32
    %dma_start3A_668 = tpu.memref_slice %arg2[%dma_start3A_667] : memref<2600000xf32, #tpu.memory_space<hbm>> -> memref<2600000xf32, #tpu.memory_space<hbm>>
    tpu.enqueue_indirect_dma source(%dma_start3A_668 : memref<2600000xf32, #tpu.memory_space<hbm>>) target(%dma_start3A_663 : memref<128xf32, #tpu.memory_space<vmem>>) offsets(%dma_start3A_666 : memref<128xi32, #tpu.memory_space<vmem>>) semaphore(%arg7 : memref<!tpu.dma_semaphore, #tpu.memory_space<semaphore_mem>>)
    %dma_start3A_669 = arith.constant 3 : i32
    %dma_start3A_670 = arith.constant 384 : i32
    %dma_start3A_671 = tpu.memref_slice %arg6[%dma_start3A_670] : memref<1664xf32, #tpu.memory_space<vmem>> -> memref<128xf32, #tpu.memory_space<vmem>>
    %dma_start3A_672 = arith.constant 0 : i32
    %dma_start3A_673 = tpu.memref_slice %arg5[%dma_start3A_669, %dma_start3A_672] : memref<13x128xi32, #tpu.memory_space<vmem>> -> memref<1x128xi32, #tpu.memory_space<vmem>>
    %dma_start3A_674 = tpu.memref_squeeze %dma_start3A_673 : memref<1x128xi32, #tpu.memory_space<vmem>> -> memref<128xi32, #tpu.memory_space<vmem>>
    %dma_start3A_675 = arith.constant 0 : i32
    %dma_start3A_676 = tpu.memref_slice %arg2[%dma_start3A_675] : memref<2600000xf32, #tpu.memory_space<hbm>> -> memref<2600000xf32, #tpu.memory_space<hbm>>
    tpu.enqueue_indirect_dma source(%dma_start3A_676 : memref<2600000xf32, #tpu.memory_space<hbm>>) target(%dma_start3A_671 : memref<128xf32, #tpu.memory_space<vmem>>) offsets(%dma_start3A_674 : memref<128xi32, #tpu.memory_space<vmem>>) semaphore(%arg7 : memref<!tpu.dma_semaphore, #tpu.memory_space<semaphore_mem>>)
    %dma_start3A_677 = arith.constant 4 : i32
    %dma_start3A_678 = arith.constant 512 : i32
    %dma_start3A_679 = tpu.memref_slice %arg6[%dma_start3A_678] : memref<1664xf32, #tpu.memory_space<vmem>> -> memref<128xf32, #tpu.memory_space<vmem>>
    %dma_start3A_680 = arith.constant 0 : i32
    %dma_start3A_681 = tpu.memref_slice %arg5[%dma_start3A_677, %dma_start3A_680] : memref<13x128xi32, #tpu.memory_space<vmem>> -> memref<1x128xi32, #tpu.memory_space<vmem>>
    %dma_start3A_682 = tpu.memref_squeeze %dma_start3A_681 : memref<1x128xi32, #tpu.memory_space<vmem>> -> memref<128xi32, #tpu.memory_space<vmem>>
    %dma_start3A_683 = arith.constant 0 : i32
    %dma_start3A_684 = tpu.memref_slice %arg2[%dma_start3A_683] : memref<2600000xf32, #tpu.memory_space<hbm>> -> memref<2600000xf32, #tpu.memory_space<hbm>>
    tpu.enqueue_indirect_dma source(%dma_start3A_684 : memref<2600000xf32, #tpu.memory_space<hbm>>) target(%dma_start3A_679 : memref<128xf32, #tpu.memory_space<vmem>>) offsets(%dma_start3A_682 : memref<128xi32, #tpu.memory_space<vmem>>) semaphore(%arg7 : memref<!tpu.dma_semaphore, #tpu.memory_space<semaphore_mem>>)
    %dma_start3A_685 = arith.constant 5 : i32
    %dma_start3A_686 = arith.constant 640 : i32
    %dma_start3A_687 = tpu.memref_slice %arg6[%dma_start3A_686] : memref<1664xf32, #tpu.memory_space<vmem>> -> memref<128xf32, #tpu.memory_space<vmem>>
    %dma_start3A_688 = arith.constant 0 : i32
    %dma_start3A_689 = tpu.memref_slice %arg5[%dma_start3A_685, %dma_start3A_688] : memref<13x128xi32, #tpu.memory_space<vmem>> -> memref<1x128xi32, #tpu.memory_space<vmem>>
    %dma_start3A_690 = tpu.memref_squeeze %dma_start3A_689 : memref<1x128xi32, #tpu.memory_space<vmem>> -> memref<128xi32, #tpu.memory_space<vmem>>
    %dma_start3A_691 = arith.constant 0 : i32
    %dma_start3A_692 = tpu.memref_slice %arg2[%dma_start3A_691] : memref<2600000xf32, #tpu.memory_space<hbm>> -> memref<2600000xf32, #tpu.memory_space<hbm>>
    tpu.enqueue_indirect_dma source(%dma_start3A_692 : memref<2600000xf32, #tpu.memory_space<hbm>>) target(%dma_start3A_687 : memref<128xf32, #tpu.memory_space<vmem>>) offsets(%dma_start3A_690 : memref<128xi32, #tpu.memory_space<vmem>>) semaphore(%arg7 : memref<!tpu.dma_semaphore, #tpu.memory_space<semaphore_mem>>)
    %dma_start3A_693 = arith.constant 6 : i32
    %dma_start3A_694 = arith.constant 768 : i32
    %dma_start3A_695 = tpu.memref_slice %arg6[%dma_start3A_694] : memref<1664xf32, #tpu.memory_space<vmem>> -> memref<128xf32, #tpu.memory_space<vmem>>
    %dma_start3A_696 = arith.constant 0 : i32
    %dma_start3A_697 = tpu.memref_slice %arg5[%dma_start3A_693, %dma_start3A_696] : memref<13x128xi32, #tpu.memory_space<vmem>> -> memref<1x128xi32, #tpu.memory_space<vmem>>
    %dma_start3A_698 = tpu.memref_squeeze %dma_start3A_697 : memref<1x128xi32, #tpu.memory_space<vmem>> -> memref<128xi32, #tpu.memory_space<vmem>>
    %dma_start3A_699 = arith.constant 0 : i32
    %dma_start3A_700 = tpu.memref_slice %arg2[%dma_start3A_699] : memref<2600000xf32, #tpu.memory_space<hbm>> -> memref<2600000xf32, #tpu.memory_space<hbm>>
    tpu.enqueue_indirect_dma source(%dma_start3A_700 : memref<2600000xf32, #tpu.memory_space<hbm>>) target(%dma_start3A_695 : memref<128xf32, #tpu.memory_space<vmem>>) offsets(%dma_start3A_698 : memref<128xi32, #tpu.memory_space<vmem>>) semaphore(%arg7 : memref<!tpu.dma_semaphore, #tpu.memory_space<semaphore_mem>>)
    %dma_start3A_701 = arith.constant 7 : i32
    %dma_start3A_702 = arith.constant 896 : i32
    %dma_start3A_703 = tpu.memref_slice %arg6[%dma_start3A_702] : memref<1664xf32, #tpu.memory_space<vmem>> -> memref<128xf32, #tpu.memory_space<vmem>>
    %dma_start3A_704 = arith.constant 0 : i32
    %dma_start3A_705 = tpu.memref_slice %arg5[%dma_start3A_701, %dma_start3A_704] : memref<13x128xi32, #tpu.memory_space<vmem>> -> memref<1x128xi32, #tpu.memory_space<vmem>>
    %dma_start3A_706 = tpu.memref_squeeze %dma_start3A_705 : memref<1x128xi32, #tpu.memory_space<vmem>> -> memref<128xi32, #tpu.memory_space<vmem>>
    %dma_start3A_707 = arith.constant 0 : i32
    %dma_start3A_708 = tpu.memref_slice %arg2[%dma_start3A_707] : memref<2600000xf32, #tpu.memory_space<hbm>> -> memref<2600000xf32, #tpu.memory_space<hbm>>
    tpu.enqueue_indirect_dma source(%dma_start3A_708 : memref<2600000xf32, #tpu.memory_space<hbm>>) target(%dma_start3A_703 : memref<128xf32, #tpu.memory_space<vmem>>) offsets(%dma_start3A_706 : memref<128xi32, #tpu.memory_space<vmem>>) semaphore(%arg7 : memref<!tpu.dma_semaphore, #tpu.memory_space<semaphore_mem>>)
    %dma_start3A_709 = arith.constant 8 : i32
    %dma_start3A_710 = arith.constant 1024 : i32
    %dma_start3A_711 = tpu.memref_slice %arg6[%dma_start3A_710] : memref<1664xf32, #tpu.memory_space<vmem>> -> memref<128xf32, #tpu.memory_space<vmem>>
    %dma_start3A_712 = arith.constant 0 : i32
    %dma_start3A_713 = tpu.memref_slice %arg5[%dma_start3A_709, %dma_start3A_712] : memref<13x128xi32, #tpu.memory_space<vmem>> -> memref<1x128xi32, #tpu.memory_space<vmem>>
    %dma_start3A_714 = tpu.memref_squeeze %dma_start3A_713 : memref<1x128xi32, #tpu.memory_space<vmem>> -> memref<128xi32, #tpu.memory_space<vmem>>
    %dma_start3A_715 = arith.constant 0 : i32
    %dma_start3A_716 = tpu.memref_slice %arg2[%dma_start3A_715] : memref<2600000xf32, #tpu.memory_space<hbm>> -> memref<2600000xf32, #tpu.memory_space<hbm>>
    tpu.enqueue_indirect_dma source(%dma_start3A_716 : memref<2600000xf32, #tpu.memory_space<hbm>>) target(%dma_start3A_711 : memref<128xf32, #tpu.memory_space<vmem>>) offsets(%dma_start3A_714 : memref<128xi32, #tpu.memory_space<vmem>>) semaphore(%arg7 : memref<!tpu.dma_semaphore, #tpu.memory_space<semaphore_mem>>)
    %dma_start3A_717 = arith.constant 9 : i32
    %dma_start3A_718 = arith.constant 1152 : i32
    %dma_start3A_719 = tpu.memref_slice %arg6[%dma_start3A_718] : memref<1664xf32, #tpu.memory_space<vmem>> -> memref<128xf32, #tpu.memory_space<vmem>>
    %dma_start3A_720 = arith.constant 0 : i32
    %dma_start3A_721 = tpu.memref_slice %arg5[%dma_start3A_717, %dma_start3A_720] : memref<13x128xi32, #tpu.memory_space<vmem>> -> memref<1x128xi32, #tpu.memory_space<vmem>>
    %dma_start3A_722 = tpu.memref_squeeze %dma_start3A_721 : memref<1x128xi32, #tpu.memory_space<vmem>> -> memref<128xi32, #tpu.memory_space<vmem>>
    %dma_start3A_723 = arith.constant 0 : i32
    %dma_start3A_724 = tpu.memref_slice %arg2[%dma_start3A_723] : memref<2600000xf32, #tpu.memory_space<hbm>> -> memref<2600000xf32, #tpu.memory_space<hbm>>
    tpu.enqueue_indirect_dma source(%dma_start3A_724 : memref<2600000xf32, #tpu.memory_space<hbm>>) target(%dma_start3A_719 : memref<128xf32, #tpu.memory_space<vmem>>) offsets(%dma_start3A_722 : memref<128xi32, #tpu.memory_space<vmem>>) semaphore(%arg7 : memref<!tpu.dma_semaphore, #tpu.memory_space<semaphore_mem>>)
    %dma_start3A_725 = arith.constant 10 : i32
    %dma_start3A_726 = arith.constant 1280 : i32
    %dma_start3A_727 = tpu.memref_slice %arg6[%dma_start3A_726] : memref<1664xf32, #tpu.memory_space<vmem>> -> memref<128xf32, #tpu.memory_space<vmem>>
    %dma_start3A_728 = arith.constant 0 : i32
    %dma_start3A_729 = tpu.memref_slice %arg5[%dma_start3A_725, %dma_start3A_728] : memref<13x128xi32, #tpu.memory_space<vmem>> -> memref<1x128xi32, #tpu.memory_space<vmem>>
    %dma_start3A_730 = tpu.memref_squeeze %dma_start3A_729 : memref<1x128xi32, #tpu.memory_space<vmem>> -> memref<128xi32, #tpu.memory_space<vmem>>
    %dma_start3A_731 = arith.constant 0 : i32
    %dma_start3A_732 = tpu.memref_slice %arg2[%dma_start3A_731] : memref<2600000xf32, #tpu.memory_space<hbm>> -> memref<2600000xf32, #tpu.memory_space<hbm>>
    tpu.enqueue_indirect_dma source(%dma_start3A_732 : memref<2600000xf32, #tpu.memory_space<hbm>>) target(%dma_start3A_727 : memref<128xf32, #tpu.memory_space<vmem>>) offsets(%dma_start3A_730 : memref<128xi32, #tpu.memory_space<vmem>>) semaphore(%arg7 : memref<!tpu.dma_semaphore, #tpu.memory_space<semaphore_mem>>)
    %dma_start3A_733 = arith.constant 11 : i32
    %dma_start3A_734 = arith.constant 1408 : i32
    %dma_start3A_735 = tpu.memref_slice %arg6[%dma_start3A_734] : memref<1664xf32, #tpu.memory_space<vmem>> -> memref<128xf32, #tpu.memory_space<vmem>>
    %dma_start3A_736 = arith.constant 0 : i32
    %dma_start3A_737 = tpu.memref_slice %arg5[%dma_start3A_733, %dma_start3A_736] : memref<13x128xi32, #tpu.memory_space<vmem>> -> memref<1x128xi32, #tpu.memory_space<vmem>>
    %dma_start3A_738 = tpu.memref_squeeze %dma_start3A_737 : memref<1x128xi32, #tpu.memory_space<vmem>> -> memref<128xi32, #tpu.memory_space<vmem>>
    %dma_start3A_739 = arith.constant 0 : i32
    %dma_start3A_740 = tpu.memref_slice %arg2[%dma_start3A_739] : memref<2600000xf32, #tpu.memory_space<hbm>> -> memref<2600000xf32, #tpu.memory_space<hbm>>
    tpu.enqueue_indirect_dma source(%dma_start3A_740 : memref<2600000xf32, #tpu.memory_space<hbm>>) target(%dma_start3A_735 : memref<128xf32, #tpu.memory_space<vmem>>) offsets(%dma_start3A_738 : memref<128xi32, #tpu.memory_space<vmem>>) semaphore(%arg7 : memref<!tpu.dma_semaphore, #tpu.memory_space<semaphore_mem>>)
    %dma_start3A_741 = arith.constant 12 : i32
    %dma_start3A_742 = arith.constant 1536 : i32
    %dma_start3A_743 = tpu.memref_slice %arg6[%dma_start3A_742] : memref<1664xf32, #tpu.memory_space<vmem>> -> memref<128xf32, #tpu.memory_space<vmem>>
    %dma_start3A_744 = arith.constant 0 : i32
    %dma_start3A_745 = tpu.memref_slice %arg5[%dma_start3A_741, %dma_start3A_744] : memref<13x128xi32, #tpu.memory_space<vmem>> -> memref<1x128xi32, #tpu.memory_space<vmem>>
    %dma_start3A_746 = tpu.memref_squeeze %dma_start3A_745 : memref<1x128xi32, #tpu.memory_space<vmem>> -> memref<128xi32, #tpu.memory_space<vmem>>
    %dma_start3A_747 = arith.constant 0 : i32
    %dma_start3A_748 = tpu.memref_slice %arg2[%dma_start3A_747] : memref<2600000xf32, #tpu.memory_space<hbm>> -> memref<2600000xf32, #tpu.memory_space<hbm>>
    tpu.enqueue_indirect_dma source(%dma_start3A_748 : memref<2600000xf32, #tpu.memory_space<hbm>>) target(%dma_start3A_743 : memref<128xf32, #tpu.memory_space<vmem>>) offsets(%dma_start3A_746 : memref<128xi32, #tpu.memory_space<vmem>>) semaphore(%arg7 : memref<!tpu.dma_semaphore, #tpu.memory_space<semaphore_mem>>)
    %dma_wait3A_749 = arith.constant 0 : i32
    %dma_wait3A_750 = arith.constant 0 : i32
    %dma_wait3A_751 = tpu.memref_slice %arg6[%dma_wait3A_750] : memref<1664xf32, #tpu.memory_space<vmem>> -> memref<128xf32, #tpu.memory_space<vmem>>
    %dma_wait3A_752 = arith.constant 0 : i32
    %dma_wait3A_753 = tpu.memref_slice %arg5[%dma_wait3A_749, %dma_wait3A_752] : memref<13x128xi32, #tpu.memory_space<vmem>> -> memref<1x128xi32, #tpu.memory_space<vmem>>
    %dma_wait3A_754 = tpu.memref_squeeze %dma_wait3A_753 : memref<1x128xi32, #tpu.memory_space<vmem>> -> memref<128xi32, #tpu.memory_space<vmem>>
    %dma_wait3A_755 = arith.constant 0 : i32
    %dma_wait3A_756 = tpu.memref_slice %arg2[%dma_wait3A_755] : memref<2600000xf32, #tpu.memory_space<hbm>> -> memref<2600000xf32, #tpu.memory_space<hbm>>
    tpu.wait_indirect_dma semaphore(%arg7 : memref<!tpu.dma_semaphore, #tpu.memory_space<semaphore_mem>>) src(%dma_wait3A_756 : memref<2600000xf32, #tpu.memory_space<hbm>>) dst(%dma_wait3A_751 : memref<128xf32, #tpu.memory_space<vmem>>)
    %dma_wait3A_757 = arith.constant 1 : i32
    %dma_wait3A_758 = arith.constant 128 : i32
    %dma_wait3A_759 = tpu.memref_slice %arg6[%dma_wait3A_758] : memref<1664xf32, #tpu.memory_space<vmem>> -> memref<128xf32, #tpu.memory_space<vmem>>
    %dma_wait3A_760 = arith.constant 0 : i32
    %dma_wait3A_761 = tpu.memref_slice %arg5[%dma_wait3A_757, %dma_wait3A_760] : memref<13x128xi32, #tpu.memory_space<vmem>> -> memref<1x128xi32, #tpu.memory_space<vmem>>
    %dma_wait3A_762 = tpu.memref_squeeze %dma_wait3A_761 : memref<1x128xi32, #tpu.memory_space<vmem>> -> memref<128xi32, #tpu.memory_space<vmem>>
    %dma_wait3A_763 = arith.constant 0 : i32
    %dma_wait3A_764 = tpu.memref_slice %arg2[%dma_wait3A_763] : memref<2600000xf32, #tpu.memory_space<hbm>> -> memref<2600000xf32, #tpu.memory_space<hbm>>
    tpu.wait_indirect_dma semaphore(%arg7 : memref<!tpu.dma_semaphore, #tpu.memory_space<semaphore_mem>>) src(%dma_wait3A_764 : memref<2600000xf32, #tpu.memory_space<hbm>>) dst(%dma_wait3A_759 : memref<128xf32, #tpu.memory_space<vmem>>)
    %dma_wait3A_765 = arith.constant 2 : i32
    %dma_wait3A_766 = arith.constant 256 : i32
    %dma_wait3A_767 = tpu.memref_slice %arg6[%dma_wait3A_766] : memref<1664xf32, #tpu.memory_space<vmem>> -> memref<128xf32, #tpu.memory_space<vmem>>
    %dma_wait3A_768 = arith.constant 0 : i32
    %dma_wait3A_769 = tpu.memref_slice %arg5[%dma_wait3A_765, %dma_wait3A_768] : memref<13x128xi32, #tpu.memory_space<vmem>> -> memref<1x128xi32, #tpu.memory_space<vmem>>
    %dma_wait3A_770 = tpu.memref_squeeze %dma_wait3A_769 : memref<1x128xi32, #tpu.memory_space<vmem>> -> memref<128xi32, #tpu.memory_space<vmem>>
    %dma_wait3A_771 = arith.constant 0 : i32
    %dma_wait3A_772 = tpu.memref_slice %arg2[%dma_wait3A_771] : memref<2600000xf32, #tpu.memory_space<hbm>> -> memref<2600000xf32, #tpu.memory_space<hbm>>
    tpu.wait_indirect_dma semaphore(%arg7 : memref<!tpu.dma_semaphore, #tpu.memory_space<semaphore_mem>>) src(%dma_wait3A_772 : memref<2600000xf32, #tpu.memory_space<hbm>>) dst(%dma_wait3A_767 : memref<128xf32, #tpu.memory_space<vmem>>)
    %dma_wait3A_773 = arith.constant 3 : i32
    %dma_wait3A_774 = arith.constant 384 : i32
    %dma_wait3A_775 = tpu.memref_slice %arg6[%dma_wait3A_774] : memref<1664xf32, #tpu.memory_space<vmem>> -> memref<128xf32, #tpu.memory_space<vmem>>
    %dma_wait3A_776 = arith.constant 0 : i32
    %dma_wait3A_777 = tpu.memref_slice %arg5[%dma_wait3A_773, %dma_wait3A_776] : memref<13x128xi32, #tpu.memory_space<vmem>> -> memref<1x128xi32, #tpu.memory_space<vmem>>
    %dma_wait3A_778 = tpu.memref_squeeze %dma_wait3A_777 : memref<1x128xi32, #tpu.memory_space<vmem>> -> memref<128xi32, #tpu.memory_space<vmem>>
    %dma_wait3A_779 = arith.constant 0 : i32
    %dma_wait3A_780 = tpu.memref_slice %arg2[%dma_wait3A_779] : memref<2600000xf32, #tpu.memory_space<hbm>> -> memref<2600000xf32, #tpu.memory_space<hbm>>
    tpu.wait_indirect_dma semaphore(%arg7 : memref<!tpu.dma_semaphore, #tpu.memory_space<semaphore_mem>>) src(%dma_wait3A_780 : memref<2600000xf32, #tpu.memory_space<hbm>>) dst(%dma_wait3A_775 : memref<128xf32, #tpu.memory_space<vmem>>)
    %dma_wait3A_781 = arith.constant 4 : i32
    %dma_wait3A_782 = arith.constant 512 : i32
    %dma_wait3A_783 = tpu.memref_slice %arg6[%dma_wait3A_782] : memref<1664xf32, #tpu.memory_space<vmem>> -> memref<128xf32, #tpu.memory_space<vmem>>
    %dma_wait3A_784 = arith.constant 0 : i32
    %dma_wait3A_785 = tpu.memref_slice %arg5[%dma_wait3A_781, %dma_wait3A_784] : memref<13x128xi32, #tpu.memory_space<vmem>> -> memref<1x128xi32, #tpu.memory_space<vmem>>
    %dma_wait3A_786 = tpu.memref_squeeze %dma_wait3A_785 : memref<1x128xi32, #tpu.memory_space<vmem>> -> memref<128xi32, #tpu.memory_space<vmem>>
    %dma_wait3A_787 = arith.constant 0 : i32
    %dma_wait3A_788 = tpu.memref_slice %arg2[%dma_wait3A_787] : memref<2600000xf32, #tpu.memory_space<hbm>> -> memref<2600000xf32, #tpu.memory_space<hbm>>
    tpu.wait_indirect_dma semaphore(%arg7 : memref<!tpu.dma_semaphore, #tpu.memory_space<semaphore_mem>>) src(%dma_wait3A_788 : memref<2600000xf32, #tpu.memory_space<hbm>>) dst(%dma_wait3A_783 : memref<128xf32, #tpu.memory_space<vmem>>)
    %dma_wait3A_789 = arith.constant 5 : i32
    %dma_wait3A_790 = arith.constant 640 : i32
    %dma_wait3A_791 = tpu.memref_slice %arg6[%dma_wait3A_790] : memref<1664xf32, #tpu.memory_space<vmem>> -> memref<128xf32, #tpu.memory_space<vmem>>
    %dma_wait3A_792 = arith.constant 0 : i32
    %dma_wait3A_793 = tpu.memref_slice %arg5[%dma_wait3A_789, %dma_wait3A_792] : memref<13x128xi32, #tpu.memory_space<vmem>> -> memref<1x128xi32, #tpu.memory_space<vmem>>
    %dma_wait3A_794 = tpu.memref_squeeze %dma_wait3A_793 : memref<1x128xi32, #tpu.memory_space<vmem>> -> memref<128xi32, #tpu.memory_space<vmem>>
    %dma_wait3A_795 = arith.constant 0 : i32
    %dma_wait3A_796 = tpu.memref_slice %arg2[%dma_wait3A_795] : memref<2600000xf32, #tpu.memory_space<hbm>> -> memref<2600000xf32, #tpu.memory_space<hbm>>
    tpu.wait_indirect_dma semaphore(%arg7 : memref<!tpu.dma_semaphore, #tpu.memory_space<semaphore_mem>>) src(%dma_wait3A_796 : memref<2600000xf32, #tpu.memory_space<hbm>>) dst(%dma_wait3A_791 : memref<128xf32, #tpu.memory_space<vmem>>)
    %dma_wait3A_797 = arith.constant 6 : i32
    %dma_wait3A_798 = arith.constant 768 : i32
    %dma_wait3A_799 = tpu.memref_slice %arg6[%dma_wait3A_798] : memref<1664xf32, #tpu.memory_space<vmem>> -> memref<128xf32, #tpu.memory_space<vmem>>
    %dma_wait3A_800 = arith.constant 0 : i32
    %dma_wait3A_801 = tpu.memref_slice %arg5[%dma_wait3A_797, %dma_wait3A_800] : memref<13x128xi32, #tpu.memory_space<vmem>> -> memref<1x128xi32, #tpu.memory_space<vmem>>
    %dma_wait3A_802 = tpu.memref_squeeze %dma_wait3A_801 : memref<1x128xi32, #tpu.memory_space<vmem>> -> memref<128xi32, #tpu.memory_space<vmem>>
    %dma_wait3A_803 = arith.constant 0 : i32
    %dma_wait3A_804 = tpu.memref_slice %arg2[%dma_wait3A_803] : memref<2600000xf32, #tpu.memory_space<hbm>> -> memref<2600000xf32, #tpu.memory_space<hbm>>
    tpu.wait_indirect_dma semaphore(%arg7 : memref<!tpu.dma_semaphore, #tpu.memory_space<semaphore_mem>>) src(%dma_wait3A_804 : memref<2600000xf32, #tpu.memory_space<hbm>>) dst(%dma_wait3A_799 : memref<128xf32, #tpu.memory_space<vmem>>)
    %dma_wait3A_805 = arith.constant 7 : i32
    %dma_wait3A_806 = arith.constant 896 : i32
    %dma_wait3A_807 = tpu.memref_slice %arg6[%dma_wait3A_806] : memref<1664xf32, #tpu.memory_space<vmem>> -> memref<128xf32, #tpu.memory_space<vmem>>
    %dma_wait3A_808 = arith.constant 0 : i32
    %dma_wait3A_809 = tpu.memref_slice %arg5[%dma_wait3A_805, %dma_wait3A_808] : memref<13x128xi32, #tpu.memory_space<vmem>> -> memref<1x128xi32, #tpu.memory_space<vmem>>
    %dma_wait3A_810 = tpu.memref_squeeze %dma_wait3A_809 : memref<1x128xi32, #tpu.memory_space<vmem>> -> memref<128xi32, #tpu.memory_space<vmem>>
    %dma_wait3A_811 = arith.constant 0 : i32
    %dma_wait3A_812 = tpu.memref_slice %arg2[%dma_wait3A_811] : memref<2600000xf32, #tpu.memory_space<hbm>> -> memref<2600000xf32, #tpu.memory_space<hbm>>
    tpu.wait_indirect_dma semaphore(%arg7 : memref<!tpu.dma_semaphore, #tpu.memory_space<semaphore_mem>>) src(%dma_wait3A_812 : memref<2600000xf32, #tpu.memory_space<hbm>>) dst(%dma_wait3A_807 : memref<128xf32, #tpu.memory_space<vmem>>)
    %dma_wait3A_813 = arith.constant 8 : i32
    %dma_wait3A_814 = arith.constant 1024 : i32
    %dma_wait3A_815 = tpu.memref_slice %arg6[%dma_wait3A_814] : memref<1664xf32, #tpu.memory_space<vmem>> -> memref<128xf32, #tpu.memory_space<vmem>>
    %dma_wait3A_816 = arith.constant 0 : i32
    %dma_wait3A_817 = tpu.memref_slice %arg5[%dma_wait3A_813, %dma_wait3A_816] : memref<13x128xi32, #tpu.memory_space<vmem>> -> memref<1x128xi32, #tpu.memory_space<vmem>>
    %dma_wait3A_818 = tpu.memref_squeeze %dma_wait3A_817 : memref<1x128xi32, #tpu.memory_space<vmem>> -> memref<128xi32, #tpu.memory_space<vmem>>
    %dma_wait3A_819 = arith.constant 0 : i32
    %dma_wait3A_820 = tpu.memref_slice %arg2[%dma_wait3A_819] : memref<2600000xf32, #tpu.memory_space<hbm>> -> memref<2600000xf32, #tpu.memory_space<hbm>>
    tpu.wait_indirect_dma semaphore(%arg7 : memref<!tpu.dma_semaphore, #tpu.memory_space<semaphore_mem>>) src(%dma_wait3A_820 : memref<2600000xf32, #tpu.memory_space<hbm>>) dst(%dma_wait3A_815 : memref<128xf32, #tpu.memory_space<vmem>>)
    %dma_wait3A_821 = arith.constant 9 : i32
    %dma_wait3A_822 = arith.constant 1152 : i32
    %dma_wait3A_823 = tpu.memref_slice %arg6[%dma_wait3A_822] : memref<1664xf32, #tpu.memory_space<vmem>> -> memref<128xf32, #tpu.memory_space<vmem>>
    %dma_wait3A_824 = arith.constant 0 : i32
    %dma_wait3A_825 = tpu.memref_slice %arg5[%dma_wait3A_821, %dma_wait3A_824] : memref<13x128xi32, #tpu.memory_space<vmem>> -> memref<1x128xi32, #tpu.memory_space<vmem>>
    %dma_wait3A_826 = tpu.memref_squeeze %dma_wait3A_825 : memref<1x128xi32, #tpu.memory_space<vmem>> -> memref<128xi32, #tpu.memory_space<vmem>>
    %dma_wait3A_827 = arith.constant 0 : i32
    %dma_wait3A_828 = tpu.memref_slice %arg2[%dma_wait3A_827] : memref<2600000xf32, #tpu.memory_space<hbm>> -> memref<2600000xf32, #tpu.memory_space<hbm>>
    tpu.wait_indirect_dma semaphore(%arg7 : memref<!tpu.dma_semaphore, #tpu.memory_space<semaphore_mem>>) src(%dma_wait3A_828 : memref<2600000xf32, #tpu.memory_space<hbm>>) dst(%dma_wait3A_823 : memref<128xf32, #tpu.memory_space<vmem>>)
    %dma_wait3A_829 = arith.constant 10 : i32
    %dma_wait3A_830 = arith.constant 1280 : i32
    %dma_wait3A_831 = tpu.memref_slice %arg6[%dma_wait3A_830] : memref<1664xf32, #tpu.memory_space<vmem>> -> memref<128xf32, #tpu.memory_space<vmem>>
    %dma_wait3A_832 = arith.constant 0 : i32
    %dma_wait3A_833 = tpu.memref_slice %arg5[%dma_wait3A_829, %dma_wait3A_832] : memref<13x128xi32, #tpu.memory_space<vmem>> -> memref<1x128xi32, #tpu.memory_space<vmem>>
    %dma_wait3A_834 = tpu.memref_squeeze %dma_wait3A_833 : memref<1x128xi32, #tpu.memory_space<vmem>> -> memref<128xi32, #tpu.memory_space<vmem>>
    %dma_wait3A_835 = arith.constant 0 : i32
    %dma_wait3A_836 = tpu.memref_slice %arg2[%dma_wait3A_835] : memref<2600000xf32, #tpu.memory_space<hbm>> -> memref<2600000xf32, #tpu.memory_space<hbm>>
    tpu.wait_indirect_dma semaphore(%arg7 : memref<!tpu.dma_semaphore, #tpu.memory_space<semaphore_mem>>) src(%dma_wait3A_836 : memref<2600000xf32, #tpu.memory_space<hbm>>) dst(%dma_wait3A_831 : memref<128xf32, #tpu.memory_space<vmem>>)
    %dma_wait3A_837 = arith.constant 11 : i32
    %dma_wait3A_838 = arith.constant 1408 : i32
    %dma_wait3A_839 = tpu.memref_slice %arg6[%dma_wait3A_838] : memref<1664xf32, #tpu.memory_space<vmem>> -> memref<128xf32, #tpu.memory_space<vmem>>
    %dma_wait3A_840 = arith.constant 0 : i32
    %dma_wait3A_841 = tpu.memref_slice %arg5[%dma_wait3A_837, %dma_wait3A_840] : memref<13x128xi32, #tpu.memory_space<vmem>> -> memref<1x128xi32, #tpu.memory_space<vmem>>
    %dma_wait3A_842 = tpu.memref_squeeze %dma_wait3A_841 : memref<1x128xi32, #tpu.memory_space<vmem>> -> memref<128xi32, #tpu.memory_space<vmem>>
    %dma_wait3A_843 = arith.constant 0 : i32
    %dma_wait3A_844 = tpu.memref_slice %arg2[%dma_wait3A_843] : memref<2600000xf32, #tpu.memory_space<hbm>> -> memref<2600000xf32, #tpu.memory_space<hbm>>
    tpu.wait_indirect_dma semaphore(%arg7 : memref<!tpu.dma_semaphore, #tpu.memory_space<semaphore_mem>>) src(%dma_wait3A_844 : memref<2600000xf32, #tpu.memory_space<hbm>>) dst(%dma_wait3A_839 : memref<128xf32, #tpu.memory_space<vmem>>)
    %dma_wait3A_845 = arith.constant 12 : i32
    %dma_wait3A_846 = arith.constant 1536 : i32
    %dma_wait3A_847 = tpu.memref_slice %arg6[%dma_wait3A_846] : memref<1664xf32, #tpu.memory_space<vmem>> -> memref<128xf32, #tpu.memory_space<vmem>>
    %dma_wait3A_848 = arith.constant 0 : i32
    %dma_wait3A_849 = tpu.memref_slice %arg5[%dma_wait3A_845, %dma_wait3A_848] : memref<13x128xi32, #tpu.memory_space<vmem>> -> memref<1x128xi32, #tpu.memory_space<vmem>>
    %dma_wait3A_850 = tpu.memref_squeeze %dma_wait3A_849 : memref<1x128xi32, #tpu.memory_space<vmem>> -> memref<128xi32, #tpu.memory_space<vmem>>
    %dma_wait3A_851 = arith.constant 0 : i32
    %dma_wait3A_852 = tpu.memref_slice %arg2[%dma_wait3A_851] : memref<2600000xf32, #tpu.memory_space<hbm>> -> memref<2600000xf32, #tpu.memory_space<hbm>>
    tpu.wait_indirect_dma semaphore(%arg7 : memref<!tpu.dma_semaphore, #tpu.memory_space<semaphore_mem>>) src(%dma_wait3A_852 : memref<2600000xf32, #tpu.memory_space<hbm>>) dst(%dma_wait3A_847 : memref<128xf32, #tpu.memory_space<vmem>>)
    %mul3A_853 = arith.constant 128 : i32
    %mul3A_854 = arith.muli %add3A_644, %mul3A_853 : i32
    "tpu.region"() ({
      %run_scoped3A = tpu.sem_alloc : memref<!tpu.dma_semaphore, #tpu.memory_space<semaphore_mem>>
      %dma_start3A_1711 = tpu.memref_slice %arg4[%mul3A_854] : memref<425984xf32, #tpu.memory_space<hbm>> -> memref<1664xf32, #tpu.memory_space<hbm>>
      %dma_start3A_1712 = tpu.memref_slice %arg4[%mul3A_854] : memref<425984xf32, #tpu.memory_space<hbm>> -> memref<1664xf32, #tpu.memory_space<hbm>>
      tpu.enqueue_dma source(%arg6 : memref<1664xf32, #tpu.memory_space<vmem>>) target(%dma_start3A_1712 : memref<1664xf32, #tpu.memory_space<hbm>>) target_semaphore(%run_scoped3A : memref<!tpu.dma_semaphore, #tpu.memory_space<semaphore_mem>>)
      %dma_wait3A_1713 = tpu.memref_slice %arg4[%mul3A_854] : memref<425984xf32, #tpu.memory_space<hbm>> -> memref<1664xf32, #tpu.memory_space<hbm>>
      %dma_wait3A_1714 = tpu.memref_slice %arg4[%mul3A_854] : memref<425984xf32, #tpu.memory_space<hbm>> -> memref<1664xf32, #tpu.memory_space<hbm>>
      tpu.wait_dma2 semaphore(%run_scoped3A : memref<!tpu.dma_semaphore, #tpu.memory_space<semaphore_mem>>) src(%arg6 : memref<1664xf32, #tpu.memory_space<vmem>>) dst(%dma_wait3A_1714 : memref<1664xf32, #tpu.memory_space<hbm>>)
      tpu.yield
    }) : () -> ()
    %mul3A_855 = arith.constant 104 : i32
    %mul3A_856 = arith.muli %add3A, %mul3A_855 : i32
    %add3A_857 = arith.constant 52 : i32
    %add3A_858 = arith.addi %mul3A_856, %add3A_857 : i32
    "tpu.region"() ({
      %run_scoped3A = tpu.sem_alloc : memref<!tpu.dma_semaphore, #tpu.memory_space<semaphore_mem>>
      %dma_start3A_1711 = arith.constant 0 : i32
      %dma_start3A_1712 = tpu.memref_slice %arg3[%add3A_858, %dma_start3A_1711] : memref<3328x128xi32, #tpu.memory_space<hbm>> -> memref<13x128xi32, #tpu.memory_space<hbm>>
      %dma_start3A_1713 = arith.constant 0 : i32
      %dma_start3A_1714 = tpu.memref_slice %arg3[%add3A_858, %dma_start3A_1713] : memref<3328x128xi32, #tpu.memory_space<hbm>> -> memref<13x128xi32, #tpu.memory_space<hbm>>
      tpu.enqueue_dma source(%dma_start3A_1714 : memref<13x128xi32, #tpu.memory_space<hbm>>) target(%arg5 : memref<13x128xi32, #tpu.memory_space<vmem>>) target_semaphore(%run_scoped3A : memref<!tpu.dma_semaphore, #tpu.memory_space<semaphore_mem>>)
      %dma_wait3A_1715 = arith.constant 0 : i32
      %dma_wait3A_1716 = tpu.memref_slice %arg3[%add3A_858, %dma_wait3A_1715] : memref<3328x128xi32, #tpu.memory_space<hbm>> -> memref<13x128xi32, #tpu.memory_space<hbm>>
      %dma_wait3A_1717 = arith.constant 0 : i32
      %dma_wait3A_1718 = tpu.memref_slice %arg3[%add3A_858, %dma_wait3A_1717] : memref<3328x128xi32, #tpu.memory_space<hbm>> -> memref<13x128xi32, #tpu.memory_space<hbm>>
      tpu.wait_dma2 semaphore(%run_scoped3A : memref<!tpu.dma_semaphore, #tpu.memory_space<semaphore_mem>>) src(%dma_wait3A_1718 : memref<13x128xi32, #tpu.memory_space<hbm>>) dst(%arg5 : memref<13x128xi32, #tpu.memory_space<vmem>>)
      tpu.yield
    }) : () -> ()
    %dma_start3A_859 = arith.constant 0 : i32
    %dma_start3A_860 = arith.constant 0 : i32
    %dma_start3A_861 = tpu.memref_slice %arg6[%dma_start3A_860] : memref<1664xf32, #tpu.memory_space<vmem>> -> memref<128xf32, #tpu.memory_space<vmem>>
    %dma_start3A_862 = arith.constant 0 : i32
    %dma_start3A_863 = tpu.memref_slice %arg5[%dma_start3A_859, %dma_start3A_862] : memref<13x128xi32, #tpu.memory_space<vmem>> -> memref<1x128xi32, #tpu.memory_space<vmem>>
    %dma_start3A_864 = tpu.memref_squeeze %dma_start3A_863 : memref<1x128xi32, #tpu.memory_space<vmem>> -> memref<128xi32, #tpu.memory_space<vmem>>
    %dma_start3A_865 = arith.constant 0 : i32
    %dma_start3A_866 = tpu.memref_slice %arg2[%dma_start3A_865] : memref<2600000xf32, #tpu.memory_space<hbm>> -> memref<2600000xf32, #tpu.memory_space<hbm>>
    tpu.enqueue_indirect_dma source(%dma_start3A_866 : memref<2600000xf32, #tpu.memory_space<hbm>>) target(%dma_start3A_861 : memref<128xf32, #tpu.memory_space<vmem>>) offsets(%dma_start3A_864 : memref<128xi32, #tpu.memory_space<vmem>>) semaphore(%arg7 : memref<!tpu.dma_semaphore, #tpu.memory_space<semaphore_mem>>)
    %dma_start3A_867 = arith.constant 1 : i32
    %dma_start3A_868 = arith.constant 128 : i32
    %dma_start3A_869 = tpu.memref_slice %arg6[%dma_start3A_868] : memref<1664xf32, #tpu.memory_space<vmem>> -> memref<128xf32, #tpu.memory_space<vmem>>
    %dma_start3A_870 = arith.constant 0 : i32
    %dma_start3A_871 = tpu.memref_slice %arg5[%dma_start3A_867, %dma_start3A_870] : memref<13x128xi32, #tpu.memory_space<vmem>> -> memref<1x128xi32, #tpu.memory_space<vmem>>
    %dma_start3A_872 = tpu.memref_squeeze %dma_start3A_871 : memref<1x128xi32, #tpu.memory_space<vmem>> -> memref<128xi32, #tpu.memory_space<vmem>>
    %dma_start3A_873 = arith.constant 0 : i32
    %dma_start3A_874 = tpu.memref_slice %arg2[%dma_start3A_873] : memref<2600000xf32, #tpu.memory_space<hbm>> -> memref<2600000xf32, #tpu.memory_space<hbm>>
    tpu.enqueue_indirect_dma source(%dma_start3A_874 : memref<2600000xf32, #tpu.memory_space<hbm>>) target(%dma_start3A_869 : memref<128xf32, #tpu.memory_space<vmem>>) offsets(%dma_start3A_872 : memref<128xi32, #tpu.memory_space<vmem>>) semaphore(%arg7 : memref<!tpu.dma_semaphore, #tpu.memory_space<semaphore_mem>>)
    %dma_start3A_875 = arith.constant 2 : i32
    %dma_start3A_876 = arith.constant 256 : i32
    %dma_start3A_877 = tpu.memref_slice %arg6[%dma_start3A_876] : memref<1664xf32, #tpu.memory_space<vmem>> -> memref<128xf32, #tpu.memory_space<vmem>>
    %dma_start3A_878 = arith.constant 0 : i32
    %dma_start3A_879 = tpu.memref_slice %arg5[%dma_start3A_875, %dma_start3A_878] : memref<13x128xi32, #tpu.memory_space<vmem>> -> memref<1x128xi32, #tpu.memory_space<vmem>>
    %dma_start3A_880 = tpu.memref_squeeze %dma_start3A_879 : memref<1x128xi32, #tpu.memory_space<vmem>> -> memref<128xi32, #tpu.memory_space<vmem>>
    %dma_start3A_881 = arith.constant 0 : i32
    %dma_start3A_882 = tpu.memref_slice %arg2[%dma_start3A_881] : memref<2600000xf32, #tpu.memory_space<hbm>> -> memref<2600000xf32, #tpu.memory_space<hbm>>
    tpu.enqueue_indirect_dma source(%dma_start3A_882 : memref<2600000xf32, #tpu.memory_space<hbm>>) target(%dma_start3A_877 : memref<128xf32, #tpu.memory_space<vmem>>) offsets(%dma_start3A_880 : memref<128xi32, #tpu.memory_space<vmem>>) semaphore(%arg7 : memref<!tpu.dma_semaphore, #tpu.memory_space<semaphore_mem>>)
    %dma_start3A_883 = arith.constant 3 : i32
    %dma_start3A_884 = arith.constant 384 : i32
    %dma_start3A_885 = tpu.memref_slice %arg6[%dma_start3A_884] : memref<1664xf32, #tpu.memory_space<vmem>> -> memref<128xf32, #tpu.memory_space<vmem>>
    %dma_start3A_886 = arith.constant 0 : i32
    %dma_start3A_887 = tpu.memref_slice %arg5[%dma_start3A_883, %dma_start3A_886] : memref<13x128xi32, #tpu.memory_space<vmem>> -> memref<1x128xi32, #tpu.memory_space<vmem>>
    %dma_start3A_888 = tpu.memref_squeeze %dma_start3A_887 : memref<1x128xi32, #tpu.memory_space<vmem>> -> memref<128xi32, #tpu.memory_space<vmem>>
    %dma_start3A_889 = arith.constant 0 : i32
    %dma_start3A_890 = tpu.memref_slice %arg2[%dma_start3A_889] : memref<2600000xf32, #tpu.memory_space<hbm>> -> memref<2600000xf32, #tpu.memory_space<hbm>>
    tpu.enqueue_indirect_dma source(%dma_start3A_890 : memref<2600000xf32, #tpu.memory_space<hbm>>) target(%dma_start3A_885 : memref<128xf32, #tpu.memory_space<vmem>>) offsets(%dma_start3A_888 : memref<128xi32, #tpu.memory_space<vmem>>) semaphore(%arg7 : memref<!tpu.dma_semaphore, #tpu.memory_space<semaphore_mem>>)
    %dma_start3A_891 = arith.constant 4 : i32
    %dma_start3A_892 = arith.constant 512 : i32
    %dma_start3A_893 = tpu.memref_slice %arg6[%dma_start3A_892] : memref<1664xf32, #tpu.memory_space<vmem>> -> memref<128xf32, #tpu.memory_space<vmem>>
    %dma_start3A_894 = arith.constant 0 : i32
    %dma_start3A_895 = tpu.memref_slice %arg5[%dma_start3A_891, %dma_start3A_894] : memref<13x128xi32, #tpu.memory_space<vmem>> -> memref<1x128xi32, #tpu.memory_space<vmem>>
    %dma_start3A_896 = tpu.memref_squeeze %dma_start3A_895 : memref<1x128xi32, #tpu.memory_space<vmem>> -> memref<128xi32, #tpu.memory_space<vmem>>
    %dma_start3A_897 = arith.constant 0 : i32
    %dma_start3A_898 = tpu.memref_slice %arg2[%dma_start3A_897] : memref<2600000xf32, #tpu.memory_space<hbm>> -> memref<2600000xf32, #tpu.memory_space<hbm>>
    tpu.enqueue_indirect_dma source(%dma_start3A_898 : memref<2600000xf32, #tpu.memory_space<hbm>>) target(%dma_start3A_893 : memref<128xf32, #tpu.memory_space<vmem>>) offsets(%dma_start3A_896 : memref<128xi32, #tpu.memory_space<vmem>>) semaphore(%arg7 : memref<!tpu.dma_semaphore, #tpu.memory_space<semaphore_mem>>)
    %dma_start3A_899 = arith.constant 5 : i32
    %dma_start3A_900 = arith.constant 640 : i32
    %dma_start3A_901 = tpu.memref_slice %arg6[%dma_start3A_900] : memref<1664xf32, #tpu.memory_space<vmem>> -> memref<128xf32, #tpu.memory_space<vmem>>
    %dma_start3A_902 = arith.constant 0 : i32
    %dma_start3A_903 = tpu.memref_slice %arg5[%dma_start3A_899, %dma_start3A_902] : memref<13x128xi32, #tpu.memory_space<vmem>> -> memref<1x128xi32, #tpu.memory_space<vmem>>
    %dma_start3A_904 = tpu.memref_squeeze %dma_start3A_903 : memref<1x128xi32, #tpu.memory_space<vmem>> -> memref<128xi32, #tpu.memory_space<vmem>>
    %dma_start3A_905 = arith.constant 0 : i32
    %dma_start3A_906 = tpu.memref_slice %arg2[%dma_start3A_905] : memref<2600000xf32, #tpu.memory_space<hbm>> -> memref<2600000xf32, #tpu.memory_space<hbm>>
    tpu.enqueue_indirect_dma source(%dma_start3A_906 : memref<2600000xf32, #tpu.memory_space<hbm>>) target(%dma_start3A_901 : memref<128xf32, #tpu.memory_space<vmem>>) offsets(%dma_start3A_904 : memref<128xi32, #tpu.memory_space<vmem>>) semaphore(%arg7 : memref<!tpu.dma_semaphore, #tpu.memory_space<semaphore_mem>>)
    %dma_start3A_907 = arith.constant 6 : i32
    %dma_start3A_908 = arith.constant 768 : i32
    %dma_start3A_909 = tpu.memref_slice %arg6[%dma_start3A_908] : memref<1664xf32, #tpu.memory_space<vmem>> -> memref<128xf32, #tpu.memory_space<vmem>>
    %dma_start3A_910 = arith.constant 0 : i32
    %dma_start3A_911 = tpu.memref_slice %arg5[%dma_start3A_907, %dma_start3A_910] : memref<13x128xi32, #tpu.memory_space<vmem>> -> memref<1x128xi32, #tpu.memory_space<vmem>>
    %dma_start3A_912 = tpu.memref_squeeze %dma_start3A_911 : memref<1x128xi32, #tpu.memory_space<vmem>> -> memref<128xi32, #tpu.memory_space<vmem>>
    %dma_start3A_913 = arith.constant 0 : i32
    %dma_start3A_914 = tpu.memref_slice %arg2[%dma_start3A_913] : memref<2600000xf32, #tpu.memory_space<hbm>> -> memref<2600000xf32, #tpu.memory_space<hbm>>
    tpu.enqueue_indirect_dma source(%dma_start3A_914 : memref<2600000xf32, #tpu.memory_space<hbm>>) target(%dma_start3A_909 : memref<128xf32, #tpu.memory_space<vmem>>) offsets(%dma_start3A_912 : memref<128xi32, #tpu.memory_space<vmem>>) semaphore(%arg7 : memref<!tpu.dma_semaphore, #tpu.memory_space<semaphore_mem>>)
    %dma_start3A_915 = arith.constant 7 : i32
    %dma_start3A_916 = arith.constant 896 : i32
    %dma_start3A_917 = tpu.memref_slice %arg6[%dma_start3A_916] : memref<1664xf32, #tpu.memory_space<vmem>> -> memref<128xf32, #tpu.memory_space<vmem>>
    %dma_start3A_918 = arith.constant 0 : i32
    %dma_start3A_919 = tpu.memref_slice %arg5[%dma_start3A_915, %dma_start3A_918] : memref<13x128xi32, #tpu.memory_space<vmem>> -> memref<1x128xi32, #tpu.memory_space<vmem>>
    %dma_start3A_920 = tpu.memref_squeeze %dma_start3A_919 : memref<1x128xi32, #tpu.memory_space<vmem>> -> memref<128xi32, #tpu.memory_space<vmem>>
    %dma_start3A_921 = arith.constant 0 : i32
    %dma_start3A_922 = tpu.memref_slice %arg2[%dma_start3A_921] : memref<2600000xf32, #tpu.memory_space<hbm>> -> memref<2600000xf32, #tpu.memory_space<hbm>>
    tpu.enqueue_indirect_dma source(%dma_start3A_922 : memref<2600000xf32, #tpu.memory_space<hbm>>) target(%dma_start3A_917 : memref<128xf32, #tpu.memory_space<vmem>>) offsets(%dma_start3A_920 : memref<128xi32, #tpu.memory_space<vmem>>) semaphore(%arg7 : memref<!tpu.dma_semaphore, #tpu.memory_space<semaphore_mem>>)
    %dma_start3A_923 = arith.constant 8 : i32
    %dma_start3A_924 = arith.constant 1024 : i32
    %dma_start3A_925 = tpu.memref_slice %arg6[%dma_start3A_924] : memref<1664xf32, #tpu.memory_space<vmem>> -> memref<128xf32, #tpu.memory_space<vmem>>
    %dma_start3A_926 = arith.constant 0 : i32
    %dma_start3A_927 = tpu.memref_slice %arg5[%dma_start3A_923, %dma_start3A_926] : memref<13x128xi32, #tpu.memory_space<vmem>> -> memref<1x128xi32, #tpu.memory_space<vmem>>
    %dma_start3A_928 = tpu.memref_squeeze %dma_start3A_927 : memref<1x128xi32, #tpu.memory_space<vmem>> -> memref<128xi32, #tpu.memory_space<vmem>>
    %dma_start3A_929 = arith.constant 0 : i32
    %dma_start3A_930 = tpu.memref_slice %arg2[%dma_start3A_929] : memref<2600000xf32, #tpu.memory_space<hbm>> -> memref<2600000xf32, #tpu.memory_space<hbm>>
    tpu.enqueue_indirect_dma source(%dma_start3A_930 : memref<2600000xf32, #tpu.memory_space<hbm>>) target(%dma_start3A_925 : memref<128xf32, #tpu.memory_space<vmem>>) offsets(%dma_start3A_928 : memref<128xi32, #tpu.memory_space<vmem>>) semaphore(%arg7 : memref<!tpu.dma_semaphore, #tpu.memory_space<semaphore_mem>>)
    %dma_start3A_931 = arith.constant 9 : i32
    %dma_start3A_932 = arith.constant 1152 : i32
    %dma_start3A_933 = tpu.memref_slice %arg6[%dma_start3A_932] : memref<1664xf32, #tpu.memory_space<vmem>> -> memref<128xf32, #tpu.memory_space<vmem>>
    %dma_start3A_934 = arith.constant 0 : i32
    %dma_start3A_935 = tpu.memref_slice %arg5[%dma_start3A_931, %dma_start3A_934] : memref<13x128xi32, #tpu.memory_space<vmem>> -> memref<1x128xi32, #tpu.memory_space<vmem>>
    %dma_start3A_936 = tpu.memref_squeeze %dma_start3A_935 : memref<1x128xi32, #tpu.memory_space<vmem>> -> memref<128xi32, #tpu.memory_space<vmem>>
    %dma_start3A_937 = arith.constant 0 : i32
    %dma_start3A_938 = tpu.memref_slice %arg2[%dma_start3A_937] : memref<2600000xf32, #tpu.memory_space<hbm>> -> memref<2600000xf32, #tpu.memory_space<hbm>>
    tpu.enqueue_indirect_dma source(%dma_start3A_938 : memref<2600000xf32, #tpu.memory_space<hbm>>) target(%dma_start3A_933 : memref<128xf32, #tpu.memory_space<vmem>>) offsets(%dma_start3A_936 : memref<128xi32, #tpu.memory_space<vmem>>) semaphore(%arg7 : memref<!tpu.dma_semaphore, #tpu.memory_space<semaphore_mem>>)
    %dma_start3A_939 = arith.constant 10 : i32
    %dma_start3A_940 = arith.constant 1280 : i32
    %dma_start3A_941 = tpu.memref_slice %arg6[%dma_start3A_940] : memref<1664xf32, #tpu.memory_space<vmem>> -> memref<128xf32, #tpu.memory_space<vmem>>
    %dma_start3A_942 = arith.constant 0 : i32
    %dma_start3A_943 = tpu.memref_slice %arg5[%dma_start3A_939, %dma_start3A_942] : memref<13x128xi32, #tpu.memory_space<vmem>> -> memref<1x128xi32, #tpu.memory_space<vmem>>
    %dma_start3A_944 = tpu.memref_squeeze %dma_start3A_943 : memref<1x128xi32, #tpu.memory_space<vmem>> -> memref<128xi32, #tpu.memory_space<vmem>>
    %dma_start3A_945 = arith.constant 0 : i32
    %dma_start3A_946 = tpu.memref_slice %arg2[%dma_start3A_945] : memref<2600000xf32, #tpu.memory_space<hbm>> -> memref<2600000xf32, #tpu.memory_space<hbm>>
    tpu.enqueue_indirect_dma source(%dma_start3A_946 : memref<2600000xf32, #tpu.memory_space<hbm>>) target(%dma_start3A_941 : memref<128xf32, #tpu.memory_space<vmem>>) offsets(%dma_start3A_944 : memref<128xi32, #tpu.memory_space<vmem>>) semaphore(%arg7 : memref<!tpu.dma_semaphore, #tpu.memory_space<semaphore_mem>>)
    %dma_start3A_947 = arith.constant 11 : i32
    %dma_start3A_948 = arith.constant 1408 : i32
    %dma_start3A_949 = tpu.memref_slice %arg6[%dma_start3A_948] : memref<1664xf32, #tpu.memory_space<vmem>> -> memref<128xf32, #tpu.memory_space<vmem>>
    %dma_start3A_950 = arith.constant 0 : i32
    %dma_start3A_951 = tpu.memref_slice %arg5[%dma_start3A_947, %dma_start3A_950] : memref<13x128xi32, #tpu.memory_space<vmem>> -> memref<1x128xi32, #tpu.memory_space<vmem>>
    %dma_start3A_952 = tpu.memref_squeeze %dma_start3A_951 : memref<1x128xi32, #tpu.memory_space<vmem>> -> memref<128xi32, #tpu.memory_space<vmem>>
    %dma_start3A_953 = arith.constant 0 : i32
    %dma_start3A_954 = tpu.memref_slice %arg2[%dma_start3A_953] : memref<2600000xf32, #tpu.memory_space<hbm>> -> memref<2600000xf32, #tpu.memory_space<hbm>>
    tpu.enqueue_indirect_dma source(%dma_start3A_954 : memref<2600000xf32, #tpu.memory_space<hbm>>) target(%dma_start3A_949 : memref<128xf32, #tpu.memory_space<vmem>>) offsets(%dma_start3A_952 : memref<128xi32, #tpu.memory_space<vmem>>) semaphore(%arg7 : memref<!tpu.dma_semaphore, #tpu.memory_space<semaphore_mem>>)
    %dma_start3A_955 = arith.constant 12 : i32
    %dma_start3A_956 = arith.constant 1536 : i32
    %dma_start3A_957 = tpu.memref_slice %arg6[%dma_start3A_956] : memref<1664xf32, #tpu.memory_space<vmem>> -> memref<128xf32, #tpu.memory_space<vmem>>
    %dma_start3A_958 = arith.constant 0 : i32
    %dma_start3A_959 = tpu.memref_slice %arg5[%dma_start3A_955, %dma_start3A_958] : memref<13x128xi32, #tpu.memory_space<vmem>> -> memref<1x128xi32, #tpu.memory_space<vmem>>
    %dma_start3A_960 = tpu.memref_squeeze %dma_start3A_959 : memref<1x128xi32, #tpu.memory_space<vmem>> -> memref<128xi32, #tpu.memory_space<vmem>>
    %dma_start3A_961 = arith.constant 0 : i32
    %dma_start3A_962 = tpu.memref_slice %arg2[%dma_start3A_961] : memref<2600000xf32, #tpu.memory_space<hbm>> -> memref<2600000xf32, #tpu.memory_space<hbm>>
    tpu.enqueue_indirect_dma source(%dma_start3A_962 : memref<2600000xf32, #tpu.memory_space<hbm>>) target(%dma_start3A_957 : memref<128xf32, #tpu.memory_space<vmem>>) offsets(%dma_start3A_960 : memref<128xi32, #tpu.memory_space<vmem>>) semaphore(%arg7 : memref<!tpu.dma_semaphore, #tpu.memory_space<semaphore_mem>>)
    %dma_wait3A_963 = arith.constant 0 : i32
    %dma_wait3A_964 = arith.constant 0 : i32
    %dma_wait3A_965 = tpu.memref_slice %arg6[%dma_wait3A_964] : memref<1664xf32, #tpu.memory_space<vmem>> -> memref<128xf32, #tpu.memory_space<vmem>>
    %dma_wait3A_966 = arith.constant 0 : i32
    %dma_wait3A_967 = tpu.memref_slice %arg5[%dma_wait3A_963, %dma_wait3A_966] : memref<13x128xi32, #tpu.memory_space<vmem>> -> memref<1x128xi32, #tpu.memory_space<vmem>>
    %dma_wait3A_968 = tpu.memref_squeeze %dma_wait3A_967 : memref<1x128xi32, #tpu.memory_space<vmem>> -> memref<128xi32, #tpu.memory_space<vmem>>
    %dma_wait3A_969 = arith.constant 0 : i32
    %dma_wait3A_970 = tpu.memref_slice %arg2[%dma_wait3A_969] : memref<2600000xf32, #tpu.memory_space<hbm>> -> memref<2600000xf32, #tpu.memory_space<hbm>>
    tpu.wait_indirect_dma semaphore(%arg7 : memref<!tpu.dma_semaphore, #tpu.memory_space<semaphore_mem>>) src(%dma_wait3A_970 : memref<2600000xf32, #tpu.memory_space<hbm>>) dst(%dma_wait3A_965 : memref<128xf32, #tpu.memory_space<vmem>>)
    %dma_wait3A_971 = arith.constant 1 : i32
    %dma_wait3A_972 = arith.constant 128 : i32
    %dma_wait3A_973 = tpu.memref_slice %arg6[%dma_wait3A_972] : memref<1664xf32, #tpu.memory_space<vmem>> -> memref<128xf32, #tpu.memory_space<vmem>>
    %dma_wait3A_974 = arith.constant 0 : i32
    %dma_wait3A_975 = tpu.memref_slice %arg5[%dma_wait3A_971, %dma_wait3A_974] : memref<13x128xi32, #tpu.memory_space<vmem>> -> memref<1x128xi32, #tpu.memory_space<vmem>>
    %dma_wait3A_976 = tpu.memref_squeeze %dma_wait3A_975 : memref<1x128xi32, #tpu.memory_space<vmem>> -> memref<128xi32, #tpu.memory_space<vmem>>
    %dma_wait3A_977 = arith.constant 0 : i32
    %dma_wait3A_978 = tpu.memref_slice %arg2[%dma_wait3A_977] : memref<2600000xf32, #tpu.memory_space<hbm>> -> memref<2600000xf32, #tpu.memory_space<hbm>>
    tpu.wait_indirect_dma semaphore(%arg7 : memref<!tpu.dma_semaphore, #tpu.memory_space<semaphore_mem>>) src(%dma_wait3A_978 : memref<2600000xf32, #tpu.memory_space<hbm>>) dst(%dma_wait3A_973 : memref<128xf32, #tpu.memory_space<vmem>>)
    %dma_wait3A_979 = arith.constant 2 : i32
    %dma_wait3A_980 = arith.constant 256 : i32
    %dma_wait3A_981 = tpu.memref_slice %arg6[%dma_wait3A_980] : memref<1664xf32, #tpu.memory_space<vmem>> -> memref<128xf32, #tpu.memory_space<vmem>>
    %dma_wait3A_982 = arith.constant 0 : i32
    %dma_wait3A_983 = tpu.memref_slice %arg5[%dma_wait3A_979, %dma_wait3A_982] : memref<13x128xi32, #tpu.memory_space<vmem>> -> memref<1x128xi32, #tpu.memory_space<vmem>>
    %dma_wait3A_984 = tpu.memref_squeeze %dma_wait3A_983 : memref<1x128xi32, #tpu.memory_space<vmem>> -> memref<128xi32, #tpu.memory_space<vmem>>
    %dma_wait3A_985 = arith.constant 0 : i32
    %dma_wait3A_986 = tpu.memref_slice %arg2[%dma_wait3A_985] : memref<2600000xf32, #tpu.memory_space<hbm>> -> memref<2600000xf32, #tpu.memory_space<hbm>>
    tpu.wait_indirect_dma semaphore(%arg7 : memref<!tpu.dma_semaphore, #tpu.memory_space<semaphore_mem>>) src(%dma_wait3A_986 : memref<2600000xf32, #tpu.memory_space<hbm>>) dst(%dma_wait3A_981 : memref<128xf32, #tpu.memory_space<vmem>>)
    %dma_wait3A_987 = arith.constant 3 : i32
    %dma_wait3A_988 = arith.constant 384 : i32
    %dma_wait3A_989 = tpu.memref_slice %arg6[%dma_wait3A_988] : memref<1664xf32, #tpu.memory_space<vmem>> -> memref<128xf32, #tpu.memory_space<vmem>>
    %dma_wait3A_990 = arith.constant 0 : i32
    %dma_wait3A_991 = tpu.memref_slice %arg5[%dma_wait3A_987, %dma_wait3A_990] : memref<13x128xi32, #tpu.memory_space<vmem>> -> memref<1x128xi32, #tpu.memory_space<vmem>>
    %dma_wait3A_992 = tpu.memref_squeeze %dma_wait3A_991 : memref<1x128xi32, #tpu.memory_space<vmem>> -> memref<128xi32, #tpu.memory_space<vmem>>
    %dma_wait3A_993 = arith.constant 0 : i32
    %dma_wait3A_994 = tpu.memref_slice %arg2[%dma_wait3A_993] : memref<2600000xf32, #tpu.memory_space<hbm>> -> memref<2600000xf32, #tpu.memory_space<hbm>>
    tpu.wait_indirect_dma semaphore(%arg7 : memref<!tpu.dma_semaphore, #tpu.memory_space<semaphore_mem>>) src(%dma_wait3A_994 : memref<2600000xf32, #tpu.memory_space<hbm>>) dst(%dma_wait3A_989 : memref<128xf32, #tpu.memory_space<vmem>>)
    %dma_wait3A_995 = arith.constant 4 : i32
    %dma_wait3A_996 = arith.constant 512 : i32
    %dma_wait3A_997 = tpu.memref_slice %arg6[%dma_wait3A_996] : memref<1664xf32, #tpu.memory_space<vmem>> -> memref<128xf32, #tpu.memory_space<vmem>>
    %dma_wait3A_998 = arith.constant 0 : i32
    %dma_wait3A_999 = tpu.memref_slice %arg5[%dma_wait3A_995, %dma_wait3A_998] : memref<13x128xi32, #tpu.memory_space<vmem>> -> memref<1x128xi32, #tpu.memory_space<vmem>>
    %dma_wait3A_1000 = tpu.memref_squeeze %dma_wait3A_999 : memref<1x128xi32, #tpu.memory_space<vmem>> -> memref<128xi32, #tpu.memory_space<vmem>>
    %dma_wait3A_1001 = arith.constant 0 : i32
    %dma_wait3A_1002 = tpu.memref_slice %arg2[%dma_wait3A_1001] : memref<2600000xf32, #tpu.memory_space<hbm>> -> memref<2600000xf32, #tpu.memory_space<hbm>>
    tpu.wait_indirect_dma semaphore(%arg7 : memref<!tpu.dma_semaphore, #tpu.memory_space<semaphore_mem>>) src(%dma_wait3A_1002 : memref<2600000xf32, #tpu.memory_space<hbm>>) dst(%dma_wait3A_997 : memref<128xf32, #tpu.memory_space<vmem>>)
    %dma_wait3A_1003 = arith.constant 5 : i32
    %dma_wait3A_1004 = arith.constant 640 : i32
    %dma_wait3A_1005 = tpu.memref_slice %arg6[%dma_wait3A_1004] : memref<1664xf32, #tpu.memory_space<vmem>> -> memref<128xf32, #tpu.memory_space<vmem>>
    %dma_wait3A_1006 = arith.constant 0 : i32
    %dma_wait3A_1007 = tpu.memref_slice %arg5[%dma_wait3A_1003, %dma_wait3A_1006] : memref<13x128xi32, #tpu.memory_space<vmem>> -> memref<1x128xi32, #tpu.memory_space<vmem>>
    %dma_wait3A_1008 = tpu.memref_squeeze %dma_wait3A_1007 : memref<1x128xi32, #tpu.memory_space<vmem>> -> memref<128xi32, #tpu.memory_space<vmem>>
    %dma_wait3A_1009 = arith.constant 0 : i32
    %dma_wait3A_1010 = tpu.memref_slice %arg2[%dma_wait3A_1009] : memref<2600000xf32, #tpu.memory_space<hbm>> -> memref<2600000xf32, #tpu.memory_space<hbm>>
    tpu.wait_indirect_dma semaphore(%arg7 : memref<!tpu.dma_semaphore, #tpu.memory_space<semaphore_mem>>) src(%dma_wait3A_1010 : memref<2600000xf32, #tpu.memory_space<hbm>>) dst(%dma_wait3A_1005 : memref<128xf32, #tpu.memory_space<vmem>>)
    %dma_wait3A_1011 = arith.constant 6 : i32
    %dma_wait3A_1012 = arith.constant 768 : i32
    %dma_wait3A_1013 = tpu.memref_slice %arg6[%dma_wait3A_1012] : memref<1664xf32, #tpu.memory_space<vmem>> -> memref<128xf32, #tpu.memory_space<vmem>>
    %dma_wait3A_1014 = arith.constant 0 : i32
    %dma_wait3A_1015 = tpu.memref_slice %arg5[%dma_wait3A_1011, %dma_wait3A_1014] : memref<13x128xi32, #tpu.memory_space<vmem>> -> memref<1x128xi32, #tpu.memory_space<vmem>>
    %dma_wait3A_1016 = tpu.memref_squeeze %dma_wait3A_1015 : memref<1x128xi32, #tpu.memory_space<vmem>> -> memref<128xi32, #tpu.memory_space<vmem>>
    %dma_wait3A_1017 = arith.constant 0 : i32
    %dma_wait3A_1018 = tpu.memref_slice %arg2[%dma_wait3A_1017] : memref<2600000xf32, #tpu.memory_space<hbm>> -> memref<2600000xf32, #tpu.memory_space<hbm>>
    tpu.wait_indirect_dma semaphore(%arg7 : memref<!tpu.dma_semaphore, #tpu.memory_space<semaphore_mem>>) src(%dma_wait3A_1018 : memref<2600000xf32, #tpu.memory_space<hbm>>) dst(%dma_wait3A_1013 : memref<128xf32, #tpu.memory_space<vmem>>)
    %dma_wait3A_1019 = arith.constant 7 : i32
    %dma_wait3A_1020 = arith.constant 896 : i32
    %dma_wait3A_1021 = tpu.memref_slice %arg6[%dma_wait3A_1020] : memref<1664xf32, #tpu.memory_space<vmem>> -> memref<128xf32, #tpu.memory_space<vmem>>
    %dma_wait3A_1022 = arith.constant 0 : i32
    %dma_wait3A_1023 = tpu.memref_slice %arg5[%dma_wait3A_1019, %dma_wait3A_1022] : memref<13x128xi32, #tpu.memory_space<vmem>> -> memref<1x128xi32, #tpu.memory_space<vmem>>
    %dma_wait3A_1024 = tpu.memref_squeeze %dma_wait3A_1023 : memref<1x128xi32, #tpu.memory_space<vmem>> -> memref<128xi32, #tpu.memory_space<vmem>>
    %dma_wait3A_1025 = arith.constant 0 : i32
    %dma_wait3A_1026 = tpu.memref_slice %arg2[%dma_wait3A_1025] : memref<2600000xf32, #tpu.memory_space<hbm>> -> memref<2600000xf32, #tpu.memory_space<hbm>>
    tpu.wait_indirect_dma semaphore(%arg7 : memref<!tpu.dma_semaphore, #tpu.memory_space<semaphore_mem>>) src(%dma_wait3A_1026 : memref<2600000xf32, #tpu.memory_space<hbm>>) dst(%dma_wait3A_1021 : memref<128xf32, #tpu.memory_space<vmem>>)
    %dma_wait3A_1027 = arith.constant 8 : i32
    %dma_wait3A_1028 = arith.constant 1024 : i32
    %dma_wait3A_1029 = tpu.memref_slice %arg6[%dma_wait3A_1028] : memref<1664xf32, #tpu.memory_space<vmem>> -> memref<128xf32, #tpu.memory_space<vmem>>
    %dma_wait3A_1030 = arith.constant 0 : i32
    %dma_wait3A_1031 = tpu.memref_slice %arg5[%dma_wait3A_1027, %dma_wait3A_1030] : memref<13x128xi32, #tpu.memory_space<vmem>> -> memref<1x128xi32, #tpu.memory_space<vmem>>
    %dma_wait3A_1032 = tpu.memref_squeeze %dma_wait3A_1031 : memref<1x128xi32, #tpu.memory_space<vmem>> -> memref<128xi32, #tpu.memory_space<vmem>>
    %dma_wait3A_1033 = arith.constant 0 : i32
    %dma_wait3A_1034 = tpu.memref_slice %arg2[%dma_wait3A_1033] : memref<2600000xf32, #tpu.memory_space<hbm>> -> memref<2600000xf32, #tpu.memory_space<hbm>>
    tpu.wait_indirect_dma semaphore(%arg7 : memref<!tpu.dma_semaphore, #tpu.memory_space<semaphore_mem>>) src(%dma_wait3A_1034 : memref<2600000xf32, #tpu.memory_space<hbm>>) dst(%dma_wait3A_1029 : memref<128xf32, #tpu.memory_space<vmem>>)
    %dma_wait3A_1035 = arith.constant 9 : i32
    %dma_wait3A_1036 = arith.constant 1152 : i32
    %dma_wait3A_1037 = tpu.memref_slice %arg6[%dma_wait3A_1036] : memref<1664xf32, #tpu.memory_space<vmem>> -> memref<128xf32, #tpu.memory_space<vmem>>
    %dma_wait3A_1038 = arith.constant 0 : i32
    %dma_wait3A_1039 = tpu.memref_slice %arg5[%dma_wait3A_1035, %dma_wait3A_1038] : memref<13x128xi32, #tpu.memory_space<vmem>> -> memref<1x128xi32, #tpu.memory_space<vmem>>
    %dma_wait3A_1040 = tpu.memref_squeeze %dma_wait3A_1039 : memref<1x128xi32, #tpu.memory_space<vmem>> -> memref<128xi32, #tpu.memory_space<vmem>>
    %dma_wait3A_1041 = arith.constant 0 : i32
    %dma_wait3A_1042 = tpu.memref_slice %arg2[%dma_wait3A_1041] : memref<2600000xf32, #tpu.memory_space<hbm>> -> memref<2600000xf32, #tpu.memory_space<hbm>>
    tpu.wait_indirect_dma semaphore(%arg7 : memref<!tpu.dma_semaphore, #tpu.memory_space<semaphore_mem>>) src(%dma_wait3A_1042 : memref<2600000xf32, #tpu.memory_space<hbm>>) dst(%dma_wait3A_1037 : memref<128xf32, #tpu.memory_space<vmem>>)
    %dma_wait3A_1043 = arith.constant 10 : i32
    %dma_wait3A_1044 = arith.constant 1280 : i32
    %dma_wait3A_1045 = tpu.memref_slice %arg6[%dma_wait3A_1044] : memref<1664xf32, #tpu.memory_space<vmem>> -> memref<128xf32, #tpu.memory_space<vmem>>
    %dma_wait3A_1046 = arith.constant 0 : i32
    %dma_wait3A_1047 = tpu.memref_slice %arg5[%dma_wait3A_1043, %dma_wait3A_1046] : memref<13x128xi32, #tpu.memory_space<vmem>> -> memref<1x128xi32, #tpu.memory_space<vmem>>
    %dma_wait3A_1048 = tpu.memref_squeeze %dma_wait3A_1047 : memref<1x128xi32, #tpu.memory_space<vmem>> -> memref<128xi32, #tpu.memory_space<vmem>>
    %dma_wait3A_1049 = arith.constant 0 : i32
    %dma_wait3A_1050 = tpu.memref_slice %arg2[%dma_wait3A_1049] : memref<2600000xf32, #tpu.memory_space<hbm>> -> memref<2600000xf32, #tpu.memory_space<hbm>>
    tpu.wait_indirect_dma semaphore(%arg7 : memref<!tpu.dma_semaphore, #tpu.memory_space<semaphore_mem>>) src(%dma_wait3A_1050 : memref<2600000xf32, #tpu.memory_space<hbm>>) dst(%dma_wait3A_1045 : memref<128xf32, #tpu.memory_space<vmem>>)
    %dma_wait3A_1051 = arith.constant 11 : i32
    %dma_wait3A_1052 = arith.constant 1408 : i32
    %dma_wait3A_1053 = tpu.memref_slice %arg6[%dma_wait3A_1052] : memref<1664xf32, #tpu.memory_space<vmem>> -> memref<128xf32, #tpu.memory_space<vmem>>
    %dma_wait3A_1054 = arith.constant 0 : i32
    %dma_wait3A_1055 = tpu.memref_slice %arg5[%dma_wait3A_1051, %dma_wait3A_1054] : memref<13x128xi32, #tpu.memory_space<vmem>> -> memref<1x128xi32, #tpu.memory_space<vmem>>
    %dma_wait3A_1056 = tpu.memref_squeeze %dma_wait3A_1055 : memref<1x128xi32, #tpu.memory_space<vmem>> -> memref<128xi32, #tpu.memory_space<vmem>>
    %dma_wait3A_1057 = arith.constant 0 : i32
    %dma_wait3A_1058 = tpu.memref_slice %arg2[%dma_wait3A_1057] : memref<2600000xf32, #tpu.memory_space<hbm>> -> memref<2600000xf32, #tpu.memory_space<hbm>>
    tpu.wait_indirect_dma semaphore(%arg7 : memref<!tpu.dma_semaphore, #tpu.memory_space<semaphore_mem>>) src(%dma_wait3A_1058 : memref<2600000xf32, #tpu.memory_space<hbm>>) dst(%dma_wait3A_1053 : memref<128xf32, #tpu.memory_space<vmem>>)
    %dma_wait3A_1059 = arith.constant 12 : i32
    %dma_wait3A_1060 = arith.constant 1536 : i32
    %dma_wait3A_1061 = tpu.memref_slice %arg6[%dma_wait3A_1060] : memref<1664xf32, #tpu.memory_space<vmem>> -> memref<128xf32, #tpu.memory_space<vmem>>
    %dma_wait3A_1062 = arith.constant 0 : i32
    %dma_wait3A_1063 = tpu.memref_slice %arg5[%dma_wait3A_1059, %dma_wait3A_1062] : memref<13x128xi32, #tpu.memory_space<vmem>> -> memref<1x128xi32, #tpu.memory_space<vmem>>
    %dma_wait3A_1064 = tpu.memref_squeeze %dma_wait3A_1063 : memref<1x128xi32, #tpu.memory_space<vmem>> -> memref<128xi32, #tpu.memory_space<vmem>>
    %dma_wait3A_1065 = arith.constant 0 : i32
    %dma_wait3A_1066 = tpu.memref_slice %arg2[%dma_wait3A_1065] : memref<2600000xf32, #tpu.memory_space<hbm>> -> memref<2600000xf32, #tpu.memory_space<hbm>>
    tpu.wait_indirect_dma semaphore(%arg7 : memref<!tpu.dma_semaphore, #tpu.memory_space<semaphore_mem>>) src(%dma_wait3A_1066 : memref<2600000xf32, #tpu.memory_space<hbm>>) dst(%dma_wait3A_1061 : memref<128xf32, #tpu.memory_space<vmem>>)
    %mul3A_1067 = arith.constant 128 : i32
    %mul3A_1068 = arith.muli %add3A_858, %mul3A_1067 : i32
    "tpu.region"() ({
      %run_scoped3A = tpu.sem_alloc : memref<!tpu.dma_semaphore, #tpu.memory_space<semaphore_mem>>
      %dma_start3A_1711 = tpu.memref_slice %arg4[%mul3A_1068] : memref<425984xf32, #tpu.memory_space<hbm>> -> memref<1664xf32, #tpu.memory_space<hbm>>
      %dma_start3A_1712 = tpu.memref_slice %arg4[%mul3A_1068] : memref<425984xf32, #tpu.memory_space<hbm>> -> memref<1664xf32, #tpu.memory_space<hbm>>
      tpu.enqueue_dma source(%arg6 : memref<1664xf32, #tpu.memory_space<vmem>>) target(%dma_start3A_1712 : memref<1664xf32, #tpu.memory_space<hbm>>) target_semaphore(%run_scoped3A : memref<!tpu.dma_semaphore, #tpu.memory_space<semaphore_mem>>)
      %dma_wait3A_1713 = tpu.memref_slice %arg4[%mul3A_1068] : memref<425984xf32, #tpu.memory_space<hbm>> -> memref<1664xf32, #tpu.memory_space<hbm>>
      %dma_wait3A_1714 = tpu.memref_slice %arg4[%mul3A_1068] : memref<425984xf32, #tpu.memory_space<hbm>> -> memref<1664xf32, #tpu.memory_space<hbm>>
      tpu.wait_dma2 semaphore(%run_scoped3A : memref<!tpu.dma_semaphore, #tpu.memory_space<semaphore_mem>>) src(%arg6 : memref<1664xf32, #tpu.memory_space<vmem>>) dst(%dma_wait3A_1714 : memref<1664xf32, #tpu.memory_space<hbm>>)
      tpu.yield
    }) : () -> ()
    %mul3A_1069 = arith.constant 104 : i32
    %mul3A_1070 = arith.muli %add3A, %mul3A_1069 : i32
    %add3A_1071 = arith.constant 65 : i32
    %add3A_1072 = arith.addi %mul3A_1070, %add3A_1071 : i32
    "tpu.region"() ({
      %run_scoped3A = tpu.sem_alloc : memref<!tpu.dma_semaphore, #tpu.memory_space<semaphore_mem>>
      %dma_start3A_1711 = arith.constant 0 : i32
      %dma_start3A_1712 = tpu.memref_slice %arg3[%add3A_1072, %dma_start3A_1711] : memref<3328x128xi32, #tpu.memory_space<hbm>> -> memref<13x128xi32, #tpu.memory_space<hbm>>
      %dma_start3A_1713 = arith.constant 0 : i32
      %dma_start3A_1714 = tpu.memref_slice %arg3[%add3A_1072, %dma_start3A_1713] : memref<3328x128xi32, #tpu.memory_space<hbm>> -> memref<13x128xi32, #tpu.memory_space<hbm>>
      tpu.enqueue_dma source(%dma_start3A_1714 : memref<13x128xi32, #tpu.memory_space<hbm>>) target(%arg5 : memref<13x128xi32, #tpu.memory_space<vmem>>) target_semaphore(%run_scoped3A : memref<!tpu.dma_semaphore, #tpu.memory_space<semaphore_mem>>)
      %dma_wait3A_1715 = arith.constant 0 : i32
      %dma_wait3A_1716 = tpu.memref_slice %arg3[%add3A_1072, %dma_wait3A_1715] : memref<3328x128xi32, #tpu.memory_space<hbm>> -> memref<13x128xi32, #tpu.memory_space<hbm>>
      %dma_wait3A_1717 = arith.constant 0 : i32
      %dma_wait3A_1718 = tpu.memref_slice %arg3[%add3A_1072, %dma_wait3A_1717] : memref<3328x128xi32, #tpu.memory_space<hbm>> -> memref<13x128xi32, #tpu.memory_space<hbm>>
      tpu.wait_dma2 semaphore(%run_scoped3A : memref<!tpu.dma_semaphore, #tpu.memory_space<semaphore_mem>>) src(%dma_wait3A_1718 : memref<13x128xi32, #tpu.memory_space<hbm>>) dst(%arg5 : memref<13x128xi32, #tpu.memory_space<vmem>>)
      tpu.yield
    }) : () -> ()
    %dma_start3A_1073 = arith.constant 0 : i32
    %dma_start3A_1074 = arith.constant 0 : i32
    %dma_start3A_1075 = tpu.memref_slice %arg6[%dma_start3A_1074] : memref<1664xf32, #tpu.memory_space<vmem>> -> memref<128xf32, #tpu.memory_space<vmem>>
    %dma_start3A_1076 = arith.constant 0 : i32
    %dma_start3A_1077 = tpu.memref_slice %arg5[%dma_start3A_1073, %dma_start3A_1076] : memref<13x128xi32, #tpu.memory_space<vmem>> -> memref<1x128xi32, #tpu.memory_space<vmem>>
    %dma_start3A_1078 = tpu.memref_squeeze %dma_start3A_1077 : memref<1x128xi32, #tpu.memory_space<vmem>> -> memref<128xi32, #tpu.memory_space<vmem>>
    %dma_start3A_1079 = arith.constant 0 : i32
    %dma_start3A_1080 = tpu.memref_slice %arg2[%dma_start3A_1079] : memref<2600000xf32, #tpu.memory_space<hbm>> -> memref<2600000xf32, #tpu.memory_space<hbm>>
    tpu.enqueue_indirect_dma source(%dma_start3A_1080 : memref<2600000xf32, #tpu.memory_space<hbm>>) target(%dma_start3A_1075 : memref<128xf32, #tpu.memory_space<vmem>>) offsets(%dma_start3A_1078 : memref<128xi32, #tpu.memory_space<vmem>>) semaphore(%arg7 : memref<!tpu.dma_semaphore, #tpu.memory_space<semaphore_mem>>)
    %dma_start3A_1081 = arith.constant 1 : i32
    %dma_start3A_1082 = arith.constant 128 : i32
    %dma_start3A_1083 = tpu.memref_slice %arg6[%dma_start3A_1082] : memref<1664xf32, #tpu.memory_space<vmem>> -> memref<128xf32, #tpu.memory_space<vmem>>
    %dma_start3A_1084 = arith.constant 0 : i32
    %dma_start3A_1085 = tpu.memref_slice %arg5[%dma_start3A_1081, %dma_start3A_1084] : memref<13x128xi32, #tpu.memory_space<vmem>> -> memref<1x128xi32, #tpu.memory_space<vmem>>
    %dma_start3A_1086 = tpu.memref_squeeze %dma_start3A_1085 : memref<1x128xi32, #tpu.memory_space<vmem>> -> memref<128xi32, #tpu.memory_space<vmem>>
    %dma_start3A_1087 = arith.constant 0 : i32
    %dma_start3A_1088 = tpu.memref_slice %arg2[%dma_start3A_1087] : memref<2600000xf32, #tpu.memory_space<hbm>> -> memref<2600000xf32, #tpu.memory_space<hbm>>
    tpu.enqueue_indirect_dma source(%dma_start3A_1088 : memref<2600000xf32, #tpu.memory_space<hbm>>) target(%dma_start3A_1083 : memref<128xf32, #tpu.memory_space<vmem>>) offsets(%dma_start3A_1086 : memref<128xi32, #tpu.memory_space<vmem>>) semaphore(%arg7 : memref<!tpu.dma_semaphore, #tpu.memory_space<semaphore_mem>>)
    %dma_start3A_1089 = arith.constant 2 : i32
    %dma_start3A_1090 = arith.constant 256 : i32
    %dma_start3A_1091 = tpu.memref_slice %arg6[%dma_start3A_1090] : memref<1664xf32, #tpu.memory_space<vmem>> -> memref<128xf32, #tpu.memory_space<vmem>>
    %dma_start3A_1092 = arith.constant 0 : i32
    %dma_start3A_1093 = tpu.memref_slice %arg5[%dma_start3A_1089, %dma_start3A_1092] : memref<13x128xi32, #tpu.memory_space<vmem>> -> memref<1x128xi32, #tpu.memory_space<vmem>>
    %dma_start3A_1094 = tpu.memref_squeeze %dma_start3A_1093 : memref<1x128xi32, #tpu.memory_space<vmem>> -> memref<128xi32, #tpu.memory_space<vmem>>
    %dma_start3A_1095 = arith.constant 0 : i32
    %dma_start3A_1096 = tpu.memref_slice %arg2[%dma_start3A_1095] : memref<2600000xf32, #tpu.memory_space<hbm>> -> memref<2600000xf32, #tpu.memory_space<hbm>>
    tpu.enqueue_indirect_dma source(%dma_start3A_1096 : memref<2600000xf32, #tpu.memory_space<hbm>>) target(%dma_start3A_1091 : memref<128xf32, #tpu.memory_space<vmem>>) offsets(%dma_start3A_1094 : memref<128xi32, #tpu.memory_space<vmem>>) semaphore(%arg7 : memref<!tpu.dma_semaphore, #tpu.memory_space<semaphore_mem>>)
    %dma_start3A_1097 = arith.constant 3 : i32
    %dma_start3A_1098 = arith.constant 384 : i32
    %dma_start3A_1099 = tpu.memref_slice %arg6[%dma_start3A_1098] : memref<1664xf32, #tpu.memory_space<vmem>> -> memref<128xf32, #tpu.memory_space<vmem>>
    %dma_start3A_1100 = arith.constant 0 : i32
    %dma_start3A_1101 = tpu.memref_slice %arg5[%dma_start3A_1097, %dma_start3A_1100] : memref<13x128xi32, #tpu.memory_space<vmem>> -> memref<1x128xi32, #tpu.memory_space<vmem>>
    %dma_start3A_1102 = tpu.memref_squeeze %dma_start3A_1101 : memref<1x128xi32, #tpu.memory_space<vmem>> -> memref<128xi32, #tpu.memory_space<vmem>>
    %dma_start3A_1103 = arith.constant 0 : i32
    %dma_start3A_1104 = tpu.memref_slice %arg2[%dma_start3A_1103] : memref<2600000xf32, #tpu.memory_space<hbm>> -> memref<2600000xf32, #tpu.memory_space<hbm>>
    tpu.enqueue_indirect_dma source(%dma_start3A_1104 : memref<2600000xf32, #tpu.memory_space<hbm>>) target(%dma_start3A_1099 : memref<128xf32, #tpu.memory_space<vmem>>) offsets(%dma_start3A_1102 : memref<128xi32, #tpu.memory_space<vmem>>) semaphore(%arg7 : memref<!tpu.dma_semaphore, #tpu.memory_space<semaphore_mem>>)
    %dma_start3A_1105 = arith.constant 4 : i32
    %dma_start3A_1106 = arith.constant 512 : i32
    %dma_start3A_1107 = tpu.memref_slice %arg6[%dma_start3A_1106] : memref<1664xf32, #tpu.memory_space<vmem>> -> memref<128xf32, #tpu.memory_space<vmem>>
    %dma_start3A_1108 = arith.constant 0 : i32
    %dma_start3A_1109 = tpu.memref_slice %arg5[%dma_start3A_1105, %dma_start3A_1108] : memref<13x128xi32, #tpu.memory_space<vmem>> -> memref<1x128xi32, #tpu.memory_space<vmem>>
    %dma_start3A_1110 = tpu.memref_squeeze %dma_start3A_1109 : memref<1x128xi32, #tpu.memory_space<vmem>> -> memref<128xi32, #tpu.memory_space<vmem>>
    %dma_start3A_1111 = arith.constant 0 : i32
    %dma_start3A_1112 = tpu.memref_slice %arg2[%dma_start3A_1111] : memref<2600000xf32, #tpu.memory_space<hbm>> -> memref<2600000xf32, #tpu.memory_space<hbm>>
    tpu.enqueue_indirect_dma source(%dma_start3A_1112 : memref<2600000xf32, #tpu.memory_space<hbm>>) target(%dma_start3A_1107 : memref<128xf32, #tpu.memory_space<vmem>>) offsets(%dma_start3A_1110 : memref<128xi32, #tpu.memory_space<vmem>>) semaphore(%arg7 : memref<!tpu.dma_semaphore, #tpu.memory_space<semaphore_mem>>)
    %dma_start3A_1113 = arith.constant 5 : i32
    %dma_start3A_1114 = arith.constant 640 : i32
    %dma_start3A_1115 = tpu.memref_slice %arg6[%dma_start3A_1114] : memref<1664xf32, #tpu.memory_space<vmem>> -> memref<128xf32, #tpu.memory_space<vmem>>
    %dma_start3A_1116 = arith.constant 0 : i32
    %dma_start3A_1117 = tpu.memref_slice %arg5[%dma_start3A_1113, %dma_start3A_1116] : memref<13x128xi32, #tpu.memory_space<vmem>> -> memref<1x128xi32, #tpu.memory_space<vmem>>
    %dma_start3A_1118 = tpu.memref_squeeze %dma_start3A_1117 : memref<1x128xi32, #tpu.memory_space<vmem>> -> memref<128xi32, #tpu.memory_space<vmem>>
    %dma_start3A_1119 = arith.constant 0 : i32
    %dma_start3A_1120 = tpu.memref_slice %arg2[%dma_start3A_1119] : memref<2600000xf32, #tpu.memory_space<hbm>> -> memref<2600000xf32, #tpu.memory_space<hbm>>
    tpu.enqueue_indirect_dma source(%dma_start3A_1120 : memref<2600000xf32, #tpu.memory_space<hbm>>) target(%dma_start3A_1115 : memref<128xf32, #tpu.memory_space<vmem>>) offsets(%dma_start3A_1118 : memref<128xi32, #tpu.memory_space<vmem>>) semaphore(%arg7 : memref<!tpu.dma_semaphore, #tpu.memory_space<semaphore_mem>>)
    %dma_start3A_1121 = arith.constant 6 : i32
    %dma_start3A_1122 = arith.constant 768 : i32
    %dma_start3A_1123 = tpu.memref_slice %arg6[%dma_start3A_1122] : memref<1664xf32, #tpu.memory_space<vmem>> -> memref<128xf32, #tpu.memory_space<vmem>>
    %dma_start3A_1124 = arith.constant 0 : i32
    %dma_start3A_1125 = tpu.memref_slice %arg5[%dma_start3A_1121, %dma_start3A_1124] : memref<13x128xi32, #tpu.memory_space<vmem>> -> memref<1x128xi32, #tpu.memory_space<vmem>>
    %dma_start3A_1126 = tpu.memref_squeeze %dma_start3A_1125 : memref<1x128xi32, #tpu.memory_space<vmem>> -> memref<128xi32, #tpu.memory_space<vmem>>
    %dma_start3A_1127 = arith.constant 0 : i32
    %dma_start3A_1128 = tpu.memref_slice %arg2[%dma_start3A_1127] : memref<2600000xf32, #tpu.memory_space<hbm>> -> memref<2600000xf32, #tpu.memory_space<hbm>>
    tpu.enqueue_indirect_dma source(%dma_start3A_1128 : memref<2600000xf32, #tpu.memory_space<hbm>>) target(%dma_start3A_1123 : memref<128xf32, #tpu.memory_space<vmem>>) offsets(%dma_start3A_1126 : memref<128xi32, #tpu.memory_space<vmem>>) semaphore(%arg7 : memref<!tpu.dma_semaphore, #tpu.memory_space<semaphore_mem>>)
    %dma_start3A_1129 = arith.constant 7 : i32
    %dma_start3A_1130 = arith.constant 896 : i32
    %dma_start3A_1131 = tpu.memref_slice %arg6[%dma_start3A_1130] : memref<1664xf32, #tpu.memory_space<vmem>> -> memref<128xf32, #tpu.memory_space<vmem>>
    %dma_start3A_1132 = arith.constant 0 : i32
    %dma_start3A_1133 = tpu.memref_slice %arg5[%dma_start3A_1129, %dma_start3A_1132] : memref<13x128xi32, #tpu.memory_space<vmem>> -> memref<1x128xi32, #tpu.memory_space<vmem>>
    %dma_start3A_1134 = tpu.memref_squeeze %dma_start3A_1133 : memref<1x128xi32, #tpu.memory_space<vmem>> -> memref<128xi32, #tpu.memory_space<vmem>>
    %dma_start3A_1135 = arith.constant 0 : i32
    %dma_start3A_1136 = tpu.memref_slice %arg2[%dma_start3A_1135] : memref<2600000xf32, #tpu.memory_space<hbm>> -> memref<2600000xf32, #tpu.memory_space<hbm>>
    tpu.enqueue_indirect_dma source(%dma_start3A_1136 : memref<2600000xf32, #tpu.memory_space<hbm>>) target(%dma_start3A_1131 : memref<128xf32, #tpu.memory_space<vmem>>) offsets(%dma_start3A_1134 : memref<128xi32, #tpu.memory_space<vmem>>) semaphore(%arg7 : memref<!tpu.dma_semaphore, #tpu.memory_space<semaphore_mem>>)
    %dma_start3A_1137 = arith.constant 8 : i32
    %dma_start3A_1138 = arith.constant 1024 : i32
    %dma_start3A_1139 = tpu.memref_slice %arg6[%dma_start3A_1138] : memref<1664xf32, #tpu.memory_space<vmem>> -> memref<128xf32, #tpu.memory_space<vmem>>
    %dma_start3A_1140 = arith.constant 0 : i32
    %dma_start3A_1141 = tpu.memref_slice %arg5[%dma_start3A_1137, %dma_start3A_1140] : memref<13x128xi32, #tpu.memory_space<vmem>> -> memref<1x128xi32, #tpu.memory_space<vmem>>
    %dma_start3A_1142 = tpu.memref_squeeze %dma_start3A_1141 : memref<1x128xi32, #tpu.memory_space<vmem>> -> memref<128xi32, #tpu.memory_space<vmem>>
    %dma_start3A_1143 = arith.constant 0 : i32
    %dma_start3A_1144 = tpu.memref_slice %arg2[%dma_start3A_1143] : memref<2600000xf32, #tpu.memory_space<hbm>> -> memref<2600000xf32, #tpu.memory_space<hbm>>
    tpu.enqueue_indirect_dma source(%dma_start3A_1144 : memref<2600000xf32, #tpu.memory_space<hbm>>) target(%dma_start3A_1139 : memref<128xf32, #tpu.memory_space<vmem>>) offsets(%dma_start3A_1142 : memref<128xi32, #tpu.memory_space<vmem>>) semaphore(%arg7 : memref<!tpu.dma_semaphore, #tpu.memory_space<semaphore_mem>>)
    %dma_start3A_1145 = arith.constant 9 : i32
    %dma_start3A_1146 = arith.constant 1152 : i32
    %dma_start3A_1147 = tpu.memref_slice %arg6[%dma_start3A_1146] : memref<1664xf32, #tpu.memory_space<vmem>> -> memref<128xf32, #tpu.memory_space<vmem>>
    %dma_start3A_1148 = arith.constant 0 : i32
    %dma_start3A_1149 = tpu.memref_slice %arg5[%dma_start3A_1145, %dma_start3A_1148] : memref<13x128xi32, #tpu.memory_space<vmem>> -> memref<1x128xi32, #tpu.memory_space<vmem>>
    %dma_start3A_1150 = tpu.memref_squeeze %dma_start3A_1149 : memref<1x128xi32, #tpu.memory_space<vmem>> -> memref<128xi32, #tpu.memory_space<vmem>>
    %dma_start3A_1151 = arith.constant 0 : i32
    %dma_start3A_1152 = tpu.memref_slice %arg2[%dma_start3A_1151] : memref<2600000xf32, #tpu.memory_space<hbm>> -> memref<2600000xf32, #tpu.memory_space<hbm>>
    tpu.enqueue_indirect_dma source(%dma_start3A_1152 : memref<2600000xf32, #tpu.memory_space<hbm>>) target(%dma_start3A_1147 : memref<128xf32, #tpu.memory_space<vmem>>) offsets(%dma_start3A_1150 : memref<128xi32, #tpu.memory_space<vmem>>) semaphore(%arg7 : memref<!tpu.dma_semaphore, #tpu.memory_space<semaphore_mem>>)
    %dma_start3A_1153 = arith.constant 10 : i32
    %dma_start3A_1154 = arith.constant 1280 : i32
    %dma_start3A_1155 = tpu.memref_slice %arg6[%dma_start3A_1154] : memref<1664xf32, #tpu.memory_space<vmem>> -> memref<128xf32, #tpu.memory_space<vmem>>
    %dma_start3A_1156 = arith.constant 0 : i32
    %dma_start3A_1157 = tpu.memref_slice %arg5[%dma_start3A_1153, %dma_start3A_1156] : memref<13x128xi32, #tpu.memory_space<vmem>> -> memref<1x128xi32, #tpu.memory_space<vmem>>
    %dma_start3A_1158 = tpu.memref_squeeze %dma_start3A_1157 : memref<1x128xi32, #tpu.memory_space<vmem>> -> memref<128xi32, #tpu.memory_space<vmem>>
    %dma_start3A_1159 = arith.constant 0 : i32
    %dma_start3A_1160 = tpu.memref_slice %arg2[%dma_start3A_1159] : memref<2600000xf32, #tpu.memory_space<hbm>> -> memref<2600000xf32, #tpu.memory_space<hbm>>
    tpu.enqueue_indirect_dma source(%dma_start3A_1160 : memref<2600000xf32, #tpu.memory_space<hbm>>) target(%dma_start3A_1155 : memref<128xf32, #tpu.memory_space<vmem>>) offsets(%dma_start3A_1158 : memref<128xi32, #tpu.memory_space<vmem>>) semaphore(%arg7 : memref<!tpu.dma_semaphore, #tpu.memory_space<semaphore_mem>>)
    %dma_start3A_1161 = arith.constant 11 : i32
    %dma_start3A_1162 = arith.constant 1408 : i32
    %dma_start3A_1163 = tpu.memref_slice %arg6[%dma_start3A_1162] : memref<1664xf32, #tpu.memory_space<vmem>> -> memref<128xf32, #tpu.memory_space<vmem>>
    %dma_start3A_1164 = arith.constant 0 : i32
    %dma_start3A_1165 = tpu.memref_slice %arg5[%dma_start3A_1161, %dma_start3A_1164] : memref<13x128xi32, #tpu.memory_space<vmem>> -> memref<1x128xi32, #tpu.memory_space<vmem>>
    %dma_start3A_1166 = tpu.memref_squeeze %dma_start3A_1165 : memref<1x128xi32, #tpu.memory_space<vmem>> -> memref<128xi32, #tpu.memory_space<vmem>>
    %dma_start3A_1167 = arith.constant 0 : i32
    %dma_start3A_1168 = tpu.memref_slice %arg2[%dma_start3A_1167] : memref<2600000xf32, #tpu.memory_space<hbm>> -> memref<2600000xf32, #tpu.memory_space<hbm>>
    tpu.enqueue_indirect_dma source(%dma_start3A_1168 : memref<2600000xf32, #tpu.memory_space<hbm>>) target(%dma_start3A_1163 : memref<128xf32, #tpu.memory_space<vmem>>) offsets(%dma_start3A_1166 : memref<128xi32, #tpu.memory_space<vmem>>) semaphore(%arg7 : memref<!tpu.dma_semaphore, #tpu.memory_space<semaphore_mem>>)
    %dma_start3A_1169 = arith.constant 12 : i32
    %dma_start3A_1170 = arith.constant 1536 : i32
    %dma_start3A_1171 = tpu.memref_slice %arg6[%dma_start3A_1170] : memref<1664xf32, #tpu.memory_space<vmem>> -> memref<128xf32, #tpu.memory_space<vmem>>
    %dma_start3A_1172 = arith.constant 0 : i32
    %dma_start3A_1173 = tpu.memref_slice %arg5[%dma_start3A_1169, %dma_start3A_1172] : memref<13x128xi32, #tpu.memory_space<vmem>> -> memref<1x128xi32, #tpu.memory_space<vmem>>
    %dma_start3A_1174 = tpu.memref_squeeze %dma_start3A_1173 : memref<1x128xi32, #tpu.memory_space<vmem>> -> memref<128xi32, #tpu.memory_space<vmem>>
    %dma_start3A_1175 = arith.constant 0 : i32
    %dma_start3A_1176 = tpu.memref_slice %arg2[%dma_start3A_1175] : memref<2600000xf32, #tpu.memory_space<hbm>> -> memref<2600000xf32, #tpu.memory_space<hbm>>
    tpu.enqueue_indirect_dma source(%dma_start3A_1176 : memref<2600000xf32, #tpu.memory_space<hbm>>) target(%dma_start3A_1171 : memref<128xf32, #tpu.memory_space<vmem>>) offsets(%dma_start3A_1174 : memref<128xi32, #tpu.memory_space<vmem>>) semaphore(%arg7 : memref<!tpu.dma_semaphore, #tpu.memory_space<semaphore_mem>>)
    %dma_wait3A_1177 = arith.constant 0 : i32
    %dma_wait3A_1178 = arith.constant 0 : i32
    %dma_wait3A_1179 = tpu.memref_slice %arg6[%dma_wait3A_1178] : memref<1664xf32, #tpu.memory_space<vmem>> -> memref<128xf32, #tpu.memory_space<vmem>>
    %dma_wait3A_1180 = arith.constant 0 : i32
    %dma_wait3A_1181 = tpu.memref_slice %arg5[%dma_wait3A_1177, %dma_wait3A_1180] : memref<13x128xi32, #tpu.memory_space<vmem>> -> memref<1x128xi32, #tpu.memory_space<vmem>>
    %dma_wait3A_1182 = tpu.memref_squeeze %dma_wait3A_1181 : memref<1x128xi32, #tpu.memory_space<vmem>> -> memref<128xi32, #tpu.memory_space<vmem>>
    %dma_wait3A_1183 = arith.constant 0 : i32
    %dma_wait3A_1184 = tpu.memref_slice %arg2[%dma_wait3A_1183] : memref<2600000xf32, #tpu.memory_space<hbm>> -> memref<2600000xf32, #tpu.memory_space<hbm>>
    tpu.wait_indirect_dma semaphore(%arg7 : memref<!tpu.dma_semaphore, #tpu.memory_space<semaphore_mem>>) src(%dma_wait3A_1184 : memref<2600000xf32, #tpu.memory_space<hbm>>) dst(%dma_wait3A_1179 : memref<128xf32, #tpu.memory_space<vmem>>)
    %dma_wait3A_1185 = arith.constant 1 : i32
    %dma_wait3A_1186 = arith.constant 128 : i32
    %dma_wait3A_1187 = tpu.memref_slice %arg6[%dma_wait3A_1186] : memref<1664xf32, #tpu.memory_space<vmem>> -> memref<128xf32, #tpu.memory_space<vmem>>
    %dma_wait3A_1188 = arith.constant 0 : i32
    %dma_wait3A_1189 = tpu.memref_slice %arg5[%dma_wait3A_1185, %dma_wait3A_1188] : memref<13x128xi32, #tpu.memory_space<vmem>> -> memref<1x128xi32, #tpu.memory_space<vmem>>
    %dma_wait3A_1190 = tpu.memref_squeeze %dma_wait3A_1189 : memref<1x128xi32, #tpu.memory_space<vmem>> -> memref<128xi32, #tpu.memory_space<vmem>>
    %dma_wait3A_1191 = arith.constant 0 : i32
    %dma_wait3A_1192 = tpu.memref_slice %arg2[%dma_wait3A_1191] : memref<2600000xf32, #tpu.memory_space<hbm>> -> memref<2600000xf32, #tpu.memory_space<hbm>>
    tpu.wait_indirect_dma semaphore(%arg7 : memref<!tpu.dma_semaphore, #tpu.memory_space<semaphore_mem>>) src(%dma_wait3A_1192 : memref<2600000xf32, #tpu.memory_space<hbm>>) dst(%dma_wait3A_1187 : memref<128xf32, #tpu.memory_space<vmem>>)
    %dma_wait3A_1193 = arith.constant 2 : i32
    %dma_wait3A_1194 = arith.constant 256 : i32
    %dma_wait3A_1195 = tpu.memref_slice %arg6[%dma_wait3A_1194] : memref<1664xf32, #tpu.memory_space<vmem>> -> memref<128xf32, #tpu.memory_space<vmem>>
    %dma_wait3A_1196 = arith.constant 0 : i32
    %dma_wait3A_1197 = tpu.memref_slice %arg5[%dma_wait3A_1193, %dma_wait3A_1196] : memref<13x128xi32, #tpu.memory_space<vmem>> -> memref<1x128xi32, #tpu.memory_space<vmem>>
    %dma_wait3A_1198 = tpu.memref_squeeze %dma_wait3A_1197 : memref<1x128xi32, #tpu.memory_space<vmem>> -> memref<128xi32, #tpu.memory_space<vmem>>
    %dma_wait3A_1199 = arith.constant 0 : i32
    %dma_wait3A_1200 = tpu.memref_slice %arg2[%dma_wait3A_1199] : memref<2600000xf32, #tpu.memory_space<hbm>> -> memref<2600000xf32, #tpu.memory_space<hbm>>
    tpu.wait_indirect_dma semaphore(%arg7 : memref<!tpu.dma_semaphore, #tpu.memory_space<semaphore_mem>>) src(%dma_wait3A_1200 : memref<2600000xf32, #tpu.memory_space<hbm>>) dst(%dma_wait3A_1195 : memref<128xf32, #tpu.memory_space<vmem>>)
    %dma_wait3A_1201 = arith.constant 3 : i32
    %dma_wait3A_1202 = arith.constant 384 : i32
    %dma_wait3A_1203 = tpu.memref_slice %arg6[%dma_wait3A_1202] : memref<1664xf32, #tpu.memory_space<vmem>> -> memref<128xf32, #tpu.memory_space<vmem>>
    %dma_wait3A_1204 = arith.constant 0 : i32
    %dma_wait3A_1205 = tpu.memref_slice %arg5[%dma_wait3A_1201, %dma_wait3A_1204] : memref<13x128xi32, #tpu.memory_space<vmem>> -> memref<1x128xi32, #tpu.memory_space<vmem>>
    %dma_wait3A_1206 = tpu.memref_squeeze %dma_wait3A_1205 : memref<1x128xi32, #tpu.memory_space<vmem>> -> memref<128xi32, #tpu.memory_space<vmem>>
    %dma_wait3A_1207 = arith.constant 0 : i32
    %dma_wait3A_1208 = tpu.memref_slice %arg2[%dma_wait3A_1207] : memref<2600000xf32, #tpu.memory_space<hbm>> -> memref<2600000xf32, #tpu.memory_space<hbm>>
    tpu.wait_indirect_dma semaphore(%arg7 : memref<!tpu.dma_semaphore, #tpu.memory_space<semaphore_mem>>) src(%dma_wait3A_1208 : memref<2600000xf32, #tpu.memory_space<hbm>>) dst(%dma_wait3A_1203 : memref<128xf32, #tpu.memory_space<vmem>>)
    %dma_wait3A_1209 = arith.constant 4 : i32
    %dma_wait3A_1210 = arith.constant 512 : i32
    %dma_wait3A_1211 = tpu.memref_slice %arg6[%dma_wait3A_1210] : memref<1664xf32, #tpu.memory_space<vmem>> -> memref<128xf32, #tpu.memory_space<vmem>>
    %dma_wait3A_1212 = arith.constant 0 : i32
    %dma_wait3A_1213 = tpu.memref_slice %arg5[%dma_wait3A_1209, %dma_wait3A_1212] : memref<13x128xi32, #tpu.memory_space<vmem>> -> memref<1x128xi32, #tpu.memory_space<vmem>>
    %dma_wait3A_1214 = tpu.memref_squeeze %dma_wait3A_1213 : memref<1x128xi32, #tpu.memory_space<vmem>> -> memref<128xi32, #tpu.memory_space<vmem>>
    %dma_wait3A_1215 = arith.constant 0 : i32
    %dma_wait3A_1216 = tpu.memref_slice %arg2[%dma_wait3A_1215] : memref<2600000xf32, #tpu.memory_space<hbm>> -> memref<2600000xf32, #tpu.memory_space<hbm>>
    tpu.wait_indirect_dma semaphore(%arg7 : memref<!tpu.dma_semaphore, #tpu.memory_space<semaphore_mem>>) src(%dma_wait3A_1216 : memref<2600000xf32, #tpu.memory_space<hbm>>) dst(%dma_wait3A_1211 : memref<128xf32, #tpu.memory_space<vmem>>)
    %dma_wait3A_1217 = arith.constant 5 : i32
    %dma_wait3A_1218 = arith.constant 640 : i32
    %dma_wait3A_1219 = tpu.memref_slice %arg6[%dma_wait3A_1218] : memref<1664xf32, #tpu.memory_space<vmem>> -> memref<128xf32, #tpu.memory_space<vmem>>
    %dma_wait3A_1220 = arith.constant 0 : i32
    %dma_wait3A_1221 = tpu.memref_slice %arg5[%dma_wait3A_1217, %dma_wait3A_1220] : memref<13x128xi32, #tpu.memory_space<vmem>> -> memref<1x128xi32, #tpu.memory_space<vmem>>
    %dma_wait3A_1222 = tpu.memref_squeeze %dma_wait3A_1221 : memref<1x128xi32, #tpu.memory_space<vmem>> -> memref<128xi32, #tpu.memory_space<vmem>>
    %dma_wait3A_1223 = arith.constant 0 : i32
    %dma_wait3A_1224 = tpu.memref_slice %arg2[%dma_wait3A_1223] : memref<2600000xf32, #tpu.memory_space<hbm>> -> memref<2600000xf32, #tpu.memory_space<hbm>>
    tpu.wait_indirect_dma semaphore(%arg7 : memref<!tpu.dma_semaphore, #tpu.memory_space<semaphore_mem>>) src(%dma_wait3A_1224 : memref<2600000xf32, #tpu.memory_space<hbm>>) dst(%dma_wait3A_1219 : memref<128xf32, #tpu.memory_space<vmem>>)
    %dma_wait3A_1225 = arith.constant 6 : i32
    %dma_wait3A_1226 = arith.constant 768 : i32
    %dma_wait3A_1227 = tpu.memref_slice %arg6[%dma_wait3A_1226] : memref<1664xf32, #tpu.memory_space<vmem>> -> memref<128xf32, #tpu.memory_space<vmem>>
    %dma_wait3A_1228 = arith.constant 0 : i32
    %dma_wait3A_1229 = tpu.memref_slice %arg5[%dma_wait3A_1225, %dma_wait3A_1228] : memref<13x128xi32, #tpu.memory_space<vmem>> -> memref<1x128xi32, #tpu.memory_space<vmem>>
    %dma_wait3A_1230 = tpu.memref_squeeze %dma_wait3A_1229 : memref<1x128xi32, #tpu.memory_space<vmem>> -> memref<128xi32, #tpu.memory_space<vmem>>
    %dma_wait3A_1231 = arith.constant 0 : i32
    %dma_wait3A_1232 = tpu.memref_slice %arg2[%dma_wait3A_1231] : memref<2600000xf32, #tpu.memory_space<hbm>> -> memref<2600000xf32, #tpu.memory_space<hbm>>
    tpu.wait_indirect_dma semaphore(%arg7 : memref<!tpu.dma_semaphore, #tpu.memory_space<semaphore_mem>>) src(%dma_wait3A_1232 : memref<2600000xf32, #tpu.memory_space<hbm>>) dst(%dma_wait3A_1227 : memref<128xf32, #tpu.memory_space<vmem>>)
    %dma_wait3A_1233 = arith.constant 7 : i32
    %dma_wait3A_1234 = arith.constant 896 : i32
    %dma_wait3A_1235 = tpu.memref_slice %arg6[%dma_wait3A_1234] : memref<1664xf32, #tpu.memory_space<vmem>> -> memref<128xf32, #tpu.memory_space<vmem>>
    %dma_wait3A_1236 = arith.constant 0 : i32
    %dma_wait3A_1237 = tpu.memref_slice %arg5[%dma_wait3A_1233, %dma_wait3A_1236] : memref<13x128xi32, #tpu.memory_space<vmem>> -> memref<1x128xi32, #tpu.memory_space<vmem>>
    %dma_wait3A_1238 = tpu.memref_squeeze %dma_wait3A_1237 : memref<1x128xi32, #tpu.memory_space<vmem>> -> memref<128xi32, #tpu.memory_space<vmem>>
    %dma_wait3A_1239 = arith.constant 0 : i32
    %dma_wait3A_1240 = tpu.memref_slice %arg2[%dma_wait3A_1239] : memref<2600000xf32, #tpu.memory_space<hbm>> -> memref<2600000xf32, #tpu.memory_space<hbm>>
    tpu.wait_indirect_dma semaphore(%arg7 : memref<!tpu.dma_semaphore, #tpu.memory_space<semaphore_mem>>) src(%dma_wait3A_1240 : memref<2600000xf32, #tpu.memory_space<hbm>>) dst(%dma_wait3A_1235 : memref<128xf32, #tpu.memory_space<vmem>>)
    %dma_wait3A_1241 = arith.constant 8 : i32
    %dma_wait3A_1242 = arith.constant 1024 : i32
    %dma_wait3A_1243 = tpu.memref_slice %arg6[%dma_wait3A_1242] : memref<1664xf32, #tpu.memory_space<vmem>> -> memref<128xf32, #tpu.memory_space<vmem>>
    %dma_wait3A_1244 = arith.constant 0 : i32
    %dma_wait3A_1245 = tpu.memref_slice %arg5[%dma_wait3A_1241, %dma_wait3A_1244] : memref<13x128xi32, #tpu.memory_space<vmem>> -> memref<1x128xi32, #tpu.memory_space<vmem>>
    %dma_wait3A_1246 = tpu.memref_squeeze %dma_wait3A_1245 : memref<1x128xi32, #tpu.memory_space<vmem>> -> memref<128xi32, #tpu.memory_space<vmem>>
    %dma_wait3A_1247 = arith.constant 0 : i32
    %dma_wait3A_1248 = tpu.memref_slice %arg2[%dma_wait3A_1247] : memref<2600000xf32, #tpu.memory_space<hbm>> -> memref<2600000xf32, #tpu.memory_space<hbm>>
    tpu.wait_indirect_dma semaphore(%arg7 : memref<!tpu.dma_semaphore, #tpu.memory_space<semaphore_mem>>) src(%dma_wait3A_1248 : memref<2600000xf32, #tpu.memory_space<hbm>>) dst(%dma_wait3A_1243 : memref<128xf32, #tpu.memory_space<vmem>>)
    %dma_wait3A_1249 = arith.constant 9 : i32
    %dma_wait3A_1250 = arith.constant 1152 : i32
    %dma_wait3A_1251 = tpu.memref_slice %arg6[%dma_wait3A_1250] : memref<1664xf32, #tpu.memory_space<vmem>> -> memref<128xf32, #tpu.memory_space<vmem>>
    %dma_wait3A_1252 = arith.constant 0 : i32
    %dma_wait3A_1253 = tpu.memref_slice %arg5[%dma_wait3A_1249, %dma_wait3A_1252] : memref<13x128xi32, #tpu.memory_space<vmem>> -> memref<1x128xi32, #tpu.memory_space<vmem>>
    %dma_wait3A_1254 = tpu.memref_squeeze %dma_wait3A_1253 : memref<1x128xi32, #tpu.memory_space<vmem>> -> memref<128xi32, #tpu.memory_space<vmem>>
    %dma_wait3A_1255 = arith.constant 0 : i32
    %dma_wait3A_1256 = tpu.memref_slice %arg2[%dma_wait3A_1255] : memref<2600000xf32, #tpu.memory_space<hbm>> -> memref<2600000xf32, #tpu.memory_space<hbm>>
    tpu.wait_indirect_dma semaphore(%arg7 : memref<!tpu.dma_semaphore, #tpu.memory_space<semaphore_mem>>) src(%dma_wait3A_1256 : memref<2600000xf32, #tpu.memory_space<hbm>>) dst(%dma_wait3A_1251 : memref<128xf32, #tpu.memory_space<vmem>>)
    %dma_wait3A_1257 = arith.constant 10 : i32
    %dma_wait3A_1258 = arith.constant 1280 : i32
    %dma_wait3A_1259 = tpu.memref_slice %arg6[%dma_wait3A_1258] : memref<1664xf32, #tpu.memory_space<vmem>> -> memref<128xf32, #tpu.memory_space<vmem>>
    %dma_wait3A_1260 = arith.constant 0 : i32
    %dma_wait3A_1261 = tpu.memref_slice %arg5[%dma_wait3A_1257, %dma_wait3A_1260] : memref<13x128xi32, #tpu.memory_space<vmem>> -> memref<1x128xi32, #tpu.memory_space<vmem>>
    %dma_wait3A_1262 = tpu.memref_squeeze %dma_wait3A_1261 : memref<1x128xi32, #tpu.memory_space<vmem>> -> memref<128xi32, #tpu.memory_space<vmem>>
    %dma_wait3A_1263 = arith.constant 0 : i32
    %dma_wait3A_1264 = tpu.memref_slice %arg2[%dma_wait3A_1263] : memref<2600000xf32, #tpu.memory_space<hbm>> -> memref<2600000xf32, #tpu.memory_space<hbm>>
    tpu.wait_indirect_dma semaphore(%arg7 : memref<!tpu.dma_semaphore, #tpu.memory_space<semaphore_mem>>) src(%dma_wait3A_1264 : memref<2600000xf32, #tpu.memory_space<hbm>>) dst(%dma_wait3A_1259 : memref<128xf32, #tpu.memory_space<vmem>>)
    %dma_wait3A_1265 = arith.constant 11 : i32
    %dma_wait3A_1266 = arith.constant 1408 : i32
    %dma_wait3A_1267 = tpu.memref_slice %arg6[%dma_wait3A_1266] : memref<1664xf32, #tpu.memory_space<vmem>> -> memref<128xf32, #tpu.memory_space<vmem>>
    %dma_wait3A_1268 = arith.constant 0 : i32
    %dma_wait3A_1269 = tpu.memref_slice %arg5[%dma_wait3A_1265, %dma_wait3A_1268] : memref<13x128xi32, #tpu.memory_space<vmem>> -> memref<1x128xi32, #tpu.memory_space<vmem>>
    %dma_wait3A_1270 = tpu.memref_squeeze %dma_wait3A_1269 : memref<1x128xi32, #tpu.memory_space<vmem>> -> memref<128xi32, #tpu.memory_space<vmem>>
    %dma_wait3A_1271 = arith.constant 0 : i32
    %dma_wait3A_1272 = tpu.memref_slice %arg2[%dma_wait3A_1271] : memref<2600000xf32, #tpu.memory_space<hbm>> -> memref<2600000xf32, #tpu.memory_space<hbm>>
    tpu.wait_indirect_dma semaphore(%arg7 : memref<!tpu.dma_semaphore, #tpu.memory_space<semaphore_mem>>) src(%dma_wait3A_1272 : memref<2600000xf32, #tpu.memory_space<hbm>>) dst(%dma_wait3A_1267 : memref<128xf32, #tpu.memory_space<vmem>>)
    %dma_wait3A_1273 = arith.constant 12 : i32
    %dma_wait3A_1274 = arith.constant 1536 : i32
    %dma_wait3A_1275 = tpu.memref_slice %arg6[%dma_wait3A_1274] : memref<1664xf32, #tpu.memory_space<vmem>> -> memref<128xf32, #tpu.memory_space<vmem>>
    %dma_wait3A_1276 = arith.constant 0 : i32
    %dma_wait3A_1277 = tpu.memref_slice %arg5[%dma_wait3A_1273, %dma_wait3A_1276] : memref<13x128xi32, #tpu.memory_space<vmem>> -> memref<1x128xi32, #tpu.memory_space<vmem>>
    %dma_wait3A_1278 = tpu.memref_squeeze %dma_wait3A_1277 : memref<1x128xi32, #tpu.memory_space<vmem>> -> memref<128xi32, #tpu.memory_space<vmem>>
    %dma_wait3A_1279 = arith.constant 0 : i32
    %dma_wait3A_1280 = tpu.memref_slice %arg2[%dma_wait3A_1279] : memref<2600000xf32, #tpu.memory_space<hbm>> -> memref<2600000xf32, #tpu.memory_space<hbm>>
    tpu.wait_indirect_dma semaphore(%arg7 : memref<!tpu.dma_semaphore, #tpu.memory_space<semaphore_mem>>) src(%dma_wait3A_1280 : memref<2600000xf32, #tpu.memory_space<hbm>>) dst(%dma_wait3A_1275 : memref<128xf32, #tpu.memory_space<vmem>>)
    %mul3A_1281 = arith.constant 128 : i32
    %mul3A_1282 = arith.muli %add3A_1072, %mul3A_1281 : i32
    "tpu.region"() ({
      %run_scoped3A = tpu.sem_alloc : memref<!tpu.dma_semaphore, #tpu.memory_space<semaphore_mem>>
      %dma_start3A_1711 = tpu.memref_slice %arg4[%mul3A_1282] : memref<425984xf32, #tpu.memory_space<hbm>> -> memref<1664xf32, #tpu.memory_space<hbm>>
      %dma_start3A_1712 = tpu.memref_slice %arg4[%mul3A_1282] : memref<425984xf32, #tpu.memory_space<hbm>> -> memref<1664xf32, #tpu.memory_space<hbm>>
      tpu.enqueue_dma source(%arg6 : memref<1664xf32, #tpu.memory_space<vmem>>) target(%dma_start3A_1712 : memref<1664xf32, #tpu.memory_space<hbm>>) target_semaphore(%run_scoped3A : memref<!tpu.dma_semaphore, #tpu.memory_space<semaphore_mem>>)
      %dma_wait3A_1713 = tpu.memref_slice %arg4[%mul3A_1282] : memref<425984xf32, #tpu.memory_space<hbm>> -> memref<1664xf32, #tpu.memory_space<hbm>>
      %dma_wait3A_1714 = tpu.memref_slice %arg4[%mul3A_1282] : memref<425984xf32, #tpu.memory_space<hbm>> -> memref<1664xf32, #tpu.memory_space<hbm>>
      tpu.wait_dma2 semaphore(%run_scoped3A : memref<!tpu.dma_semaphore, #tpu.memory_space<semaphore_mem>>) src(%arg6 : memref<1664xf32, #tpu.memory_space<vmem>>) dst(%dma_wait3A_1714 : memref<1664xf32, #tpu.memory_space<hbm>>)
      tpu.yield
    }) : () -> ()
    %mul3A_1283 = arith.constant 104 : i32
    %mul3A_1284 = arith.muli %add3A, %mul3A_1283 : i32
    %add3A_1285 = arith.constant 78 : i32
    %add3A_1286 = arith.addi %mul3A_1284, %add3A_1285 : i32
    "tpu.region"() ({
      %run_scoped3A = tpu.sem_alloc : memref<!tpu.dma_semaphore, #tpu.memory_space<semaphore_mem>>
      %dma_start3A_1711 = arith.constant 0 : i32
      %dma_start3A_1712 = tpu.memref_slice %arg3[%add3A_1286, %dma_start3A_1711] : memref<3328x128xi32, #tpu.memory_space<hbm>> -> memref<13x128xi32, #tpu.memory_space<hbm>>
      %dma_start3A_1713 = arith.constant 0 : i32
      %dma_start3A_1714 = tpu.memref_slice %arg3[%add3A_1286, %dma_start3A_1713] : memref<3328x128xi32, #tpu.memory_space<hbm>> -> memref<13x128xi32, #tpu.memory_space<hbm>>
      tpu.enqueue_dma source(%dma_start3A_1714 : memref<13x128xi32, #tpu.memory_space<hbm>>) target(%arg5 : memref<13x128xi32, #tpu.memory_space<vmem>>) target_semaphore(%run_scoped3A : memref<!tpu.dma_semaphore, #tpu.memory_space<semaphore_mem>>)
      %dma_wait3A_1715 = arith.constant 0 : i32
      %dma_wait3A_1716 = tpu.memref_slice %arg3[%add3A_1286, %dma_wait3A_1715] : memref<3328x128xi32, #tpu.memory_space<hbm>> -> memref<13x128xi32, #tpu.memory_space<hbm>>
      %dma_wait3A_1717 = arith.constant 0 : i32
      %dma_wait3A_1718 = tpu.memref_slice %arg3[%add3A_1286, %dma_wait3A_1717] : memref<3328x128xi32, #tpu.memory_space<hbm>> -> memref<13x128xi32, #tpu.memory_space<hbm>>
      tpu.wait_dma2 semaphore(%run_scoped3A : memref<!tpu.dma_semaphore, #tpu.memory_space<semaphore_mem>>) src(%dma_wait3A_1718 : memref<13x128xi32, #tpu.memory_space<hbm>>) dst(%arg5 : memref<13x128xi32, #tpu.memory_space<vmem>>)
      tpu.yield
    }) : () -> ()
    %dma_start3A_1287 = arith.constant 0 : i32
    %dma_start3A_1288 = arith.constant 0 : i32
    %dma_start3A_1289 = tpu.memref_slice %arg6[%dma_start3A_1288] : memref<1664xf32, #tpu.memory_space<vmem>> -> memref<128xf32, #tpu.memory_space<vmem>>
    %dma_start3A_1290 = arith.constant 0 : i32
    %dma_start3A_1291 = tpu.memref_slice %arg5[%dma_start3A_1287, %dma_start3A_1290] : memref<13x128xi32, #tpu.memory_space<vmem>> -> memref<1x128xi32, #tpu.memory_space<vmem>>
    %dma_start3A_1292 = tpu.memref_squeeze %dma_start3A_1291 : memref<1x128xi32, #tpu.memory_space<vmem>> -> memref<128xi32, #tpu.memory_space<vmem>>
    %dma_start3A_1293 = arith.constant 0 : i32
    %dma_start3A_1294 = tpu.memref_slice %arg2[%dma_start3A_1293] : memref<2600000xf32, #tpu.memory_space<hbm>> -> memref<2600000xf32, #tpu.memory_space<hbm>>
    tpu.enqueue_indirect_dma source(%dma_start3A_1294 : memref<2600000xf32, #tpu.memory_space<hbm>>) target(%dma_start3A_1289 : memref<128xf32, #tpu.memory_space<vmem>>) offsets(%dma_start3A_1292 : memref<128xi32, #tpu.memory_space<vmem>>) semaphore(%arg7 : memref<!tpu.dma_semaphore, #tpu.memory_space<semaphore_mem>>)
    %dma_start3A_1295 = arith.constant 1 : i32
    %dma_start3A_1296 = arith.constant 128 : i32
    %dma_start3A_1297 = tpu.memref_slice %arg6[%dma_start3A_1296] : memref<1664xf32, #tpu.memory_space<vmem>> -> memref<128xf32, #tpu.memory_space<vmem>>
    %dma_start3A_1298 = arith.constant 0 : i32
    %dma_start3A_1299 = tpu.memref_slice %arg5[%dma_start3A_1295, %dma_start3A_1298] : memref<13x128xi32, #tpu.memory_space<vmem>> -> memref<1x128xi32, #tpu.memory_space<vmem>>
    %dma_start3A_1300 = tpu.memref_squeeze %dma_start3A_1299 : memref<1x128xi32, #tpu.memory_space<vmem>> -> memref<128xi32, #tpu.memory_space<vmem>>
    %dma_start3A_1301 = arith.constant 0 : i32
    %dma_start3A_1302 = tpu.memref_slice %arg2[%dma_start3A_1301] : memref<2600000xf32, #tpu.memory_space<hbm>> -> memref<2600000xf32, #tpu.memory_space<hbm>>
    tpu.enqueue_indirect_dma source(%dma_start3A_1302 : memref<2600000xf32, #tpu.memory_space<hbm>>) target(%dma_start3A_1297 : memref<128xf32, #tpu.memory_space<vmem>>) offsets(%dma_start3A_1300 : memref<128xi32, #tpu.memory_space<vmem>>) semaphore(%arg7 : memref<!tpu.dma_semaphore, #tpu.memory_space<semaphore_mem>>)
    %dma_start3A_1303 = arith.constant 2 : i32
    %dma_start3A_1304 = arith.constant 256 : i32
    %dma_start3A_1305 = tpu.memref_slice %arg6[%dma_start3A_1304] : memref<1664xf32, #tpu.memory_space<vmem>> -> memref<128xf32, #tpu.memory_space<vmem>>
    %dma_start3A_1306 = arith.constant 0 : i32
    %dma_start3A_1307 = tpu.memref_slice %arg5[%dma_start3A_1303, %dma_start3A_1306] : memref<13x128xi32, #tpu.memory_space<vmem>> -> memref<1x128xi32, #tpu.memory_space<vmem>>
    %dma_start3A_1308 = tpu.memref_squeeze %dma_start3A_1307 : memref<1x128xi32, #tpu.memory_space<vmem>> -> memref<128xi32, #tpu.memory_space<vmem>>
    %dma_start3A_1309 = arith.constant 0 : i32
    %dma_start3A_1310 = tpu.memref_slice %arg2[%dma_start3A_1309] : memref<2600000xf32, #tpu.memory_space<hbm>> -> memref<2600000xf32, #tpu.memory_space<hbm>>
    tpu.enqueue_indirect_dma source(%dma_start3A_1310 : memref<2600000xf32, #tpu.memory_space<hbm>>) target(%dma_start3A_1305 : memref<128xf32, #tpu.memory_space<vmem>>) offsets(%dma_start3A_1308 : memref<128xi32, #tpu.memory_space<vmem>>) semaphore(%arg7 : memref<!tpu.dma_semaphore, #tpu.memory_space<semaphore_mem>>)
    %dma_start3A_1311 = arith.constant 3 : i32
    %dma_start3A_1312 = arith.constant 384 : i32
    %dma_start3A_1313 = tpu.memref_slice %arg6[%dma_start3A_1312] : memref<1664xf32, #tpu.memory_space<vmem>> -> memref<128xf32, #tpu.memory_space<vmem>>
    %dma_start3A_1314 = arith.constant 0 : i32
    %dma_start3A_1315 = tpu.memref_slice %arg5[%dma_start3A_1311, %dma_start3A_1314] : memref<13x128xi32, #tpu.memory_space<vmem>> -> memref<1x128xi32, #tpu.memory_space<vmem>>
    %dma_start3A_1316 = tpu.memref_squeeze %dma_start3A_1315 : memref<1x128xi32, #tpu.memory_space<vmem>> -> memref<128xi32, #tpu.memory_space<vmem>>
    %dma_start3A_1317 = arith.constant 0 : i32
    %dma_start3A_1318 = tpu.memref_slice %arg2[%dma_start3A_1317] : memref<2600000xf32, #tpu.memory_space<hbm>> -> memref<2600000xf32, #tpu.memory_space<hbm>>
    tpu.enqueue_indirect_dma source(%dma_start3A_1318 : memref<2600000xf32, #tpu.memory_space<hbm>>) target(%dma_start3A_1313 : memref<128xf32, #tpu.memory_space<vmem>>) offsets(%dma_start3A_1316 : memref<128xi32, #tpu.memory_space<vmem>>) semaphore(%arg7 : memref<!tpu.dma_semaphore, #tpu.memory_space<semaphore_mem>>)
    %dma_start3A_1319 = arith.constant 4 : i32
    %dma_start3A_1320 = arith.constant 512 : i32
    %dma_start3A_1321 = tpu.memref_slice %arg6[%dma_start3A_1320] : memref<1664xf32, #tpu.memory_space<vmem>> -> memref<128xf32, #tpu.memory_space<vmem>>
    %dma_start3A_1322 = arith.constant 0 : i32
    %dma_start3A_1323 = tpu.memref_slice %arg5[%dma_start3A_1319, %dma_start3A_1322] : memref<13x128xi32, #tpu.memory_space<vmem>> -> memref<1x128xi32, #tpu.memory_space<vmem>>
    %dma_start3A_1324 = tpu.memref_squeeze %dma_start3A_1323 : memref<1x128xi32, #tpu.memory_space<vmem>> -> memref<128xi32, #tpu.memory_space<vmem>>
    %dma_start3A_1325 = arith.constant 0 : i32
    %dma_start3A_1326 = tpu.memref_slice %arg2[%dma_start3A_1325] : memref<2600000xf32, #tpu.memory_space<hbm>> -> memref<2600000xf32, #tpu.memory_space<hbm>>
    tpu.enqueue_indirect_dma source(%dma_start3A_1326 : memref<2600000xf32, #tpu.memory_space<hbm>>) target(%dma_start3A_1321 : memref<128xf32, #tpu.memory_space<vmem>>) offsets(%dma_start3A_1324 : memref<128xi32, #tpu.memory_space<vmem>>) semaphore(%arg7 : memref<!tpu.dma_semaphore, #tpu.memory_space<semaphore_mem>>)
    %dma_start3A_1327 = arith.constant 5 : i32
    %dma_start3A_1328 = arith.constant 640 : i32
    %dma_start3A_1329 = tpu.memref_slice %arg6[%dma_start3A_1328] : memref<1664xf32, #tpu.memory_space<vmem>> -> memref<128xf32, #tpu.memory_space<vmem>>
    %dma_start3A_1330 = arith.constant 0 : i32
    %dma_start3A_1331 = tpu.memref_slice %arg5[%dma_start3A_1327, %dma_start3A_1330] : memref<13x128xi32, #tpu.memory_space<vmem>> -> memref<1x128xi32, #tpu.memory_space<vmem>>
    %dma_start3A_1332 = tpu.memref_squeeze %dma_start3A_1331 : memref<1x128xi32, #tpu.memory_space<vmem>> -> memref<128xi32, #tpu.memory_space<vmem>>
    %dma_start3A_1333 = arith.constant 0 : i32
    %dma_start3A_1334 = tpu.memref_slice %arg2[%dma_start3A_1333] : memref<2600000xf32, #tpu.memory_space<hbm>> -> memref<2600000xf32, #tpu.memory_space<hbm>>
    tpu.enqueue_indirect_dma source(%dma_start3A_1334 : memref<2600000xf32, #tpu.memory_space<hbm>>) target(%dma_start3A_1329 : memref<128xf32, #tpu.memory_space<vmem>>) offsets(%dma_start3A_1332 : memref<128xi32, #tpu.memory_space<vmem>>) semaphore(%arg7 : memref<!tpu.dma_semaphore, #tpu.memory_space<semaphore_mem>>)
    %dma_start3A_1335 = arith.constant 6 : i32
    %dma_start3A_1336 = arith.constant 768 : i32
    %dma_start3A_1337 = tpu.memref_slice %arg6[%dma_start3A_1336] : memref<1664xf32, #tpu.memory_space<vmem>> -> memref<128xf32, #tpu.memory_space<vmem>>
    %dma_start3A_1338 = arith.constant 0 : i32
    %dma_start3A_1339 = tpu.memref_slice %arg5[%dma_start3A_1335, %dma_start3A_1338] : memref<13x128xi32, #tpu.memory_space<vmem>> -> memref<1x128xi32, #tpu.memory_space<vmem>>
    %dma_start3A_1340 = tpu.memref_squeeze %dma_start3A_1339 : memref<1x128xi32, #tpu.memory_space<vmem>> -> memref<128xi32, #tpu.memory_space<vmem>>
    %dma_start3A_1341 = arith.constant 0 : i32
    %dma_start3A_1342 = tpu.memref_slice %arg2[%dma_start3A_1341] : memref<2600000xf32, #tpu.memory_space<hbm>> -> memref<2600000xf32, #tpu.memory_space<hbm>>
    tpu.enqueue_indirect_dma source(%dma_start3A_1342 : memref<2600000xf32, #tpu.memory_space<hbm>>) target(%dma_start3A_1337 : memref<128xf32, #tpu.memory_space<vmem>>) offsets(%dma_start3A_1340 : memref<128xi32, #tpu.memory_space<vmem>>) semaphore(%arg7 : memref<!tpu.dma_semaphore, #tpu.memory_space<semaphore_mem>>)
    %dma_start3A_1343 = arith.constant 7 : i32
    %dma_start3A_1344 = arith.constant 896 : i32
    %dma_start3A_1345 = tpu.memref_slice %arg6[%dma_start3A_1344] : memref<1664xf32, #tpu.memory_space<vmem>> -> memref<128xf32, #tpu.memory_space<vmem>>
    %dma_start3A_1346 = arith.constant 0 : i32
    %dma_start3A_1347 = tpu.memref_slice %arg5[%dma_start3A_1343, %dma_start3A_1346] : memref<13x128xi32, #tpu.memory_space<vmem>> -> memref<1x128xi32, #tpu.memory_space<vmem>>
    %dma_start3A_1348 = tpu.memref_squeeze %dma_start3A_1347 : memref<1x128xi32, #tpu.memory_space<vmem>> -> memref<128xi32, #tpu.memory_space<vmem>>
    %dma_start3A_1349 = arith.constant 0 : i32
    %dma_start3A_1350 = tpu.memref_slice %arg2[%dma_start3A_1349] : memref<2600000xf32, #tpu.memory_space<hbm>> -> memref<2600000xf32, #tpu.memory_space<hbm>>
    tpu.enqueue_indirect_dma source(%dma_start3A_1350 : memref<2600000xf32, #tpu.memory_space<hbm>>) target(%dma_start3A_1345 : memref<128xf32, #tpu.memory_space<vmem>>) offsets(%dma_start3A_1348 : memref<128xi32, #tpu.memory_space<vmem>>) semaphore(%arg7 : memref<!tpu.dma_semaphore, #tpu.memory_space<semaphore_mem>>)
    %dma_start3A_1351 = arith.constant 8 : i32
    %dma_start3A_1352 = arith.constant 1024 : i32
    %dma_start3A_1353 = tpu.memref_slice %arg6[%dma_start3A_1352] : memref<1664xf32, #tpu.memory_space<vmem>> -> memref<128xf32, #tpu.memory_space<vmem>>
    %dma_start3A_1354 = arith.constant 0 : i32
    %dma_start3A_1355 = tpu.memref_slice %arg5[%dma_start3A_1351, %dma_start3A_1354] : memref<13x128xi32, #tpu.memory_space<vmem>> -> memref<1x128xi32, #tpu.memory_space<vmem>>
    %dma_start3A_1356 = tpu.memref_squeeze %dma_start3A_1355 : memref<1x128xi32, #tpu.memory_space<vmem>> -> memref<128xi32, #tpu.memory_space<vmem>>
    %dma_start3A_1357 = arith.constant 0 : i32
    %dma_start3A_1358 = tpu.memref_slice %arg2[%dma_start3A_1357] : memref<2600000xf32, #tpu.memory_space<hbm>> -> memref<2600000xf32, #tpu.memory_space<hbm>>
    tpu.enqueue_indirect_dma source(%dma_start3A_1358 : memref<2600000xf32, #tpu.memory_space<hbm>>) target(%dma_start3A_1353 : memref<128xf32, #tpu.memory_space<vmem>>) offsets(%dma_start3A_1356 : memref<128xi32, #tpu.memory_space<vmem>>) semaphore(%arg7 : memref<!tpu.dma_semaphore, #tpu.memory_space<semaphore_mem>>)
    %dma_start3A_1359 = arith.constant 9 : i32
    %dma_start3A_1360 = arith.constant 1152 : i32
    %dma_start3A_1361 = tpu.memref_slice %arg6[%dma_start3A_1360] : memref<1664xf32, #tpu.memory_space<vmem>> -> memref<128xf32, #tpu.memory_space<vmem>>
    %dma_start3A_1362 = arith.constant 0 : i32
    %dma_start3A_1363 = tpu.memref_slice %arg5[%dma_start3A_1359, %dma_start3A_1362] : memref<13x128xi32, #tpu.memory_space<vmem>> -> memref<1x128xi32, #tpu.memory_space<vmem>>
    %dma_start3A_1364 = tpu.memref_squeeze %dma_start3A_1363 : memref<1x128xi32, #tpu.memory_space<vmem>> -> memref<128xi32, #tpu.memory_space<vmem>>
    %dma_start3A_1365 = arith.constant 0 : i32
    %dma_start3A_1366 = tpu.memref_slice %arg2[%dma_start3A_1365] : memref<2600000xf32, #tpu.memory_space<hbm>> -> memref<2600000xf32, #tpu.memory_space<hbm>>
    tpu.enqueue_indirect_dma source(%dma_start3A_1366 : memref<2600000xf32, #tpu.memory_space<hbm>>) target(%dma_start3A_1361 : memref<128xf32, #tpu.memory_space<vmem>>) offsets(%dma_start3A_1364 : memref<128xi32, #tpu.memory_space<vmem>>) semaphore(%arg7 : memref<!tpu.dma_semaphore, #tpu.memory_space<semaphore_mem>>)
    %dma_start3A_1367 = arith.constant 10 : i32
    %dma_start3A_1368 = arith.constant 1280 : i32
    %dma_start3A_1369 = tpu.memref_slice %arg6[%dma_start3A_1368] : memref<1664xf32, #tpu.memory_space<vmem>> -> memref<128xf32, #tpu.memory_space<vmem>>
    %dma_start3A_1370 = arith.constant 0 : i32
    %dma_start3A_1371 = tpu.memref_slice %arg5[%dma_start3A_1367, %dma_start3A_1370] : memref<13x128xi32, #tpu.memory_space<vmem>> -> memref<1x128xi32, #tpu.memory_space<vmem>>
    %dma_start3A_1372 = tpu.memref_squeeze %dma_start3A_1371 : memref<1x128xi32, #tpu.memory_space<vmem>> -> memref<128xi32, #tpu.memory_space<vmem>>
    %dma_start3A_1373 = arith.constant 0 : i32
    %dma_start3A_1374 = tpu.memref_slice %arg2[%dma_start3A_1373] : memref<2600000xf32, #tpu.memory_space<hbm>> -> memref<2600000xf32, #tpu.memory_space<hbm>>
    tpu.enqueue_indirect_dma source(%dma_start3A_1374 : memref<2600000xf32, #tpu.memory_space<hbm>>) target(%dma_start3A_1369 : memref<128xf32, #tpu.memory_space<vmem>>) offsets(%dma_start3A_1372 : memref<128xi32, #tpu.memory_space<vmem>>) semaphore(%arg7 : memref<!tpu.dma_semaphore, #tpu.memory_space<semaphore_mem>>)
    %dma_start3A_1375 = arith.constant 11 : i32
    %dma_start3A_1376 = arith.constant 1408 : i32
    %dma_start3A_1377 = tpu.memref_slice %arg6[%dma_start3A_1376] : memref<1664xf32, #tpu.memory_space<vmem>> -> memref<128xf32, #tpu.memory_space<vmem>>
    %dma_start3A_1378 = arith.constant 0 : i32
    %dma_start3A_1379 = tpu.memref_slice %arg5[%dma_start3A_1375, %dma_start3A_1378] : memref<13x128xi32, #tpu.memory_space<vmem>> -> memref<1x128xi32, #tpu.memory_space<vmem>>
    %dma_start3A_1380 = tpu.memref_squeeze %dma_start3A_1379 : memref<1x128xi32, #tpu.memory_space<vmem>> -> memref<128xi32, #tpu.memory_space<vmem>>
    %dma_start3A_1381 = arith.constant 0 : i32
    %dma_start3A_1382 = tpu.memref_slice %arg2[%dma_start3A_1381] : memref<2600000xf32, #tpu.memory_space<hbm>> -> memref<2600000xf32, #tpu.memory_space<hbm>>
    tpu.enqueue_indirect_dma source(%dma_start3A_1382 : memref<2600000xf32, #tpu.memory_space<hbm>>) target(%dma_start3A_1377 : memref<128xf32, #tpu.memory_space<vmem>>) offsets(%dma_start3A_1380 : memref<128xi32, #tpu.memory_space<vmem>>) semaphore(%arg7 : memref<!tpu.dma_semaphore, #tpu.memory_space<semaphore_mem>>)
    %dma_start3A_1383 = arith.constant 12 : i32
    %dma_start3A_1384 = arith.constant 1536 : i32
    %dma_start3A_1385 = tpu.memref_slice %arg6[%dma_start3A_1384] : memref<1664xf32, #tpu.memory_space<vmem>> -> memref<128xf32, #tpu.memory_space<vmem>>
    %dma_start3A_1386 = arith.constant 0 : i32
    %dma_start3A_1387 = tpu.memref_slice %arg5[%dma_start3A_1383, %dma_start3A_1386] : memref<13x128xi32, #tpu.memory_space<vmem>> -> memref<1x128xi32, #tpu.memory_space<vmem>>
    %dma_start3A_1388 = tpu.memref_squeeze %dma_start3A_1387 : memref<1x128xi32, #tpu.memory_space<vmem>> -> memref<128xi32, #tpu.memory_space<vmem>>
    %dma_start3A_1389 = arith.constant 0 : i32
    %dma_start3A_1390 = tpu.memref_slice %arg2[%dma_start3A_1389] : memref<2600000xf32, #tpu.memory_space<hbm>> -> memref<2600000xf32, #tpu.memory_space<hbm>>
    tpu.enqueue_indirect_dma source(%dma_start3A_1390 : memref<2600000xf32, #tpu.memory_space<hbm>>) target(%dma_start3A_1385 : memref<128xf32, #tpu.memory_space<vmem>>) offsets(%dma_start3A_1388 : memref<128xi32, #tpu.memory_space<vmem>>) semaphore(%arg7 : memref<!tpu.dma_semaphore, #tpu.memory_space<semaphore_mem>>)
    %dma_wait3A_1391 = arith.constant 0 : i32
    %dma_wait3A_1392 = arith.constant 0 : i32
    %dma_wait3A_1393 = tpu.memref_slice %arg6[%dma_wait3A_1392] : memref<1664xf32, #tpu.memory_space<vmem>> -> memref<128xf32, #tpu.memory_space<vmem>>
    %dma_wait3A_1394 = arith.constant 0 : i32
    %dma_wait3A_1395 = tpu.memref_slice %arg5[%dma_wait3A_1391, %dma_wait3A_1394] : memref<13x128xi32, #tpu.memory_space<vmem>> -> memref<1x128xi32, #tpu.memory_space<vmem>>
    %dma_wait3A_1396 = tpu.memref_squeeze %dma_wait3A_1395 : memref<1x128xi32, #tpu.memory_space<vmem>> -> memref<128xi32, #tpu.memory_space<vmem>>
    %dma_wait3A_1397 = arith.constant 0 : i32
    %dma_wait3A_1398 = tpu.memref_slice %arg2[%dma_wait3A_1397] : memref<2600000xf32, #tpu.memory_space<hbm>> -> memref<2600000xf32, #tpu.memory_space<hbm>>
    tpu.wait_indirect_dma semaphore(%arg7 : memref<!tpu.dma_semaphore, #tpu.memory_space<semaphore_mem>>) src(%dma_wait3A_1398 : memref<2600000xf32, #tpu.memory_space<hbm>>) dst(%dma_wait3A_1393 : memref<128xf32, #tpu.memory_space<vmem>>)
    %dma_wait3A_1399 = arith.constant 1 : i32
    %dma_wait3A_1400 = arith.constant 128 : i32
    %dma_wait3A_1401 = tpu.memref_slice %arg6[%dma_wait3A_1400] : memref<1664xf32, #tpu.memory_space<vmem>> -> memref<128xf32, #tpu.memory_space<vmem>>
    %dma_wait3A_1402 = arith.constant 0 : i32
    %dma_wait3A_1403 = tpu.memref_slice %arg5[%dma_wait3A_1399, %dma_wait3A_1402] : memref<13x128xi32, #tpu.memory_space<vmem>> -> memref<1x128xi32, #tpu.memory_space<vmem>>
    %dma_wait3A_1404 = tpu.memref_squeeze %dma_wait3A_1403 : memref<1x128xi32, #tpu.memory_space<vmem>> -> memref<128xi32, #tpu.memory_space<vmem>>
    %dma_wait3A_1405 = arith.constant 0 : i32
    %dma_wait3A_1406 = tpu.memref_slice %arg2[%dma_wait3A_1405] : memref<2600000xf32, #tpu.memory_space<hbm>> -> memref<2600000xf32, #tpu.memory_space<hbm>>
    tpu.wait_indirect_dma semaphore(%arg7 : memref<!tpu.dma_semaphore, #tpu.memory_space<semaphore_mem>>) src(%dma_wait3A_1406 : memref<2600000xf32, #tpu.memory_space<hbm>>) dst(%dma_wait3A_1401 : memref<128xf32, #tpu.memory_space<vmem>>)
    %dma_wait3A_1407 = arith.constant 2 : i32
    %dma_wait3A_1408 = arith.constant 256 : i32
    %dma_wait3A_1409 = tpu.memref_slice %arg6[%dma_wait3A_1408] : memref<1664xf32, #tpu.memory_space<vmem>> -> memref<128xf32, #tpu.memory_space<vmem>>
    %dma_wait3A_1410 = arith.constant 0 : i32
    %dma_wait3A_1411 = tpu.memref_slice %arg5[%dma_wait3A_1407, %dma_wait3A_1410] : memref<13x128xi32, #tpu.memory_space<vmem>> -> memref<1x128xi32, #tpu.memory_space<vmem>>
    %dma_wait3A_1412 = tpu.memref_squeeze %dma_wait3A_1411 : memref<1x128xi32, #tpu.memory_space<vmem>> -> memref<128xi32, #tpu.memory_space<vmem>>
    %dma_wait3A_1413 = arith.constant 0 : i32
    %dma_wait3A_1414 = tpu.memref_slice %arg2[%dma_wait3A_1413] : memref<2600000xf32, #tpu.memory_space<hbm>> -> memref<2600000xf32, #tpu.memory_space<hbm>>
    tpu.wait_indirect_dma semaphore(%arg7 : memref<!tpu.dma_semaphore, #tpu.memory_space<semaphore_mem>>) src(%dma_wait3A_1414 : memref<2600000xf32, #tpu.memory_space<hbm>>) dst(%dma_wait3A_1409 : memref<128xf32, #tpu.memory_space<vmem>>)
    %dma_wait3A_1415 = arith.constant 3 : i32
    %dma_wait3A_1416 = arith.constant 384 : i32
    %dma_wait3A_1417 = tpu.memref_slice %arg6[%dma_wait3A_1416] : memref<1664xf32, #tpu.memory_space<vmem>> -> memref<128xf32, #tpu.memory_space<vmem>>
    %dma_wait3A_1418 = arith.constant 0 : i32
    %dma_wait3A_1419 = tpu.memref_slice %arg5[%dma_wait3A_1415, %dma_wait3A_1418] : memref<13x128xi32, #tpu.memory_space<vmem>> -> memref<1x128xi32, #tpu.memory_space<vmem>>
    %dma_wait3A_1420 = tpu.memref_squeeze %dma_wait3A_1419 : memref<1x128xi32, #tpu.memory_space<vmem>> -> memref<128xi32, #tpu.memory_space<vmem>>
    %dma_wait3A_1421 = arith.constant 0 : i32
    %dma_wait3A_1422 = tpu.memref_slice %arg2[%dma_wait3A_1421] : memref<2600000xf32, #tpu.memory_space<hbm>> -> memref<2600000xf32, #tpu.memory_space<hbm>>
    tpu.wait_indirect_dma semaphore(%arg7 : memref<!tpu.dma_semaphore, #tpu.memory_space<semaphore_mem>>) src(%dma_wait3A_1422 : memref<2600000xf32, #tpu.memory_space<hbm>>) dst(%dma_wait3A_1417 : memref<128xf32, #tpu.memory_space<vmem>>)
    %dma_wait3A_1423 = arith.constant 4 : i32
    %dma_wait3A_1424 = arith.constant 512 : i32
    %dma_wait3A_1425 = tpu.memref_slice %arg6[%dma_wait3A_1424] : memref<1664xf32, #tpu.memory_space<vmem>> -> memref<128xf32, #tpu.memory_space<vmem>>
    %dma_wait3A_1426 = arith.constant 0 : i32
    %dma_wait3A_1427 = tpu.memref_slice %arg5[%dma_wait3A_1423, %dma_wait3A_1426] : memref<13x128xi32, #tpu.memory_space<vmem>> -> memref<1x128xi32, #tpu.memory_space<vmem>>
    %dma_wait3A_1428 = tpu.memref_squeeze %dma_wait3A_1427 : memref<1x128xi32, #tpu.memory_space<vmem>> -> memref<128xi32, #tpu.memory_space<vmem>>
    %dma_wait3A_1429 = arith.constant 0 : i32
    %dma_wait3A_1430 = tpu.memref_slice %arg2[%dma_wait3A_1429] : memref<2600000xf32, #tpu.memory_space<hbm>> -> memref<2600000xf32, #tpu.memory_space<hbm>>
    tpu.wait_indirect_dma semaphore(%arg7 : memref<!tpu.dma_semaphore, #tpu.memory_space<semaphore_mem>>) src(%dma_wait3A_1430 : memref<2600000xf32, #tpu.memory_space<hbm>>) dst(%dma_wait3A_1425 : memref<128xf32, #tpu.memory_space<vmem>>)
    %dma_wait3A_1431 = arith.constant 5 : i32
    %dma_wait3A_1432 = arith.constant 640 : i32
    %dma_wait3A_1433 = tpu.memref_slice %arg6[%dma_wait3A_1432] : memref<1664xf32, #tpu.memory_space<vmem>> -> memref<128xf32, #tpu.memory_space<vmem>>
    %dma_wait3A_1434 = arith.constant 0 : i32
    %dma_wait3A_1435 = tpu.memref_slice %arg5[%dma_wait3A_1431, %dma_wait3A_1434] : memref<13x128xi32, #tpu.memory_space<vmem>> -> memref<1x128xi32, #tpu.memory_space<vmem>>
    %dma_wait3A_1436 = tpu.memref_squeeze %dma_wait3A_1435 : memref<1x128xi32, #tpu.memory_space<vmem>> -> memref<128xi32, #tpu.memory_space<vmem>>
    %dma_wait3A_1437 = arith.constant 0 : i32
    %dma_wait3A_1438 = tpu.memref_slice %arg2[%dma_wait3A_1437] : memref<2600000xf32, #tpu.memory_space<hbm>> -> memref<2600000xf32, #tpu.memory_space<hbm>>
    tpu.wait_indirect_dma semaphore(%arg7 : memref<!tpu.dma_semaphore, #tpu.memory_space<semaphore_mem>>) src(%dma_wait3A_1438 : memref<2600000xf32, #tpu.memory_space<hbm>>) dst(%dma_wait3A_1433 : memref<128xf32, #tpu.memory_space<vmem>>)
    %dma_wait3A_1439 = arith.constant 6 : i32
    %dma_wait3A_1440 = arith.constant 768 : i32
    %dma_wait3A_1441 = tpu.memref_slice %arg6[%dma_wait3A_1440] : memref<1664xf32, #tpu.memory_space<vmem>> -> memref<128xf32, #tpu.memory_space<vmem>>
    %dma_wait3A_1442 = arith.constant 0 : i32
    %dma_wait3A_1443 = tpu.memref_slice %arg5[%dma_wait3A_1439, %dma_wait3A_1442] : memref<13x128xi32, #tpu.memory_space<vmem>> -> memref<1x128xi32, #tpu.memory_space<vmem>>
    %dma_wait3A_1444 = tpu.memref_squeeze %dma_wait3A_1443 : memref<1x128xi32, #tpu.memory_space<vmem>> -> memref<128xi32, #tpu.memory_space<vmem>>
    %dma_wait3A_1445 = arith.constant 0 : i32
    %dma_wait3A_1446 = tpu.memref_slice %arg2[%dma_wait3A_1445] : memref<2600000xf32, #tpu.memory_space<hbm>> -> memref<2600000xf32, #tpu.memory_space<hbm>>
    tpu.wait_indirect_dma semaphore(%arg7 : memref<!tpu.dma_semaphore, #tpu.memory_space<semaphore_mem>>) src(%dma_wait3A_1446 : memref<2600000xf32, #tpu.memory_space<hbm>>) dst(%dma_wait3A_1441 : memref<128xf32, #tpu.memory_space<vmem>>)
    %dma_wait3A_1447 = arith.constant 7 : i32
    %dma_wait3A_1448 = arith.constant 896 : i32
    %dma_wait3A_1449 = tpu.memref_slice %arg6[%dma_wait3A_1448] : memref<1664xf32, #tpu.memory_space<vmem>> -> memref<128xf32, #tpu.memory_space<vmem>>
    %dma_wait3A_1450 = arith.constant 0 : i32
    %dma_wait3A_1451 = tpu.memref_slice %arg5[%dma_wait3A_1447, %dma_wait3A_1450] : memref<13x128xi32, #tpu.memory_space<vmem>> -> memref<1x128xi32, #tpu.memory_space<vmem>>
    %dma_wait3A_1452 = tpu.memref_squeeze %dma_wait3A_1451 : memref<1x128xi32, #tpu.memory_space<vmem>> -> memref<128xi32, #tpu.memory_space<vmem>>
    %dma_wait3A_1453 = arith.constant 0 : i32
    %dma_wait3A_1454 = tpu.memref_slice %arg2[%dma_wait3A_1453] : memref<2600000xf32, #tpu.memory_space<hbm>> -> memref<2600000xf32, #tpu.memory_space<hbm>>
    tpu.wait_indirect_dma semaphore(%arg7 : memref<!tpu.dma_semaphore, #tpu.memory_space<semaphore_mem>>) src(%dma_wait3A_1454 : memref<2600000xf32, #tpu.memory_space<hbm>>) dst(%dma_wait3A_1449 : memref<128xf32, #tpu.memory_space<vmem>>)
    %dma_wait3A_1455 = arith.constant 8 : i32
    %dma_wait3A_1456 = arith.constant 1024 : i32
    %dma_wait3A_1457 = tpu.memref_slice %arg6[%dma_wait3A_1456] : memref<1664xf32, #tpu.memory_space<vmem>> -> memref<128xf32, #tpu.memory_space<vmem>>
    %dma_wait3A_1458 = arith.constant 0 : i32
    %dma_wait3A_1459 = tpu.memref_slice %arg5[%dma_wait3A_1455, %dma_wait3A_1458] : memref<13x128xi32, #tpu.memory_space<vmem>> -> memref<1x128xi32, #tpu.memory_space<vmem>>
    %dma_wait3A_1460 = tpu.memref_squeeze %dma_wait3A_1459 : memref<1x128xi32, #tpu.memory_space<vmem>> -> memref<128xi32, #tpu.memory_space<vmem>>
    %dma_wait3A_1461 = arith.constant 0 : i32
    %dma_wait3A_1462 = tpu.memref_slice %arg2[%dma_wait3A_1461] : memref<2600000xf32, #tpu.memory_space<hbm>> -> memref<2600000xf32, #tpu.memory_space<hbm>>
    tpu.wait_indirect_dma semaphore(%arg7 : memref<!tpu.dma_semaphore, #tpu.memory_space<semaphore_mem>>) src(%dma_wait3A_1462 : memref<2600000xf32, #tpu.memory_space<hbm>>) dst(%dma_wait3A_1457 : memref<128xf32, #tpu.memory_space<vmem>>)
    %dma_wait3A_1463 = arith.constant 9 : i32
    %dma_wait3A_1464 = arith.constant 1152 : i32
    %dma_wait3A_1465 = tpu.memref_slice %arg6[%dma_wait3A_1464] : memref<1664xf32, #tpu.memory_space<vmem>> -> memref<128xf32, #tpu.memory_space<vmem>>
    %dma_wait3A_1466 = arith.constant 0 : i32
    %dma_wait3A_1467 = tpu.memref_slice %arg5[%dma_wait3A_1463, %dma_wait3A_1466] : memref<13x128xi32, #tpu.memory_space<vmem>> -> memref<1x128xi32, #tpu.memory_space<vmem>>
    %dma_wait3A_1468 = tpu.memref_squeeze %dma_wait3A_1467 : memref<1x128xi32, #tpu.memory_space<vmem>> -> memref<128xi32, #tpu.memory_space<vmem>>
    %dma_wait3A_1469 = arith.constant 0 : i32
    %dma_wait3A_1470 = tpu.memref_slice %arg2[%dma_wait3A_1469] : memref<2600000xf32, #tpu.memory_space<hbm>> -> memref<2600000xf32, #tpu.memory_space<hbm>>
    tpu.wait_indirect_dma semaphore(%arg7 : memref<!tpu.dma_semaphore, #tpu.memory_space<semaphore_mem>>) src(%dma_wait3A_1470 : memref<2600000xf32, #tpu.memory_space<hbm>>) dst(%dma_wait3A_1465 : memref<128xf32, #tpu.memory_space<vmem>>)
    %dma_wait3A_1471 = arith.constant 10 : i32
    %dma_wait3A_1472 = arith.constant 1280 : i32
    %dma_wait3A_1473 = tpu.memref_slice %arg6[%dma_wait3A_1472] : memref<1664xf32, #tpu.memory_space<vmem>> -> memref<128xf32, #tpu.memory_space<vmem>>
    %dma_wait3A_1474 = arith.constant 0 : i32
    %dma_wait3A_1475 = tpu.memref_slice %arg5[%dma_wait3A_1471, %dma_wait3A_1474] : memref<13x128xi32, #tpu.memory_space<vmem>> -> memref<1x128xi32, #tpu.memory_space<vmem>>
    %dma_wait3A_1476 = tpu.memref_squeeze %dma_wait3A_1475 : memref<1x128xi32, #tpu.memory_space<vmem>> -> memref<128xi32, #tpu.memory_space<vmem>>
    %dma_wait3A_1477 = arith.constant 0 : i32
    %dma_wait3A_1478 = tpu.memref_slice %arg2[%dma_wait3A_1477] : memref<2600000xf32, #tpu.memory_space<hbm>> -> memref<2600000xf32, #tpu.memory_space<hbm>>
    tpu.wait_indirect_dma semaphore(%arg7 : memref<!tpu.dma_semaphore, #tpu.memory_space<semaphore_mem>>) src(%dma_wait3A_1478 : memref<2600000xf32, #tpu.memory_space<hbm>>) dst(%dma_wait3A_1473 : memref<128xf32, #tpu.memory_space<vmem>>)
    %dma_wait3A_1479 = arith.constant 11 : i32
    %dma_wait3A_1480 = arith.constant 1408 : i32
    %dma_wait3A_1481 = tpu.memref_slice %arg6[%dma_wait3A_1480] : memref<1664xf32, #tpu.memory_space<vmem>> -> memref<128xf32, #tpu.memory_space<vmem>>
    %dma_wait3A_1482 = arith.constant 0 : i32
    %dma_wait3A_1483 = tpu.memref_slice %arg5[%dma_wait3A_1479, %dma_wait3A_1482] : memref<13x128xi32, #tpu.memory_space<vmem>> -> memref<1x128xi32, #tpu.memory_space<vmem>>
    %dma_wait3A_1484 = tpu.memref_squeeze %dma_wait3A_1483 : memref<1x128xi32, #tpu.memory_space<vmem>> -> memref<128xi32, #tpu.memory_space<vmem>>
    %dma_wait3A_1485 = arith.constant 0 : i32
    %dma_wait3A_1486 = tpu.memref_slice %arg2[%dma_wait3A_1485] : memref<2600000xf32, #tpu.memory_space<hbm>> -> memref<2600000xf32, #tpu.memory_space<hbm>>
    tpu.wait_indirect_dma semaphore(%arg7 : memref<!tpu.dma_semaphore, #tpu.memory_space<semaphore_mem>>) src(%dma_wait3A_1486 : memref<2600000xf32, #tpu.memory_space<hbm>>) dst(%dma_wait3A_1481 : memref<128xf32, #tpu.memory_space<vmem>>)
    %dma_wait3A_1487 = arith.constant 12 : i32
    %dma_wait3A_1488 = arith.constant 1536 : i32
    %dma_wait3A_1489 = tpu.memref_slice %arg6[%dma_wait3A_1488] : memref<1664xf32, #tpu.memory_space<vmem>> -> memref<128xf32, #tpu.memory_space<vmem>>
    %dma_wait3A_1490 = arith.constant 0 : i32
    %dma_wait3A_1491 = tpu.memref_slice %arg5[%dma_wait3A_1487, %dma_wait3A_1490] : memref<13x128xi32, #tpu.memory_space<vmem>> -> memref<1x128xi32, #tpu.memory_space<vmem>>
    %dma_wait3A_1492 = tpu.memref_squeeze %dma_wait3A_1491 : memref<1x128xi32, #tpu.memory_space<vmem>> -> memref<128xi32, #tpu.memory_space<vmem>>
    %dma_wait3A_1493 = arith.constant 0 : i32
    %dma_wait3A_1494 = tpu.memref_slice %arg2[%dma_wait3A_1493] : memref<2600000xf32, #tpu.memory_space<hbm>> -> memref<2600000xf32, #tpu.memory_space<hbm>>
    tpu.wait_indirect_dma semaphore(%arg7 : memref<!tpu.dma_semaphore, #tpu.memory_space<semaphore_mem>>) src(%dma_wait3A_1494 : memref<2600000xf32, #tpu.memory_space<hbm>>) dst(%dma_wait3A_1489 : memref<128xf32, #tpu.memory_space<vmem>>)
    %mul3A_1495 = arith.constant 128 : i32
    %mul3A_1496 = arith.muli %add3A_1286, %mul3A_1495 : i32
    "tpu.region"() ({
      %run_scoped3A = tpu.sem_alloc : memref<!tpu.dma_semaphore, #tpu.memory_space<semaphore_mem>>
      %dma_start3A_1711 = tpu.memref_slice %arg4[%mul3A_1496] : memref<425984xf32, #tpu.memory_space<hbm>> -> memref<1664xf32, #tpu.memory_space<hbm>>
      %dma_start3A_1712 = tpu.memref_slice %arg4[%mul3A_1496] : memref<425984xf32, #tpu.memory_space<hbm>> -> memref<1664xf32, #tpu.memory_space<hbm>>
      tpu.enqueue_dma source(%arg6 : memref<1664xf32, #tpu.memory_space<vmem>>) target(%dma_start3A_1712 : memref<1664xf32, #tpu.memory_space<hbm>>) target_semaphore(%run_scoped3A : memref<!tpu.dma_semaphore, #tpu.memory_space<semaphore_mem>>)
      %dma_wait3A_1713 = tpu.memref_slice %arg4[%mul3A_1496] : memref<425984xf32, #tpu.memory_space<hbm>> -> memref<1664xf32, #tpu.memory_space<hbm>>
      %dma_wait3A_1714 = tpu.memref_slice %arg4[%mul3A_1496] : memref<425984xf32, #tpu.memory_space<hbm>> -> memref<1664xf32, #tpu.memory_space<hbm>>
      tpu.wait_dma2 semaphore(%run_scoped3A : memref<!tpu.dma_semaphore, #tpu.memory_space<semaphore_mem>>) src(%arg6 : memref<1664xf32, #tpu.memory_space<vmem>>) dst(%dma_wait3A_1714 : memref<1664xf32, #tpu.memory_space<hbm>>)
      tpu.yield
    }) : () -> ()
    %mul3A_1497 = arith.constant 104 : i32
    %mul3A_1498 = arith.muli %add3A, %mul3A_1497 : i32
    %add3A_1499 = arith.constant 91 : i32
    %add3A_1500 = arith.addi %mul3A_1498, %add3A_1499 : i32
    "tpu.region"() ({
      %run_scoped3A = tpu.sem_alloc : memref<!tpu.dma_semaphore, #tpu.memory_space<semaphore_mem>>
      %dma_start3A_1711 = arith.constant 0 : i32
      %dma_start3A_1712 = tpu.memref_slice %arg3[%add3A_1500, %dma_start3A_1711] : memref<3328x128xi32, #tpu.memory_space<hbm>> -> memref<13x128xi32, #tpu.memory_space<hbm>>
      %dma_start3A_1713 = arith.constant 0 : i32
      %dma_start3A_1714 = tpu.memref_slice %arg3[%add3A_1500, %dma_start3A_1713] : memref<3328x128xi32, #tpu.memory_space<hbm>> -> memref<13x128xi32, #tpu.memory_space<hbm>>
      tpu.enqueue_dma source(%dma_start3A_1714 : memref<13x128xi32, #tpu.memory_space<hbm>>) target(%arg5 : memref<13x128xi32, #tpu.memory_space<vmem>>) target_semaphore(%run_scoped3A : memref<!tpu.dma_semaphore, #tpu.memory_space<semaphore_mem>>)
      %dma_wait3A_1715 = arith.constant 0 : i32
      %dma_wait3A_1716 = tpu.memref_slice %arg3[%add3A_1500, %dma_wait3A_1715] : memref<3328x128xi32, #tpu.memory_space<hbm>> -> memref<13x128xi32, #tpu.memory_space<hbm>>
      %dma_wait3A_1717 = arith.constant 0 : i32
      %dma_wait3A_1718 = tpu.memref_slice %arg3[%add3A_1500, %dma_wait3A_1717] : memref<3328x128xi32, #tpu.memory_space<hbm>> -> memref<13x128xi32, #tpu.memory_space<hbm>>
      tpu.wait_dma2 semaphore(%run_scoped3A : memref<!tpu.dma_semaphore, #tpu.memory_space<semaphore_mem>>) src(%dma_wait3A_1718 : memref<13x128xi32, #tpu.memory_space<hbm>>) dst(%arg5 : memref<13x128xi32, #tpu.memory_space<vmem>>)
      tpu.yield
    }) : () -> ()
    %dma_start3A_1501 = arith.constant 0 : i32
    %dma_start3A_1502 = arith.constant 0 : i32
    %dma_start3A_1503 = tpu.memref_slice %arg6[%dma_start3A_1502] : memref<1664xf32, #tpu.memory_space<vmem>> -> memref<128xf32, #tpu.memory_space<vmem>>
    %dma_start3A_1504 = arith.constant 0 : i32
    %dma_start3A_1505 = tpu.memref_slice %arg5[%dma_start3A_1501, %dma_start3A_1504] : memref<13x128xi32, #tpu.memory_space<vmem>> -> memref<1x128xi32, #tpu.memory_space<vmem>>
    %dma_start3A_1506 = tpu.memref_squeeze %dma_start3A_1505 : memref<1x128xi32, #tpu.memory_space<vmem>> -> memref<128xi32, #tpu.memory_space<vmem>>
    %dma_start3A_1507 = arith.constant 0 : i32
    %dma_start3A_1508 = tpu.memref_slice %arg2[%dma_start3A_1507] : memref<2600000xf32, #tpu.memory_space<hbm>> -> memref<2600000xf32, #tpu.memory_space<hbm>>
    tpu.enqueue_indirect_dma source(%dma_start3A_1508 : memref<2600000xf32, #tpu.memory_space<hbm>>) target(%dma_start3A_1503 : memref<128xf32, #tpu.memory_space<vmem>>) offsets(%dma_start3A_1506 : memref<128xi32, #tpu.memory_space<vmem>>) semaphore(%arg7 : memref<!tpu.dma_semaphore, #tpu.memory_space<semaphore_mem>>)
    %dma_start3A_1509 = arith.constant 1 : i32
    %dma_start3A_1510 = arith.constant 128 : i32
    %dma_start3A_1511 = tpu.memref_slice %arg6[%dma_start3A_1510] : memref<1664xf32, #tpu.memory_space<vmem>> -> memref<128xf32, #tpu.memory_space<vmem>>
    %dma_start3A_1512 = arith.constant 0 : i32
    %dma_start3A_1513 = tpu.memref_slice %arg5[%dma_start3A_1509, %dma_start3A_1512] : memref<13x128xi32, #tpu.memory_space<vmem>> -> memref<1x128xi32, #tpu.memory_space<vmem>>
    %dma_start3A_1514 = tpu.memref_squeeze %dma_start3A_1513 : memref<1x128xi32, #tpu.memory_space<vmem>> -> memref<128xi32, #tpu.memory_space<vmem>>
    %dma_start3A_1515 = arith.constant 0 : i32
    %dma_start3A_1516 = tpu.memref_slice %arg2[%dma_start3A_1515] : memref<2600000xf32, #tpu.memory_space<hbm>> -> memref<2600000xf32, #tpu.memory_space<hbm>>
    tpu.enqueue_indirect_dma source(%dma_start3A_1516 : memref<2600000xf32, #tpu.memory_space<hbm>>) target(%dma_start3A_1511 : memref<128xf32, #tpu.memory_space<vmem>>) offsets(%dma_start3A_1514 : memref<128xi32, #tpu.memory_space<vmem>>) semaphore(%arg7 : memref<!tpu.dma_semaphore, #tpu.memory_space<semaphore_mem>>)
    %dma_start3A_1517 = arith.constant 2 : i32
    %dma_start3A_1518 = arith.constant 256 : i32
    %dma_start3A_1519 = tpu.memref_slice %arg6[%dma_start3A_1518] : memref<1664xf32, #tpu.memory_space<vmem>> -> memref<128xf32, #tpu.memory_space<vmem>>
    %dma_start3A_1520 = arith.constant 0 : i32
    %dma_start3A_1521 = tpu.memref_slice %arg5[%dma_start3A_1517, %dma_start3A_1520] : memref<13x128xi32, #tpu.memory_space<vmem>> -> memref<1x128xi32, #tpu.memory_space<vmem>>
    %dma_start3A_1522 = tpu.memref_squeeze %dma_start3A_1521 : memref<1x128xi32, #tpu.memory_space<vmem>> -> memref<128xi32, #tpu.memory_space<vmem>>
    %dma_start3A_1523 = arith.constant 0 : i32
    %dma_start3A_1524 = tpu.memref_slice %arg2[%dma_start3A_1523] : memref<2600000xf32, #tpu.memory_space<hbm>> -> memref<2600000xf32, #tpu.memory_space<hbm>>
    tpu.enqueue_indirect_dma source(%dma_start3A_1524 : memref<2600000xf32, #tpu.memory_space<hbm>>) target(%dma_start3A_1519 : memref<128xf32, #tpu.memory_space<vmem>>) offsets(%dma_start3A_1522 : memref<128xi32, #tpu.memory_space<vmem>>) semaphore(%arg7 : memref<!tpu.dma_semaphore, #tpu.memory_space<semaphore_mem>>)
    %dma_start3A_1525 = arith.constant 3 : i32
    %dma_start3A_1526 = arith.constant 384 : i32
    %dma_start3A_1527 = tpu.memref_slice %arg6[%dma_start3A_1526] : memref<1664xf32, #tpu.memory_space<vmem>> -> memref<128xf32, #tpu.memory_space<vmem>>
    %dma_start3A_1528 = arith.constant 0 : i32
    %dma_start3A_1529 = tpu.memref_slice %arg5[%dma_start3A_1525, %dma_start3A_1528] : memref<13x128xi32, #tpu.memory_space<vmem>> -> memref<1x128xi32, #tpu.memory_space<vmem>>
    %dma_start3A_1530 = tpu.memref_squeeze %dma_start3A_1529 : memref<1x128xi32, #tpu.memory_space<vmem>> -> memref<128xi32, #tpu.memory_space<vmem>>
    %dma_start3A_1531 = arith.constant 0 : i32
    %dma_start3A_1532 = tpu.memref_slice %arg2[%dma_start3A_1531] : memref<2600000xf32, #tpu.memory_space<hbm>> -> memref<2600000xf32, #tpu.memory_space<hbm>>
    tpu.enqueue_indirect_dma source(%dma_start3A_1532 : memref<2600000xf32, #tpu.memory_space<hbm>>) target(%dma_start3A_1527 : memref<128xf32, #tpu.memory_space<vmem>>) offsets(%dma_start3A_1530 : memref<128xi32, #tpu.memory_space<vmem>>) semaphore(%arg7 : memref<!tpu.dma_semaphore, #tpu.memory_space<semaphore_mem>>)
    %dma_start3A_1533 = arith.constant 4 : i32
    %dma_start3A_1534 = arith.constant 512 : i32
    %dma_start3A_1535 = tpu.memref_slice %arg6[%dma_start3A_1534] : memref<1664xf32, #tpu.memory_space<vmem>> -> memref<128xf32, #tpu.memory_space<vmem>>
    %dma_start3A_1536 = arith.constant 0 : i32
    %dma_start3A_1537 = tpu.memref_slice %arg5[%dma_start3A_1533, %dma_start3A_1536] : memref<13x128xi32, #tpu.memory_space<vmem>> -> memref<1x128xi32, #tpu.memory_space<vmem>>
    %dma_start3A_1538 = tpu.memref_squeeze %dma_start3A_1537 : memref<1x128xi32, #tpu.memory_space<vmem>> -> memref<128xi32, #tpu.memory_space<vmem>>
    %dma_start3A_1539 = arith.constant 0 : i32
    %dma_start3A_1540 = tpu.memref_slice %arg2[%dma_start3A_1539] : memref<2600000xf32, #tpu.memory_space<hbm>> -> memref<2600000xf32, #tpu.memory_space<hbm>>
    tpu.enqueue_indirect_dma source(%dma_start3A_1540 : memref<2600000xf32, #tpu.memory_space<hbm>>) target(%dma_start3A_1535 : memref<128xf32, #tpu.memory_space<vmem>>) offsets(%dma_start3A_1538 : memref<128xi32, #tpu.memory_space<vmem>>) semaphore(%arg7 : memref<!tpu.dma_semaphore, #tpu.memory_space<semaphore_mem>>)
    %dma_start3A_1541 = arith.constant 5 : i32
    %dma_start3A_1542 = arith.constant 640 : i32
    %dma_start3A_1543 = tpu.memref_slice %arg6[%dma_start3A_1542] : memref<1664xf32, #tpu.memory_space<vmem>> -> memref<128xf32, #tpu.memory_space<vmem>>
    %dma_start3A_1544 = arith.constant 0 : i32
    %dma_start3A_1545 = tpu.memref_slice %arg5[%dma_start3A_1541, %dma_start3A_1544] : memref<13x128xi32, #tpu.memory_space<vmem>> -> memref<1x128xi32, #tpu.memory_space<vmem>>
    %dma_start3A_1546 = tpu.memref_squeeze %dma_start3A_1545 : memref<1x128xi32, #tpu.memory_space<vmem>> -> memref<128xi32, #tpu.memory_space<vmem>>
    %dma_start3A_1547 = arith.constant 0 : i32
    %dma_start3A_1548 = tpu.memref_slice %arg2[%dma_start3A_1547] : memref<2600000xf32, #tpu.memory_space<hbm>> -> memref<2600000xf32, #tpu.memory_space<hbm>>
    tpu.enqueue_indirect_dma source(%dma_start3A_1548 : memref<2600000xf32, #tpu.memory_space<hbm>>) target(%dma_start3A_1543 : memref<128xf32, #tpu.memory_space<vmem>>) offsets(%dma_start3A_1546 : memref<128xi32, #tpu.memory_space<vmem>>) semaphore(%arg7 : memref<!tpu.dma_semaphore, #tpu.memory_space<semaphore_mem>>)
    %dma_start3A_1549 = arith.constant 6 : i32
    %dma_start3A_1550 = arith.constant 768 : i32
    %dma_start3A_1551 = tpu.memref_slice %arg6[%dma_start3A_1550] : memref<1664xf32, #tpu.memory_space<vmem>> -> memref<128xf32, #tpu.memory_space<vmem>>
    %dma_start3A_1552 = arith.constant 0 : i32
    %dma_start3A_1553 = tpu.memref_slice %arg5[%dma_start3A_1549, %dma_start3A_1552] : memref<13x128xi32, #tpu.memory_space<vmem>> -> memref<1x128xi32, #tpu.memory_space<vmem>>
    %dma_start3A_1554 = tpu.memref_squeeze %dma_start3A_1553 : memref<1x128xi32, #tpu.memory_space<vmem>> -> memref<128xi32, #tpu.memory_space<vmem>>
    %dma_start3A_1555 = arith.constant 0 : i32
    %dma_start3A_1556 = tpu.memref_slice %arg2[%dma_start3A_1555] : memref<2600000xf32, #tpu.memory_space<hbm>> -> memref<2600000xf32, #tpu.memory_space<hbm>>
    tpu.enqueue_indirect_dma source(%dma_start3A_1556 : memref<2600000xf32, #tpu.memory_space<hbm>>) target(%dma_start3A_1551 : memref<128xf32, #tpu.memory_space<vmem>>) offsets(%dma_start3A_1554 : memref<128xi32, #tpu.memory_space<vmem>>) semaphore(%arg7 : memref<!tpu.dma_semaphore, #tpu.memory_space<semaphore_mem>>)
    %dma_start3A_1557 = arith.constant 7 : i32
    %dma_start3A_1558 = arith.constant 896 : i32
    %dma_start3A_1559 = tpu.memref_slice %arg6[%dma_start3A_1558] : memref<1664xf32, #tpu.memory_space<vmem>> -> memref<128xf32, #tpu.memory_space<vmem>>
    %dma_start3A_1560 = arith.constant 0 : i32
    %dma_start3A_1561 = tpu.memref_slice %arg5[%dma_start3A_1557, %dma_start3A_1560] : memref<13x128xi32, #tpu.memory_space<vmem>> -> memref<1x128xi32, #tpu.memory_space<vmem>>
    %dma_start3A_1562 = tpu.memref_squeeze %dma_start3A_1561 : memref<1x128xi32, #tpu.memory_space<vmem>> -> memref<128xi32, #tpu.memory_space<vmem>>
    %dma_start3A_1563 = arith.constant 0 : i32
    %dma_start3A_1564 = tpu.memref_slice %arg2[%dma_start3A_1563] : memref<2600000xf32, #tpu.memory_space<hbm>> -> memref<2600000xf32, #tpu.memory_space<hbm>>
    tpu.enqueue_indirect_dma source(%dma_start3A_1564 : memref<2600000xf32, #tpu.memory_space<hbm>>) target(%dma_start3A_1559 : memref<128xf32, #tpu.memory_space<vmem>>) offsets(%dma_start3A_1562 : memref<128xi32, #tpu.memory_space<vmem>>) semaphore(%arg7 : memref<!tpu.dma_semaphore, #tpu.memory_space<semaphore_mem>>)
    %dma_start3A_1565 = arith.constant 8 : i32
    %dma_start3A_1566 = arith.constant 1024 : i32
    %dma_start3A_1567 = tpu.memref_slice %arg6[%dma_start3A_1566] : memref<1664xf32, #tpu.memory_space<vmem>> -> memref<128xf32, #tpu.memory_space<vmem>>
    %dma_start3A_1568 = arith.constant 0 : i32
    %dma_start3A_1569 = tpu.memref_slice %arg5[%dma_start3A_1565, %dma_start3A_1568] : memref<13x128xi32, #tpu.memory_space<vmem>> -> memref<1x128xi32, #tpu.memory_space<vmem>>
    %dma_start3A_1570 = tpu.memref_squeeze %dma_start3A_1569 : memref<1x128xi32, #tpu.memory_space<vmem>> -> memref<128xi32, #tpu.memory_space<vmem>>
    %dma_start3A_1571 = arith.constant 0 : i32
    %dma_start3A_1572 = tpu.memref_slice %arg2[%dma_start3A_1571] : memref<2600000xf32, #tpu.memory_space<hbm>> -> memref<2600000xf32, #tpu.memory_space<hbm>>
    tpu.enqueue_indirect_dma source(%dma_start3A_1572 : memref<2600000xf32, #tpu.memory_space<hbm>>) target(%dma_start3A_1567 : memref<128xf32, #tpu.memory_space<vmem>>) offsets(%dma_start3A_1570 : memref<128xi32, #tpu.memory_space<vmem>>) semaphore(%arg7 : memref<!tpu.dma_semaphore, #tpu.memory_space<semaphore_mem>>)
    %dma_start3A_1573 = arith.constant 9 : i32
    %dma_start3A_1574 = arith.constant 1152 : i32
    %dma_start3A_1575 = tpu.memref_slice %arg6[%dma_start3A_1574] : memref<1664xf32, #tpu.memory_space<vmem>> -> memref<128xf32, #tpu.memory_space<vmem>>
    %dma_start3A_1576 = arith.constant 0 : i32
    %dma_start3A_1577 = tpu.memref_slice %arg5[%dma_start3A_1573, %dma_start3A_1576] : memref<13x128xi32, #tpu.memory_space<vmem>> -> memref<1x128xi32, #tpu.memory_space<vmem>>
    %dma_start3A_1578 = tpu.memref_squeeze %dma_start3A_1577 : memref<1x128xi32, #tpu.memory_space<vmem>> -> memref<128xi32, #tpu.memory_space<vmem>>
    %dma_start3A_1579 = arith.constant 0 : i32
    %dma_start3A_1580 = tpu.memref_slice %arg2[%dma_start3A_1579] : memref<2600000xf32, #tpu.memory_space<hbm>> -> memref<2600000xf32, #tpu.memory_space<hbm>>
    tpu.enqueue_indirect_dma source(%dma_start3A_1580 : memref<2600000xf32, #tpu.memory_space<hbm>>) target(%dma_start3A_1575 : memref<128xf32, #tpu.memory_space<vmem>>) offsets(%dma_start3A_1578 : memref<128xi32, #tpu.memory_space<vmem>>) semaphore(%arg7 : memref<!tpu.dma_semaphore, #tpu.memory_space<semaphore_mem>>)
    %dma_start3A_1581 = arith.constant 10 : i32
    %dma_start3A_1582 = arith.constant 1280 : i32
    %dma_start3A_1583 = tpu.memref_slice %arg6[%dma_start3A_1582] : memref<1664xf32, #tpu.memory_space<vmem>> -> memref<128xf32, #tpu.memory_space<vmem>>
    %dma_start3A_1584 = arith.constant 0 : i32
    %dma_start3A_1585 = tpu.memref_slice %arg5[%dma_start3A_1581, %dma_start3A_1584] : memref<13x128xi32, #tpu.memory_space<vmem>> -> memref<1x128xi32, #tpu.memory_space<vmem>>
    %dma_start3A_1586 = tpu.memref_squeeze %dma_start3A_1585 : memref<1x128xi32, #tpu.memory_space<vmem>> -> memref<128xi32, #tpu.memory_space<vmem>>
    %dma_start3A_1587 = arith.constant 0 : i32
    %dma_start3A_1588 = tpu.memref_slice %arg2[%dma_start3A_1587] : memref<2600000xf32, #tpu.memory_space<hbm>> -> memref<2600000xf32, #tpu.memory_space<hbm>>
    tpu.enqueue_indirect_dma source(%dma_start3A_1588 : memref<2600000xf32, #tpu.memory_space<hbm>>) target(%dma_start3A_1583 : memref<128xf32, #tpu.memory_space<vmem>>) offsets(%dma_start3A_1586 : memref<128xi32, #tpu.memory_space<vmem>>) semaphore(%arg7 : memref<!tpu.dma_semaphore, #tpu.memory_space<semaphore_mem>>)
    %dma_start3A_1589 = arith.constant 11 : i32
    %dma_start3A_1590 = arith.constant 1408 : i32
    %dma_start3A_1591 = tpu.memref_slice %arg6[%dma_start3A_1590] : memref<1664xf32, #tpu.memory_space<vmem>> -> memref<128xf32, #tpu.memory_space<vmem>>
    %dma_start3A_1592 = arith.constant 0 : i32
    %dma_start3A_1593 = tpu.memref_slice %arg5[%dma_start3A_1589, %dma_start3A_1592] : memref<13x128xi32, #tpu.memory_space<vmem>> -> memref<1x128xi32, #tpu.memory_space<vmem>>
    %dma_start3A_1594 = tpu.memref_squeeze %dma_start3A_1593 : memref<1x128xi32, #tpu.memory_space<vmem>> -> memref<128xi32, #tpu.memory_space<vmem>>
    %dma_start3A_1595 = arith.constant 0 : i32
    %dma_start3A_1596 = tpu.memref_slice %arg2[%dma_start3A_1595] : memref<2600000xf32, #tpu.memory_space<hbm>> -> memref<2600000xf32, #tpu.memory_space<hbm>>
    tpu.enqueue_indirect_dma source(%dma_start3A_1596 : memref<2600000xf32, #tpu.memory_space<hbm>>) target(%dma_start3A_1591 : memref<128xf32, #tpu.memory_space<vmem>>) offsets(%dma_start3A_1594 : memref<128xi32, #tpu.memory_space<vmem>>) semaphore(%arg7 : memref<!tpu.dma_semaphore, #tpu.memory_space<semaphore_mem>>)
    %dma_start3A_1597 = arith.constant 12 : i32
    %dma_start3A_1598 = arith.constant 1536 : i32
    %dma_start3A_1599 = tpu.memref_slice %arg6[%dma_start3A_1598] : memref<1664xf32, #tpu.memory_space<vmem>> -> memref<128xf32, #tpu.memory_space<vmem>>
    %dma_start3A_1600 = arith.constant 0 : i32
    %dma_start3A_1601 = tpu.memref_slice %arg5[%dma_start3A_1597, %dma_start3A_1600] : memref<13x128xi32, #tpu.memory_space<vmem>> -> memref<1x128xi32, #tpu.memory_space<vmem>>
    %dma_start3A_1602 = tpu.memref_squeeze %dma_start3A_1601 : memref<1x128xi32, #tpu.memory_space<vmem>> -> memref<128xi32, #tpu.memory_space<vmem>>
    %dma_start3A_1603 = arith.constant 0 : i32
    %dma_start3A_1604 = tpu.memref_slice %arg2[%dma_start3A_1603] : memref<2600000xf32, #tpu.memory_space<hbm>> -> memref<2600000xf32, #tpu.memory_space<hbm>>
    tpu.enqueue_indirect_dma source(%dma_start3A_1604 : memref<2600000xf32, #tpu.memory_space<hbm>>) target(%dma_start3A_1599 : memref<128xf32, #tpu.memory_space<vmem>>) offsets(%dma_start3A_1602 : memref<128xi32, #tpu.memory_space<vmem>>) semaphore(%arg7 : memref<!tpu.dma_semaphore, #tpu.memory_space<semaphore_mem>>)
    %dma_wait3A_1605 = arith.constant 0 : i32
    %dma_wait3A_1606 = arith.constant 0 : i32
    %dma_wait3A_1607 = tpu.memref_slice %arg6[%dma_wait3A_1606] : memref<1664xf32, #tpu.memory_space<vmem>> -> memref<128xf32, #tpu.memory_space<vmem>>
    %dma_wait3A_1608 = arith.constant 0 : i32
    %dma_wait3A_1609 = tpu.memref_slice %arg5[%dma_wait3A_1605, %dma_wait3A_1608] : memref<13x128xi32, #tpu.memory_space<vmem>> -> memref<1x128xi32, #tpu.memory_space<vmem>>
    %dma_wait3A_1610 = tpu.memref_squeeze %dma_wait3A_1609 : memref<1x128xi32, #tpu.memory_space<vmem>> -> memref<128xi32, #tpu.memory_space<vmem>>
    %dma_wait3A_1611 = arith.constant 0 : i32
    %dma_wait3A_1612 = tpu.memref_slice %arg2[%dma_wait3A_1611] : memref<2600000xf32, #tpu.memory_space<hbm>> -> memref<2600000xf32, #tpu.memory_space<hbm>>
    tpu.wait_indirect_dma semaphore(%arg7 : memref<!tpu.dma_semaphore, #tpu.memory_space<semaphore_mem>>) src(%dma_wait3A_1612 : memref<2600000xf32, #tpu.memory_space<hbm>>) dst(%dma_wait3A_1607 : memref<128xf32, #tpu.memory_space<vmem>>)
    %dma_wait3A_1613 = arith.constant 1 : i32
    %dma_wait3A_1614 = arith.constant 128 : i32
    %dma_wait3A_1615 = tpu.memref_slice %arg6[%dma_wait3A_1614] : memref<1664xf32, #tpu.memory_space<vmem>> -> memref<128xf32, #tpu.memory_space<vmem>>
    %dma_wait3A_1616 = arith.constant 0 : i32
    %dma_wait3A_1617 = tpu.memref_slice %arg5[%dma_wait3A_1613, %dma_wait3A_1616] : memref<13x128xi32, #tpu.memory_space<vmem>> -> memref<1x128xi32, #tpu.memory_space<vmem>>
    %dma_wait3A_1618 = tpu.memref_squeeze %dma_wait3A_1617 : memref<1x128xi32, #tpu.memory_space<vmem>> -> memref<128xi32, #tpu.memory_space<vmem>>
    %dma_wait3A_1619 = arith.constant 0 : i32
    %dma_wait3A_1620 = tpu.memref_slice %arg2[%dma_wait3A_1619] : memref<2600000xf32, #tpu.memory_space<hbm>> -> memref<2600000xf32, #tpu.memory_space<hbm>>
    tpu.wait_indirect_dma semaphore(%arg7 : memref<!tpu.dma_semaphore, #tpu.memory_space<semaphore_mem>>) src(%dma_wait3A_1620 : memref<2600000xf32, #tpu.memory_space<hbm>>) dst(%dma_wait3A_1615 : memref<128xf32, #tpu.memory_space<vmem>>)
    %dma_wait3A_1621 = arith.constant 2 : i32
    %dma_wait3A_1622 = arith.constant 256 : i32
    %dma_wait3A_1623 = tpu.memref_slice %arg6[%dma_wait3A_1622] : memref<1664xf32, #tpu.memory_space<vmem>> -> memref<128xf32, #tpu.memory_space<vmem>>
    %dma_wait3A_1624 = arith.constant 0 : i32
    %dma_wait3A_1625 = tpu.memref_slice %arg5[%dma_wait3A_1621, %dma_wait3A_1624] : memref<13x128xi32, #tpu.memory_space<vmem>> -> memref<1x128xi32, #tpu.memory_space<vmem>>
    %dma_wait3A_1626 = tpu.memref_squeeze %dma_wait3A_1625 : memref<1x128xi32, #tpu.memory_space<vmem>> -> memref<128xi32, #tpu.memory_space<vmem>>
    %dma_wait3A_1627 = arith.constant 0 : i32
    %dma_wait3A_1628 = tpu.memref_slice %arg2[%dma_wait3A_1627] : memref<2600000xf32, #tpu.memory_space<hbm>> -> memref<2600000xf32, #tpu.memory_space<hbm>>
    tpu.wait_indirect_dma semaphore(%arg7 : memref<!tpu.dma_semaphore, #tpu.memory_space<semaphore_mem>>) src(%dma_wait3A_1628 : memref<2600000xf32, #tpu.memory_space<hbm>>) dst(%dma_wait3A_1623 : memref<128xf32, #tpu.memory_space<vmem>>)
    %dma_wait3A_1629 = arith.constant 3 : i32
    %dma_wait3A_1630 = arith.constant 384 : i32
    %dma_wait3A_1631 = tpu.memref_slice %arg6[%dma_wait3A_1630] : memref<1664xf32, #tpu.memory_space<vmem>> -> memref<128xf32, #tpu.memory_space<vmem>>
    %dma_wait3A_1632 = arith.constant 0 : i32
    %dma_wait3A_1633 = tpu.memref_slice %arg5[%dma_wait3A_1629, %dma_wait3A_1632] : memref<13x128xi32, #tpu.memory_space<vmem>> -> memref<1x128xi32, #tpu.memory_space<vmem>>
    %dma_wait3A_1634 = tpu.memref_squeeze %dma_wait3A_1633 : memref<1x128xi32, #tpu.memory_space<vmem>> -> memref<128xi32, #tpu.memory_space<vmem>>
    %dma_wait3A_1635 = arith.constant 0 : i32
    %dma_wait3A_1636 = tpu.memref_slice %arg2[%dma_wait3A_1635] : memref<2600000xf32, #tpu.memory_space<hbm>> -> memref<2600000xf32, #tpu.memory_space<hbm>>
    tpu.wait_indirect_dma semaphore(%arg7 : memref<!tpu.dma_semaphore, #tpu.memory_space<semaphore_mem>>) src(%dma_wait3A_1636 : memref<2600000xf32, #tpu.memory_space<hbm>>) dst(%dma_wait3A_1631 : memref<128xf32, #tpu.memory_space<vmem>>)
    %dma_wait3A_1637 = arith.constant 4 : i32
    %dma_wait3A_1638 = arith.constant 512 : i32
    %dma_wait3A_1639 = tpu.memref_slice %arg6[%dma_wait3A_1638] : memref<1664xf32, #tpu.memory_space<vmem>> -> memref<128xf32, #tpu.memory_space<vmem>>
    %dma_wait3A_1640 = arith.constant 0 : i32
    %dma_wait3A_1641 = tpu.memref_slice %arg5[%dma_wait3A_1637, %dma_wait3A_1640] : memref<13x128xi32, #tpu.memory_space<vmem>> -> memref<1x128xi32, #tpu.memory_space<vmem>>
    %dma_wait3A_1642 = tpu.memref_squeeze %dma_wait3A_1641 : memref<1x128xi32, #tpu.memory_space<vmem>> -> memref<128xi32, #tpu.memory_space<vmem>>
    %dma_wait3A_1643 = arith.constant 0 : i32
    %dma_wait3A_1644 = tpu.memref_slice %arg2[%dma_wait3A_1643] : memref<2600000xf32, #tpu.memory_space<hbm>> -> memref<2600000xf32, #tpu.memory_space<hbm>>
    tpu.wait_indirect_dma semaphore(%arg7 : memref<!tpu.dma_semaphore, #tpu.memory_space<semaphore_mem>>) src(%dma_wait3A_1644 : memref<2600000xf32, #tpu.memory_space<hbm>>) dst(%dma_wait3A_1639 : memref<128xf32, #tpu.memory_space<vmem>>)
    %dma_wait3A_1645 = arith.constant 5 : i32
    %dma_wait3A_1646 = arith.constant 640 : i32
    %dma_wait3A_1647 = tpu.memref_slice %arg6[%dma_wait3A_1646] : memref<1664xf32, #tpu.memory_space<vmem>> -> memref<128xf32, #tpu.memory_space<vmem>>
    %dma_wait3A_1648 = arith.constant 0 : i32
    %dma_wait3A_1649 = tpu.memref_slice %arg5[%dma_wait3A_1645, %dma_wait3A_1648] : memref<13x128xi32, #tpu.memory_space<vmem>> -> memref<1x128xi32, #tpu.memory_space<vmem>>
    %dma_wait3A_1650 = tpu.memref_squeeze %dma_wait3A_1649 : memref<1x128xi32, #tpu.memory_space<vmem>> -> memref<128xi32, #tpu.memory_space<vmem>>
    %dma_wait3A_1651 = arith.constant 0 : i32
    %dma_wait3A_1652 = tpu.memref_slice %arg2[%dma_wait3A_1651] : memref<2600000xf32, #tpu.memory_space<hbm>> -> memref<2600000xf32, #tpu.memory_space<hbm>>
    tpu.wait_indirect_dma semaphore(%arg7 : memref<!tpu.dma_semaphore, #tpu.memory_space<semaphore_mem>>) src(%dma_wait3A_1652 : memref<2600000xf32, #tpu.memory_space<hbm>>) dst(%dma_wait3A_1647 : memref<128xf32, #tpu.memory_space<vmem>>)
    %dma_wait3A_1653 = arith.constant 6 : i32
    %dma_wait3A_1654 = arith.constant 768 : i32
    %dma_wait3A_1655 = tpu.memref_slice %arg6[%dma_wait3A_1654] : memref<1664xf32, #tpu.memory_space<vmem>> -> memref<128xf32, #tpu.memory_space<vmem>>
    %dma_wait3A_1656 = arith.constant 0 : i32
    %dma_wait3A_1657 = tpu.memref_slice %arg5[%dma_wait3A_1653, %dma_wait3A_1656] : memref<13x128xi32, #tpu.memory_space<vmem>> -> memref<1x128xi32, #tpu.memory_space<vmem>>
    %dma_wait3A_1658 = tpu.memref_squeeze %dma_wait3A_1657 : memref<1x128xi32, #tpu.memory_space<vmem>> -> memref<128xi32, #tpu.memory_space<vmem>>
    %dma_wait3A_1659 = arith.constant 0 : i32
    %dma_wait3A_1660 = tpu.memref_slice %arg2[%dma_wait3A_1659] : memref<2600000xf32, #tpu.memory_space<hbm>> -> memref<2600000xf32, #tpu.memory_space<hbm>>
    tpu.wait_indirect_dma semaphore(%arg7 : memref<!tpu.dma_semaphore, #tpu.memory_space<semaphore_mem>>) src(%dma_wait3A_1660 : memref<2600000xf32, #tpu.memory_space<hbm>>) dst(%dma_wait3A_1655 : memref<128xf32, #tpu.memory_space<vmem>>)
    %dma_wait3A_1661 = arith.constant 7 : i32
    %dma_wait3A_1662 = arith.constant 896 : i32
    %dma_wait3A_1663 = tpu.memref_slice %arg6[%dma_wait3A_1662] : memref<1664xf32, #tpu.memory_space<vmem>> -> memref<128xf32, #tpu.memory_space<vmem>>
    %dma_wait3A_1664 = arith.constant 0 : i32
    %dma_wait3A_1665 = tpu.memref_slice %arg5[%dma_wait3A_1661, %dma_wait3A_1664] : memref<13x128xi32, #tpu.memory_space<vmem>> -> memref<1x128xi32, #tpu.memory_space<vmem>>
    %dma_wait3A_1666 = tpu.memref_squeeze %dma_wait3A_1665 : memref<1x128xi32, #tpu.memory_space<vmem>> -> memref<128xi32, #tpu.memory_space<vmem>>
    %dma_wait3A_1667 = arith.constant 0 : i32
    %dma_wait3A_1668 = tpu.memref_slice %arg2[%dma_wait3A_1667] : memref<2600000xf32, #tpu.memory_space<hbm>> -> memref<2600000xf32, #tpu.memory_space<hbm>>
    tpu.wait_indirect_dma semaphore(%arg7 : memref<!tpu.dma_semaphore, #tpu.memory_space<semaphore_mem>>) src(%dma_wait3A_1668 : memref<2600000xf32, #tpu.memory_space<hbm>>) dst(%dma_wait3A_1663 : memref<128xf32, #tpu.memory_space<vmem>>)
    %dma_wait3A_1669 = arith.constant 8 : i32
    %dma_wait3A_1670 = arith.constant 1024 : i32
    %dma_wait3A_1671 = tpu.memref_slice %arg6[%dma_wait3A_1670] : memref<1664xf32, #tpu.memory_space<vmem>> -> memref<128xf32, #tpu.memory_space<vmem>>
    %dma_wait3A_1672 = arith.constant 0 : i32
    %dma_wait3A_1673 = tpu.memref_slice %arg5[%dma_wait3A_1669, %dma_wait3A_1672] : memref<13x128xi32, #tpu.memory_space<vmem>> -> memref<1x128xi32, #tpu.memory_space<vmem>>
    %dma_wait3A_1674 = tpu.memref_squeeze %dma_wait3A_1673 : memref<1x128xi32, #tpu.memory_space<vmem>> -> memref<128xi32, #tpu.memory_space<vmem>>
    %dma_wait3A_1675 = arith.constant 0 : i32
    %dma_wait3A_1676 = tpu.memref_slice %arg2[%dma_wait3A_1675] : memref<2600000xf32, #tpu.memory_space<hbm>> -> memref<2600000xf32, #tpu.memory_space<hbm>>
    tpu.wait_indirect_dma semaphore(%arg7 : memref<!tpu.dma_semaphore, #tpu.memory_space<semaphore_mem>>) src(%dma_wait3A_1676 : memref<2600000xf32, #tpu.memory_space<hbm>>) dst(%dma_wait3A_1671 : memref<128xf32, #tpu.memory_space<vmem>>)
    %dma_wait3A_1677 = arith.constant 9 : i32
    %dma_wait3A_1678 = arith.constant 1152 : i32
    %dma_wait3A_1679 = tpu.memref_slice %arg6[%dma_wait3A_1678] : memref<1664xf32, #tpu.memory_space<vmem>> -> memref<128xf32, #tpu.memory_space<vmem>>
    %dma_wait3A_1680 = arith.constant 0 : i32
    %dma_wait3A_1681 = tpu.memref_slice %arg5[%dma_wait3A_1677, %dma_wait3A_1680] : memref<13x128xi32, #tpu.memory_space<vmem>> -> memref<1x128xi32, #tpu.memory_space<vmem>>
    %dma_wait3A_1682 = tpu.memref_squeeze %dma_wait3A_1681 : memref<1x128xi32, #tpu.memory_space<vmem>> -> memref<128xi32, #tpu.memory_space<vmem>>
    %dma_wait3A_1683 = arith.constant 0 : i32
    %dma_wait3A_1684 = tpu.memref_slice %arg2[%dma_wait3A_1683] : memref<2600000xf32, #tpu.memory_space<hbm>> -> memref<2600000xf32, #tpu.memory_space<hbm>>
    tpu.wait_indirect_dma semaphore(%arg7 : memref<!tpu.dma_semaphore, #tpu.memory_space<semaphore_mem>>) src(%dma_wait3A_1684 : memref<2600000xf32, #tpu.memory_space<hbm>>) dst(%dma_wait3A_1679 : memref<128xf32, #tpu.memory_space<vmem>>)
    %dma_wait3A_1685 = arith.constant 10 : i32
    %dma_wait3A_1686 = arith.constant 1280 : i32
    %dma_wait3A_1687 = tpu.memref_slice %arg6[%dma_wait3A_1686] : memref<1664xf32, #tpu.memory_space<vmem>> -> memref<128xf32, #tpu.memory_space<vmem>>
    %dma_wait3A_1688 = arith.constant 0 : i32
    %dma_wait3A_1689 = tpu.memref_slice %arg5[%dma_wait3A_1685, %dma_wait3A_1688] : memref<13x128xi32, #tpu.memory_space<vmem>> -> memref<1x128xi32, #tpu.memory_space<vmem>>
    %dma_wait3A_1690 = tpu.memref_squeeze %dma_wait3A_1689 : memref<1x128xi32, #tpu.memory_space<vmem>> -> memref<128xi32, #tpu.memory_space<vmem>>
    %dma_wait3A_1691 = arith.constant 0 : i32
    %dma_wait3A_1692 = tpu.memref_slice %arg2[%dma_wait3A_1691] : memref<2600000xf32, #tpu.memory_space<hbm>> -> memref<2600000xf32, #tpu.memory_space<hbm>>
    tpu.wait_indirect_dma semaphore(%arg7 : memref<!tpu.dma_semaphore, #tpu.memory_space<semaphore_mem>>) src(%dma_wait3A_1692 : memref<2600000xf32, #tpu.memory_space<hbm>>) dst(%dma_wait3A_1687 : memref<128xf32, #tpu.memory_space<vmem>>)
    %dma_wait3A_1693 = arith.constant 11 : i32
    %dma_wait3A_1694 = arith.constant 1408 : i32
    %dma_wait3A_1695 = tpu.memref_slice %arg6[%dma_wait3A_1694] : memref<1664xf32, #tpu.memory_space<vmem>> -> memref<128xf32, #tpu.memory_space<vmem>>
    %dma_wait3A_1696 = arith.constant 0 : i32
    %dma_wait3A_1697 = tpu.memref_slice %arg5[%dma_wait3A_1693, %dma_wait3A_1696] : memref<13x128xi32, #tpu.memory_space<vmem>> -> memref<1x128xi32, #tpu.memory_space<vmem>>
    %dma_wait3A_1698 = tpu.memref_squeeze %dma_wait3A_1697 : memref<1x128xi32, #tpu.memory_space<vmem>> -> memref<128xi32, #tpu.memory_space<vmem>>
    %dma_wait3A_1699 = arith.constant 0 : i32
    %dma_wait3A_1700 = tpu.memref_slice %arg2[%dma_wait3A_1699] : memref<2600000xf32, #tpu.memory_space<hbm>> -> memref<2600000xf32, #tpu.memory_space<hbm>>
    tpu.wait_indirect_dma semaphore(%arg7 : memref<!tpu.dma_semaphore, #tpu.memory_space<semaphore_mem>>) src(%dma_wait3A_1700 : memref<2600000xf32, #tpu.memory_space<hbm>>) dst(%dma_wait3A_1695 : memref<128xf32, #tpu.memory_space<vmem>>)
    %dma_wait3A_1701 = arith.constant 12 : i32
    %dma_wait3A_1702 = arith.constant 1536 : i32
    %dma_wait3A_1703 = tpu.memref_slice %arg6[%dma_wait3A_1702] : memref<1664xf32, #tpu.memory_space<vmem>> -> memref<128xf32, #tpu.memory_space<vmem>>
    %dma_wait3A_1704 = arith.constant 0 : i32
    %dma_wait3A_1705 = tpu.memref_slice %arg5[%dma_wait3A_1701, %dma_wait3A_1704] : memref<13x128xi32, #tpu.memory_space<vmem>> -> memref<1x128xi32, #tpu.memory_space<vmem>>
    %dma_wait3A_1706 = tpu.memref_squeeze %dma_wait3A_1705 : memref<1x128xi32, #tpu.memory_space<vmem>> -> memref<128xi32, #tpu.memory_space<vmem>>
    %dma_wait3A_1707 = arith.constant 0 : i32
    %dma_wait3A_1708 = tpu.memref_slice %arg2[%dma_wait3A_1707] : memref<2600000xf32, #tpu.memory_space<hbm>> -> memref<2600000xf32, #tpu.memory_space<hbm>>
    tpu.wait_indirect_dma semaphore(%arg7 : memref<!tpu.dma_semaphore, #tpu.memory_space<semaphore_mem>>) src(%dma_wait3A_1708 : memref<2600000xf32, #tpu.memory_space<hbm>>) dst(%dma_wait3A_1703 : memref<128xf32, #tpu.memory_space<vmem>>)
    %mul3A_1709 = arith.constant 128 : i32
    %mul3A_1710 = arith.muli %add3A_1500, %mul3A_1709 : i32
    "tpu.region"() ({
      %run_scoped3A = tpu.sem_alloc : memref<!tpu.dma_semaphore, #tpu.memory_space<semaphore_mem>>
      %dma_start3A_1711 = tpu.memref_slice %arg4[%mul3A_1710] : memref<425984xf32, #tpu.memory_space<hbm>> -> memref<1664xf32, #tpu.memory_space<hbm>>
      %dma_start3A_1712 = tpu.memref_slice %arg4[%mul3A_1710] : memref<425984xf32, #tpu.memory_space<hbm>> -> memref<1664xf32, #tpu.memory_space<hbm>>
      tpu.enqueue_dma source(%arg6 : memref<1664xf32, #tpu.memory_space<vmem>>) target(%dma_start3A_1712 : memref<1664xf32, #tpu.memory_space<hbm>>) target_semaphore(%run_scoped3A : memref<!tpu.dma_semaphore, #tpu.memory_space<semaphore_mem>>)
      %dma_wait3A_1713 = tpu.memref_slice %arg4[%mul3A_1710] : memref<425984xf32, #tpu.memory_space<hbm>> -> memref<1664xf32, #tpu.memory_space<hbm>>
      %dma_wait3A_1714 = tpu.memref_slice %arg4[%mul3A_1710] : memref<425984xf32, #tpu.memory_space<hbm>> -> memref<1664xf32, #tpu.memory_space<hbm>>
      tpu.wait_dma2 semaphore(%run_scoped3A : memref<!tpu.dma_semaphore, #tpu.memory_space<semaphore_mem>>) src(%arg6 : memref<1664xf32, #tpu.memory_space<vmem>>) dst(%dma_wait3A_1714 : memref<1664xf32, #tpu.memory_space<hbm>>)
      tpu.yield
    }) : () -> ()
    return
  }
}

module attributes {stable_mosaic.version = 14 : i64} {
  func.func @_mlp_body(%arg0: i32, %arg1: memref<2048x416xf32, #tpu.memory_space<vmem>>, %arg2: memref<2048x26xf32, #tpu.memory_space<vmem>>, %arg3: memref<416x256xf32, #tpu.memory_space<vmem>>, %arg4: memref<1x256xf32, #tpu.memory_space<vmem>>, %arg5: memref<256x128xf32, #tpu.memory_space<vmem>>, %arg6: memref<1x128xf32, #tpu.memory_space<vmem>>, %arg7: memref<128x1xf32, #tpu.memory_space<vmem>>, %arg8: memref<1x1xf32, #tpu.memory_space<vmem>>, %arg9: memref<2048x1xf32, #tpu.memory_space<vmem>>) attributes {dimension_semantics = [#tpu.dimension_semantics<arbitrary>], iteration_bounds = array<i64: 8>, scalar_prefetch = 0 : i64, scratch_operands = 0 : i64, tpu.core_type = #tpu.core_type<tc>, window_params = [{transform_indices = @transform_0, window_bounds = array<i64: 2048, 416>}, {transform_indices = @transform_1, window_bounds = array<i64: 2048, 26>}, {pipeline_mode = #tpu.pipeline_mode<synchronous>, transform_indices = @transform_2, window_bounds = array<i64: 416, 256>}, {pipeline_mode = #tpu.pipeline_mode<synchronous>, transform_indices = @transform_3, window_bounds = array<i64: 1, 256>}, {pipeline_mode = #tpu.pipeline_mode<synchronous>, transform_indices = @transform_4, window_bounds = array<i64: 256, 128>}, {pipeline_mode = #tpu.pipeline_mode<synchronous>, transform_indices = @transform_5, window_bounds = array<i64: 1, 128>}, {pipeline_mode = #tpu.pipeline_mode<synchronous>, transform_indices = @transform_6, window_bounds = array<i64: 128, 1>}, {pipeline_mode = #tpu.pipeline_mode<synchronous>, transform_indices = @transform_7, window_bounds = array<i64: 1, 1>}, {transform_indices = @transform_8, window_bounds = array<i64: 2048, 1>}]} {
    %get3A = arith.constant 0 : index
    %get3A_0 = arith.constant 0 : index
    %get3A_1 = vector.load %arg1[%get3A, %get3A_0] : memref<2048x416xf32, #tpu.memory_space<vmem>>, vector<2048x416xf32>
    %get3A_2 = arith.constant 0 : index
    %get3A_3 = arith.constant 0 : index
    %get3A_4 = vector.load %arg3[%get3A_2, %get3A_3] : memref<416x256xf32, #tpu.memory_space<vmem>>, vector<416x256xf32>
    %dot_general3A = arith.constant dense<0.000000e+00> : vector<2048x256xf32>
    %dot_general3A_5 = tpu.matmul %get3A_1, %get3A_4, %dot_general3A {dimension_numbers = #tpu.dot_dimension_numbers<[1], [0], [0], [1], [0, 0, 1, 1], [], []>, transpose_lhs_hint = false} : vector<2048x416xf32>, vector<416x256xf32>, vector<2048x256xf32> -> vector<2048x256xf32>
    %get3A_6 = arith.constant 0 : index
    %get3A_7 = arith.constant 0 : index
    %get3A_8 = vector.load %arg4[%get3A_6, %get3A_7] : memref<1x256xf32, #tpu.memory_space<vmem>>, vector<1x256xf32>
    %add3A = vector.broadcast %get3A_8 : vector<1x256xf32> to vector<2048x256xf32>
    %add3A_9 = arith.addf %dot_general3A_5, %add3A : vector<2048x256xf32>
    %max3A = arith.constant 0.000000e+00 : f32
    %max3A_10 = vector.broadcast %max3A : f32 to vector<2048x256xf32>
    %max3A_11 = arith.maximumf %add3A_9, %max3A_10 : vector<2048x256xf32>
    %get3A_12 = arith.constant 0 : index
    %get3A_13 = arith.constant 0 : index
    %get3A_14 = vector.load %arg5[%get3A_12, %get3A_13] : memref<256x128xf32, #tpu.memory_space<vmem>>, vector<256x128xf32>
    %dot_general3A_15 = arith.constant dense<0.000000e+00> : vector<2048x128xf32>
    %dot_general3A_16 = tpu.matmul %max3A_11, %get3A_14, %dot_general3A_15 {dimension_numbers = #tpu.dot_dimension_numbers<[1], [0], [0], [1], [0, 0, 1, 1], [], []>, transpose_lhs_hint = false} : vector<2048x256xf32>, vector<256x128xf32>, vector<2048x128xf32> -> vector<2048x128xf32>
    %get3A_17 = arith.constant 0 : index
    %get3A_18 = arith.constant 0 : index
    %get3A_19 = vector.load %arg6[%get3A_17, %get3A_18] : memref<1x128xf32, #tpu.memory_space<vmem>>, vector<1x128xf32>
    %add3A_20 = vector.broadcast %get3A_19 : vector<1x128xf32> to vector<2048x128xf32>
    %add3A_21 = arith.addf %dot_general3A_16, %add3A_20 : vector<2048x128xf32>
    %max3A_22 = arith.constant 0.000000e+00 : f32
    %max3A_23 = vector.broadcast %max3A_22 : f32 to vector<2048x128xf32>
    %max3A_24 = arith.maximumf %add3A_21, %max3A_23 : vector<2048x128xf32>
    %get3A_25 = arith.constant 0 : index
    %get3A_26 = arith.constant 0 : index
    %get3A_27 = vector.load %arg7[%get3A_25, %get3A_26] : memref<128x1xf32, #tpu.memory_space<vmem>>, vector<128x1xf32>
    %dot_general3A_28 = arith.constant dense<0.000000e+00> : vector<2048x1xf32>
    %dot_general3A_29 = tpu.matmul %max3A_24, %get3A_27, %dot_general3A_28 {dimension_numbers = #tpu.dot_dimension_numbers<[1], [0], [0], [1], [0, 0, 1, 1], [], []>, transpose_lhs_hint = false} : vector<2048x128xf32>, vector<128x1xf32>, vector<2048x1xf32> -> vector<2048x1xf32>
    %get3A_30 = arith.constant 0 : index
    %get3A_31 = arith.constant 0 : index
    %get3A_32 = vector.load %arg2[%get3A_30, %get3A_31] : memref<2048x26xf32, #tpu.memory_space<vmem>>, vector<2048x26xf32>
    %reduce_sum3A = arith.constant dense<0.000000e+00> : vector<2048xf32>
    %reduce_sum3A_33 = vector.multi_reduction <add>, %get3A_32, %reduce_sum3A [1] : vector<2048x26xf32> to vector<2048xf32>
    %broadcast_in_dim3A = vector.shape_cast %reduce_sum3A_33 : vector<2048xf32> to vector<2048x1xf32>
    %add3A_34 = arith.addf %dot_general3A_29, %broadcast_in_dim3A : vector<2048x1xf32>
    %get3A_35 = arith.constant 0 : index
    %get3A_36 = arith.constant 0 : index
    %get3A_37 = vector.load %arg8[%get3A_35, %get3A_36] : memref<1x1xf32, #tpu.memory_space<vmem>>, vector<1x1xf32>
    %add3A_38 = vector.broadcast %get3A_37 : vector<1x1xf32> to vector<2048x1xf32>
    %add3A_39 = arith.addf %add3A_34, %add3A_38 : vector<2048x1xf32>
    %neg3A = arith.constant 0.000000e+00 : f32
    %neg3A_40 = vector.broadcast %neg3A : f32 to vector<2048x1xf32>
    %neg3A_41 = arith.subf %neg3A_40, %add3A_39 : vector<2048x1xf32>
    %exp3A = math.exp %neg3A_41 : vector<2048x1xf32>
    %add3A_42 = arith.constant 1.000000e+00 : f32
    %add3A_43 = vector.broadcast %add3A_42 : f32 to vector<2048x1xf32>
    %add3A_44 = arith.addf %add3A_43, %exp3A : vector<2048x1xf32>
    %div3A = arith.constant 1.000000e+00 : f32
    %div3A_45 = vector.broadcast %div3A : f32 to vector<2048x1xf32>
    %div3A_46 = arith.divf %div3A_45, %add3A_44 : vector<2048x1xf32>
    %swap3A = arith.constant 0 : index
    %swap3A_47 = arith.constant 0 : index
    %swap3A_48 = vector.load %arg9[%swap3A, %swap3A_47] : memref<2048x1xf32, #tpu.memory_space<vmem>>, vector<2048x1xf32>
    tpu.vector_store %arg9[%swap3A, %swap3A_47], %div3A_46 {strides = array<i32>} : memref<2048x1xf32, #tpu.memory_space<vmem>>, vector<2048x1xf32>,
    return
  }
  func.func @transform_0(%arg0: i32) -> (i32, i32) {
    %c0_i32 = arith.constant 0 : i32
    %c0_i32_0 = arith.constant 0 : i32
    return %arg0, %c0_i32 : i32, i32
  }
  func.func @transform_1(%arg0: i32) -> (i32, i32) {
    %c0_i32 = arith.constant 0 : i32
    %c0_i32_0 = arith.constant 0 : i32
    return %arg0, %c0_i32 : i32, i32
  }
  func.func @transform_2(%arg0: i32) -> (i32, i32) {
    %c0_i32 = arith.constant 0 : i32
    %c0_i32_0 = arith.constant 0 : i32
    %c0_i32_1 = arith.constant 0 : i32
    return %c0_i32, %c0_i32_0 : i32, i32
  }
  func.func @transform_3(%arg0: i32) -> (i32, i32) {
    %c0_i32 = arith.constant 0 : i32
    %c0_i32_0 = arith.constant 0 : i32
    %c0_i32_1 = arith.constant 0 : i32
    return %c0_i32, %c0_i32_0 : i32, i32
  }
  func.func @transform_4(%arg0: i32) -> (i32, i32) {
    %c0_i32 = arith.constant 0 : i32
    %c0_i32_0 = arith.constant 0 : i32
    %c0_i32_1 = arith.constant 0 : i32
    return %c0_i32, %c0_i32_0 : i32, i32
  }
  func.func @transform_5(%arg0: i32) -> (i32, i32) {
    %c0_i32 = arith.constant 0 : i32
    %c0_i32_0 = arith.constant 0 : i32
    %c0_i32_1 = arith.constant 0 : i32
    return %c0_i32, %c0_i32_0 : i32, i32
  }
  func.func @transform_6(%arg0: i32) -> (i32, i32) {
    %c0_i32 = arith.constant 0 : i32
    %c0_i32_0 = arith.constant 0 : i32
    %c0_i32_1 = arith.constant 0 : i32
    return %c0_i32, %c0_i32_0 : i32, i32
  }
  func.func @transform_7(%arg0: i32) -> (i32, i32) {
    %c0_i32 = arith.constant 0 : i32
    %c0_i32_0 = arith.constant 0 : i32
    %c0_i32_1 = arith.constant 0 : i32
    return %c0_i32, %c0_i32_0 : i32, i32
  }
  func.func @transform_8(%arg0: i32) -> (i32, i32) {
    %c0_i32 = arith.constant 0 : i32
    %c0_i32_0 = arith.constant 0 : i32
    return %arg0, %c0_i32 : i32, i32
  }
}

</mosaic_0001>

<sc_bundles>
// kernel: kernel.5.cloned.1.call-start
scs
__scs_entry_jumppad:
0x0: {  	(pc) =	sbr.rel $0x88, $3  }
0x1: {  	(tag) =	ssettag $0x0;
	lr =	simm.s32 $0x1  }
0x2: {  	[smem:$0x3F97] =	sst lr;
	_ =	strace $0xD0000000  }
0x3: {  	_ = 	snop  }
0x4: {  	_ = 	snop  }
0x5: {  	_ = 	snop  }
0x6: {  	_ = 	snop  }
0x7: {  	_ = 	snop  }
__scs_overlays_trampoline_lowered:
0x8: {  	[smem:$0x3FA6] =	sst s0  }
0x9: {  	[smem:$0x3FA7] =	sst s1  }
0xa: {  	[smem:$0x3FA8] =	sst s2  }
0xb: {  	[smem:$0x3FA9] =	sst s3  }
0xc: {  	[smem:$0x3FAA] =	sst s4  }
0xd: {  	[smem:$0x3FAB] =	sst s5  }
0xe: {  	[smem:$0x3FAC] =	sst s6  }
0xf: {  	[smem:$0x3FAD] =	sst s7  }
0x10: {  	[smem:$0x3FAE] =	sst s8  }
0x11: {  	[smem:$0x3FAF] =	sst s9;
	s0 =	simm.s32 @!p0 $0x0  }
0x12: {  	s1 =	sld [smem:$0x3F95];
	s0 =	simm.s32 @p0 $0x1  }
0x13: {  	[smem:$0x3FB0] =	sst s0;
	s0 =	simm.s32 @!p1 $0x0  }
0x14: {  	s2 =	sld [smem:$0x3F94];
	s0 =	simm.s32 @p1 $0x1  }
0x15: {  	[smem:$0x3FB1] =	sst s0;
	s0 =	simm.s32 @!p2 $0x0  }
0x16: {  	s3 =	sld [smem:$0x3FDB];
	s0 =	simm.s32 @p2 $0x1  }
0x17: {  	s4 =	simm.s32 $0x1BF5;
	[smem:$0x3FB3] =	sst s0  }
0x18: {  	s0 =	sld [smem:$0x3F96];
	_ =	swait.ge [sflag:s4], $0x0  }
0x19: {  	s7 =	sld [smem:$0x3F97]  }
0x1a: {  	s8 =	sadd.s32 $0xFFFFE003, lr  }
0x1b: {  	s9 =	sadd.s32 $0xFFFFFEF7, lr;
	s5 =	simm.s32 $0xFFFFFFFF;
	p2 =	slt.u32 s8, $0xFFFFF086  }
0x1c: {  	p1 =	slt.u32 s9, $0xF7A;
	s5 =	simm.s32 @!p2 $0x0  }
0x1d: {  	s5 =	simm.s32 @p1 $0x1;
	p0 =	seq.s32 s7, s2  }
0x1e: {  	s7 =	smul.u32 @!p0 $0xF7A, s2;
	p2 =	seq.s32 @!p0 s5, $0x0  }
0x1f: {  	s9 =	smul.u32 $0xF7A, s1;
	s8 =	simm.s32 @!p0 $0x1BF5;
	p2 =	por !p2, p0  }
0x20: {  	[sflag:s8] =	ssyncset.s32 @!p0 $0xFFFFF086;
	s6 =	sadd.s32 @!p0 s3, s7;
	s7 =	simm.s32 @!p0 $0x108  }
0x21: {  	s3 =	sadd.s32 s3, s9;
	s6 =	sadd.s32 @!p0 $0x88, s6;
	s7 =	simm.s32 @p2 $0x1082  }
0x22: {  	[simem:s7], [sflag:s8] =	dma.local @!p0 [hbm:s6], $0xF7A  }
0x23: {  	s9 =	sor.u32 $0xD0000000, s2;
	s6 =	simm.s32 $0x108;
	_ =	swait.ge @!p0 [sflag:s8], $0x0  }
0x24: {  	s3 =	sadd.s32 $0x88, s3;
	s6 =	simm.s32 @!p1 $0x1082;
	[sflag:s4] =	ssyncset.s32 $0xFFFFF086  }
0x25: {  	[simem:s6], [sflag:s4] =	dma.local [hbm:s3], $0xF7A  }
0x26: {  	[smem:$0x3F97] =	sst s1;
	(tag) =	ssettag s2;
	_ =	strace s9  }
0x27: {  	s1 =	sld [smem:$0x3FA7]  }
0x28: {  	s2 =	sld [smem:$0x3FA8]  }
0x29: {  	s4 =	sld [smem:$0x3FAA]  }
0x2a: {  	p0 =	seq.s32 s5, $0x0;
	s5 =	sld [smem:$0x3FAB]  }
0x2b: {  	s6 =	sld [smem:$0x3FAC]  }
0x2c: {  	s7 =	sld [smem:$0x3FAD]  }
0x2d: {  	s3 =	simm.s32 $0x108;
	s8 =	sld [smem:$0x3FAE]  }
0x2e: {  	s3 =	simm.s32 @!p0 $0x1082;
	s9 =	sld [smem:$0x3FAF]  }
0x2f: {  	lr =	sadd.s32 s0, s3;
	s0 =	sld [smem:$0x3FA6]  }
0x30: {  	s3 =	sld [smem:$0x3FA9]  }
0x31: {  	[smem:$0x3FB2] =	sst s10  }
0x32: {  	s10 =	sld [smem:$0x3FB0];
	_ =	sdelay $0x3  }
0x33: {  	p0 =	seq.s32 s10, $0x1;
	s10 =	sld [smem:$0x3FB2];
	_ =	sdelay $0x3  }
0x34: {  	[smem:$0x3FB2] =	sst s10  }
0x35: {  	s10 =	sld [smem:$0x3FB1];
	_ =	sdelay $0x3  }
0x36: {  	p1 =	seq.s32 s10, $0x1;
	s10 =	sld [smem:$0x3FB2];
	_ =	sdelay $0x3  }
0x37: {  	[smem:$0x3FB2] =	sst s10  }
0x38: {  	s10 =	sld [smem:$0x3FB3]  }
0x39: {  	_ = 	snop;
	(pc) =	sbr.ind lr, $3  }
0x3a: {  	_ = 	snop  }
0x3b: {  	_ = 	snop  }
0x3c: {  	p2 =	seq.s32 s10, $0x1;
	s10 =	sld [smem:$0x3FB2]  }
0x3d: {  	_ =	shalt  }
0x3e: {  	_ =	shalt  }
0x3f: {  	_ =	shalt  }
0x40: {  	_ =	shalt  }
0x41: {  	_ =	shalt  }
0x42: {  	_ =	shalt  }
0x43: {  	_ =	shalt  }
0x44: {  	_ =	shalt  }
0x45: {  	_ =	shalt  }
0x46: {  	_ =	shalt  }
0x47: {  	_ =	shalt  }
0x48: {  	_ =	shalt  }
0x49: {  	_ =	shalt  }
0x4a: {  	_ =	shalt  }
0x4b: {  	_ =	shalt  }
0x4c: {  	_ =	shalt  }
0x4d: {  	_ =	shalt  }
0x4e: {  	_ =	shalt  }
0x4f: {  	_ =	shalt  }
0x50: {  	_ =	shalt  }
0x51: {  	_ =	shalt  }
0x52: {  	_ =	shalt  }
0x53: {  	_ =	shalt  }
0x54: {  	_ =	shalt  }
0x55: {  	_ =	shalt  }
0x56: {  	_ =	shalt  }
0x57: {  	_ =	shalt  }
0x58: {  	_ =	shalt  }
0x59: {  	_ =	shalt  }
0x5a: {  	_ =	shalt  }
0x5b: {  	_ =	shalt  }
0x5c: {  	_ =	shalt  }
0x5d: {  	_ =	shalt  }
0x5e: {  	_ =	shalt  }
0x5f: {  	_ =	shalt  }
0x60: {  	_ =	shalt  }
0x61: {  	_ =	shalt  }
0x62: {  	_ =	shalt  }
0x63: {  	_ =	shalt  }
0x64: {  	_ =	shalt  }
0x65: {  	_ =	shalt  }
0x66: {  	_ =	shalt  }
0x67: {  	_ =	shalt  }
0x68: {  	_ =	shalt  }
0x69: {  	_ =	shalt  }
0x6a: {  	_ =	shalt  }
0x6b: {  	_ =	shalt  }
0x6c: {  	_ =	shalt  }
0x6d: {  	_ =	shalt  }
0x6e: {  	_ =	shalt  }
0x6f: {  	_ =	shalt  }
0x70: {  	_ =	shalt  }
0x71: {  	_ =	shalt  }
0x72: {  	_ =	shalt  }
0x73: {  	_ =	shalt  }
0x74: {  	_ =	shalt  }
0x75: {  	_ =	shalt  }
0x76: {  	_ =	shalt  }
0x77: {  	_ =	shalt  }
0x78: {  	_ =	shalt  }
0x79: {  	_ =	shalt  }
0x7a: {  	_ =	shalt  }
0x7b: {  	_ =	shalt  }
0x7c: {  	_ =	shalt  }
0x7d: {  	_ =	shalt  }
0x7e: {  	_ =	shalt  }
0x7f: {  	_ =	shalt  }
0x80: {  	_ =	shalt  }
0x81: {  	_ =	shalt  }
0x82: {  	_ =	shalt  }
0x83: {  	_ =	shalt  }
0x84: {  	_ =	shalt  }
0x85: {  	_ =	shalt  }
0x86: {  	_ =	shalt  }
0x87: {  	_ =	shalt  }
.Lfunc_end0:
.L_simem_size_0:
called_computation_lowered:
.L_overlay_start_0:
0x88: {  	s2 =	sld [smem:$0x3FD9]  }
0x89: {  	s3 =	sld [smem:$0x3FFE];
	_ =	sdelay $0x1  }
0x8a: {  	s1 =	srdreg.scid  }
0x8b: {  	s0 =	sand.u32 $0x1, s1  }
0x8c: {  	s16 =	sshll.u32 s0, $0xA;
	s2 =	sadd.s32 s3, s2  }
0x8d: {  	s2 =	sadd.s32 s2, s16  }
0x8e: {  	[smem:$0x3FBE] =	sst s2  }
0x8f: {  	_ = 	snop  }
0x90: {  	(tm) =	ssettm $0x1  }
0x91: {  	s17 =	sld [smem:$0x3FFB];
	_ =	sdelay $0x3  }
0x92: {  	_ =	strace s17  }
0x93: {  	s2 =	sld [smem:$0x3FFC];
	_ =	sdelay $0x3  }
0x94: {  	_ =	strace s2  }
0x95: {  	s2 =	sld [smem:$0x3FFD];
	_ =	sdelay $0x3  }
0x96: {  	_ =	strace s2  }
0x97: {  	_ =	strace $0x8FFFFFFF  }
0x98: {  	s18 =	sld [smem:$0x3FDB];
	_ =	sdelay $0x1  }
0x99: {  	s19 =	simm.s32 $_scs_section_size  }
0x9a: {  	s4 =	simm.s32 $_size__tile_overlayer_lowered;
	s5 =	simm.s32 $_tile_overlayer_lowered  }
0x9b: {  	s22 =	simm.s32 $0x1BFF;
	s21 =	sshll.u32 s5, $0x1;
	s2 =	sadd.s32 s19, s18  }
0x9c: {  	s6 =	simm.s32 $0x0;
	s20 =	sshll.u32 s4, $0x1;
	s4 =	sadd.s32 s21, s2  }
0x9d: {  	[timem:s6], [sflag:s22] =	dma.local [hbm:s4], s20  }
0x9e: {  	_ =	swait.ge [sflag:s22], s20  }
0x9f: {  	s3 =	ssub.s32 $0x0, s20;
	[sflag:s22] =	ssyncset.done $0x0  }
0xa0: {  	[sflag:s22] =	ssyncadd.s32 s3;
	_ =	sdelay $0x1  }
0xa1: {  	s23 =	simm.s32 $0x1B8B  }
0xa2: {  	_ =	swait.ge [sflag:s23], $0x1  }
0xa3: {  	[sflag:s23] =	ssyncset.done $0x0  }
0xa4: {  	s25 =	simm.s32 $0x1B8E;
	s24 =	sld [smem:$0x3FFE];
	[sflag:s23] =	ssyncadd.s32 $0xFFFFFFFF  }
0xa5: {  	s26 =	simm.s32 $execute0_lowered;
	[smem:$0x3FD2] =	sst s25  }
0xa6: {  	s4 =	sshll.u32 s26, $0x1;
	_ =	strace $0x80000046;
	[dreg:$0x1] =	wrdreg $0xFFFFFFFF  }
0xa7: {  	s28 =	simm.s32 $_size_execute0_lowered;
	s2 =	sadd.s32 s2, s4;
	[dreg:$0x0] =	wrdreg $0x0  }
0xa8: {  	s4 =	sshll.u32 s28, $0x1;
	[dreg:$0x2] =	wrdreg s2  }
0xa9: {  	[dreg:$0x3] =	wrdreg s4  }
0xaa: {  	[dreg:$0x4] =	wrdreg $0xC0  }
0xab: {  	_ =	task [dreg:s6], $0x5FFFF  }
0xac: {  	[dreg:$0x1] =	wrdreg $0xFFFFFFFF  }
0xad: {  	[dreg:$0x0] =	wrdreg $0x60  }
0xae: {  	[dreg:$0x2] =	wrdreg s24  }
0xaf: {  	[dreg:$0x3] =	wrdreg $0x9  }
0xb0: {  	_ =	task.clear_ibuf [dreg:s6], $0x4FFFF;
	_ =	strace $0x90000046  }
0xb1: {  	s29 =	simm.s32 $0x9;
	_ =	strace $0x80000048  }
0xb2: {  	_ =	swait.ge [sflag:s29], $0x1  }
0xb3: {  	[sflag:s29] =	ssyncadd.s32 $0xFFFFFFFF  }
0xb4: {  	_ =	strace $0x90000048  }
0xb5: {  	_ =	sfence  }
0xb6: {  	s30 =	sld [smem:$0x0];
	_ =	sdelay $0x2  }
0xb7: {  	s31 =	sshll.u32 s1, $0xD;
	s1 =	sshrl.u32 s1, $0x2  }
0xb8: {  	s3 =	sand.u32 $0x4000, s31;
	s1 =	sadd.s32 s1, s30  }
0xb9: {  	s0 =	sor.u32 s3, s0;
	s1 =	sshll.u32 s1, $0x11  }
0xba: {  	s0 =	sor.u32 s1, s0  }
0xbb: {  	s0 =	sadd.s32 $0x8F2B, s0  }
0xbc: {  	[sflag:s0] =	ssyncadd.remote.s32 $0x1  }
0xbd: {  	_ =	sfence.sel $0xFFFF  }
0xbe: {  	[dreg:$0x0] =	wrdreg $0xFFFFFFFF;
	(pc) =	sbr.abs _section_cstart, $3  }
0xbf: {  	[dreg:$0x1] =	wrdreg $0xFFFFFFFF  }
0xc0: {  	_ =	task.clear_ibuf [dreg:s6], $0x2FFFF;
	_ =	strace $0x9FFFFFFF  }
0xc1: {  	(tm) =	ssettm $0x7FFFFFFF  }
tec
execute0_lowered:
.L_overlay_start_1:
0x0: {  	(tag) =	ssettag $0x1  }
0x1: {  	s0 =	rddreg [dreg:$0x0]  }
0x2: {  	s2 =	simm.s32 $0x0;
	s4 =	stileid.u32;
	s3 =	srdreg.scid  }
0x3: {  	s25 =	simm.s32 $0xE80;
	s26 =	simm.s32 $0x100;
	s31 =	simm.s32 $0x1680  }
0x4: {  	s10 =	simm.s32 $0x1E80;
	s11 =	simm.s32 $0x200;
	s12 =	simm.s32 $0x2680  }
0x5: {  	s13 =	simm.s32 $0x280;
	s14 =	simm.s32 $0x2E80;
	s15 =	simm.s32 $0x300  }
0x6: {  	s16 =	simm.s32 $0x3680;
	s17 =	simm.s32 $0x380;
	s18 =	simm.s32 $0x3E80  }
0x7: {  	s19 =	simm.s32 $0x400;
	s20 =	simm.s32 $0x4680;
	s21 =	simm.s32 $0x480  }
0x8: {  	s22 =	simm.s32 $0x4E80;
	s23 =	simm.s32 $0x500;
	s28 =	simm.s32 $0x600  }
0x9: {  	s29 =	simm.s32 $0x6680;
	s30 =	simm.s32 $0x1;
	s1 =	smul.u32 $0xD00, s4  }
0xa: {  	[smem:$0x7FF] =	sst s2;
	s4 =	smul.u32 $0xD000, s4;
	s5 =	sand.u32 $0x1, s3  }
0xb: {  	s3 =	sadd.s32 $0x27AD200, s0;
	_ =	strace $0x80000047;
	[dreg:$0x3] =	wrdreg s25  }
0xc: {  	s6 =	ssub.s32 $0x2, s5;
	s7 =	smul.u32 $0x680, s5;
	[dreg:$0x4] =	wrdreg s26  }
0xd: {  	s5 =	smul.u32 $0x6800, s5;
	[dreg:$0x5] =	wrdreg s31;
	s25 =	simm.s32 $0x580  }
0xe: {  	s26 =	simm.s32 $0x5E80;
	s1 =	sadd.s32 s1, s0;
	s8 =	sshrl.u32 s6, $0x1  }
0xf: {  	s0 =	sadd.s32 s4, s0;
	s24 =	ssub.s32 s6, s8;
	s1 =	sadd.s32 s7, s1  }
0x10: {  	s0 =	sadd.s32 s5, s0;
	s6 =	simm.s32 $0x2;
	s4 =	smax.u32 s24, $0x1  }
0x11: {  	s7 =	simm.s32 $0x80;
	s0 =	sadd.s32 $0xDE00, s0;
	[dreg:$0x6] =	wrdreg s4  }
0x12: {  	s8 =	simm.s32 $0x680;
	s1 =	sadd.s32 $0xE00, s1;
	[dreg:$0x7] =	wrdreg s0  }
0x13: {  	s24 =	simm.s32 $0x5680;
	[dreg:$0x2] =	wrdreg s1;
	s1 =	simm.s32 $0x0  }
.LBB2_1:
0x14: {  	s0 =	rddreg [dreg:$0x2]  }
0x15: {  	[dreg:$0x8] =	wrdreg s1;
	s0 =	sadd.s32 $0x0, s0  }
0x16: {  	[tilespmem:s2], [sflag:$0x2] =	stream.linear.gather [hbm4b:s0+s2], $0x680, $0x38;
	[tilespmem:$0x6E80] =	vst v63  }
0x17: {  	_ =	swait.ge [sflag:s6], $0x680  }
0x18: {  	[sflag:s6] =	ssyncset.done $0x0  }
0x19: {  	s5 =	rddreg [dreg:$0x5];
	[sflag:s6] =	ssyncadd.s32 $0xFFFFF980  }
0x1a: {  	[tilespmem:s8], [sflag:$0x1] =	stream.indirect.gather [hbm4b:s3+s7], $0x10, s2, s7, $0xb8;
	[tilespmem:$0x6E80] =	vst v63  }
0x1b: {  	s9 =	rddreg [dreg:$0x3]  }
0x1c: {  	[tilespmem:s9], [sflag:$0x1] =	stream.indirect.gather [hbm4b:s3+s7], $0x10, s7, s7, $0xb8;
	[tilespmem:$0x6E80] =	vst v63  }
0x1d: {  	s4 =	rddreg [dreg:$0x4]  }
0x1e: {  	[tilespmem:s5], [sflag:$0x1] =	stream.indirect.gather [hbm4b:s3+s7], $0x10, s4, s7, $0xb8;
	[tilespmem:$0x6E80] =	vst v63  }
0x1f: {  	s31 =	simm.s32 $0x180  }
0x20: {  	[tilespmem:s10], [sflag:$0x1] =	stream.indirect.gather [hbm4b:s3+s7], $0x10, s31, s7, $0xb8;
	[tilespmem:$0x6E80] =	vst v63  }
0x21: {  	_ = 	snop  }
0x22: {  	[tilespmem:s12], [sflag:$0x1] =	stream.indirect.gather [hbm4b:s3+s7], $0x10, s11, s7, $0xb8;
	[tilespmem:$0x6E80] =	vst v63  }
0x23: {  	_ = 	snop  }
0x24: {  	[tilespmem:s14], [sflag:$0x1] =	stream.indirect.gather [hbm4b:s3+s7], $0x10, s13, s7, $0xb8;
	[tilespmem:$0x6E80] =	vst v63  }
0x25: {  	_ = 	snop  }
0x26: {  	[tilespmem:s16], [sflag:$0x1] =	stream.indirect.gather [hbm4b:s3+s7], $0x10, s15, s7, $0xb8;
	[tilespmem:$0x6E80] =	vst v63  }
0x27: {  	_ = 	snop  }
0x28: {  	[tilespmem:s18], [sflag:$0x1] =	stream.indirect.gather [hbm4b:s3+s7], $0x10, s17, s7, $0xb8;
	[tilespmem:$0x6E80] =	vst v63  }
0x29: {  	_ = 	snop  }
0x2a: {  	[tilespmem:s20], [sflag:$0x1] =	stream.indirect.gather [hbm4b:s3+s7], $0x10, s19, s7, $0xb8;
	[tilespmem:$0x6E80] =	vst v63  }
0x2b: {  	_ = 	snop  }
0x2c: {  	[tilespmem:s22], [sflag:$0x1] =	stream.indirect.gather [hbm4b:s3+s7], $0x10, s21, s7, $0xb8;
	[tilespmem:$0x6E80] =	vst v63  }
0x2d: {  	_ = 	snop  }
0x2e: {  	[tilespmem:s24], [sflag:$0x1] =	stream.indirect.gather [hbm4b:s3+s7], $0x10, s23, s7, $0xb8;
	[tilespmem:$0x6E80] =	vst v63  }
0x2f: {  	_ = 	snop  }
0x30: {  	[tilespmem:s26], [sflag:$0x1] =	stream.indirect.gather [hbm4b:s3+s7], $0x10, s25, s7, $0xb8;
	[tilespmem:$0x6E80] =	vst v63  }
0x31: {  	_ = 	snop  }
0x32: {  	[tilespmem:s29], [sflag:$0x1] =	stream.indirect.gather [hbm4b:s3+s7], $0x10, s28, s7, $0xb8;
	[tilespmem:$0x6E80] =	vst v63  }
0x33: {  	_ =	swait.ge [sflag:s30], $0x800  }
0x34: {  	[sflag:s30] =	ssyncset.done $0x0  }
0x35: {  	[sflag:s30] =	ssyncadd.s32 $0xFFFFF800  }
0x36: {  	_ =	swait.ge [sflag:s30], $0x800  }
0x37: {  	[sflag:s30] =	ssyncset.done $0x0  }
0x38: {  	[sflag:s30] =	ssyncadd.s32 $0xFFFFF800  }
0x39: {  	_ =	swait.ge [sflag:s30], $0x800  }
0x3a: {  	[sflag:s30] =	ssyncset.done $0x0  }
0x3b: {  	[sflag:s30] =	ssyncadd.s32 $0xFFFFF800  }
0x3c: {  	_ =	swait.ge [sflag:s30], $0x800  }
0x3d: {  	[sflag:s30] =	ssyncset.done $0x0  }
0x3e: {  	[sflag:s30] =	ssyncadd.s32 $0xFFFFF800  }
0x3f: {  	_ =	swait.ge [sflag:s30], $0x800  }
0x40: {  	[sflag:s30] =	ssyncset.done $0x0  }
0x41: {  	[sflag:s30] =	ssyncadd.s32 $0xFFFFF800  }
0x42: {  	_ =	swait.ge [sflag:s30], $0x800  }
0x43: {  	[sflag:s30] =	ssyncset.done $0x0  }
0x44: {  	[sflag:s30] =	ssyncadd.s32 $0xFFFFF800  }
0x45: {  	_ =	swait.ge [sflag:s30], $0x800  }
0x46: {  	[sflag:s30] =	ssyncset.done $0x0  }
0x47: {  	[sflag:s30] =	ssyncadd.s32 $0xFFFFF800  }
0x48: {  	_ =	swait.ge [sflag:s30], $0x800  }
0x49: {  	[sflag:s30] =	ssyncset.done $0x0  }
0x4a: {  	[sflag:s30] =	ssyncadd.s32 $0xFFFFF800  }
0x4b: {  	_ =	swait.ge [sflag:s30], $0x800  }
0x4c: {  	[sflag:s30] =	ssyncset.done $0x0  }
0x4d: {  	[sflag:s30] =	ssyncadd.s32 $0xFFFFF800  }
0x4e: {  	_ =	swait.ge [sflag:s30], $0x800  }
0x4f: {  	[sflag:s30] =	ssyncset.done $0x0  }
0x50: {  	[sflag:s30] =	ssyncadd.s32 $0xFFFFF800  }
0x51: {  	_ =	swait.ge [sflag:s30], $0x800  }
0x52: {  	[sflag:s30] =	ssyncset.done $0x0  }
0x53: {  	[sflag:s30] =	ssyncadd.s32 $0xFFFFF800  }
0x54: {  	_ =	swait.ge [sflag:s30], $0x800  }
0x55: {  	[sflag:s30] =	ssyncset.done $0x0  }
0x56: {  	[sflag:s30] =	ssyncadd.s32 $0xFFFFF800  }
0x57: {  	_ =	swait.ge [sflag:s30], $0x800  }
0x58: {  	[sflag:s30] =	ssyncset.done $0x0  }
0x59: {  	s5 =	rddreg [dreg:$0x7];
	[sflag:s30] =	ssyncadd.s32 $0xFFFFF800  }
0x5a: {  	[hbm4b:s5+s2] =	stream.linear.scatter [tilespmem:s8], [sflag:$0x2], $0x6800, $0x38;
	[tilespmem:$0x6E80] =	vst v63  }
0x5b: {  	s1 =	simm.s32 $0xD0;
	_ =	swait.ge [sflag:s6], $0x6800  }
0x5c: {  	s4 =	simm.s32 $0x1A0;
	s0 =	rddreg [dreg:$0x2];
	[sflag:s6] =	ssyncset.done $0x0  }
.LBB2_2:
0x5d: {  	[sflag:s6] =	ssyncadd.s32 $0xFFFF9800;
	s0 =	sadd.s32 s1, s0  }
0x5e: {  	[tilespmem:s2], [sflag:$0x2] =	stream.linear.gather [hbm4b:s0+s2], $0x680, $0x38;
	[tilespmem:$0x6E80] =	vst v63  }
0x5f: {  	_ =	swait.ge [sflag:s6], $0x680  }
0x60: {  	[sflag:s6] =	ssyncset.done $0x0  }
0x61: {  	s31 =	smov.u32 s4;
	s0 =	rddreg [dreg:$0x5];
	[sflag:s6] =	ssyncadd.s32 $0xFFFFF980  }
0x62: {  	[tilespmem:s8], [sflag:$0x1] =	stream.indirect.gather [hbm4b:s3+s7], $0x10, s2, s7, $0xb8;
	[tilespmem:$0x6E80] =	vst v63  }
0x63: {  	s1 =	smov.u32 s31;
	s31 =	rddreg [dreg:$0x3]  }
0x64: {  	[tilespmem:s31], [sflag:$0x1] =	stream.indirect.gather [hbm4b:s3+s7], $0x10, s7, s7, $0xb8;
	[tilespmem:$0x6E80] =	vst v63  }
0x65: {  	s9 =	rddreg [dreg:$0x4]  }
0x66: {  	[tilespmem:s0], [sflag:$0x1] =	stream.indirect.gather [hbm4b:s3+s7], $0x10, s9, s7, $0xb8;
	[tilespmem:$0x6E80] =	vst v63  }
0x67: {  	s31 =	simm.s32 $0x180  }
0x68: {  	[tilespmem:s10], [sflag:$0x1] =	stream.indirect.gather [hbm4b:s3+s7], $0x10, s31, s7, $0xb8;
	[tilespmem:$0x6E80] =	vst v63  }
0x69: {  	_ = 	snop  }
0x6a: {  	[tilespmem:s12], [sflag:$0x1] =	stream.indirect.gather [hbm4b:s3+s7], $0x10, s11, s7, $0xb8;
	[tilespmem:$0x6E80] =	vst v63  }
0x6b: {  	_ = 	snop  }
0x6c: {  	[tilespmem:s14], [sflag:$0x1] =	stream.indirect.gather [hbm4b:s3+s7], $0x10, s13, s7, $0xb8;
	[tilespmem:$0x6E80] =	vst v63  }
0x6d: {  	_ = 	snop  }
0x6e: {  	[tilespmem:s16], [sflag:$0x1] =	stream.indirect.gather [hbm4b:s3+s7], $0x10, s15, s7, $0xb8;
	[tilespmem:$0x6E80] =	vst v63  }
0x6f: {  	_ = 	snop  }
0x70: {  	[tilespmem:s18], [sflag:$0x1] =	stream.indirect.gather [hbm4b:s3+s7], $0x10, s17, s7, $0xb8;
	[tilespmem:$0x6E80] =	vst v63  }
0x71: {  	_ = 	snop  }
0x72: {  	[tilespmem:s20], [sflag:$0x1] =	stream.indirect.gather [hbm4b:s3+s7], $0x10, s19, s7, $0xb8;
	[tilespmem:$0x6E80] =	vst v63  }
0x73: {  	_ = 	snop  }
0x74: {  	[tilespmem:s22], [sflag:$0x1] =	stream.indirect.gather [hbm4b:s3+s7], $0x10, s21, s7, $0xb8;
	[tilespmem:$0x6E80] =	vst v63  }
0x75: {  	_ = 	snop  }
0x76: {  	[tilespmem:s24], [sflag:$0x1] =	stream.indirect.gather [hbm4b:s3+s7], $0x10, s23, s7, $0xb8;
	[tilespmem:$0x6E80] =	vst v63  }
0x77: {  	_ = 	snop  }
0x78: {  	[tilespmem:s26], [sflag:$0x1] =	stream.indirect.gather [hbm4b:s3+s7], $0x10, s25, s7, $0xb8;
	[tilespmem:$0x6E80] =	vst v63  }
0x79: {  	_ = 	snop  }
0x7a: {  	[tilespmem:s29], [sflag:$0x1] =	stream.indirect.gather [hbm4b:s3+s7], $0x10, s28, s7, $0xb8;
	[tilespmem:$0x6E80] =	vst v63  }
0x7b: {  	_ =	swait.ge [sflag:s30], $0x800  }
0x7c: {  	[sflag:s30] =	ssyncset.done $0x0  }
0x7d: {  	[sflag:s30] =	ssyncadd.s32 $0xFFFFF800  }
0x7e: {  	_ =	swait.ge [sflag:s30], $0x800  }
0x7f: {  	[sflag:s30] =	ssyncset.done $0x0  }
0x80: {  	[sflag:s30] =	ssyncadd.s32 $0xFFFFF800  }
0x81: {  	_ =	swait.ge [sflag:s30], $0x800  }
0x82: {  	[sflag:s30] =	ssyncset.done $0x0  }
0x83: {  	[sflag:s30] =	ssyncadd.s32 $0xFFFFF800  }
0x84: {  	_ =	swait.ge [sflag:s30], $0x800  }
0x85: {  	[sflag:s30] =	ssyncset.done $0x0  }
0x86: {  	[sflag:s30] =	ssyncadd.s32 $0xFFFFF800  }
0x87: {  	_ =	swait.ge [sflag:s30], $0x800  }
0x88: {  	[sflag:s30] =	ssyncset.done $0x0  }
0x89: {  	[sflag:s30] =	ssyncadd.s32 $0xFFFFF800  }
0x8a: {  	_ =	swait.ge [sflag:s30], $0x800  }
0x8b: {  	[sflag:s30] =	ssyncset.done $0x0  }
0x8c: {  	[sflag:s30] =	ssyncadd.s32 $0xFFFFF800  }
0x8d: {  	_ =	swait.ge [sflag:s30], $0x800  }
0x8e: {  	[sflag:s30] =	ssyncset.done $0x0  }
0x8f: {  	[sflag:s30] =	ssyncadd.s32 $0xFFFFF800  }
0x90: {  	_ =	swait.ge [sflag:s30], $0x800  }
0x91: {  	[sflag:s30] =	ssyncset.done $0x0  }
0x92: {  	[sflag:s30] =	ssyncadd.s32 $0xFFFFF800  }
0x93: {  	_ =	swait.ge [sflag:s30], $0x800  }
0x94: {  	[sflag:s30] =	ssyncset.done $0x0  }
0x95: {  	[sflag:s30] =	ssyncadd.s32 $0xFFFFF800  }
0x96: {  	_ =	swait.ge [sflag:s30], $0x800  }
0x97: {  	[sflag:s30] =	ssyncset.done $0x0  }
0x98: {  	[sflag:s30] =	ssyncadd.s32 $0xFFFFF800  }
0x99: {  	_ =	swait.ge [sflag:s30], $0x800  }
0x9a: {  	[sflag:s30] =	ssyncset.done $0x0  }
0x9b: {  	[sflag:s30] =	ssyncadd.s32 $0xFFFFF800  }
0x9c: {  	_ =	swait.ge [sflag:s30], $0x800  }
0x9d: {  	[sflag:s30] =	ssyncset.done $0x0  }
0x9e: {  	[sflag:s30] =	ssyncadd.s32 $0xFFFFF800  }
0x9f: {  	p0 =	sne.s32 s4, $0x5B0;
	_ =	swait.ge [sflag:s30], $0x800  }
.Ltmp0:
0xa0: {  	[sflag:s30] =	ssyncset.done $0x0;
	(pc) =	sbr.rel @p0 .LBB2_2-.Ltmp0, $4  }
0xa1: {  	s5 =	sadd.s32 $0xD00, s5;
	[sflag:s30] =	ssyncadd.s32 $0xFFFFF800  }
0xa2: {  	[hbm4b:s5+s2] =	stream.linear.scatter [tilespmem:s8], [sflag:$0x2], $0x6800, $0x38;
	[tilespmem:$0x6E80] =	vst v63  }
0xa3: {  	_ =	swait.ge [sflag:s6], $0x6800  }
0xa4: {  	s4 =	sadd.s32 $0xD0, s4;
	s0 =	rddreg [dreg:$0x2];
	[sflag:s6] =	ssyncset.done $0x0  }
0xa5: {  	[sflag:s6] =	ssyncadd.s32 $0xFFFF9800;
	s0 =	sadd.s32 s1, s0  }
0xa6: {  	[tilespmem:s2], [sflag:$0x2] =	stream.linear.gather [hbm4b:s0+s2], $0x680, $0x38;
	[tilespmem:$0x6E80] =	vst v63  }
0xa7: {  	_ =	swait.ge [sflag:s6], $0x680  }
0xa8: {  	[sflag:s6] =	ssyncset.done $0x0  }
0xa9: {  	s9 =	rddreg [dreg:$0x5];
	[sflag:s6] =	ssyncadd.s32 $0xFFFFF980  }
0xaa: {  	[tilespmem:s8], [sflag:$0x1] =	stream.indirect.gather [hbm4b:s3+s7], $0x10, s2, s7, $0xb8;
	[tilespmem:$0x6E80] =	vst v63  }
0xab: {  	s31 =	rddreg [dreg:$0x3]  }
0xac: {  	[tilespmem:s31], [sflag:$0x1] =	stream.indirect.gather [hbm4b:s3+s7], $0x10, s7, s7, $0xb8;
	[tilespmem:$0x6E80] =	vst v63  }
0xad: {  	s4 =	rddreg [dreg:$0x4]  }
0xae: {  	[tilespmem:s9], [sflag:$0x1] =	stream.indirect.gather [hbm4b:s3+s7], $0x10, s4, s7, $0xb8;
	[tilespmem:$0x6E80] =	vst v63  }
0xaf: {  	s4 =	simm.s32 $0x180  }
0xb0: {  	[tilespmem:s10], [sflag:$0x1] =	stream.indirect.gather [hbm4b:s3+s7], $0x10, s4, s7, $0xb8;
	[tilespmem:$0x6E80] =	vst v63  }
0xb1: {  	_ = 	snop  }
0xb2: {  	[tilespmem:s12], [sflag:$0x1] =	stream.indirect.gather [hbm4b:s3+s7], $0x10, s11, s7, $0xb8;
	[tilespmem:$0x6E80] =	vst v63  }
0xb3: {  	_ = 	snop  }
0xb4: {  	[tilespmem:s14], [sflag:$0x1] =	stream.indirect.gather [hbm4b:s3+s7], $0x10, s13, s7, $0xb8;
	[tilespmem:$0x6E80] =	vst v63  }
0xb5: {  	_ = 	snop  }
0xb6: {  	[tilespmem:s16], [sflag:$0x1] =	stream.indirect.gather [hbm4b:s3+s7], $0x10, s15, s7, $0xb8;
	[tilespmem:$0x6E80] =	vst v63  }
0xb7: {  	_ = 	snop  }
0xb8: {  	[tilespmem:s18], [sflag:$0x1] =	stream.indirect.gather [hbm4b:s3+s7], $0x10, s17, s7, $0xb8;
	[tilespmem:$0x6E80] =	vst v63  }
0xb9: {  	_ = 	snop  }
0xba: {  	[tilespmem:s20], [sflag:$0x1] =	stream.indirect.gather [hbm4b:s3+s7], $0x10, s19, s7, $0xb8;
	[tilespmem:$0x6E80] =	vst v63  }
0xbb: {  	_ = 	snop  }
0xbc: {  	[tilespmem:s22], [sflag:$0x1] =	stream.indirect.gather [hbm4b:s3+s7], $0x10, s21, s7, $0xb8;
	[tilespmem:$0x6E80] =	vst v63  }
0xbd: {  	_ = 	snop  }
0xbe: {  	[tilespmem:s24], [sflag:$0x1] =	stream.indirect.gather [hbm4b:s3+s7], $0x10, s23, s7, $0xb8;
	[tilespmem:$0x6E80] =	vst v63  }
0xbf: {  	_ = 	snop  }
0xc0: {  	[tilespmem:s26], [sflag:$0x1] =	stream.indirect.gather [hbm4b:s3+s7], $0x10, s25, s7, $0xb8;
	[tilespmem:$0x6E80] =	vst v63  }
0xc1: {  	_ = 	snop  }
0xc2: {  	[tilespmem:s29], [sflag:$0x1] =	stream.indirect.gather [hbm4b:s3+s7], $0x10, s28, s7, $0xb8;
	[tilespmem:$0x6E80] =	vst v63  }
0xc3: {  	_ =	swait.ge [sflag:s30], $0x800  }
0xc4: {  	[sflag:s30] =	ssyncset.done $0x0  }
0xc5: {  	[sflag:s30] =	ssyncadd.s32 $0xFFFFF800  }
0xc6: {  	_ =	swait.ge [sflag:s30], $0x800  }
0xc7: {  	[sflag:s30] =	ssyncset.done $0x0  }
0xc8: {  	[sflag:s30] =	ssyncadd.s32 $0xFFFFF800  }
0xc9: {  	_ =	swait.ge [sflag:s30], $0x800  }
0xca: {  	[sflag:s30] =	ssyncset.done $0x0  }
0xcb: {  	[sflag:s30] =	ssyncadd.s32 $0xFFFFF800  }
0xcc: {  	_ =	swait.ge [sflag:s30], $0x800  }
0xcd: {  	[sflag:s30] =	ssyncset.done $0x0  }
0xce: {  	[sflag:s30] =	ssyncadd.s32 $0xFFFFF800  }
0xcf: {  	_ =	swait.ge [sflag:s30], $0x800  }
0xd0: {  	[sflag:s30] =	ssyncset.done $0x0  }
0xd1: {  	[sflag:s30] =	ssyncadd.s32 $0xFFFFF800  }
0xd2: {  	_ =	swait.ge [sflag:s30], $0x800  }
0xd3: {  	[sflag:s30] =	ssyncset.done $0x0  }
0xd4: {  	[sflag:s30] =	ssyncadd.s32 $0xFFFFF800  }
0xd5: {  	_ =	swait.ge [sflag:s30], $0x800  }
0xd6: {  	[sflag:s30] =	ssyncset.done $0x0  }
0xd7: {  	[sflag:s30] =	ssyncadd.s32 $0xFFFFF800  }
0xd8: {  	_ =	swait.ge [sflag:s30], $0x800  }
0xd9: {  	[sflag:s30] =	ssyncset.done $0x0  }
0xda: {  	[sflag:s30] =	ssyncadd.s32 $0xFFFFF800  }
0xdb: {  	_ =	swait.ge [sflag:s30], $0x800  }
0xdc: {  	[sflag:s30] =	ssyncset.done $0x0  }
0xdd: {  	[sflag:s30] =	ssyncadd.s32 $0xFFFFF800  }
0xde: {  	_ =	swait.ge [sflag:s30], $0x800  }
0xdf: {  	[sflag:s30] =	ssyncset.done $0x0  }
0xe0: {  	[sflag:s30] =	ssyncadd.s32 $0xFFFFF800  }
0xe1: {  	_ =	swait.ge [sflag:s30], $0x800  }
0xe2: {  	[sflag:s30] =	ssyncset.done $0x0  }
0xe3: {  	[sflag:s30] =	ssyncadd.s32 $0xFFFFF800  }
0xe4: {  	_ =	swait.ge [sflag:s30], $0x800  }
0xe5: {  	[sflag:s30] =	ssyncset.done $0x0  }
0xe6: {  	[sflag:s30] =	ssyncadd.s32 $0xFFFFF800  }
0xe7: {  	_ =	swait.ge [sflag:s30], $0x800  }
0xe8: {  	[sflag:s30] =	ssyncset.done $0x0  }
0xe9: {  	s5 =	sadd.s32 $0xD00, s5;
	[sflag:s30] =	ssyncadd.s32 $0xFFFFF800  }
0xea: {  	[hbm4b:s5+s2] =	stream.linear.scatter [tilespmem:s8], [sflag:$0x2], $0x6800, $0x38;
	[tilespmem:$0x6E80] =	vst v63  }
0xeb: {  	_ =	swait.ge [sflag:s6], $0x6800  }
0xec: {  	s9 =	rddreg [dreg:$0x8]  }
0xed: {  	s31 =	rddreg [dreg:$0x6];
	s1 =	sadd.s32 $0x1, s9  }
0xee: {  	p0 =	sne.s32 s1, s31  }
.Ltmp1:
0xef: {  	_ = 	snop;
	(pc) =	sbr.rel @p0 .LBB2_1-.Ltmp1, $3  }
0xf0: {  	_ =	sdelay $0x1  }
0xf1: {  	[sflag:s6] =	ssyncset.done $0x0  }
0xf2: {  	[sflag:s6] =	ssyncadd.s32 $0xFFFF9800  }
0xf3: {  	_ =	sfence.sel $0x180000  }
0xf4: {  	[bflag:$0x0] =	sbarrier.arrive $0xFFFF  }
0xf5: {  	_ =	strace $0x90000047  }
0xf6: {  	s0 =	stileid.u32;
	[bflag:$0x2] =	sbarrier.arrive $0xFFFF  }
0xf7: {  	p0 =	sne.s32 s0, $0x0;
	s0 =	rddreg [dreg:$0x1]  }
0xf8: {  	s0 =	sadd.s32 @!p0 $0x100000, s0  }
0xf9: {  	[sflag:s0] =	ssyncadd.tile.s32 @!p0 $0x1;
	_ =	shalt  }
.Lfunc_end2:
_tile_overlayer_lowered:
.L_overlay_start_2:
0xfa: {  	(tag) =	ssettag $0x2  }
0xfb: {  	s0 =	rddreg [dreg:$0x0];
	s2 =	stileid.u32  }
0xfc: {  	s1 =	rddreg [dreg:$0x1];
	p0 =	sne.s32 s2, $0x0  }
0xfd: {  	s3 =	rddreg [dreg:$0x2];
	[bflag:$0x3] =	sbarrier.arrive $0xFFFF;
	s2 =	simm.s32 @!p0 $0x1C02  }
0xfe: {  	[timem:s3], [sflag:s2] =	dma.local @!p0 [hbm:s0], s1  }
0xff: {  	s0 =	simm.s32 @!p0 $0x2  }
0x100: {  	_ =	swait.ge @!p0 [sflag:s0], s1  }
0x101: {  	s1 =	ssub.s32 @!p0 $0x0, s1;
	[sflag:s0] =	ssyncset.done @!p0 $0x0  }
0x102: {  	[sflag:s0] =	ssyncadd.s32 @!p0 s1  }
0x103: {  	[bflag:$0x3] =	sbarrier.arrive $0xFFFF  }
0x104: {  	_ =	shalt  }

// kernel: kernel.8.cloned.1.call-start
scs
__scs_entry_jumppad:
0x0: {  	(pc) =	sbr.rel $0x88, $3  }
0x1: {  	(tag) =	ssettag $0x0;
	lr =	simm.s32 $0x1  }
0x2: {  	[smem:$0x3F97] =	sst lr;
	_ =	strace $0xD0000000  }
0x3: {  	_ = 	snop  }
0x4: {  	_ = 	snop  }
0x5: {  	_ = 	snop  }
0x6: {  	_ = 	snop  }
0x7: {  	_ = 	snop  }
__scs_overlays_trampoline_lowered:
0x8: {  	[smem:$0x3FA6] =	sst s0  }
0x9: {  	[smem:$0x3FA7] =	sst s1  }
0xa: {  	[smem:$0x3FA8] =	sst s2  }
0xb: {  	[smem:$0x3FA9] =	sst s3  }
0xc: {  	[smem:$0x3FAA] =	sst s4  }
0xd: {  	[smem:$0x3FAB] =	sst s5  }
0xe: {  	[smem:$0x3FAC] =	sst s6  }
0xf: {  	[smem:$0x3FAD] =	sst s7  }
0x10: {  	[smem:$0x3FAE] =	sst s8  }
0x11: {  	[smem:$0x3FAF] =	sst s9;
	s0 =	simm.s32 @!p0 $0x0  }
0x12: {  	s1 =	sld [smem:$0x3F95];
	s0 =	simm.s32 @p0 $0x1  }
0x13: {  	[smem:$0x3FB0] =	sst s0;
	s0 =	simm.s32 @!p1 $0x0  }
0x14: {  	s2 =	sld [smem:$0x3F94];
	s0 =	simm.s32 @p1 $0x1  }
0x15: {  	[smem:$0x3FB1] =	sst s0;
	s0 =	simm.s32 @!p2 $0x0  }
0x16: {  	s3 =	sld [smem:$0x3FDB];
	s0 =	simm.s32 @p2 $0x1  }
0x17: {  	s4 =	simm.s32 $0x1BF5;
	[smem:$0x3FB3] =	sst s0  }
0x18: {  	s0 =	sld [smem:$0x3F96];
	_ =	swait.ge [sflag:s4], $0x0  }
0x19: {  	s7 =	sld [smem:$0x3F97]  }
0x1a: {  	s8 =	sadd.s32 $0xFFFFE003, lr  }
0x1b: {  	s9 =	sadd.s32 $0xFFFFFEF7, lr;
	s5 =	simm.s32 $0xFFFFFFFF;
	p2 =	slt.u32 s8, $0xFFFFF086  }
0x1c: {  	p1 =	slt.u32 s9, $0xF7A;
	s5 =	simm.s32 @!p2 $0x0  }
0x1d: {  	s5 =	simm.s32 @p1 $0x1;
	p0 =	seq.s32 s7, s2  }
0x1e: {  	s7 =	smul.u32 @!p0 $0xF7A, s2;
	p2 =	seq.s32 @!p0 s5, $0x0  }
0x1f: {  	s9 =	smul.u32 $0xF7A, s1;
	s8 =	simm.s32 @!p0 $0x1BF5;
	p2 =	por !p2, p0  }
0x20: {  	[sflag:s8] =	ssyncset.s32 @!p0 $0xFFFFF086;
	s6 =	sadd.s32 @!p0 s3, s7;
	s7 =	simm.s32 @!p0 $0x108  }
0x21: {  	s3 =	sadd.s32 s3, s9;
	s6 =	sadd.s32 @!p0 $0x88, s6;
	s7 =	simm.s32 @p2 $0x1082  }
0x22: {  	[simem:s7], [sflag:s8] =	dma.local @!p0 [hbm:s6], $0xF7A  }
0x23: {  	s9 =	sor.u32 $0xD0000000, s2;
	s6 =	simm.s32 $0x108;
	_ =	swait.ge @!p0 [sflag:s8], $0x0  }
0x24: {  	s3 =	sadd.s32 $0x88, s3;
	s6 =	simm.s32 @!p1 $0x1082;
	[sflag:s4] =	ssyncset.s32 $0xFFFFF086  }
0x25: {  	[simem:s6], [sflag:s4] =	dma.local [hbm:s3], $0xF7A  }
0x26: {  	[smem:$0x3F97] =	sst s1;
	(tag) =	ssettag s2;
	_ =	strace s9  }
0x27: {  	s1 =	sld [smem:$0x3FA7]  }
0x28: {  	s2 =	sld [smem:$0x3FA8]  }
0x29: {  	s4 =	sld [smem:$0x3FAA]  }
0x2a: {  	p0 =	seq.s32 s5, $0x0;
	s5 =	sld [smem:$0x3FAB]  }
0x2b: {  	s6 =	sld [smem:$0x3FAC]  }
0x2c: {  	s7 =	sld [smem:$0x3FAD]  }
0x2d: {  	s3 =	simm.s32 $0x108;
	s8 =	sld [smem:$0x3FAE]  }
0x2e: {  	s3 =	simm.s32 @!p0 $0x1082;
	s9 =	sld [smem:$0x3FAF]  }
0x2f: {  	lr =	sadd.s32 s0, s3;
	s0 =	sld [smem:$0x3FA6]  }
0x30: {  	s3 =	sld [smem:$0x3FA9]  }
0x31: {  	[smem:$0x3FB2] =	sst s10  }
0x32: {  	s10 =	sld [smem:$0x3FB0];
	_ =	sdelay $0x3  }
0x33: {  	p0 =	seq.s32 s10, $0x1;
	s10 =	sld [smem:$0x3FB2];
	_ =	sdelay $0x3  }
0x34: {  	[smem:$0x3FB2] =	sst s10  }
0x35: {  	s10 =	sld [smem:$0x3FB1];
	_ =	sdelay $0x3  }
0x36: {  	p1 =	seq.s32 s10, $0x1;
	s10 =	sld [smem:$0x3FB2];
	_ =	sdelay $0x3  }
0x37: {  	[smem:$0x3FB2] =	sst s10  }
0x38: {  	s10 =	sld [smem:$0x3FB3]  }
0x39: {  	_ = 	snop;
	(pc) =	sbr.ind lr, $3  }
0x3a: {  	_ = 	snop  }
0x3b: {  	_ = 	snop  }
0x3c: {  	p2 =	seq.s32 s10, $0x1;
	s10 =	sld [smem:$0x3FB2]  }
0x3d: {  	_ =	shalt  }
0x3e: {  	_ =	shalt  }
0x3f: {  	_ =	shalt  }
0x40: {  	_ =	shalt  }
0x41: {  	_ =	shalt  }
0x42: {  	_ =	shalt  }
0x43: {  	_ =	shalt  }
0x44: {  	_ =	shalt  }
0x45: {  	_ =	shalt  }
0x46: {  	_ =	shalt  }
0x47: {  	_ =	shalt  }
0x48: {  	_ =	shalt  }
0x49: {  	_ =	shalt  }
0x4a: {  	_ =	shalt  }
0x4b: {  	_ =	shalt  }
0x4c: {  	_ =	shalt  }
0x4d: {  	_ =	shalt  }
0x4e: {  	_ =	shalt  }
0x4f: {  	_ =	shalt  }
0x50: {  	_ =	shalt  }
0x51: {  	_ =	shalt  }
0x52: {  	_ =	shalt  }
0x53: {  	_ =	shalt  }
0x54: {  	_ =	shalt  }
0x55: {  	_ =	shalt  }
0x56: {  	_ =	shalt  }
0x57: {  	_ =	shalt  }
0x58: {  	_ =	shalt  }
0x59: {  	_ =	shalt  }
0x5a: {  	_ =	shalt  }
0x5b: {  	_ =	shalt  }
0x5c: {  	_ =	shalt  }
0x5d: {  	_ =	shalt  }
0x5e: {  	_ =	shalt  }
0x5f: {  	_ =	shalt  }
0x60: {  	_ =	shalt  }
0x61: {  	_ =	shalt  }
0x62: {  	_ =	shalt  }
0x63: {  	_ =	shalt  }
0x64: {  	_ =	shalt  }
0x65: {  	_ =	shalt  }
0x66: {  	_ =	shalt  }
0x67: {  	_ =	shalt  }
0x68: {  	_ =	shalt  }
0x69: {  	_ =	shalt  }
0x6a: {  	_ =	shalt  }
0x6b: {  	_ =	shalt  }
0x6c: {  	_ =	shalt  }
0x6d: {  	_ =	shalt  }
0x6e: {  	_ =	shalt  }
0x6f: {  	_ =	shalt  }
0x70: {  	_ =	shalt  }
0x71: {  	_ =	shalt  }
0x72: {  	_ =	shalt  }
0x73: {  	_ =	shalt  }
0x74: {  	_ =	shalt  }
0x75: {  	_ =	shalt  }
0x76: {  	_ =	shalt  }
0x77: {  	_ =	shalt  }
0x78: {  	_ =	shalt  }
0x79: {  	_ =	shalt  }
0x7a: {  	_ =	shalt  }
0x7b: {  	_ =	shalt  }
0x7c: {  	_ =	shalt  }
0x7d: {  	_ =	shalt  }
0x7e: {  	_ =	shalt  }
0x7f: {  	_ =	shalt  }
0x80: {  	_ =	shalt  }
0x81: {  	_ =	shalt  }
0x82: {  	_ =	shalt  }
0x83: {  	_ =	shalt  }
0x84: {  	_ =	shalt  }
0x85: {  	_ =	shalt  }
0x86: {  	_ =	shalt  }
0x87: {  	_ =	shalt  }
.Lfunc_end0:
.L_simem_size_0:
called_computation.1_lowered:
.L_overlay_start_0:
0x88: {  	s2 =	sld [smem:$0x3FD9]  }
0x89: {  	s3 =	sld [smem:$0x3FFE];
	_ =	sdelay $0x1  }
0x8a: {  	s1 =	srdreg.scid  }
0x8b: {  	s0 =	sand.u32 $0x1, s1  }
0x8c: {  	s17 =	sshll.u32 s0, $0xA;
	s2 =	sadd.s32 s3, s2  }
0x8d: {  	s2 =	sadd.s32 s2, s17  }
0x8e: {  	[smem:$0x3FBE] =	sst s2  }
0x8f: {  	_ = 	snop  }
0x90: {  	(tm) =	ssettm $0x1  }
0x91: {  	s18 =	sld [smem:$0x3FFB];
	_ =	sdelay $0x3  }
0x92: {  	_ =	strace s18  }
0x93: {  	s2 =	sld [smem:$0x3FFC];
	_ =	sdelay $0x3  }
0x94: {  	_ =	strace s2  }
0x95: {  	s2 =	sld [smem:$0x3FFD];
	_ =	sdelay $0x3  }
0x96: {  	_ =	strace s2  }
0x97: {  	_ =	strace $0x8FFFFFFF  }
0x98: {  	s19 =	sld [smem:$0x3FDB];
	_ =	sdelay $0x1  }
0x99: {  	s20 =	simm.s32 $_scs_section_size  }
0x9a: {  	s4 =	simm.s32 $_size__tile_overlayer_lowered;
	s5 =	simm.s32 $_tile_overlayer_lowered  }
0x9b: {  	s6 =	simm.s32 $0x1BFF;
	s21 =	sshll.u32 s5, $0x1;
	s3 =	sadd.s32 s20, s19  }
0x9c: {  	s22 =	simm.s32 $0x0;
	s4 =	sshll.u32 s4, $0x1;
	s5 =	sadd.s32 s21, s3  }
0x9d: {  	[timem:s22], [sflag:s6] =	dma.local [hbm:s5], s4  }
0x9e: {  	_ =	swait.ge [sflag:s6], s4  }
0x9f: {  	s4 =	ssub.s32 $0x0, s4;
	[sflag:s6] =	ssyncset.done $0x0  }
0xa0: {  	[sflag:s6] =	ssyncadd.s32 s4;
	_ =	sdelay $0x1  }
0xa1: {  	s23 =	simm.s32 $0x1B8B  }
0xa2: {  	_ =	swait.ge [sflag:s23], $0x1  }
0xa3: {  	[sflag:s23] =	ssyncset.done $0x0  }
0xa4: {  	[sflag:s23] =	ssyncadd.s32 $0xFFFFFFFF  }
0xa5: {  	s4 =	sld [smem:$0x0]  }
0xa6: {  	s5 =	sand.u32 $0xFFFFFFFE, s1  }
0xa7: {  	p0 =	sne.s32 s1, s5  }
0xa8: {  	s5 =	sshll.u32 @p0 s5, $0xE  }
0xa9: {  	s5 =	sadd.s32 @p0 $0x11B8D, s5;
	s6 =	sshll.u32 @p0 s4, $0x11  }
0xaa: {  	s5 =	sor.u32 @p0 s6, s5  }
0xab: {  	[sflag:s5] =	ssyncadd.remote.s32 @p0 $0x1;
	_ =	sdelay $0x1  }
0xac: {  	s5 =	simm.s32 @p0 $0x1B8D  }
0xad: {  	_ =	swait.eq @p0 [sflag:s5], $0x1  }
0xae: {  	[sflag:s5] =	ssyncadd.s32 @p0 $0xFFFFFFFF  }
0xaf: {  	s6 =	sshll.u32 @!p0 s1, $0xE  }
0xb0: {  	s6 =	sor.u32 @!p0 $0x4000, s6;
	s5 =	simm.s32 @!p0 $0x1B8D  }
0xb1: {  	s4 =	sshll.u32 @!p0 s4, $0x11;
	s6 =	sadd.s32 @!p0 $0x11B8D, s6;
	_ =	swait.eq @!p0 [sflag:s5], $0x1  }
0xb2: {  	s4 =	sor.u32 @!p0 s4, s6;
	[sflag:s5] =	ssyncadd.s32 @!p0 $0xFFFFFFFF  }
0xb3: {  	s25 =	simm.s32 $0x1B8E;
	s24 =	sld [smem:$0x3FFE];
	[sflag:s4] =	ssyncadd.remote.s32 @!p0 $0x1  }
0xb4: {  	s26 =	simm.s32 $execute0_lowered;
	[smem:$0x3FD2] =	sst s25  }
0xb5: {  	s5 =	sshll.u32 s26, $0x1;
	_ =	strace $0x80000049;
	[dreg:$0x1] =	wrdreg $0xFFFFFFFF  }
0xb6: {  	s28 =	simm.s32 $_size_execute0_lowered;
	s3 =	sadd.s32 s3, s5;
	[dreg:$0x0] =	wrdreg $0x0  }
0xb7: {  	s5 =	sshll.u32 s28, $0x1;
	[dreg:$0x2] =	wrdreg s3  }
0xb8: {  	[dreg:$0x3] =	wrdreg s5  }
0xb9: {  	[dreg:$0x4] =	wrdreg $0xC0  }
0xba: {  	_ =	task [dreg:s22], $0x5FFFF  }
0xbb: {  	[dreg:$0x1] =	wrdreg $0xFFFFFFFF  }
0xbc: {  	[dreg:$0x0] =	wrdreg $0x60  }
0xbd: {  	[dreg:$0x2] =	wrdreg s24  }
0xbe: {  	[dreg:$0x3] =	wrdreg $0xA  }
0xbf: {  	_ =	task.clear_ibuf [dreg:s22], $0x4FFFF;
	_ =	strace $0x90000049  }
0xc0: {  	s29 =	simm.s32 $0xA;
	_ =	strace $0x8000004B  }
0xc1: {  	_ =	swait.ge [sflag:s29], $0x1  }
0xc2: {  	[sflag:s29] =	ssyncadd.s32 $0xFFFFFFFF  }
0xc3: {  	_ =	strace $0x9000004B  }
0xc4: {  	_ =	sfence  }
0xc5: {  	s30 =	sld [smem:$0x0];
	_ =	sdelay $0x2  }
0xc6: {  	s31 =	sshll.u32 s1, $0xD;
	s1 =	sshrl.u32 s1, $0x2  }
0xc7: {  	s4 =	sand.u32 $0x4000, s31;
	s1 =	sadd.s32 s1, s30  }
0xc8: {  	s0 =	sor.u32 s4, s0;
	s1 =	sshll.u32 s1, $0x11  }
0xc9: {  	s0 =	sor.u32 s1, s0  }
0xca: {  	s0 =	sadd.s32 $0x8F2B, s0  }
0xcb: {  	[sflag:s0] =	ssyncadd.remote.s32 $0x1  }
0xcc: {  	_ =	sfence.sel $0xFFFF  }
0xcd: {  	[dreg:$0x0] =	wrdreg $0xFFFFFFFF;
	(pc) =	sbr.abs _section_cstart, $3  }
0xce: {  	[dreg:$0x1] =	wrdreg $0xFFFFFFFF  }
0xcf: {  	_ =	task.clear_ibuf [dreg:s22], $0x2FFFF;
	_ =	strace $0x9FFFFFFF  }
0xd0: {  	(tm) =	ssettm $0x7FFFFFFF  }
0xd1: {  	_ =	shalt  }
tec
execute0_lowered:
.L_overlay_start_1:
0x0: {  	(tag) =	ssettag $0x1  }
0x1: {  	s0 =	srdreg.scid  }
0x2: {  	s1 =	stileid.u32;
	s3 =	rddreg [dreg:$0x0]  }
0x3: {  	s2 =	simm.s32 $0x0;
	p0 =	por $0x0, $0x0;
	s28 =	simm.s32 $0x580  }
0x4: {  	s29 =	simm.s32 $0xC00;
	s0 =	sand.u32 $0x1, s0;
	s1 =	sshll.u32 s1, $0x1  }
0x5: {  	s30 =	simm.s32 $0x600;
	s31 =	simm.s32 $0xC80;
	s1 =	sor.u32 s0, s1  }
0x6: {  	[smem:$0x7FF] =	sst s2;
	s0 =	ssub.s32 $0x2, s0;
	s4 =	smul.u32 $0x680, s1  }
0x7: {  	s6 =	sadd.s32 $0xE00, s3;
	s1 =	smul.u32 $0x3400, s1;
	s25 =	sshrl.u32 s0, $0x1  }
0x8: {  	s7 =	sadd.s32 $0x12D400, s3;
	_ =	strace $0x8000004A;
	s0 =	ssub.s32 s0, s25  }
0x9: {  	s25 =	simm.s32 $0x500;
	s5 =	sadd.s32 s6, s4;
	s1 =	sshrl.u32 s1, $0x3  }
0xa: {  	s4 =	sadd.s32 s7, s4;
	s0 =	smax.u32 s0, $0x1;
	[dreg:$0x2] =	wrdreg s5  }
0xb: {  	s8 =	sadd.s32 $0xD0, s1;
	[dreg:$0x3] =	wrdreg s4;
	s11 =	sadd.s32 $0x1A0, s1  }
0xc: {  	s14 =	sadd.s32 $0x270, s1;
	s17 =	sadd.s32 $0x340, s1;
	s5 =	sadd.s32 $0xDDE00, s3  }
0xd: {  	s22 =	sadd.s32 $0x4E0, s1;
	s3 =	simm.s32 $0x2;
	s9 =	sadd.s32 s6, s8  }
0xe: {  	s4 =	simm.s32 $0x680;
	s10 =	sadd.s32 s7, s8;
	[dreg:$0x4] =	wrdreg s9  }
0xf: {  	p1 =	sne.s32 s0, $0x1;
	s12 =	sadd.s32 s6, s11;
	[dreg:$0x5] =	wrdreg s10  }
0x10: {  	s13 =	sadd.s32 s7, s11;
	s15 =	sadd.s32 s6, s14;
	[dreg:$0x6] =	wrdreg s12  }
0x11: {  	s16 =	sadd.s32 s7, s14;
	s18 =	sadd.s32 s6, s17;
	[dreg:$0x7] =	wrdreg s13  }
0x12: {  	s19 =	sadd.s32 s7, s17;
	s8 =	sadd.s32 $0x410, s1;
	[dreg:$0x8] =	wrdreg s15  }
0x13: {  	s23 =	sadd.s32 s6, s22;
	s24 =	sadd.s32 s7, s22;
	[dreg:$0x9] =	wrdreg s16  }
0x14: {  	s1 =	sadd.s32 $0x5B0, s1;
	s11 =	simm.s32 $0x180;
	[dreg:$0xa] =	wrdreg s18  }
0x15: {  	s14 =	simm.s32 $0x880;
	s17 =	simm.s32 $0x300;
	[dreg:$0xb] =	wrdreg s19  }
0x16: {  	s22 =	simm.s32 $0xA80;
	s20 =	sadd.s32 s6, s8;
	[dreg:$0xe] =	wrdreg s23  }
0x17: {  	s21 =	sadd.s32 s7, s8;
	[dreg:$0xf] =	wrdreg s24;
	s26 =	sadd.s32 s6, s1  }
0x18: {  	s1 =	sadd.s32 s7, s1;
	s7 =	simm.s32 $0x80;
	s8 =	simm.s32 $0x700  }
0x19: {  	s9 =	simm.s32 $0x100;
	s10 =	simm.s32 $0x780;
	s12 =	simm.s32 $0x800  }
0x1a: {  	s13 =	simm.s32 $0x200;
	s15 =	simm.s32 $0x280;
	s16 =	simm.s32 $0x900  }
.Ltmp0:
0x1b: {  	s18 =	simm.s32 $0x980;
	[dreg:$0xc] =	wrdreg s20;
	(pc) =	sbr.rel @!p1 .LBB2_3-.Ltmp0, $4  }
0x1c: {  	s19 =	simm.s32 $0x380;
	s23 =	simm.s32 $0x480;
	[dreg:$0xd] =	wrdreg s21  }
0x1d: {  	s24 =	simm.s32 $0xB00;
	s6 =	simm.s32 $0x1;
	[dreg:$0x10] =	wrdreg s26  }
0x1e: {  	[dreg:$0x11] =	wrdreg s1;
	s20 =	simm.s32 $0xA00;
	s21 =	simm.s32 $0x400  }
0x1f: {  	s1 =	sadd.s32 $0xFFFFFFFF, s0;
	s26 =	simm.s32 $0xB80;
	s0 =	rddreg [dreg:$0x2]  }
0x20: {  	[tilespmem:s2], [sflag:$0x2] =	stream.linear.gather [hbm4b:s0+s2], $0x680, $0x38;
	[tilespmem:$0xD00] =	vst v63  }
0x21: {  	_ =	swait.ge [sflag:s3], $0x680  }
0x22: {  	[sflag:s3] =	ssyncset.done $0x0  }
0x23: {  	[sflag:s3] =	ssyncadd.s32 $0xFFFFF980  }
0x24: {  	[tilespmem:s4], [sflag:$0x1] =	stream.indirect.gather [hbm4b:s5+s7], $0x1, s2, s7, $0xb8;
	[tilespmem:$0xD00] =	vst v63  }
0x25: {  	_ = 	snop  }
0x26: {  	[tilespmem:s8], [sflag:$0x1] =	stream.indirect.gather [hbm4b:s5+s7], $0x1, s7, s7, $0xb8;
	[tilespmem:$0xD00] =	vst v63  }
0x27: {  	_ = 	snop  }
0x28: {  	[tilespmem:s10], [sflag:$0x1] =	stream.indirect.gather [hbm4b:s5+s7], $0x1, s9, s7, $0xb8;
	[tilespmem:$0xD00] =	vst v63  }
0x29: {  	_ = 	snop  }
0x2a: {  	[tilespmem:s12], [sflag:$0x1] =	stream.indirect.gather [hbm4b:s5+s7], $0x1, s11, s7, $0xb8;
	[tilespmem:$0xD00] =	vst v63  }
0x2b: {  	_ = 	snop  }
0x2c: {  	[tilespmem:s14], [sflag:$0x1] =	stream.indirect.gather [hbm4b:s5+s7], $0x1, s13, s7, $0xb8;
	[tilespmem:$0xD00] =	vst v63  }
0x2d: {  	_ = 	snop  }
0x2e: {  	[tilespmem:s16], [sflag:$0x1] =	stream.indirect.gather [hbm4b:s5+s7], $0x1, s15, s7, $0xb8;
	[tilespmem:$0xD00] =	vst v63  }
0x2f: {  	_ = 	snop  }
0x30: {  	[tilespmem:s18], [sflag:$0x1] =	stream.indirect.gather [hbm4b:s5+s7], $0x1, s17, s7, $0xb8;
	[tilespmem:$0xD00] =	vst v63  }
0x31: {  	_ = 	snop  }
0x32: {  	[tilespmem:s20], [sflag:$0x1] =	stream.indirect.gather [hbm4b:s5+s7], $0x1, s19, s7, $0xb8;
	[tilespmem:$0xD00] =	vst v63  }
0x33: {  	_ = 	snop  }
0x34: {  	[tilespmem:s22], [sflag:$0x1] =	stream.indirect.gather [hbm4b:s5+s7], $0x1, s21, s7, $0xb8;
	[tilespmem:$0xD00] =	vst v63  }
0x35: {  	_ = 	snop  }
0x36: {  	[tilespmem:s24], [sflag:$0x1] =	stream.indirect.gather [hbm4b:s5+s7], $0x1, s23, s7, $0xb8;
	[tilespmem:$0xD00] =	vst v63  }
0x37: {  	_ = 	snop  }
0x38: {  	[tilespmem:s26], [sflag:$0x1] =	stream.indirect.gather [hbm4b:s5+s7], $0x1, s25, s7, $0xb8;
	[tilespmem:$0xD00] =	vst v63  }
0x39: {  	_ = 	snop  }
0x3a: {  	[tilespmem:s29], [sflag:$0x1] =	stream.indirect.gather [hbm4b:s5+s7], $0x1, s28, s7, $0xb8;
	[tilespmem:$0xD00] =	vst v63  }
0x3b: {  	_ = 	snop  }
0x3c: {  	[tilespmem:s31], [sflag:$0x1] =	stream.indirect.gather [hbm4b:s5+s7], $0x1, s30, s7, $0xb8;
	[tilespmem:$0xD00] =	vst v63  }
0x3d: {  	_ =	swait.ge [sflag:s6], $0x80  }
0x3e: {  	[sflag:s6] =	ssyncset.done $0x0  }
0x3f: {  	[sflag:s6] =	ssyncadd.s32 $0xFFFFFF80  }
0x40: {  	_ =	swait.ge [sflag:s6], $0x80  }
0x41: {  	[sflag:s6] =	ssyncset.done $0x0  }
0x42: {  	[sflag:s6] =	ssyncadd.s32 $0xFFFFFF80  }
0x43: {  	_ =	swait.ge [sflag:s6], $0x80  }
0x44: {  	[sflag:s6] =	ssyncset.done $0x0  }
0x45: {  	[sflag:s6] =	ssyncadd.s32 $0xFFFFFF80  }
0x46: {  	_ =	swait.ge [sflag:s6], $0x80  }
0x47: {  	[sflag:s6] =	ssyncset.done $0x0  }
0x48: {  	[sflag:s6] =	ssyncadd.s32 $0xFFFFFF80  }
0x49: {  	_ =	swait.ge [sflag:s6], $0x80  }
0x4a: {  	[sflag:s6] =	ssyncset.done $0x0  }
0x4b: {  	[sflag:s6] =	ssyncadd.s32 $0xFFFFFF80  }
0x4c: {  	_ =	swait.ge [sflag:s6], $0x80  }
0x4d: {  	[sflag:s6] =	ssyncset.done $0x0  }
0x4e: {  	[sflag:s6] =	ssyncadd.s32 $0xFFFFFF80  }
0x4f: {  	_ =	swait.ge [sflag:s6], $0x80  }
0x50: {  	[sflag:s6] =	ssyncset.done $0x0  }
0x51: {  	[sflag:s6] =	ssyncadd.s32 $0xFFFFFF80  }
0x52: {  	_ =	swait.ge [sflag:s6], $0x80  }
0x53: {  	[sflag:s6] =	ssyncset.done $0x0  }
0x54: {  	[sflag:s6] =	ssyncadd.s32 $0xFFFFFF80  }
0x55: {  	_ =	swait.ge [sflag:s6], $0x80  }
0x56: {  	[sflag:s6] =	ssyncset.done $0x0  }
0x57: {  	[sflag:s6] =	ssyncadd.s32 $0xFFFFFF80  }
0x58: {  	_ =	swait.ge [sflag:s6], $0x80  }
0x59: {  	[sflag:s6] =	ssyncset.done $0x0  }
0x5a: {  	[sflag:s6] =	ssyncadd.s32 $0xFFFFFF80  }
0x5b: {  	_ =	swait.ge [sflag:s6], $0x80  }
0x5c: {  	[sflag:s6] =	ssyncset.done $0x0  }
0x5d: {  	[sflag:s6] =	ssyncadd.s32 $0xFFFFFF80  }
0x5e: {  	_ =	swait.ge [sflag:s6], $0x80  }
0x5f: {  	[sflag:s6] =	ssyncset.done $0x0  }
0x60: {  	[sflag:s6] =	ssyncadd.s32 $0xFFFFFF80  }
0x61: {  	_ =	swait.ge [sflag:s6], $0x80  }
0x62: {  	[sflag:s6] =	ssyncset.done $0x0  }
0x63: {  	s0 =	rddreg [dreg:$0x3];
	[sflag:s6] =	ssyncadd.s32 $0xFFFFFF80  }
0x64: {  	[hbm4b:s0+s2] =	stream.linear.scatter [tilespmem:s4], [sflag:$0x2], $0x680, $0x38;
	[tilespmem:$0xD00] =	vst v63  }
0x65: {  	_ =	swait.ge [sflag:s3], $0x680  }
0x66: {  	[sflag:s3] =	ssyncset.done $0x0  }
0x67: {  	s0 =	rddreg [dreg:$0x4];
	[sflag:s3] =	ssyncadd.s32 $0xFFFFF980  }
0x68: {  	[tilespmem:s2], [sflag:$0x2] =	stream.linear.gather [hbm4b:s0+s2], $0x680, $0x38;
	[tilespmem:$0xD00] =	vst v63  }
0x69: {  	_ =	swait.ge [sflag:s3], $0x680  }
0x6a: {  	[sflag:s3] =	ssyncset.done $0x0  }
0x6b: {  	[sflag:s3] =	ssyncadd.s32 $0xFFFFF980  }
0x6c: {  	[tilespmem:s4], [sflag:$0x1] =	stream.indirect.gather [hbm4b:s5+s7], $0x1, s2, s7, $0xb8;
	[tilespmem:$0xD00] =	vst v63  }
0x6d: {  	_ = 	snop  }
0x6e: {  	[tilespmem:s8], [sflag:$0x1] =	stream.indirect.gather [hbm4b:s5+s7], $0x1, s7, s7, $0xb8;
	[tilespmem:$0xD00] =	vst v63  }
0x6f: {  	_ = 	snop  }
0x70: {  	[tilespmem:s10], [sflag:$0x1] =	stream.indirect.gather [hbm4b:s5+s7], $0x1, s9, s7, $0xb8;
	[tilespmem:$0xD00] =	vst v63  }
0x71: {  	_ = 	snop  }
0x72: {  	[tilespmem:s12], [sflag:$0x1] =	stream.indirect.gather [hbm4b:s5+s7], $0x1, s11, s7, $0xb8;
	[tilespmem:$0xD00] =	vst v63  }
0x73: {  	_ = 	snop  }
0x74: {  	[tilespmem:s14], [sflag:$0x1] =	stream.indirect.gather [hbm4b:s5+s7], $0x1, s13, s7, $0xb8;
	[tilespmem:$0xD00] =	vst v63  }
0x75: {  	_ = 	snop  }
0x76: {  	[tilespmem:s16], [sflag:$0x1] =	stream.indirect.gather [hbm4b:s5+s7], $0x1, s15, s7, $0xb8;
	[tilespmem:$0xD00] =	vst v63  }
0x77: {  	_ = 	snop  }
0x78: {  	[tilespmem:s18], [sflag:$0x1] =	stream.indirect.gather [hbm4b:s5+s7], $0x1, s17, s7, $0xb8;
	[tilespmem:$0xD00] =	vst v63  }
0x79: {  	_ = 	snop  }
0x7a: {  	[tilespmem:s20], [sflag:$0x1] =	stream.indirect.gather [hbm4b:s5+s7], $0x1, s19, s7, $0xb8;
	[tilespmem:$0xD00] =	vst v63  }
0x7b: {  	_ = 	snop  }
0x7c: {  	[tilespmem:s22], [sflag:$0x1] =	stream.indirect.gather [hbm4b:s5+s7], $0x1, s21, s7, $0xb8;
	[tilespmem:$0xD00] =	vst v63  }
0x7d: {  	_ = 	snop  }
0x7e: {  	[tilespmem:s24], [sflag:$0x1] =	stream.indirect.gather [hbm4b:s5+s7], $0x1, s23, s7, $0xb8;
	[tilespmem:$0xD00] =	vst v63  }
0x7f: {  	_ = 	snop  }
0x80: {  	[tilespmem:s26], [sflag:$0x1] =	stream.indirect.gather [hbm4b:s5+s7], $0x1, s25, s7, $0xb8;
	[tilespmem:$0xD00] =	vst v63  }
0x81: {  	_ = 	snop  }
0x82: {  	[tilespmem:s29], [sflag:$0x1] =	stream.indirect.gather [hbm4b:s5+s7], $0x1, s28, s7, $0xb8;
	[tilespmem:$0xD00] =	vst v63  }
0x83: {  	_ = 	snop  }
0x84: {  	[tilespmem:s31], [sflag:$0x1] =	stream.indirect.gather [hbm4b:s5+s7], $0x1, s30, s7, $0xb8;
	[tilespmem:$0xD00] =	vst v63  }
0x85: {  	_ =	swait.ge [sflag:s6], $0x80  }
0x86: {  	[sflag:s6] =	ssyncset.done $0x0  }
0x87: {  	[sflag:s6] =	ssyncadd.s32 $0xFFFFFF80  }
0x88: {  	_ =	swait.ge [sflag:s6], $0x80  }
0x89: {  	[sflag:s6] =	ssyncset.done $0x0  }
0x8a: {  	[sflag:s6] =	ssyncadd.s32 $0xFFFFFF80  }
0x8b: {  	_ =	swait.ge [sflag:s6], $0x80  }
0x8c: {  	[sflag:s6] =	ssyncset.done $0x0  }
0x8d: {  	[sflag:s6] =	ssyncadd.s32 $0xFFFFFF80  }
0x8e: {  	_ =	swait.ge [sflag:s6], $0x80  }
0x8f: {  	[sflag:s6] =	ssyncset.done $0x0  }
0x90: {  	[sflag:s6] =	ssyncadd.s32 $0xFFFFFF80  }
0x91: {  	_ =	swait.ge [sflag:s6], $0x80  }
0x92: {  	[sflag:s6] =	ssyncset.done $0x0  }
0x93: {  	[sflag:s6] =	ssyncadd.s32 $0xFFFFFF80  }
0x94: {  	_ =	swait.ge [sflag:s6], $0x80  }
0x95: {  	[sflag:s6] =	ssyncset.done $0x0  }
0x96: {  	[sflag:s6] =	ssyncadd.s32 $0xFFFFFF80  }
0x97: {  	_ =	swait.ge [sflag:s6], $0x80  }
0x98: {  	[sflag:s6] =	ssyncset.done $0x0  }
0x99: {  	[sflag:s6] =	ssyncadd.s32 $0xFFFFFF80  }
0x9a: {  	_ =	swait.ge [sflag:s6], $0x80  }
0x9b: {  	[sflag:s6] =	ssyncset.done $0x0  }
0x9c: {  	[sflag:s6] =	ssyncadd.s32 $0xFFFFFF80  }
0x9d: {  	_ =	swait.ge [sflag:s6], $0x80  }
0x9e: {  	[sflag:s6] =	ssyncset.done $0x0  }
0x9f: {  	[sflag:s6] =	ssyncadd.s32 $0xFFFFFF80  }
0xa0: {  	_ =	swait.ge [sflag:s6], $0x80  }
0xa1: {  	[sflag:s6] =	ssyncset.done $0x0  }
0xa2: {  	[sflag:s6] =	ssyncadd.s32 $0xFFFFFF80  }
0xa3: {  	_ =	swait.ge [sflag:s6], $0x80  }
0xa4: {  	[sflag:s6] =	ssyncset.done $0x0  }
0xa5: {  	[sflag:s6] =	ssyncadd.s32 $0xFFFFFF80  }
0xa6: {  	_ =	swait.ge [sflag:s6], $0x80  }
0xa7: {  	[sflag:s6] =	ssyncset.done $0x0  }
0xa8: {  	[sflag:s6] =	ssyncadd.s32 $0xFFFFFF80  }
0xa9: {  	_ =	swait.ge [sflag:s6], $0x80  }
0xaa: {  	[sflag:s6] =	ssyncset.done $0x0  }
0xab: {  	s0 =	rddreg [dreg:$0x5];
	[sflag:s6] =	ssyncadd.s32 $0xFFFFFF80  }
0xac: {  	[hbm4b:s0+s2] =	stream.linear.scatter [tilespmem:s4], [sflag:$0x2], $0x680, $0x38;
	[tilespmem:$0xD00] =	vst v63  }
0xad: {  	_ =	swait.ge [sflag:s3], $0x680  }
0xae: {  	[sflag:s3] =	ssyncset.done $0x0  }
0xaf: {  	s0 =	rddreg [dreg:$0x6];
	[sflag:s3] =	ssyncadd.s32 $0xFFFFF980  }
0xb0: {  	[tilespmem:s2], [sflag:$0x2] =	stream.linear.gather [hbm4b:s0+s2], $0x680, $0x38;
	[tilespmem:$0xD00] =	vst v63  }
0xb1: {  	_ =	swait.ge [sflag:s3], $0x680  }
0xb2: {  	[sflag:s3] =	ssyncset.done $0x0  }
0xb3: {  	[sflag:s3] =	ssyncadd.s32 $0xFFFFF980  }
0xb4: {  	[tilespmem:s4], [sflag:$0x1] =	stream.indirect.gather [hbm4b:s5+s7], $0x1, s2, s7, $0xb8;
	[tilespmem:$0xD00] =	vst v63  }
0xb5: {  	_ = 	snop  }
0xb6: {  	[tilespmem:s8], [sflag:$0x1] =	stream.indirect.gather [hbm4b:s5+s7], $0x1, s7, s7, $0xb8;
	[tilespmem:$0xD00] =	vst v63  }
0xb7: {  	_ = 	snop  }
0xb8: {  	[tilespmem:s10], [sflag:$0x1] =	stream.indirect.gather [hbm4b:s5+s7], $0x1, s9, s7, $0xb8;
	[tilespmem:$0xD00] =	vst v63  }
0xb9: {  	_ = 	snop  }
0xba: {  	[tilespmem:s12], [sflag:$0x1] =	stream.indirect.gather [hbm4b:s5+s7], $0x1, s11, s7, $0xb8;
	[tilespmem:$0xD00] =	vst v63  }
0xbb: {  	_ = 	snop  }
0xbc: {  	[tilespmem:s14], [sflag:$0x1] =	stream.indirect.gather [hbm4b:s5+s7], $0x1, s13, s7, $0xb8;
	[tilespmem:$0xD00] =	vst v63  }
0xbd: {  	_ = 	snop  }
0xbe: {  	[tilespmem:s16], [sflag:$0x1] =	stream.indirect.gather [hbm4b:s5+s7], $0x1, s15, s7, $0xb8;
	[tilespmem:$0xD00] =	vst v63  }
0xbf: {  	_ = 	snop  }
0xc0: {  	[tilespmem:s18], [sflag:$0x1] =	stream.indirect.gather [hbm4b:s5+s7], $0x1, s17, s7, $0xb8;
	[tilespmem:$0xD00] =	vst v63  }
0xc1: {  	_ = 	snop  }
0xc2: {  	[tilespmem:s20], [sflag:$0x1] =	stream.indirect.gather [hbm4b:s5+s7], $0x1, s19, s7, $0xb8;
	[tilespmem:$0xD00] =	vst v63  }
0xc3: {  	_ = 	snop  }
0xc4: {  	[tilespmem:s22], [sflag:$0x1] =	stream.indirect.gather [hbm4b:s5+s7], $0x1, s21, s7, $0xb8;
	[tilespmem:$0xD00] =	vst v63  }
0xc5: {  	_ = 	snop  }
0xc6: {  	[tilespmem:s24], [sflag:$0x1] =	stream.indirect.gather [hbm4b:s5+s7], $0x1, s23, s7, $0xb8;
	[tilespmem:$0xD00] =	vst v63  }
0xc7: {  	_ = 	snop  }
0xc8: {  	[tilespmem:s26], [sflag:$0x1] =	stream.indirect.gather [hbm4b:s5+s7], $0x1, s25, s7, $0xb8;
	[tilespmem:$0xD00] =	vst v63  }
0xc9: {  	_ = 	snop  }
0xca: {  	[tilespmem:s29], [sflag:$0x1] =	stream.indirect.gather [hbm4b:s5+s7], $0x1, s28, s7, $0xb8;
	[tilespmem:$0xD00] =	vst v63  }
0xcb: {  	_ = 	snop  }
0xcc: {  	[tilespmem:s31], [sflag:$0x1] =	stream.indirect.gather [hbm4b:s5+s7], $0x1, s30, s7, $0xb8;
	[tilespmem:$0xD00] =	vst v63  }
0xcd: {  	_ =	swait.ge [sflag:s6], $0x80  }
0xce: {  	[sflag:s6] =	ssyncset.done $0x0  }
0xcf: {  	[sflag:s6] =	ssyncadd.s32 $0xFFFFFF80  }
0xd0: {  	_ =	swait.ge [sflag:s6], $0x80  }
0xd1: {  	[sflag:s6] =	ssyncset.done $0x0  }
0xd2: {  	[sflag:s6] =	ssyncadd.s32 $0xFFFFFF80  }
0xd3: {  	_ =	swait.ge [sflag:s6], $0x80  }
0xd4: {  	[sflag:s6] =	ssyncset.done $0x0  }
0xd5: {  	[sflag:s6] =	ssyncadd.s32 $0xFFFFFF80  }
0xd6: {  	_ =	swait.ge [sflag:s6], $0x80  }
0xd7: {  	[sflag:s6] =	ssyncset.done $0x0  }
0xd8: {  	[sflag:s6] =	ssyncadd.s32 $0xFFFFFF80  }
0xd9: {  	_ =	swait.ge [sflag:s6], $0x80  }
0xda: {  	[sflag:s6] =	ssyncset.done $0x0  }
0xdb: {  	[sflag:s6] =	ssyncadd.s32 $0xFFFFFF80  }
0xdc: {  	_ =	swait.ge [sflag:s6], $0x80  }
0xdd: {  	[sflag:s6] =	ssyncset.done $0x0  }
0xde: {  	[sflag:s6] =	ssyncadd.s32 $0xFFFFFF80  }
0xdf: {  	_ =	swait.ge [sflag:s6], $0x80  }
0xe0: {  	[sflag:s6] =	ssyncset.done $0x0  }
0xe1: {  	[sflag:s6] =	ssyncadd.s32 $0xFFFFFF80  }
0xe2: {  	_ =	swait.ge [sflag:s6], $0x80  }
0xe3: {  	[sflag:s6] =	ssyncset.done $0x0  }
0xe4: {  	[sflag:s6] =	ssyncadd.s32 $0xFFFFFF80  }
0xe5: {  	_ =	swait.ge [sflag:s6], $0x80  }
0xe6: {  	[sflag:s6] =	ssyncset.done $0x0  }
0xe7: {  	[sflag:s6] =	ssyncadd.s32 $0xFFFFFF80  }
0xe8: {  	_ =	swait.ge [sflag:s6], $0x80  }
0xe9: {  	[sflag:s6] =	ssyncset.done $0x0  }
0xea: {  	[sflag:s6] =	ssyncadd.s32 $0xFFFFFF80  }
0xeb: {  	_ =	swait.ge [sflag:s6], $0x80  }
0xec: {  	[sflag:s6] =	ssyncset.done $0x0  }
0xed: {  	[sflag:s6] =	ssyncadd.s32 $0xFFFFFF80  }
0xee: {  	_ =	swait.ge [sflag:s6], $0x80  }
0xef: {  	[sflag:s6] =	ssyncset.done $0x0  }
0xf0: {  	[sflag:s6] =	ssyncadd.s32 $0xFFFFFF80  }
0xf1: {  	_ =	swait.ge [sflag:s6], $0x80  }
0xf2: {  	[sflag:s6] =	ssyncset.done $0x0  }
0xf3: {  	s0 =	rddreg [dreg:$0x7];
	[sflag:s6] =	ssyncadd.s32 $0xFFFFFF80  }
0xf4: {  	[hbm4b:s0+s2] =	stream.linear.scatter [tilespmem:s4], [sflag:$0x2], $0x680, $0x38;
	[tilespmem:$0xD00] =	vst v63  }
0xf5: {  	_ =	swait.ge [sflag:s3], $0x680  }
0xf6: {  	[sflag:s3] =	ssyncset.done $0x0  }
0xf7: {  	s0 =	rddreg [dreg:$0x8];
	[sflag:s3] =	ssyncadd.s32 $0xFFFFF980  }
0xf8: {  	[tilespmem:s2], [sflag:$0x2] =	stream.linear.gather [hbm4b:s0+s2], $0x680, $0x38;
	[tilespmem:$0xD00] =	vst v63  }
0xf9: {  	_ =	swait.ge [sflag:s3], $0x680  }
0xfa: {  	[sflag:s3] =	ssyncset.done $0x0  }
0xfb: {  	[sflag:s3] =	ssyncadd.s32 $0xFFFFF980  }
0xfc: {  	[tilespmem:s4], [sflag:$0x1] =	stream.indirect.gather [hbm4b:s5+s7], $0x1, s2, s7, $0xb8;
	[tilespmem:$0xD00] =	vst v63  }
0xfd: {  	_ = 	snop  }
0xfe: {  	[tilespmem:s8], [sflag:$0x1] =	stream.indirect.gather [hbm4b:s5+s7], $0x1, s7, s7, $0xb8;
	[tilespmem:$0xD00] =	vst v63  }
0xff: {  	_ = 	snop  }
0x100: {  	[tilespmem:s10], [sflag:$0x1] =	stream.indirect.gather [hbm4b:s5+s7], $0x1, s9, s7, $0xb8;
	[tilespmem:$0xD00] =	vst v63  }
0x101: {  	_ = 	snop  }
0x102: {  	[tilespmem:s12], [sflag:$0x1] =	stream.indirect.gather [hbm4b:s5+s7], $0x1, s11, s7, $0xb8;
	[tilespmem:$0xD00] =	vst v63  }
0x103: {  	_ = 	snop  }
0x104: {  	[tilespmem:s14], [sflag:$0x1] =	stream.indirect.gather [hbm4b:s5+s7], $0x1, s13, s7, $0xb8;
	[tilespmem:$0xD00] =	vst v63  }
0x105: {  	_ = 	snop  }
0x106: {  	[tilespmem:s16], [sflag:$0x1] =	stream.indirect.gather [hbm4b:s5+s7], $0x1, s15, s7, $0xb8;
	[tilespmem:$0xD00] =	vst v63  }
0x107: {  	_ = 	snop  }
0x108: {  	[tilespmem:s18], [sflag:$0x1] =	stream.indirect.gather [hbm4b:s5+s7], $0x1, s17, s7, $0xb8;
	[tilespmem:$0xD00] =	vst v63  }
0x109: {  	_ = 	snop  }
0x10a: {  	[tilespmem:s20], [sflag:$0x1] =	stream.indirect.gather [hbm4b:s5+s7], $0x1, s19, s7, $0xb8;
	[tilespmem:$0xD00] =	vst v63  }
0x10b: {  	_ = 	snop  }
0x10c: {  	[tilespmem:s22], [sflag:$0x1] =	stream.indirect.gather [hbm4b:s5+s7], $0x1, s21, s7, $0xb8;
	[tilespmem:$0xD00] =	vst v63  }
0x10d: {  	_ = 	snop  }
0x10e: {  	[tilespmem:s24], [sflag:$0x1] =	stream.indirect.gather [hbm4b:s5+s7], $0x1, s23, s7, $0xb8;
	[tilespmem:$0xD00] =	vst v63  }
0x10f: {  	_ = 	snop  }
0x110: {  	[tilespmem:s26], [sflag:$0x1] =	stream.indirect.gather [hbm4b:s5+s7], $0x1, s25, s7, $0xb8;
	[tilespmem:$0xD00] =	vst v63  }
0x111: {  	_ = 	snop  }
0x112: {  	[tilespmem:s29], [sflag:$0x1] =	stream.indirect.gather [hbm4b:s5+s7], $0x1, s28, s7, $0xb8;
	[tilespmem:$0xD00] =	vst v63  }
0x113: {  	_ = 	snop  }
0x114: {  	[tilespmem:s31], [sflag:$0x1] =	stream.indirect.gather [hbm4b:s5+s7], $0x1, s30, s7, $0xb8;
	[tilespmem:$0xD00] =	vst v63  }
0x115: {  	_ =	swait.ge [sflag:s6], $0x80  }
0x116: {  	[sflag:s6] =	ssyncset.done $0x0  }
0x117: {  	[sflag:s6] =	ssyncadd.s32 $0xFFFFFF80  }
0x118: {  	_ =	swait.ge [sflag:s6], $0x80  }
0x119: {  	[sflag:s6] =	ssyncset.done $0x0  }
0x11a: {  	[sflag:s6] =	ssyncadd.s32 $0xFFFFFF80  }
0x11b: {  	_ =	swait.ge [sflag:s6], $0x80  }
0x11c: {  	[sflag:s6] =	ssyncset.done $0x0  }
0x11d: {  	[sflag:s6] =	ssyncadd.s32 $0xFFFFFF80  }
0x11e: {  	_ =	swait.ge [sflag:s6], $0x80  }
0x11f: {  	[sflag:s6] =	ssyncset.done $0x0  }
0x120: {  	[sflag:s6] =	ssyncadd.s32 $0xFFFFFF80  }
0x121: {  	_ =	swait.ge [sflag:s6], $0x80  }
0x122: {  	[sflag:s6] =	ssyncset.done $0x0  }
0x123: {  	[sflag:s6] =	ssyncadd.s32 $0xFFFFFF80  }
0x124: {  	_ =	swait.ge [sflag:s6], $0x80  }
0x125: {  	[sflag:s6] =	ssyncset.done $0x0  }
0x126: {  	[sflag:s6] =	ssyncadd.s32 $0xFFFFFF80  }
0x127: {  	_ =	swait.ge [sflag:s6], $0x80  }
0x128: {  	[sflag:s6] =	ssyncset.done $0x0  }
0x129: {  	[sflag:s6] =	ssyncadd.s32 $0xFFFFFF80  }
0x12a: {  	_ =	swait.ge [sflag:s6], $0x80  }
0x12b: {  	[sflag:s6] =	ssyncset.done $0x0  }
0x12c: {  	[sflag:s6] =	ssyncadd.s32 $0xFFFFFF80  }
0x12d: {  	_ =	swait.ge [sflag:s6], $0x80  }
0x12e: {  	[sflag:s6] =	ssyncset.done $0x0  }
0x12f: {  	[sflag:s6] =	ssyncadd.s32 $0xFFFFFF80  }
0x130: {  	_ =	swait.ge [sflag:s6], $0x80  }
0x131: {  	[sflag:s6] =	ssyncset.done $0x0  }
0x132: {  	[sflag:s6] =	ssyncadd.s32 $0xFFFFFF80  }
0x133: {  	_ =	swait.ge [sflag:s6], $0x80  }
0x134: {  	[sflag:s6] =	ssyncset.done $0x0  }
0x135: {  	[sflag:s6] =	ssyncadd.s32 $0xFFFFFF80  }
0x136: {  	_ =	swait.ge [sflag:s6], $0x80  }
0x137: {  	[sflag:s6] =	ssyncset.done $0x0  }
0x138: {  	[sflag:s6] =	ssyncadd.s32 $0xFFFFFF80  }
0x139: {  	_ =	swait.ge [sflag:s6], $0x80  }
0x13a: {  	[sflag:s6] =	ssyncset.done $0x0  }
0x13b: {  	s0 =	rddreg [dreg:$0x9];
	[sflag:s6] =	ssyncadd.s32 $0xFFFFFF80  }
0x13c: {  	[hbm4b:s0+s2] =	stream.linear.scatter [tilespmem:s4], [sflag:$0x2], $0x680, $0x38;
	[tilespmem:$0xD00] =	vst v63  }
0x13d: {  	_ =	swait.ge [sflag:s3], $0x680  }
0x13e: {  	[sflag:s3] =	ssyncset.done $0x0  }
0x13f: {  	s0 =	rddreg [dreg:$0xa];
	[sflag:s3] =	ssyncadd.s32 $0xFFFFF980  }
0x140: {  	[tilespmem:s2], [sflag:$0x2] =	stream.linear.gather [hbm4b:s0+s2], $0x680, $0x38;
	[tilespmem:$0xD00] =	vst v63  }
0x141: {  	_ =	swait.ge [sflag:s3], $0x680  }
0x142: {  	[sflag:s3] =	ssyncset.done $0x0  }
0x143: {  	[sflag:s3] =	ssyncadd.s32 $0xFFFFF980  }
0x144: {  	[tilespmem:s4], [sflag:$0x1] =	stream.indirect.gather [hbm4b:s5+s7], $0x1, s2, s7, $0xb8;
	[tilespmem:$0xD00] =	vst v63  }
0x145: {  	_ = 	snop  }
0x146: {  	[tilespmem:s8], [sflag:$0x1] =	stream.indirect.gather [hbm4b:s5+s7], $0x1, s7, s7, $0xb8;
	[tilespmem:$0xD00] =	vst v63  }
0x147: {  	_ = 	snop  }
0x148: {  	[tilespmem:s10], [sflag:$0x1] =	stream.indirect.gather [hbm4b:s5+s7], $0x1, s9, s7, $0xb8;
	[tilespmem:$0xD00] =	vst v63  }
0x149: {  	_ = 	snop  }
0x14a: {  	[tilespmem:s12], [sflag:$0x1] =	stream.indirect.gather [hbm4b:s5+s7], $0x1, s11, s7, $0xb8;
	[tilespmem:$0xD00] =	vst v63  }
0x14b: {  	_ = 	snop  }
0x14c: {  	[tilespmem:s14], [sflag:$0x1] =	stream.indirect.gather [hbm4b:s5+s7], $0x1, s13, s7, $0xb8;
	[tilespmem:$0xD00] =	vst v63  }
0x14d: {  	_ = 	snop  }
0x14e: {  	[tilespmem:s16], [sflag:$0x1] =	stream.indirect.gather [hbm4b:s5+s7], $0x1, s15, s7, $0xb8;
	[tilespmem:$0xD00] =	vst v63  }
0x14f: {  	_ = 	snop  }
0x150: {  	[tilespmem:s18], [sflag:$0x1] =	stream.indirect.gather [hbm4b:s5+s7], $0x1, s17, s7, $0xb8;
	[tilespmem:$0xD00] =	vst v63  }
0x151: {  	_ = 	snop  }
0x152: {  	[tilespmem:s20], [sflag:$0x1] =	stream.indirect.gather [hbm4b:s5+s7], $0x1, s19, s7, $0xb8;
	[tilespmem:$0xD00] =	vst v63  }
0x153: {  	_ = 	snop  }
0x154: {  	[tilespmem:s22], [sflag:$0x1] =	stream.indirect.gather [hbm4b:s5+s7], $0x1, s21, s7, $0xb8;
	[tilespmem:$0xD00] =	vst v63  }
0x155: {  	_ = 	snop  }
0x156: {  	[tilespmem:s24], [sflag:$0x1] =	stream.indirect.gather [hbm4b:s5+s7], $0x1, s23, s7, $0xb8;
	[tilespmem:$0xD00] =	vst v63  }
0x157: {  	_ = 	snop  }
0x158: {  	[tilespmem:s26], [sflag:$0x1] =	stream.indirect.gather [hbm4b:s5+s7], $0x1, s25, s7, $0xb8;
	[tilespmem:$0xD00] =	vst v63  }
0x159: {  	_ = 	snop  }
0x15a: {  	[tilespmem:s29], [sflag:$0x1] =	stream.indirect.gather [hbm4b:s5+s7], $0x1, s28, s7, $0xb8;
	[tilespmem:$0xD00] =	vst v63  }
0x15b: {  	_ = 	snop  }
0x15c: {  	[tilespmem:s31], [sflag:$0x1] =	stream.indirect.gather [hbm4b:s5+s7], $0x1, s30, s7, $0xb8;
	[tilespmem:$0xD00] =	vst v63  }
0x15d: {  	_ =	swait.ge [sflag:s6], $0x80  }
0x15e: {  	[sflag:s6] =	ssyncset.done $0x0  }
0x15f: {  	[sflag:s6] =	ssyncadd.s32 $0xFFFFFF80  }
0x160: {  	_ =	swait.ge [sflag:s6], $0x80  }
0x161: {  	[sflag:s6] =	ssyncset.done $0x0  }
0x162: {  	[sflag:s6] =	ssyncadd.s32 $0xFFFFFF80  }
0x163: {  	_ =	swait.ge [sflag:s6], $0x80  }
0x164: {  	[sflag:s6] =	ssyncset.done $0x0  }
0x165: {  	[sflag:s6] =	ssyncadd.s32 $0xFFFFFF80  }
0x166: {  	_ =	swait.ge [sflag:s6], $0x80  }
0x167: {  	[sflag:s6] =	ssyncset.done $0x0  }
0x168: {  	[sflag:s6] =	ssyncadd.s32 $0xFFFFFF80  }
0x169: {  	_ =	swait.ge [sflag:s6], $0x80  }
0x16a: {  	[sflag:s6] =	ssyncset.done $0x0  }
0x16b: {  	[sflag:s6] =	ssyncadd.s32 $0xFFFFFF80  }
0x16c: {  	_ =	swait.ge [sflag:s6], $0x80  }
0x16d: {  	[sflag:s6] =	ssyncset.done $0x0  }
0x16e: {  	[sflag:s6] =	ssyncadd.s32 $0xFFFFFF80  }
0x16f: {  	_ =	swait.ge [sflag:s6], $0x80  }
0x170: {  	[sflag:s6] =	ssyncset.done $0x0  }
0x171: {  	[sflag:s6] =	ssyncadd.s32 $0xFFFFFF80  }
0x172: {  	_ =	swait.ge [sflag:s6], $0x80  }
0x173: {  	[sflag:s6] =	ssyncset.done $0x0  }
0x174: {  	[sflag:s6] =	ssyncadd.s32 $0xFFFFFF80  }
0x175: {  	_ =	swait.ge [sflag:s6], $0x80  }
0x176: {  	[sflag:s6] =	ssyncset.done $0x0  }
0x177: {  	[sflag:s6] =	ssyncadd.s32 $0xFFFFFF80  }
0x178: {  	_ =	swait.ge [sflag:s6], $0x80  }
0x179: {  	[sflag:s6] =	ssyncset.done $0x0  }
0x17a: {  	[sflag:s6] =	ssyncadd.s32 $0xFFFFFF80  }
0x17b: {  	_ =	swait.ge [sflag:s6], $0x80  }
0x17c: {  	[sflag:s6] =	ssyncset.done $0x0  }
0x17d: {  	[sflag:s6] =	ssyncadd.s32 $0xFFFFFF80  }
0x17e: {  	_ =	swait.ge [sflag:s6], $0x80  }
0x17f: {  	[sflag:s6] =	ssyncset.done $0x0  }
0x180: {  	[sflag:s6] =	ssyncadd.s32 $0xFFFFFF80  }
0x181: {  	_ =	swait.ge [sflag:s6], $0x80  }
0x182: {  	[sflag:s6] =	ssyncset.done $0x0  }
0x183: {  	s0 =	rddreg [dreg:$0xb];
	[sflag:s6] =	ssyncadd.s32 $0xFFFFFF80  }
0x184: {  	[hbm4b:s0+s2] =	stream.linear.scatter [tilespmem:s4], [sflag:$0x2], $0x680, $0x38;
	[tilespmem:$0xD00] =	vst v63  }
0x185: {  	_ =	swait.ge [sflag:s3], $0x680  }
0x186: {  	[sflag:s3] =	ssyncset.done $0x0  }
0x187: {  	s0 =	rddreg [dreg:$0xc];
	[sflag:s3] =	ssyncadd.s32 $0xFFFFF980  }
0x188: {  	[tilespmem:s2], [sflag:$0x2] =	stream.linear.gather [hbm4b:s0+s2], $0x680, $0x38;
	[tilespmem:$0xD00] =	vst v63  }
0x189: {  	_ =	swait.ge [sflag:s3], $0x680  }
0x18a: {  	[sflag:s3] =	ssyncset.done $0x0  }
0x18b: {  	[sflag:s3] =	ssyncadd.s32 $0xFFFFF980  }
0x18c: {  	[tilespmem:s4], [sflag:$0x1] =	stream.indirect.gather [hbm4b:s5+s7], $0x1, s2, s7, $0xb8;
	[tilespmem:$0xD00] =	vst v63  }
0x18d: {  	_ = 	snop  }
0x18e: {  	[tilespmem:s8], [sflag:$0x1] =	stream.indirect.gather [hbm4b:s5+s7], $0x1, s7, s7, $0xb8;
	[tilespmem:$0xD00] =	vst v63  }
0x18f: {  	_ = 	snop  }
0x190: {  	[tilespmem:s10], [sflag:$0x1] =	stream.indirect.gather [hbm4b:s5+s7], $0x1, s9, s7, $0xb8;
	[tilespmem:$0xD00] =	vst v63  }
0x191: {  	_ = 	snop  }
0x192: {  	[tilespmem:s12], [sflag:$0x1] =	stream.indirect.gather [hbm4b:s5+s7], $0x1, s11, s7, $0xb8;
	[tilespmem:$0xD00] =	vst v63  }
0x193: {  	_ = 	snop  }
0x194: {  	[tilespmem:s14], [sflag:$0x1] =	stream.indirect.gather [hbm4b:s5+s7], $0x1, s13, s7, $0xb8;
	[tilespmem:$0xD00] =	vst v63  }
0x195: {  	_ = 	snop  }
0x196: {  	[tilespmem:s16], [sflag:$0x1] =	stream.indirect.gather [hbm4b:s5+s7], $0x1, s15, s7, $0xb8;
	[tilespmem:$0xD00] =	vst v63  }
0x197: {  	_ = 	snop  }
0x198: {  	[tilespmem:s18], [sflag:$0x1] =	stream.indirect.gather [hbm4b:s5+s7], $0x1, s17, s7, $0xb8;
	[tilespmem:$0xD00] =	vst v63  }
0x199: {  	_ = 	snop  }
0x19a: {  	[tilespmem:s20], [sflag:$0x1] =	stream.indirect.gather [hbm4b:s5+s7], $0x1, s19, s7, $0xb8;
	[tilespmem:$0xD00] =	vst v63  }
0x19b: {  	_ = 	snop  }
0x19c: {  	[tilespmem:s22], [sflag:$0x1] =	stream.indirect.gather [hbm4b:s5+s7], $0x1, s21, s7, $0xb8;
	[tilespmem:$0xD00] =	vst v63  }
0x19d: {  	_ = 	snop  }
0x19e: {  	[tilespmem:s24], [sflag:$0x1] =	stream.indirect.gather [hbm4b:s5+s7], $0x1, s23, s7, $0xb8;
	[tilespmem:$0xD00] =	vst v63  }
0x19f: {  	_ = 	snop  }
0x1a0: {  	[tilespmem:s26], [sflag:$0x1] =	stream.indirect.gather [hbm4b:s5+s7], $0x1, s25, s7, $0xb8;
	[tilespmem:$0xD00] =	vst v63  }
0x1a1: {  	_ = 	snop  }
0x1a2: {  	[tilespmem:s29], [sflag:$0x1] =	stream.indirect.gather [hbm4b:s5+s7], $0x1, s28, s7, $0xb8;
	[tilespmem:$0xD00] =	vst v63  }
0x1a3: {  	_ = 	snop  }
0x1a4: {  	[tilespmem:s31], [sflag:$0x1] =	stream.indirect.gather [hbm4b:s5+s7], $0x1, s30, s7, $0xb8;
	[tilespmem:$0xD00] =	vst v63  }
0x1a5: {  	_ =	swait.ge [sflag:s6], $0x80  }
0x1a6: {  	[sflag:s6] =	ssyncset.done $0x0  }
0x1a7: {  	[sflag:s6] =	ssyncadd.s32 $0xFFFFFF80  }
0x1a8: {  	_ =	swait.ge [sflag:s6], $0x80  }
0x1a9: {  	[sflag:s6] =	ssyncset.done $0x0  }
0x1aa: {  	[sflag:s6] =	ssyncadd.s32 $0xFFFFFF80  }
0x1ab: {  	_ =	swait.ge [sflag:s6], $0x80  }
0x1ac: {  	[sflag:s6] =	ssyncset.done $0x0  }
0x1ad: {  	[sflag:s6] =	ssyncadd.s32 $0xFFFFFF80  }
0x1ae: {  	_ =	swait.ge [sflag:s6], $0x80  }
0x1af: {  	[sflag:s6] =	ssyncset.done $0x0  }
0x1b0: {  	[sflag:s6] =	ssyncadd.s32 $0xFFFFFF80  }
0x1b1: {  	_ =	swait.ge [sflag:s6], $0x80  }
0x1b2: {  	[sflag:s6] =	ssyncset.done $0x0  }
0x1b3: {  	[sflag:s6] =	ssyncadd.s32 $0xFFFFFF80  }
0x1b4: {  	_ =	swait.ge [sflag:s6], $0x80  }
0x1b5: {  	[sflag:s6] =	ssyncset.done $0x0  }
0x1b6: {  	[sflag:s6] =	ssyncadd.s32 $0xFFFFFF80  }
0x1b7: {  	_ =	swait.ge [sflag:s6], $0x80  }
0x1b8: {  	[sflag:s6] =	ssyncset.done $0x0  }
0x1b9: {  	[sflag:s6] =	ssyncadd.s32 $0xFFFFFF80  }
0x1ba: {  	_ =	swait.ge [sflag:s6], $0x80  }
0x1bb: {  	[sflag:s6] =	ssyncset.done $0x0  }
0x1bc: {  	[sflag:s6] =	ssyncadd.s32 $0xFFFFFF80  }
0x1bd: {  	_ =	swait.ge [sflag:s6], $0x80  }
0x1be: {  	[sflag:s6] =	ssyncset.done $0x0  }
0x1bf: {  	[sflag:s6] =	ssyncadd.s32 $0xFFFFFF80  }
0x1c0: {  	_ =	swait.ge [sflag:s6], $0x80  }
0x1c1: {  	[sflag:s6] =	ssyncset.done $0x0  }
0x1c2: {  	[sflag:s6] =	ssyncadd.s32 $0xFFFFFF80  }
0x1c3: {  	_ =	swait.ge [sflag:s6], $0x80  }
0x1c4: {  	[sflag:s6] =	ssyncset.done $0x0  }
0x1c5: {  	[sflag:s6] =	ssyncadd.s32 $0xFFFFFF80  }
0x1c6: {  	_ =	swait.ge [sflag:s6], $0x80  }
0x1c7: {  	[sflag:s6] =	ssyncset.done $0x0  }
0x1c8: {  	[sflag:s6] =	ssyncadd.s32 $0xFFFFFF80  }
0x1c9: {  	_ =	swait.ge [sflag:s6], $0x80  }
0x1ca: {  	[sflag:s6] =	ssyncset.done $0x0  }
0x1cb: {  	s0 =	rddreg [dreg:$0xd];
	[sflag:s6] =	ssyncadd.s32 $0xFFFFFF80  }
0x1cc: {  	[hbm4b:s0+s2] =	stream.linear.scatter [tilespmem:s4], [sflag:$0x2], $0x680, $0x38;
	[tilespmem:$0xD00] =	vst v63  }
0x1cd: {  	_ =	swait.ge [sflag:s3], $0x680  }
0x1ce: {  	[sflag:s3] =	ssyncset.done $0x0  }
0x1cf: {  	s0 =	rddreg [dreg:$0xe];
	[sflag:s3] =	ssyncadd.s32 $0xFFFFF980  }
0x1d0: {  	[tilespmem:s2], [sflag:$0x2] =	stream.linear.gather [hbm4b:s0+s2], $0x680, $0x38;
	[tilespmem:$0xD00] =	vst v63  }
0x1d1: {  	_ =	swait.ge [sflag:s3], $0x680  }
0x1d2: {  	[sflag:s3] =	ssyncset.done $0x0  }
0x1d3: {  	[sflag:s3] =	ssyncadd.s32 $0xFFFFF980  }
0x1d4: {  	[tilespmem:s4], [sflag:$0x1] =	stream.indirect.gather [hbm4b:s5+s7], $0x1, s2, s7, $0xb8;
	[tilespmem:$0xD00] =	vst v63  }
0x1d5: {  	_ = 	snop  }
0x1d6: {  	[tilespmem:s8], [sflag:$0x1] =	stream.indirect.gather [hbm4b:s5+s7], $0x1, s7, s7, $0xb8;
	[tilespmem:$0xD00] =	vst v63  }
0x1d7: {  	_ = 	snop  }
0x1d8: {  	[tilespmem:s10], [sflag:$0x1] =	stream.indirect.gather [hbm4b:s5+s7], $0x1, s9, s7, $0xb8;
	[tilespmem:$0xD00] =	vst v63  }
0x1d9: {  	_ = 	snop  }
0x1da: {  	[tilespmem:s12], [sflag:$0x1] =	stream.indirect.gather [hbm4b:s5+s7], $0x1, s11, s7, $0xb8;
	[tilespmem:$0xD00] =	vst v63  }
0x1db: {  	_ = 	snop  }
0x1dc: {  	[tilespmem:s14], [sflag:$0x1] =	stream.indirect.gather [hbm4b:s5+s7], $0x1, s13, s7, $0xb8;
	[tilespmem:$0xD00] =	vst v63  }
0x1dd: {  	_ = 	snop  }
0x1de: {  	[tilespmem:s16], [sflag:$0x1] =	stream.indirect.gather [hbm4b:s5+s7], $0x1, s15, s7, $0xb8;
	[tilespmem:$0xD00] =	vst v63  }
0x1df: {  	_ = 	snop  }
0x1e0: {  	[tilespmem:s18], [sflag:$0x1] =	stream.indirect.gather [hbm4b:s5+s7], $0x1, s17, s7, $0xb8;
	[tilespmem:$0xD00] =	vst v63  }
0x1e1: {  	_ = 	snop  }
0x1e2: {  	[tilespmem:s20], [sflag:$0x1] =	stream.indirect.gather [hbm4b:s5+s7], $0x1, s19, s7, $0xb8;
	[tilespmem:$0xD00] =	vst v63  }
0x1e3: {  	_ = 	snop  }
0x1e4: {  	[tilespmem:s22], [sflag:$0x1] =	stream.indirect.gather [hbm4b:s5+s7], $0x1, s21, s7, $0xb8;
	[tilespmem:$0xD00] =	vst v63  }
0x1e5: {  	_ = 	snop  }
0x1e6: {  	[tilespmem:s24], [sflag:$0x1] =	stream.indirect.gather [hbm4b:s5+s7], $0x1, s23, s7, $0xb8;
	[tilespmem:$0xD00] =	vst v63  }
0x1e7: {  	_ = 	snop  }
0x1e8: {  	[tilespmem:s26], [sflag:$0x1] =	stream.indirect.gather [hbm4b:s5+s7], $0x1, s25, s7, $0xb8;
	[tilespmem:$0xD00] =	vst v63  }
0x1e9: {  	_ = 	snop  }
0x1ea: {  	[tilespmem:s29], [sflag:$0x1] =	stream.indirect.gather [hbm4b:s5+s7], $0x1, s28, s7, $0xb8;
	[tilespmem:$0xD00] =	vst v63  }
0x1eb: {  	_ = 	snop  }
0x1ec: {  	[tilespmem:s31], [sflag:$0x1] =	stream.indirect.gather [hbm4b:s5+s7], $0x1, s30, s7, $0xb8;
	[tilespmem:$0xD00] =	vst v63  }
0x1ed: {  	_ =	swait.ge [sflag:s6], $0x80  }
0x1ee: {  	[sflag:s6] =	ssyncset.done $0x0  }
0x1ef: {  	[sflag:s6] =	ssyncadd.s32 $0xFFFFFF80  }
0x1f0: {  	_ =	swait.ge [sflag:s6], $0x80  }
0x1f1: {  	[sflag:s6] =	ssyncset.done $0x0  }
0x1f2: {  	[sflag:s6] =	ssyncadd.s32 $0xFFFFFF80  }
0x1f3: {  	_ =	swait.ge [sflag:s6], $0x80  }
0x1f4: {  	[sflag:s6] =	ssyncset.done $0x0  }
0x1f5: {  	[sflag:s6] =	ssyncadd.s32 $0xFFFFFF80  }
0x1f6: {  	_ =	swait.ge [sflag:s6], $0x80  }
0x1f7: {  	[sflag:s6] =	ssyncset.done $0x0  }
0x1f8: {  	[sflag:s6] =	ssyncadd.s32 $0xFFFFFF80  }
0x1f9: {  	_ =	swait.ge [sflag:s6], $0x80  }
0x1fa: {  	[sflag:s6] =	ssyncset.done $0x0  }
0x1fb: {  	[sflag:s6] =	ssyncadd.s32 $0xFFFFFF80  }
0x1fc: {  	_ =	swait.ge [sflag:s6], $0x80  }
0x1fd: {  	[sflag:s6] =	ssyncset.done $0x0  }
0x1fe: {  	[sflag:s6] =	ssyncadd.s32 $0xFFFFFF80  }
0x1ff: {  	_ =	swait.ge [sflag:s6], $0x80  }
0x200: {  	[sflag:s6] =	ssyncset.done $0x0  }
0x201: {  	[sflag:s6] =	ssyncadd.s32 $0xFFFFFF80  }
0x202: {  	_ =	swait.ge [sflag:s6], $0x80  }
0x203: {  	[sflag:s6] =	ssyncset.done $0x0  }
0x204: {  	[sflag:s6] =	ssyncadd.s32 $0xFFFFFF80  }
0x205: {  	_ =	swait.ge [sflag:s6], $0x80  }
0x206: {  	[sflag:s6] =	ssyncset.done $0x0  }
0x207: {  	[sflag:s6] =	ssyncadd.s32 $0xFFFFFF80  }
0x208: {  	_ =	swait.ge [sflag:s6], $0x80  }
0x209: {  	[sflag:s6] =	ssyncset.done $0x0  }
0x20a: {  	[sflag:s6] =	ssyncadd.s32 $0xFFFFFF80  }
0x20b: {  	_ =	swait.ge [sflag:s6], $0x80  }
0x20c: {  	[sflag:s6] =	ssyncset.done $0x0  }
0x20d: {  	[sflag:s6] =	ssyncadd.s32 $0xFFFFFF80  }
0x20e: {  	_ =	swait.ge [sflag:s6], $0x80  }
0x20f: {  	[sflag:s6] =	ssyncset.done $0x0  }
0x210: {  	[sflag:s6] =	ssyncadd.s32 $0xFFFFFF80  }
0x211: {  	_ =	swait.ge [sflag:s6], $0x80  }
0x212: {  	[sflag:s6] =	ssyncset.done $0x0  }
0x213: {  	s0 =	rddreg [dreg:$0xf];
	[sflag:s6] =	ssyncadd.s32 $0xFFFFFF80  }
0x214: {  	[hbm4b:s0+s2] =	stream.linear.scatter [tilespmem:s4], [sflag:$0x2], $0x680, $0x38;
	[tilespmem:$0xD00] =	vst v63  }
0x215: {  	_ =	swait.ge [sflag:s3], $0x680  }
0x216: {  	[sflag:s3] =	ssyncset.done $0x0  }
0x217: {  	s0 =	rddreg [dreg:$0x10];
	[sflag:s3] =	ssyncadd.s32 $0xFFFFF980  }
0x218: {  	[tilespmem:s2], [sflag:$0x2] =	stream.linear.gather [hbm4b:s0+s2], $0x680, $0x38;
	[tilespmem:$0xD00] =	vst v63  }
0x219: {  	_ =	swait.ge [sflag:s3], $0x680  }
0x21a: {  	[sflag:s3] =	ssyncset.done $0x0  }
0x21b: {  	[sflag:s3] =	ssyncadd.s32 $0xFFFFF980  }
0x21c: {  	[tilespmem:s4], [sflag:$0x1] =	stream.indirect.gather [hbm4b:s5+s7], $0x1, s2, s7, $0xb8;
	[tilespmem:$0xD00] =	vst v63  }
0x21d: {  	_ = 	snop  }
0x21e: {  	[tilespmem:s8], [sflag:$0x1] =	stream.indirect.gather [hbm4b:s5+s7], $0x1, s7, s7, $0xb8;
	[tilespmem:$0xD00] =	vst v63  }
0x21f: {  	_ = 	snop  }
0x220: {  	[tilespmem:s10], [sflag:$0x1] =	stream.indirect.gather [hbm4b:s5+s7], $0x1, s9, s7, $0xb8;
	[tilespmem:$0xD00] =	vst v63  }
0x221: {  	_ = 	snop  }
0x222: {  	[tilespmem:s12], [sflag:$0x1] =	stream.indirect.gather [hbm4b:s5+s7], $0x1, s11, s7, $0xb8;
	[tilespmem:$0xD00] =	vst v63  }
0x223: {  	_ = 	snop  }
0x224: {  	[tilespmem:s14], [sflag:$0x1] =	stream.indirect.gather [hbm4b:s5+s7], $0x1, s13, s7, $0xb8;
	[tilespmem:$0xD00] =	vst v63  }
0x225: {  	_ = 	snop  }
0x226: {  	[tilespmem:s16], [sflag:$0x1] =	stream.indirect.gather [hbm4b:s5+s7], $0x1, s15, s7, $0xb8;
	[tilespmem:$0xD00] =	vst v63  }
0x227: {  	_ = 	snop  }
0x228: {  	[tilespmem:s18], [sflag:$0x1] =	stream.indirect.gather [hbm4b:s5+s7], $0x1, s17, s7, $0xb8;
	[tilespmem:$0xD00] =	vst v63  }
0x229: {  	_ = 	snop  }
0x22a: {  	[tilespmem:s20], [sflag:$0x1] =	stream.indirect.gather [hbm4b:s5+s7], $0x1, s19, s7, $0xb8;
	[tilespmem:$0xD00] =	vst v63  }
0x22b: {  	_ = 	snop  }
0x22c: {  	[tilespmem:s22], [sflag:$0x1] =	stream.indirect.gather [hbm4b:s5+s7], $0x1, s21, s7, $0xb8;
	[tilespmem:$0xD00] =	vst v63  }
0x22d: {  	_ = 	snop  }
0x22e: {  	[tilespmem:s24], [sflag:$0x1] =	stream.indirect.gather [hbm4b:s5+s7], $0x1, s23, s7, $0xb8;
	[tilespmem:$0xD00] =	vst v63  }
0x22f: {  	_ = 	snop  }
0x230: {  	[tilespmem:s26], [sflag:$0x1] =	stream.indirect.gather [hbm4b:s5+s7], $0x1, s25, s7, $0xb8;
	[tilespmem:$0xD00] =	vst v63  }
0x231: {  	_ = 	snop  }
0x232: {  	[tilespmem:s29], [sflag:$0x1] =	stream.indirect.gather [hbm4b:s5+s7], $0x1, s28, s7, $0xb8;
	[tilespmem:$0xD00] =	vst v63  }
0x233: {  	_ = 	snop  }
0x234: {  	[tilespmem:s31], [sflag:$0x1] =	stream.indirect.gather [hbm4b:s5+s7], $0x1, s30, s7, $0xb8;
	[tilespmem:$0xD00] =	vst v63  }
0x235: {  	_ =	swait.ge [sflag:s6], $0x80  }
0x236: {  	[sflag:s6] =	ssyncset.done $0x0  }
0x237: {  	[sflag:s6] =	ssyncadd.s32 $0xFFFFFF80  }
0x238: {  	_ =	swait.ge [sflag:s6], $0x80  }
0x239: {  	[sflag:s6] =	ssyncset.done $0x0  }
0x23a: {  	[sflag:s6] =	ssyncadd.s32 $0xFFFFFF80  }
0x23b: {  	_ =	swait.ge [sflag:s6], $0x80  }
0x23c: {  	[sflag:s6] =	ssyncset.done $0x0  }
0x23d: {  	[sflag:s6] =	ssyncadd.s32 $0xFFFFFF80  }
0x23e: {  	_ =	swait.ge [sflag:s6], $0x80  }
0x23f: {  	[sflag:s6] =	ssyncset.done $0x0  }
0x240: {  	[sflag:s6] =	ssyncadd.s32 $0xFFFFFF80  }
0x241: {  	_ =	swait.ge [sflag:s6], $0x80  }
0x242: {  	[sflag:s6] =	ssyncset.done $0x0  }
0x243: {  	[sflag:s6] =	ssyncadd.s32 $0xFFFFFF80  }
0x244: {  	_ =	swait.ge [sflag:s6], $0x80  }
0x245: {  	[sflag:s6] =	ssyncset.done $0x0  }
0x246: {  	[sflag:s6] =	ssyncadd.s32 $0xFFFFFF80  }
0x247: {  	_ =	swait.ge [sflag:s6], $0x80  }
0x248: {  	[sflag:s6] =	ssyncset.done $0x0  }
0x249: {  	[sflag:s6] =	ssyncadd.s32 $0xFFFFFF80  }
0x24a: {  	_ =	swait.ge [sflag:s6], $0x80  }
0x24b: {  	[sflag:s6] =	ssyncset.done $0x0  }
0x24c: {  	[sflag:s6] =	ssyncadd.s32 $0xFFFFFF80  }
0x24d: {  	_ =	swait.ge [sflag:s6], $0x80  }
0x24e: {  	[sflag:s6] =	ssyncset.done $0x0  }
0x24f: {  	[sflag:s6] =	ssyncadd.s32 $0xFFFFFF80  }
0x250: {  	_ =	swait.ge [sflag:s6], $0x80  }
0x251: {  	[sflag:s6] =	ssyncset.done $0x0  }
0x252: {  	[sflag:s6] =	ssyncadd.s32 $0xFFFFFF80  }
0x253: {  	_ =	swait.ge [sflag:s6], $0x80  }
0x254: {  	[sflag:s6] =	ssyncset.done $0x0  }
0x255: {  	[sflag:s6] =	ssyncadd.s32 $0xFFFFFF80  }
0x256: {  	_ =	swait.ge [sflag:s6], $0x80  }
0x257: {  	[sflag:s6] =	ssyncset.done $0x0  }
0x258: {  	[sflag:s6] =	ssyncadd.s32 $0xFFFFFF80  }
0x259: {  	p1 =	sne.s32 s1, $0x1;
	_ =	swait.ge [sflag:s6], $0x80  }
.Ltmp1:
0x25a: {  	[sflag:s6] =	ssyncset.done $0x0;
	(pc) =	sbr.rel @!p1 .LBB2_3-.Ltmp1, $4  }
0x25b: {  	s0 =	rddreg [dreg:$0x11];
	[sflag:s6] =	ssyncadd.s32 $0xFFFFFF80  }
0x25c: {  	[hbm4b:s0+s2] =	stream.linear.scatter [tilespmem:s4], [sflag:$0x2], $0x680, $0x38;
	[tilespmem:$0xD00] =	vst v63  }
0x25d: {  	s1 =	sadd.s32 $0xFFFFFFFF, s1;
	_ =	swait.ge [sflag:s3], $0x680  }
0x25e: {  	p0 =	por $0x1, $0x1;
	s0 =	rddreg [dreg:$0x2];
	[sflag:s3] =	ssyncset.done $0x0  }
.LBB2_2:
0x25f: {  	[sflag:s3] =	ssyncadd.s32 $0xFFFFF980  }
0x260: {  	[tilespmem:s2], [sflag:$0x2] =	stream.linear.gather [hbm4b:s0+s2], $0x680, $0x38;
	[tilespmem:$0xD00] =	vst v63  }
0x261: {  	_ =	swait.ge [sflag:s3], $0x680  }
0x262: {  	[sflag:s3] =	ssyncset.done $0x0  }
0x263: {  	[sflag:s3] =	ssyncadd.s32 $0xFFFFF980  }
0x264: {  	[tilespmem:s4], [sflag:$0x1] =	stream.indirect.gather [hbm4b:s5+s7], $0x1, s2, s7, $0xb8;
	[tilespmem:$0xD00] =	vst v63  }
0x265: {  	_ = 	snop  }
0x266: {  	[tilespmem:s8], [sflag:$0x1] =	stream.indirect.gather [hbm4b:s5+s7], $0x1, s7, s7, $0xb8;
	[tilespmem:$0xD00] =	vst v63  }
0x267: {  	_ = 	snop  }
0x268: {  	[tilespmem:s10], [sflag:$0x1] =	stream.indirect.gather [hbm4b:s5+s7], $0x1, s9, s7, $0xb8;
	[tilespmem:$0xD00] =	vst v63  }
0x269: {  	_ = 	snop  }
0x26a: {  	[tilespmem:s12], [sflag:$0x1] =	stream.indirect.gather [hbm4b:s5+s7], $0x1, s11, s7, $0xb8;
	[tilespmem:$0xD00] =	vst v63  }
0x26b: {  	_ = 	snop  }
0x26c: {  	[tilespmem:s14], [sflag:$0x1] =	stream.indirect.gather [hbm4b:s5+s7], $0x1, s13, s7, $0xb8;
	[tilespmem:$0xD00] =	vst v63  }
0x26d: {  	_ = 	snop  }
0x26e: {  	[tilespmem:s16], [sflag:$0x1] =	stream.indirect.gather [hbm4b:s5+s7], $0x1, s15, s7, $0xb8;
	[tilespmem:$0xD00] =	vst v63  }
0x26f: {  	_ = 	snop  }
0x270: {  	[tilespmem:s18], [sflag:$0x1] =	stream.indirect.gather [hbm4b:s5+s7], $0x1, s17, s7, $0xb8;
	[tilespmem:$0xD00] =	vst v63  }
0x271: {  	_ = 	snop  }
0x272: {  	[tilespmem:s20], [sflag:$0x1] =	stream.indirect.gather [hbm4b:s5+s7], $0x1, s19, s7, $0xb8;
	[tilespmem:$0xD00] =	vst v63  }
0x273: {  	_ = 	snop  }
0x274: {  	[tilespmem:s22], [sflag:$0x1] =	stream.indirect.gather [hbm4b:s5+s7], $0x1, s21, s7, $0xb8;
	[tilespmem:$0xD00] =	vst v63  }
0x275: {  	_ = 	snop  }
0x276: {  	[tilespmem:s24], [sflag:$0x1] =	stream.indirect.gather [hbm4b:s5+s7], $0x1, s23, s7, $0xb8;
	[tilespmem:$0xD00] =	vst v63  }
0x277: {  	_ = 	snop  }
0x278: {  	[tilespmem:s26], [sflag:$0x1] =	stream.indirect.gather [hbm4b:s5+s7], $0x1, s25, s7, $0xb8;
	[tilespmem:$0xD00] =	vst v63  }
0x279: {  	_ = 	snop  }
0x27a: {  	[tilespmem:s29], [sflag:$0x1] =	stream.indirect.gather [hbm4b:s5+s7], $0x1, s28, s7, $0xb8;
	[tilespmem:$0xD00] =	vst v63  }
0x27b: {  	_ = 	snop  }
0x27c: {  	[tilespmem:s31], [sflag:$0x1] =	stream.indirect.gather [hbm4b:s5+s7], $0x1, s30, s7, $0xb8;
	[tilespmem:$0xD00] =	vst v63  }
0x27d: {  	_ =	swait.ge [sflag:s6], $0x80  }
0x27e: {  	[sflag:s6] =	ssyncset.done $0x0  }
0x27f: {  	[sflag:s6] =	ssyncadd.s32 $0xFFFFFF80  }
0x280: {  	_ =	swait.ge [sflag:s6], $0x80  }
0x281: {  	[sflag:s6] =	ssyncset.done $0x0  }
0x282: {  	[sflag:s6] =	ssyncadd.s32 $0xFFFFFF80  }
0x283: {  	_ =	swait.ge [sflag:s6], $0x80  }
0x284: {  	[sflag:s6] =	ssyncset.done $0x0  }
0x285: {  	[sflag:s6] =	ssyncadd.s32 $0xFFFFFF80  }
0x286: {  	_ =	swait.ge [sflag:s6], $0x80  }
0x287: {  	[sflag:s6] =	ssyncset.done $0x0  }
0x288: {  	[sflag:s6] =	ssyncadd.s32 $0xFFFFFF80  }
0x289: {  	_ =	swait.ge [sflag:s6], $0x80  }
0x28a: {  	[sflag:s6] =	ssyncset.done $0x0  }
0x28b: {  	[sflag:s6] =	ssyncadd.s32 $0xFFFFFF80  }
0x28c: {  	_ =	swait.ge [sflag:s6], $0x80  }
0x28d: {  	[sflag:s6] =	ssyncset.done $0x0  }
0x28e: {  	[sflag:s6] =	ssyncadd.s32 $0xFFFFFF80  }
0x28f: {  	_ =	swait.ge [sflag:s6], $0x80  }
0x290: {  	[sflag:s6] =	ssyncset.done $0x0  }
0x291: {  	[sflag:s6] =	ssyncadd.s32 $0xFFFFFF80  }
0x292: {  	_ =	swait.ge [sflag:s6], $0x80  }
0x293: {  	[sflag:s6] =	ssyncset.done $0x0  }
0x294: {  	[sflag:s6] =	ssyncadd.s32 $0xFFFFFF80  }
0x295: {  	_ =	swait.ge [sflag:s6], $0x80  }
0x296: {  	[sflag:s6] =	ssyncset.done $0x0  }
0x297: {  	[sflag:s6] =	ssyncadd.s32 $0xFFFFFF80  }
0x298: {  	_ =	swait.ge [sflag:s6], $0x80  }
0x299: {  	[sflag:s6] =	ssyncset.done $0x0  }
0x29a: {  	[sflag:s6] =	ssyncadd.s32 $0xFFFFFF80  }
0x29b: {  	_ =	swait.ge [sflag:s6], $0x80  }
0x29c: {  	[sflag:s6] =	ssyncset.done $0x0  }
0x29d: {  	[sflag:s6] =	ssyncadd.s32 $0xFFFFFF80  }
0x29e: {  	_ =	swait.ge [sflag:s6], $0x80  }
0x29f: {  	[sflag:s6] =	ssyncset.done $0x0  }
0x2a0: {  	[sflag:s6] =	ssyncadd.s32 $0xFFFFFF80  }
0x2a1: {  	_ =	swait.ge [sflag:s6], $0x80  }
0x2a2: {  	[sflag:s6] =	ssyncset.done $0x0  }
0x2a3: {  	s0 =	rddreg [dreg:$0x3];
	[sflag:s6] =	ssyncadd.s32 $0xFFFFFF80  }
0x2a4: {  	[hbm4b:s0+s2] =	stream.linear.scatter [tilespmem:s4], [sflag:$0x2], $0x680, $0x38;
	[tilespmem:$0xD00] =	vst v63  }
0x2a5: {  	_ =	swait.ge [sflag:s3], $0x680  }
0x2a6: {  	[sflag:s3] =	ssyncset.done $0x0  }
0x2a7: {  	s0 =	rddreg [dreg:$0x4];
	[sflag:s3] =	ssyncadd.s32 $0xFFFFF980  }
0x2a8: {  	[tilespmem:s2], [sflag:$0x2] =	stream.linear.gather [hbm4b:s0+s2], $0x680, $0x38;
	[tilespmem:$0xD00] =	vst v63  }
0x2a9: {  	_ =	swait.ge [sflag:s3], $0x680  }
0x2aa: {  	[sflag:s3] =	ssyncset.done $0x0  }
0x2ab: {  	[sflag:s3] =	ssyncadd.s32 $0xFFFFF980  }
0x2ac: {  	[tilespmem:s4], [sflag:$0x1] =	stream.indirect.gather [hbm4b:s5+s7], $0x1, s2, s7, $0xb8;
	[tilespmem:$0xD00] =	vst v63  }
0x2ad: {  	_ = 	snop  }
0x2ae: {  	[tilespmem:s8], [sflag:$0x1] =	stream.indirect.gather [hbm4b:s5+s7], $0x1, s7, s7, $0xb8;
	[tilespmem:$0xD00] =	vst v63  }
0x2af: {  	_ = 	snop  }
0x2b0: {  	[tilespmem:s10], [sflag:$0x1] =	stream.indirect.gather [hbm4b:s5+s7], $0x1, s9, s7, $0xb8;
	[tilespmem:$0xD00] =	vst v63  }
0x2b1: {  	_ = 	snop  }
0x2b2: {  	[tilespmem:s12], [sflag:$0x1] =	stream.indirect.gather [hbm4b:s5+s7], $0x1, s11, s7, $0xb8;
	[tilespmem:$0xD00] =	vst v63  }
0x2b3: {  	_ = 	snop  }
0x2b4: {  	[tilespmem:s14], [sflag:$0x1] =	stream.indirect.gather [hbm4b:s5+s7], $0x1, s13, s7, $0xb8;
	[tilespmem:$0xD00] =	vst v63  }
0x2b5: {  	_ = 	snop  }
0x2b6: {  	[tilespmem:s16], [sflag:$0x1] =	stream.indirect.gather [hbm4b:s5+s7], $0x1, s15, s7, $0xb8;
	[tilespmem:$0xD00] =	vst v63  }
0x2b7: {  	_ = 	snop  }
0x2b8: {  	[tilespmem:s18], [sflag:$0x1] =	stream.indirect.gather [hbm4b:s5+s7], $0x1, s17, s7, $0xb8;
	[tilespmem:$0xD00] =	vst v63  }
0x2b9: {  	_ = 	snop  }
0x2ba: {  	[tilespmem:s20], [sflag:$0x1] =	stream.indirect.gather [hbm4b:s5+s7], $0x1, s19, s7, $0xb8;
	[tilespmem:$0xD00] =	vst v63  }
0x2bb: {  	_ = 	snop  }
0x2bc: {  	[tilespmem:s22], [sflag:$0x1] =	stream.indirect.gather [hbm4b:s5+s7], $0x1, s21, s7, $0xb8;
	[tilespmem:$0xD00] =	vst v63  }
0x2bd: {  	_ = 	snop  }
0x2be: {  	[tilespmem:s24], [sflag:$0x1] =	stream.indirect.gather [hbm4b:s5+s7], $0x1, s23, s7, $0xb8;
	[tilespmem:$0xD00] =	vst v63  }
0x2bf: {  	_ = 	snop  }
0x2c0: {  	[tilespmem:s26], [sflag:$0x1] =	stream.indirect.gather [hbm4b:s5+s7], $0x1, s25, s7, $0xb8;
	[tilespmem:$0xD00] =	vst v63  }
0x2c1: {  	_ = 	snop  }
0x2c2: {  	[tilespmem:s29], [sflag:$0x1] =	stream.indirect.gather [hbm4b:s5+s7], $0x1, s28, s7, $0xb8;
	[tilespmem:$0xD00] =	vst v63  }
0x2c3: {  	_ = 	snop  }
0x2c4: {  	[tilespmem:s31], [sflag:$0x1] =	stream.indirect.gather [hbm4b:s5+s7], $0x1, s30, s7, $0xb8;
	[tilespmem:$0xD00] =	vst v63  }
0x2c5: {  	_ =	swait.ge [sflag:s6], $0x80  }
0x2c6: {  	[sflag:s6] =	ssyncset.done $0x0  }
0x2c7: {  	[sflag:s6] =	ssyncadd.s32 $0xFFFFFF80  }
0x2c8: {  	_ =	swait.ge [sflag:s6], $0x80  }
0x2c9: {  	[sflag:s6] =	ssyncset.done $0x0  }
0x2ca: {  	[sflag:s6] =	ssyncadd.s32 $0xFFFFFF80  }
0x2cb: {  	_ =	swait.ge [sflag:s6], $0x80  }
0x2cc: {  	[sflag:s6] =	ssyncset.done $0x0  }
0x2cd: {  	[sflag:s6] =	ssyncadd.s32 $0xFFFFFF80  }
0x2ce: {  	_ =	swait.ge [sflag:s6], $0x80  }
0x2cf: {  	[sflag:s6] =	ssyncset.done $0x0  }
0x2d0: {  	[sflag:s6] =	ssyncadd.s32 $0xFFFFFF80  }
0x2d1: {  	_ =	swait.ge [sflag:s6], $0x80  }
0x2d2: {  	[sflag:s6] =	ssyncset.done $0x0  }
0x2d3: {  	[sflag:s6] =	ssyncadd.s32 $0xFFFFFF80  }
0x2d4: {  	_ =	swait.ge [sflag:s6], $0x80  }
0x2d5: {  	[sflag:s6] =	ssyncset.done $0x0  }
0x2d6: {  	[sflag:s6] =	ssyncadd.s32 $0xFFFFFF80  }
0x2d7: {  	_ =	swait.ge [sflag:s6], $0x80  }
0x2d8: {  	[sflag:s6] =	ssyncset.done $0x0  }
0x2d9: {  	[sflag:s6] =	ssyncadd.s32 $0xFFFFFF80  }
0x2da: {  	_ =	swait.ge [sflag:s6], $0x80  }
0x2db: {  	[sflag:s6] =	ssyncset.done $0x0  }
0x2dc: {  	[sflag:s6] =	ssyncadd.s32 $0xFFFFFF80  }
0x2dd: {  	_ =	swait.ge [sflag:s6], $0x80  }
0x2de: {  	[sflag:s6] =	ssyncset.done $0x0  }
0x2df: {  	[sflag:s6] =	ssyncadd.s32 $0xFFFFFF80  }
0x2e0: {  	_ =	swait.ge [sflag:s6], $0x80  }
0x2e1: {  	[sflag:s6] =	ssyncset.done $0x0  }
0x2e2: {  	[sflag:s6] =	ssyncadd.s32 $0xFFFFFF80  }
0x2e3: {  	_ =	swait.ge [sflag:s6], $0x80  }
0x2e4: {  	[sflag:s6] =	ssyncset.done $0x0  }
0x2e5: {  	[sflag:s6] =	ssyncadd.s32 $0xFFFFFF80  }
0x2e6: {  	_ =	swait.ge [sflag:s6], $0x80  }
0x2e7: {  	[sflag:s6] =	ssyncset.done $0x0  }
0x2e8: {  	[sflag:s6] =	ssyncadd.s32 $0xFFFFFF80  }
0x2e9: {  	_ =	swait.ge [sflag:s6], $0x80  }
0x2ea: {  	[sflag:s6] =	ssyncset.done $0x0  }
0x2eb: {  	s0 =	rddreg [dreg:$0x5];
	[sflag:s6] =	ssyncadd.s32 $0xFFFFFF80  }
0x2ec: {  	[hbm4b:s0+s2] =	stream.linear.scatter [tilespmem:s4], [sflag:$0x2], $0x680, $0x38;
	[tilespmem:$0xD00] =	vst v63  }
0x2ed: {  	_ =	swait.ge [sflag:s3], $0x680  }
0x2ee: {  	[sflag:s3] =	ssyncset.done $0x0  }
0x2ef: {  	s0 =	rddreg [dreg:$0x6];
	[sflag:s3] =	ssyncadd.s32 $0xFFFFF980  }
0x2f0: {  	[tilespmem:s2], [sflag:$0x2] =	stream.linear.gather [hbm4b:s0+s2], $0x680, $0x38;
	[tilespmem:$0xD00] =	vst v63  }
0x2f1: {  	_ =	swait.ge [sflag:s3], $0x680  }
0x2f2: {  	[sflag:s3] =	ssyncset.done $0x0  }
0x2f3: {  	[sflag:s3] =	ssyncadd.s32 $0xFFFFF980  }
0x2f4: {  	[tilespmem:s4], [sflag:$0x1] =	stream.indirect.gather [hbm4b:s5+s7], $0x1, s2, s7, $0xb8;
	[tilespmem:$0xD00] =	vst v63  }
0x2f5: {  	_ = 	snop  }
0x2f6: {  	[tilespmem:s8], [sflag:$0x1] =	stream.indirect.gather [hbm4b:s5+s7], $0x1, s7, s7, $0xb8;
	[tilespmem:$0xD00] =	vst v63  }
0x2f7: {  	_ = 	snop  }
0x2f8: {  	[tilespmem:s10], [sflag:$0x1] =	stream.indirect.gather [hbm4b:s5+s7], $0x1, s9, s7, $0xb8;
	[tilespmem:$0xD00] =	vst v63  }
0x2f9: {  	_ = 	snop  }
0x2fa: {  	[tilespmem:s12], [sflag:$0x1] =	stream.indirect.gather [hbm4b:s5+s7], $0x1, s11, s7, $0xb8;
	[tilespmem:$0xD00] =	vst v63  }
0x2fb: {  	_ = 	snop  }
0x2fc: {  	[tilespmem:s14], [sflag:$0x1] =	stream.indirect.gather [hbm4b:s5+s7], $0x1, s13, s7, $0xb8;
	[tilespmem:$0xD00] =	vst v63  }
0x2fd: {  	_ = 	snop  }
0x2fe: {  	[tilespmem:s16], [sflag:$0x1] =	stream.indirect.gather [hbm4b:s5+s7], $0x1, s15, s7, $0xb8;
	[tilespmem:$0xD00] =	vst v63  }
0x2ff: {  	_ = 	snop  }
0x300: {  	[tilespmem:s18], [sflag:$0x1] =	stream.indirect.gather [hbm4b:s5+s7], $0x1, s17, s7, $0xb8;
	[tilespmem:$0xD00] =	vst v63  }
0x301: {  	_ = 	snop  }
0x302: {  	[tilespmem:s20], [sflag:$0x1] =	stream.indirect.gather [hbm4b:s5+s7], $0x1, s19, s7, $0xb8;
	[tilespmem:$0xD00] =	vst v63  }
0x303: {  	_ = 	snop  }
0x304: {  	[tilespmem:s22], [sflag:$0x1] =	stream.indirect.gather [hbm4b:s5+s7], $0x1, s21, s7, $0xb8;
	[tilespmem:$0xD00] =	vst v63  }
0x305: {  	_ = 	snop  }
0x306: {  	[tilespmem:s24], [sflag:$0x1] =	stream.indirect.gather [hbm4b:s5+s7], $0x1, s23, s7, $0xb8;
	[tilespmem:$0xD00] =	vst v63  }
0x307: {  	_ = 	snop  }
0x308: {  	[tilespmem:s26], [sflag:$0x1] =	stream.indirect.gather [hbm4b:s5+s7], $0x1, s25, s7, $0xb8;
	[tilespmem:$0xD00] =	vst v63  }
0x309: {  	_ = 	snop  }
0x30a: {  	[tilespmem:s29], [sflag:$0x1] =	stream.indirect.gather [hbm4b:s5+s7], $0x1, s28, s7, $0xb8;
	[tilespmem:$0xD00] =	vst v63  }
0x30b: {  	_ = 	snop  }
0x30c: {  	[tilespmem:s31], [sflag:$0x1] =	stream.indirect.gather [hbm4b:s5+s7], $0x1, s30, s7, $0xb8;
	[tilespmem:$0xD00] =	vst v63  }
0x30d: {  	_ =	swait.ge [sflag:s6], $0x80  }
0x30e: {  	[sflag:s6] =	ssyncset.done $0x0  }
0x30f: {  	[sflag:s6] =	ssyncadd.s32 $0xFFFFFF80  }
0x310: {  	_ =	swait.ge [sflag:s6], $0x80  }
0x311: {  	[sflag:s6] =	ssyncset.done $0x0  }
0x312: {  	[sflag:s6] =	ssyncadd.s32 $0xFFFFFF80  }
0x313: {  	_ =	swait.ge [sflag:s6], $0x80  }
0x314: {  	[sflag:s6] =	ssyncset.done $0x0  }
0x315: {  	[sflag:s6] =	ssyncadd.s32 $0xFFFFFF80  }
0x316: {  	_ =	swait.ge [sflag:s6], $0x80  }
0x317: {  	[sflag:s6] =	ssyncset.done $0x0  }
0x318: {  	[sflag:s6] =	ssyncadd.s32 $0xFFFFFF80  }
0x319: {  	_ =	swait.ge [sflag:s6], $0x80  }
0x31a: {  	[sflag:s6] =	ssyncset.done $0x0  }
0x31b: {  	[sflag:s6] =	ssyncadd.s32 $0xFFFFFF80  }
0x31c: {  	_ =	swait.ge [sflag:s6], $0x80  }
0x31d: {  	[sflag:s6] =	ssyncset.done $0x0  }
0x31e: {  	[sflag:s6] =	ssyncadd.s32 $0xFFFFFF80  }
0x31f: {  	_ =	swait.ge [sflag:s6], $0x80  }
0x320: {  	[sflag:s6] =	ssyncset.done $0x0  }
0x321: {  	[sflag:s6] =	ssyncadd.s32 $0xFFFFFF80  }
0x322: {  	_ =	swait.ge [sflag:s6], $0x80  }
0x323: {  	[sflag:s6] =	ssyncset.done $0x0  }
0x324: {  	[sflag:s6] =	ssyncadd.s32 $0xFFFFFF80  }
0x325: {  	_ =	swait.ge [sflag:s6], $0x80  }
0x326: {  	[sflag:s6] =	ssyncset.done $0x0  }
0x327: {  	[sflag:s6] =	ssyncadd.s32 $0xFFFFFF80  }
0x328: {  	_ =	swait.ge [sflag:s6], $0x80  }
0x329: {  	[sflag:s6] =	ssyncset.done $0x0  }
0x32a: {  	[sflag:s6] =	ssyncadd.s32 $0xFFFFFF80  }
0x32b: {  	_ =	swait.ge [sflag:s6], $0x80  }
0x32c: {  	[sflag:s6] =	ssyncset.done $0x0  }
0x32d: {  	[sflag:s6] =	ssyncadd.s32 $0xFFFFFF80  }
0x32e: {  	_ =	swait.ge [sflag:s6], $0x80  }
0x32f: {  	[sflag:s6] =	ssyncset.done $0x0  }
0x330: {  	[sflag:s6] =	ssyncadd.s32 $0xFFFFFF80  }
0x331: {  	_ =	swait.ge [sflag:s6], $0x80  }
0x332: {  	[sflag:s6] =	ssyncset.done $0x0  }
0x333: {  	s0 =	rddreg [dreg:$0x7];
	[sflag:s6] =	ssyncadd.s32 $0xFFFFFF80  }
0x334: {  	[hbm4b:s0+s2] =	stream.linear.scatter [tilespmem:s4], [sflag:$0x2], $0x680, $0x38;
	[tilespmem:$0xD00] =	vst v63  }
0x335: {  	_ =	swait.ge [sflag:s3], $0x680  }
0x336: {  	[sflag:s3] =	ssyncset.done $0x0  }
0x337: {  	s0 =	rddreg [dreg:$0x8];
	[sflag:s3] =	ssyncadd.s32 $0xFFFFF980  }
0x338: {  	[tilespmem:s2], [sflag:$0x2] =	stream.linear.gather [hbm4b:s0+s2], $0x680, $0x38;
	[tilespmem:$0xD00] =	vst v63  }
0x339: {  	_ =	swait.ge [sflag:s3], $0x680  }
0x33a: {  	[sflag:s3] =	ssyncset.done $0x0  }
0x33b: {  	[sflag:s3] =	ssyncadd.s32 $0xFFFFF980  }
0x33c: {  	[tilespmem:s4], [sflag:$0x1] =	stream.indirect.gather [hbm4b:s5+s7], $0x1, s2, s7, $0xb8;
	[tilespmem:$0xD00] =	vst v63  }
0x33d: {  	_ = 	snop  }
0x33e: {  	[tilespmem:s8], [sflag:$0x1] =	stream.indirect.gather [hbm4b:s5+s7], $0x1, s7, s7, $0xb8;
	[tilespmem:$0xD00] =	vst v63  }
0x33f: {  	_ = 	snop  }
0x340: {  	[tilespmem:s10], [sflag:$0x1] =	stream.indirect.gather [hbm4b:s5+s7], $0x1, s9, s7, $0xb8;
	[tilespmem:$0xD00] =	vst v63  }
0x341: {  	_ = 	snop  }
0x342: {  	[tilespmem:s12], [sflag:$0x1] =	stream.indirect.gather [hbm4b:s5+s7], $0x1, s11, s7, $0xb8;
	[tilespmem:$0xD00] =	vst v63  }
0x343: {  	_ = 	snop  }
0x344: {  	[tilespmem:s14], [sflag:$0x1] =	stream.indirect.gather [hbm4b:s5+s7], $0x1, s13, s7, $0xb8;
	[tilespmem:$0xD00] =	vst v63  }
0x345: {  	_ = 	snop  }
0x346: {  	[tilespmem:s16], [sflag:$0x1] =	stream.indirect.gather [hbm4b:s5+s7], $0x1, s15, s7, $0xb8;
	[tilespmem:$0xD00] =	vst v63  }
0x347: {  	_ = 	snop  }
0x348: {  	[tilespmem:s18], [sflag:$0x1] =	stream.indirect.gather [hbm4b:s5+s7], $0x1, s17, s7, $0xb8;
	[tilespmem:$0xD00] =	vst v63  }
0x349: {  	_ = 	snop  }
0x34a: {  	[tilespmem:s20], [sflag:$0x1] =	stream.indirect.gather [hbm4b:s5+s7], $0x1, s19, s7, $0xb8;
	[tilespmem:$0xD00] =	vst v63  }
0x34b: {  	_ = 	snop  }
0x34c: {  	[tilespmem:s22], [sflag:$0x1] =	stream.indirect.gather [hbm4b:s5+s7], $0x1, s21, s7, $0xb8;
	[tilespmem:$0xD00] =	vst v63  }
0x34d: {  	_ = 	snop  }
0x34e: {  	[tilespmem:s24], [sflag:$0x1] =	stream.indirect.gather [hbm4b:s5+s7], $0x1, s23, s7, $0xb8;
	[tilespmem:$0xD00] =	vst v63  }
0x34f: {  	_ = 	snop  }
0x350: {  	[tilespmem:s26], [sflag:$0x1] =	stream.indirect.gather [hbm4b:s5+s7], $0x1, s25, s7, $0xb8;
	[tilespmem:$0xD00] =	vst v63  }
0x351: {  	_ = 	snop  }
0x352: {  	[tilespmem:s29], [sflag:$0x1] =	stream.indirect.gather [hbm4b:s5+s7], $0x1, s28, s7, $0xb8;
	[tilespmem:$0xD00] =	vst v63  }
0x353: {  	_ = 	snop  }
0x354: {  	[tilespmem:s31], [sflag:$0x1] =	stream.indirect.gather [hbm4b:s5+s7], $0x1, s30, s7, $0xb8;
	[tilespmem:$0xD00] =	vst v63  }
0x355: {  	_ =	swait.ge [sflag:s6], $0x80  }
0x356: {  	[sflag:s6] =	ssyncset.done $0x0  }
0x357: {  	[sflag:s6] =	ssyncadd.s32 $0xFFFFFF80  }
0x358: {  	_ =	swait.ge [sflag:s6], $0x80  }
0x359: {  	[sflag:s6] =	ssyncset.done $0x0  }
0x35a: {  	[sflag:s6] =	ssyncadd.s32 $0xFFFFFF80  }
0x35b: {  	_ =	swait.ge [sflag:s6], $0x80  }
0x35c: {  	[sflag:s6] =	ssyncset.done $0x0  }
0x35d: {  	[sflag:s6] =	ssyncadd.s32 $0xFFFFFF80  }
0x35e: {  	_ =	swait.ge [sflag:s6], $0x80  }
0x35f: {  	[sflag:s6] =	ssyncset.done $0x0  }
0x360: {  	[sflag:s6] =	ssyncadd.s32 $0xFFFFFF80  }
0x361: {  	_ =	swait.ge [sflag:s6], $0x80  }
0x362: {  	[sflag:s6] =	ssyncset.done $0x0  }
0x363: {  	[sflag:s6] =	ssyncadd.s32 $0xFFFFFF80  }
0x364: {  	_ =	swait.ge [sflag:s6], $0x80  }
0x365: {  	[sflag:s6] =	ssyncset.done $0x0  }
0x366: {  	[sflag:s6] =	ssyncadd.s32 $0xFFFFFF80  }
0x367: {  	_ =	swait.ge [sflag:s6], $0x80  }
0x368: {  	[sflag:s6] =	ssyncset.done $0x0  }
0x369: {  	[sflag:s6] =	ssyncadd.s32 $0xFFFFFF80  }
0x36a: {  	_ =	swait.ge [sflag:s6], $0x80  }
0x36b: {  	[sflag:s6] =	ssyncset.done $0x0  }
0x36c: {  	[sflag:s6] =	ssyncadd.s32 $0xFFFFFF80  }
0x36d: {  	_ =	swait.ge [sflag:s6], $0x80  }
0x36e: {  	[sflag:s6] =	ssyncset.done $0x0  }
0x36f: {  	[sflag:s6] =	ssyncadd.s32 $0xFFFFFF80  }
0x370: {  	_ =	swait.ge [sflag:s6], $0x80  }
0x371: {  	[sflag:s6] =	ssyncset.done $0x0  }
0x372: {  	[sflag:s6] =	ssyncadd.s32 $0xFFFFFF80  }
0x373: {  	_ =	swait.ge [sflag:s6], $0x80  }
0x374: {  	[sflag:s6] =	ssyncset.done $0x0  }
0x375: {  	[sflag:s6] =	ssyncadd.s32 $0xFFFFFF80  }
0x376: {  	_ =	swait.ge [sflag:s6], $0x80  }
0x377: {  	[sflag:s6] =	ssyncset.done $0x0  }
0x378: {  	[sflag:s6] =	ssyncadd.s32 $0xFFFFFF80  }
0x379: {  	_ =	swait.ge [sflag:s6], $0x80  }
0x37a: {  	[sflag:s6] =	ssyncset.done $0x0  }
0x37b: {  	s0 =	rddreg [dreg:$0x9];
	[sflag:s6] =	ssyncadd.s32 $0xFFFFFF80  }
0x37c: {  	[hbm4b:s0+s2] =	stream.linear.scatter [tilespmem:s4], [sflag:$0x2], $0x680, $0x38;
	[tilespmem:$0xD00] =	vst v63  }
0x37d: {  	_ =	swait.ge [sflag:s3], $0x680  }
0x37e: {  	[sflag:s3] =	ssyncset.done $0x0  }
0x37f: {  	s0 =	rddreg [dreg:$0xa];
	[sflag:s3] =	ssyncadd.s32 $0xFFFFF980  }
0x380: {  	[tilespmem:s2], [sflag:$0x2] =	stream.linear.gather [hbm4b:s0+s2], $0x680, $0x38;
	[tilespmem:$0xD00] =	vst v63  }
0x381: {  	_ =	swait.ge [sflag:s3], $0x680  }
0x382: {  	[sflag:s3] =	ssyncset.done $0x0  }
0x383: {  	[sflag:s3] =	ssyncadd.s32 $0xFFFFF980  }
0x384: {  	[tilespmem:s4], [sflag:$0x1] =	stream.indirect.gather [hbm4b:s5+s7], $0x1, s2, s7, $0xb8;
	[tilespmem:$0xD00] =	vst v63  }
0x385: {  	_ = 	snop  }
0x386: {  	[tilespmem:s8], [sflag:$0x1] =	stream.indirect.gather [hbm4b:s5+s7], $0x1, s7, s7, $0xb8;
	[tilespmem:$0xD00] =	vst v63  }
0x387: {  	_ = 	snop  }
0x388: {  	[tilespmem:s10], [sflag:$0x1] =	stream.indirect.gather [hbm4b:s5+s7], $0x1, s9, s7, $0xb8;
	[tilespmem:$0xD00] =	vst v63  }
0x389: {  	_ = 	snop  }
0x38a: {  	[tilespmem:s12], [sflag:$0x1] =	stream.indirect.gather [hbm4b:s5+s7], $0x1, s11, s7, $0xb8;
	[tilespmem:$0xD00] =	vst v63  }
0x38b: {  	_ = 	snop  }
0x38c: {  	[tilespmem:s14], [sflag:$0x1] =	stream.indirect.gather [hbm4b:s5+s7], $0x1, s13, s7, $0xb8;
	[tilespmem:$0xD00] =	vst v63  }
0x38d: {  	_ = 	snop  }
0x38e: {  	[tilespmem:s16], [sflag:$0x1] =	stream.indirect.gather [hbm4b:s5+s7], $0x1, s15, s7, $0xb8;
	[tilespmem:$0xD00] =	vst v63  }
0x38f: {  	_ = 	snop  }
0x390: {  	[tilespmem:s18], [sflag:$0x1] =	stream.indirect.gather [hbm4b:s5+s7], $0x1, s17, s7, $0xb8;
	[tilespmem:$0xD00] =	vst v63  }
0x391: {  	_ = 	snop  }
0x392: {  	[tilespmem:s20], [sflag:$0x1] =	stream.indirect.gather [hbm4b:s5+s7], $0x1, s19, s7, $0xb8;
	[tilespmem:$0xD00] =	vst v63  }
0x393: {  	_ = 	snop  }
0x394: {  	[tilespmem:s22], [sflag:$0x1] =	stream.indirect.gather [hbm4b:s5+s7], $0x1, s21, s7, $0xb8;
	[tilespmem:$0xD00] =	vst v63  }
0x395: {  	_ = 	snop  }
0x396: {  	[tilespmem:s24], [sflag:$0x1] =	stream.indirect.gather [hbm4b:s5+s7], $0x1, s23, s7, $0xb8;
	[tilespmem:$0xD00] =	vst v63  }
0x397: {  	_ = 	snop  }
0x398: {  	[tilespmem:s26], [sflag:$0x1] =	stream.indirect.gather [hbm4b:s5+s7], $0x1, s25, s7, $0xb8;
	[tilespmem:$0xD00] =	vst v63  }
0x399: {  	_ = 	snop  }
0x39a: {  	[tilespmem:s29], [sflag:$0x1] =	stream.indirect.gather [hbm4b:s5+s7], $0x1, s28, s7, $0xb8;
	[tilespmem:$0xD00] =	vst v63  }
0x39b: {  	_ = 	snop  }
0x39c: {  	[tilespmem:s31], [sflag:$0x1] =	stream.indirect.gather [hbm4b:s5+s7], $0x1, s30, s7, $0xb8;
	[tilespmem:$0xD00] =	vst v63  }
0x39d: {  	_ =	swait.ge [sflag:s6], $0x80  }
0x39e: {  	[sflag:s6] =	ssyncset.done $0x0  }
0x39f: {  	[sflag:s6] =	ssyncadd.s32 $0xFFFFFF80  }
0x3a0: {  	_ =	swait.ge [sflag:s6], $0x80  }
0x3a1: {  	[sflag:s6] =	ssyncset.done $0x0  }
0x3a2: {  	[sflag:s6] =	ssyncadd.s32 $0xFFFFFF80  }
0x3a3: {  	_ =	swait.ge [sflag:s6], $0x80  }
0x3a4: {  	[sflag:s6] =	ssyncset.done $0x0  }
0x3a5: {  	[sflag:s6] =	ssyncadd.s32 $0xFFFFFF80  }
0x3a6: {  	_ =	swait.ge [sflag:s6], $0x80  }
0x3a7: {  	[sflag:s6] =	ssyncset.done $0x0  }
0x3a8: {  	[sflag:s6] =	ssyncadd.s32 $0xFFFFFF80  }
0x3a9: {  	_ =	swait.ge [sflag:s6], $0x80  }
0x3aa: {  	[sflag:s6] =	ssyncset.done $0x0  }
0x3ab: {  	[sflag:s6] =	ssyncadd.s32 $0xFFFFFF80  }
0x3ac: {  	_ =	swait.ge [sflag:s6], $0x80  }
0x3ad: {  	[sflag:s6] =	ssyncset.done $0x0  }
0x3ae: {  	[sflag:s6] =	ssyncadd.s32 $0xFFFFFF80  }
0x3af: {  	_ =	swait.ge [sflag:s6], $0x80  }
0x3b0: {  	[sflag:s6] =	ssyncset.done $0x0  }
0x3b1: {  	[sflag:s6] =	ssyncadd.s32 $0xFFFFFF80  }
0x3b2: {  	_ =	swait.ge [sflag:s6], $0x80  }
0x3b3: {  	[sflag:s6] =	ssyncset.done $0x0  }
0x3b4: {  	[sflag:s6] =	ssyncadd.s32 $0xFFFFFF80  }
0x3b5: {  	_ =	swait.ge [sflag:s6], $0x80  }
0x3b6: {  	[sflag:s6] =	ssyncset.done $0x0  }
0x3b7: {  	[sflag:s6] =	ssyncadd.s32 $0xFFFFFF80  }
0x3b8: {  	_ =	swait.ge [sflag:s6], $0x80  }
0x3b9: {  	[sflag:s6] =	ssyncset.done $0x0  }
0x3ba: {  	[sflag:s6] =	ssyncadd.s32 $0xFFFFFF80  }
0x3bb: {  	_ =	swait.ge [sflag:s6], $0x80  }
0x3bc: {  	[sflag:s6] =	ssyncset.done $0x0  }
0x3bd: {  	[sflag:s6] =	ssyncadd.s32 $0xFFFFFF80  }
0x3be: {  	_ =	swait.ge [sflag:s6], $0x80  }
0x3bf: {  	[sflag:s6] =	ssyncset.done $0x0  }
0x3c0: {  	[sflag:s6] =	ssyncadd.s32 $0xFFFFFF80  }
0x3c1: {  	_ =	swait.ge [sflag:s6], $0x80  }
0x3c2: {  	[sflag:s6] =	ssyncset.done $0x0  }
0x3c3: {  	s0 =	rddreg [dreg:$0xb];
	[sflag:s6] =	ssyncadd.s32 $0xFFFFFF80  }
0x3c4: {  	[hbm4b:s0+s2] =	stream.linear.scatter [tilespmem:s4], [sflag:$0x2], $0x680, $0x38;
	[tilespmem:$0xD00] =	vst v63  }
0x3c5: {  	_ =	swait.ge [sflag:s3], $0x680  }
0x3c6: {  	[sflag:s3] =	ssyncset.done $0x0  }
0x3c7: {  	s0 =	rddreg [dreg:$0xc];
	[sflag:s3] =	ssyncadd.s32 $0xFFFFF980  }
0x3c8: {  	[tilespmem:s2], [sflag:$0x2] =	stream.linear.gather [hbm4b:s0+s2], $0x680, $0x38;
	[tilespmem:$0xD00] =	vst v63  }
0x3c9: {  	_ =	swait.ge [sflag:s3], $0x680  }
0x3ca: {  	[sflag:s3] =	ssyncset.done $0x0  }
0x3cb: {  	[sflag:s3] =	ssyncadd.s32 $0xFFFFF980  }
0x3cc: {  	[tilespmem:s4], [sflag:$0x1] =	stream.indirect.gather [hbm4b:s5+s7], $0x1, s2, s7, $0xb8;
	[tilespmem:$0xD00] =	vst v63  }
0x3cd: {  	_ = 	snop  }
0x3ce: {  	[tilespmem:s8], [sflag:$0x1] =	stream.indirect.gather [hbm4b:s5+s7], $0x1, s7, s7, $0xb8;
	[tilespmem:$0xD00] =	vst v63  }
0x3cf: {  	_ = 	snop  }
0x3d0: {  	[tilespmem:s10], [sflag:$0x1] =	stream.indirect.gather [hbm4b:s5+s7], $0x1, s9, s7, $0xb8;
	[tilespmem:$0xD00] =	vst v63  }
0x3d1: {  	_ = 	snop  }
0x3d2: {  	[tilespmem:s12], [sflag:$0x1] =	stream.indirect.gather [hbm4b:s5+s7], $0x1, s11, s7, $0xb8;
	[tilespmem:$0xD00] =	vst v63  }
0x3d3: {  	_ = 	snop  }
0x3d4: {  	[tilespmem:s14], [sflag:$0x1] =	stream.indirect.gather [hbm4b:s5+s7], $0x1, s13, s7, $0xb8;
	[tilespmem:$0xD00] =	vst v63  }
0x3d5: {  	_ = 	snop  }
0x3d6: {  	[tilespmem:s16], [sflag:$0x1] =	stream.indirect.gather [hbm4b:s5+s7], $0x1, s15, s7, $0xb8;
	[tilespmem:$0xD00] =	vst v63  }
0x3d7: {  	_ = 	snop  }
0x3d8: {  	[tilespmem:s18], [sflag:$0x1] =	stream.indirect.gather [hbm4b:s5+s7], $0x1, s17, s7, $0xb8;
	[tilespmem:$0xD00] =	vst v63  }
0x3d9: {  	_ = 	snop  }
0x3da: {  	[tilespmem:s20], [sflag:$0x1] =	stream.indirect.gather [hbm4b:s5+s7], $0x1, s19, s7, $0xb8;
	[tilespmem:$0xD00] =	vst v63  }
0x3db: {  	_ = 	snop  }
0x3dc: {  	[tilespmem:s22], [sflag:$0x1] =	stream.indirect.gather [hbm4b:s5+s7], $0x1, s21, s7, $0xb8;
	[tilespmem:$0xD00] =	vst v63  }
0x3dd: {  	_ = 	snop  }
0x3de: {  	[tilespmem:s24], [sflag:$0x1] =	stream.indirect.gather [hbm4b:s5+s7], $0x1, s23, s7, $0xb8;
	[tilespmem:$0xD00] =	vst v63  }
0x3df: {  	_ = 	snop  }
0x3e0: {  	[tilespmem:s26], [sflag:$0x1] =	stream.indirect.gather [hbm4b:s5+s7], $0x1, s25, s7, $0xb8;
	[tilespmem:$0xD00] =	vst v63  }
0x3e1: {  	_ = 	snop  }
0x3e2: {  	[tilespmem:s29], [sflag:$0x1] =	stream.indirect.gather [hbm4b:s5+s7], $0x1, s28, s7, $0xb8;
	[tilespmem:$0xD00] =	vst v63  }
0x3e3: {  	_ = 	snop  }
0x3e4: {  	[tilespmem:s31], [sflag:$0x1] =	stream.indirect.gather [hbm4b:s5+s7], $0x1, s30, s7, $0xb8;
	[tilespmem:$0xD00] =	vst v63  }
0x3e5: {  	_ =	swait.ge [sflag:s6], $0x80  }
0x3e6: {  	[sflag:s6] =	ssyncset.done $0x0  }
0x3e7: {  	[sflag:s6] =	ssyncadd.s32 $0xFFFFFF80  }
0x3e8: {  	_ =	swait.ge [sflag:s6], $0x80  }
0x3e9: {  	[sflag:s6] =	ssyncset.done $0x0  }
0x3ea: {  	[sflag:s6] =	ssyncadd.s32 $0xFFFFFF80  }
0x3eb: {  	_ =	swait.ge [sflag:s6], $0x80  }
0x3ec: {  	[sflag:s6] =	ssyncset.done $0x0  }
0x3ed: {  	[sflag:s6] =	ssyncadd.s32 $0xFFFFFF80  }
0x3ee: {  	_ =	swait.ge [sflag:s6], $0x80  }
0x3ef: {  	[sflag:s6] =	ssyncset.done $0x0  }
0x3f0: {  	[sflag:s6] =	ssyncadd.s32 $0xFFFFFF80  }
0x3f1: {  	_ =	swait.ge [sflag:s6], $0x80  }
0x3f2: {  	[sflag:s6] =	ssyncset.done $0x0  }
0x3f3: {  	[sflag:s6] =	ssyncadd.s32 $0xFFFFFF80  }
0x3f4: {  	_ =	swait.ge [sflag:s6], $0x80  }
0x3f5: {  	[sflag:s6] =	ssyncset.done $0x0  }
0x3f6: {  	[sflag:s6] =	ssyncadd.s32 $0xFFFFFF80  }
0x3f7: {  	_ =	swait.ge [sflag:s6], $0x80  }
0x3f8: {  	[sflag:s6] =	ssyncset.done $0x0  }
0x3f9: {  	[sflag:s6] =	ssyncadd.s32 $0xFFFFFF80  }
0x3fa: {  	_ =	swait.ge [sflag:s6], $0x80  }
0x3fb: {  	[sflag:s6] =	ssyncset.done $0x0  }
0x3fc: {  	[sflag:s6] =	ssyncadd.s32 $0xFFFFFF80  }
0x3fd: {  	_ =	swait.ge [sflag:s6], $0x80  }
0x3fe: {  	[sflag:s6] =	ssyncset.done $0x0  }
0x3ff: {  	[sflag:s6] =	ssyncadd.s32 $0xFFFFFF80  }
0x400: {  	_ =	swait.ge [sflag:s6], $0x80  }
0x401: {  	[sflag:s6] =	ssyncset.done $0x0  }
0x402: {  	[sflag:s6] =	ssyncadd.s32 $0xFFFFFF80  }
0x403: {  	_ =	swait.ge [sflag:s6], $0x80  }
0x404: {  	[sflag:s6] =	ssyncset.done $0x0  }
0x405: {  	[sflag:s6] =	ssyncadd.s32 $0xFFFFFF80  }
0x406: {  	_ =	swait.ge [sflag:s6], $0x80  }
0x407: {  	[sflag:s6] =	ssyncset.done $0x0  }
0x408: {  	[sflag:s6] =	ssyncadd.s32 $0xFFFFFF80  }
0x409: {  	_ =	swait.ge [sflag:s6], $0x80  }
0x40a: {  	[sflag:s6] =	ssyncset.done $0x0  }
0x40b: {  	s0 =	rddreg [dreg:$0xd];
	[sflag:s6] =	ssyncadd.s32 $0xFFFFFF80  }
0x40c: {  	[hbm4b:s0+s2] =	stream.linear.scatter [tilespmem:s4], [sflag:$0x2], $0x680, $0x38;
	[tilespmem:$0xD00] =	vst v63  }
0x40d: {  	_ =	swait.ge [sflag:s3], $0x680  }
0x40e: {  	[sflag:s3] =	ssyncset.done $0x0  }
0x40f: {  	s0 =	rddreg [dreg:$0xe];
	[sflag:s3] =	ssyncadd.s32 $0xFFFFF980  }
0x410: {  	[tilespmem:s2], [sflag:$0x2] =	stream.linear.gather [hbm4b:s0+s2], $0x680, $0x38;
	[tilespmem:$0xD00] =	vst v63  }
0x411: {  	_ =	swait.ge [sflag:s3], $0x680  }
0x412: {  	[sflag:s3] =	ssyncset.done $0x0  }
0x413: {  	[sflag:s3] =	ssyncadd.s32 $0xFFFFF980  }
0x414: {  	[tilespmem:s4], [sflag:$0x1] =	stream.indirect.gather [hbm4b:s5+s7], $0x1, s2, s7, $0xb8;
	[tilespmem:$0xD00] =	vst v63  }
0x415: {  	_ = 	snop  }
0x416: {  	[tilespmem:s8], [sflag:$0x1] =	stream.indirect.gather [hbm4b:s5+s7], $0x1, s7, s7, $0xb8;
	[tilespmem:$0xD00] =	vst v63  }
0x417: {  	_ = 	snop  }
0x418: {  	[tilespmem:s10], [sflag:$0x1] =	stream.indirect.gather [hbm4b:s5+s7], $0x1, s9, s7, $0xb8;
	[tilespmem:$0xD00] =	vst v63  }
0x419: {  	_ = 	snop  }
0x41a: {  	[tilespmem:s12], [sflag:$0x1] =	stream.indirect.gather [hbm4b:s5+s7], $0x1, s11, s7, $0xb8;
	[tilespmem:$0xD00] =	vst v63  }
0x41b: {  	_ = 	snop  }
0x41c: {  	[tilespmem:s14], [sflag:$0x1] =	stream.indirect.gather [hbm4b:s5+s7], $0x1, s13, s7, $0xb8;
	[tilespmem:$0xD00] =	vst v63  }
0x41d: {  	_ = 	snop  }
0x41e: {  	[tilespmem:s16], [sflag:$0x1] =	stream.indirect.gather [hbm4b:s5+s7], $0x1, s15, s7, $0xb8;
	[tilespmem:$0xD00] =	vst v63  }
0x41f: {  	_ = 	snop  }
0x420: {  	[tilespmem:s18], [sflag:$0x1] =	stream.indirect.gather [hbm4b:s5+s7], $0x1, s17, s7, $0xb8;
	[tilespmem:$0xD00] =	vst v63  }
0x421: {  	_ = 	snop  }
0x422: {  	[tilespmem:s20], [sflag:$0x1] =	stream.indirect.gather [hbm4b:s5+s7], $0x1, s19, s7, $0xb8;
	[tilespmem:$0xD00] =	vst v63  }
0x423: {  	_ = 	snop  }
0x424: {  	[tilespmem:s22], [sflag:$0x1] =	stream.indirect.gather [hbm4b:s5+s7], $0x1, s21, s7, $0xb8;
	[tilespmem:$0xD00] =	vst v63  }
0x425: {  	_ = 	snop  }
0x426: {  	[tilespmem:s24], [sflag:$0x1] =	stream.indirect.gather [hbm4b:s5+s7], $0x1, s23, s7, $0xb8;
	[tilespmem:$0xD00] =	vst v63  }
0x427: {  	_ = 	snop  }
0x428: {  	[tilespmem:s26], [sflag:$0x1] =	stream.indirect.gather [hbm4b:s5+s7], $0x1, s25, s7, $0xb8;
	[tilespmem:$0xD00] =	vst v63  }
0x429: {  	_ = 	snop  }
0x42a: {  	[tilespmem:s29], [sflag:$0x1] =	stream.indirect.gather [hbm4b:s5+s7], $0x1, s28, s7, $0xb8;
	[tilespmem:$0xD00] =	vst v63  }
0x42b: {  	_ = 	snop  }
0x42c: {  	[tilespmem:s31], [sflag:$0x1] =	stream.indirect.gather [hbm4b:s5+s7], $0x1, s30, s7, $0xb8;
	[tilespmem:$0xD00] =	vst v63  }
0x42d: {  	_ =	swait.ge [sflag:s6], $0x80  }
0x42e: {  	[sflag:s6] =	ssyncset.done $0x0  }
0x42f: {  	[sflag:s6] =	ssyncadd.s32 $0xFFFFFF80  }
0x430: {  	_ =	swait.ge [sflag:s6], $0x80  }
0x431: {  	[sflag:s6] =	ssyncset.done $0x0  }
0x432: {  	[sflag:s6] =	ssyncadd.s32 $0xFFFFFF80  }
0x433: {  	_ =	swait.ge [sflag:s6], $0x80  }
0x434: {  	[sflag:s6] =	ssyncset.done $0x0  }
0x435: {  	[sflag:s6] =	ssyncadd.s32 $0xFFFFFF80  }
0x436: {  	_ =	swait.ge [sflag:s6], $0x80  }
0x437: {  	[sflag:s6] =	ssyncset.done $0x0  }
0x438: {  	[sflag:s6] =	ssyncadd.s32 $0xFFFFFF80  }
0x439: {  	_ =	swait.ge [sflag:s6], $0x80  }
0x43a: {  	[sflag:s6] =	ssyncset.done $0x0  }
0x43b: {  	[sflag:s6] =	ssyncadd.s32 $0xFFFFFF80  }
0x43c: {  	_ =	swait.ge [sflag:s6], $0x80  }
0x43d: {  	[sflag:s6] =	ssyncset.done $0x0  }
0x43e: {  	[sflag:s6] =	ssyncadd.s32 $0xFFFFFF80  }
0x43f: {  	_ =	swait.ge [sflag:s6], $0x80  }
0x440: {  	[sflag:s6] =	ssyncset.done $0x0  }
0x441: {  	[sflag:s6] =	ssyncadd.s32 $0xFFFFFF80  }
0x442: {  	_ =	swait.ge [sflag:s6], $0x80  }
0x443: {  	[sflag:s6] =	ssyncset.done $0x0  }
0x444: {  	[sflag:s6] =	ssyncadd.s32 $0xFFFFFF80  }
0x445: {  	_ =	swait.ge [sflag:s6], $0x80  }
0x446: {  	[sflag:s6] =	ssyncset.done $0x0  }
0x447: {  	[sflag:s6] =	ssyncadd.s32 $0xFFFFFF80  }
0x448: {  	_ =	swait.ge [sflag:s6], $0x80  }
0x449: {  	[sflag:s6] =	ssyncset.done $0x0  }
0x44a: {  	[sflag:s6] =	ssyncadd.s32 $0xFFFFFF80  }
0x44b: {  	_ =	swait.ge [sflag:s6], $0x80  }
0x44c: {  	[sflag:s6] =	ssyncset.done $0x0  }
0x44d: {  	[sflag:s6] =	ssyncadd.s32 $0xFFFFFF80  }
0x44e: {  	_ =	swait.ge [sflag:s6], $0x80  }
0x44f: {  	[sflag:s6] =	ssyncset.done $0x0  }
0x450: {  	[sflag:s6] =	ssyncadd.s32 $0xFFFFFF80  }
0x451: {  	_ =	swait.ge [sflag:s6], $0x80  }
0x452: {  	[sflag:s6] =	ssyncset.done $0x0  }
0x453: {  	s0 =	rddreg [dreg:$0xf];
	[sflag:s6] =	ssyncadd.s32 $0xFFFFFF80  }
0x454: {  	[hbm4b:s0+s2] =	stream.linear.scatter [tilespmem:s4], [sflag:$0x2], $0x680, $0x38;
	[tilespmem:$0xD00] =	vst v63  }
0x455: {  	_ =	swait.ge [sflag:s3], $0x680  }
0x456: {  	[sflag:s3] =	ssyncset.done $0x0  }
0x457: {  	s0 =	rddreg [dreg:$0x10];
	[sflag:s3] =	ssyncadd.s32 $0xFFFFF980  }
0x458: {  	[tilespmem:s2], [sflag:$0x2] =	stream.linear.gather [hbm4b:s0+s2], $0x680, $0x38;
	[tilespmem:$0xD00] =	vst v63  }
0x459: {  	_ =	swait.ge [sflag:s3], $0x680  }
0x45a: {  	[sflag:s3] =	ssyncset.done $0x0  }
0x45b: {  	[sflag:s3] =	ssyncadd.s32 $0xFFFFF980  }
0x45c: {  	[tilespmem:s4], [sflag:$0x1] =	stream.indirect.gather [hbm4b:s5+s7], $0x1, s2, s7, $0xb8;
	[tilespmem:$0xD00] =	vst v63  }
0x45d: {  	_ = 	snop  }
0x45e: {  	[tilespmem:s8], [sflag:$0x1] =	stream.indirect.gather [hbm4b:s5+s7], $0x1, s7, s7, $0xb8;
	[tilespmem:$0xD00] =	vst v63  }
0x45f: {  	_ = 	snop  }
0x460: {  	[tilespmem:s10], [sflag:$0x1] =	stream.indirect.gather [hbm4b:s5+s7], $0x1, s9, s7, $0xb8;
	[tilespmem:$0xD00] =	vst v63  }
0x461: {  	_ = 	snop  }
0x462: {  	[tilespmem:s12], [sflag:$0x1] =	stream.indirect.gather [hbm4b:s5+s7], $0x1, s11, s7, $0xb8;
	[tilespmem:$0xD00] =	vst v63  }
0x463: {  	_ = 	snop  }
0x464: {  	[tilespmem:s14], [sflag:$0x1] =	stream.indirect.gather [hbm4b:s5+s7], $0x1, s13, s7, $0xb8;
	[tilespmem:$0xD00] =	vst v63  }
0x465: {  	_ = 	snop  }
0x466: {  	[tilespmem:s16], [sflag:$0x1] =	stream.indirect.gather [hbm4b:s5+s7], $0x1, s15, s7, $0xb8;
	[tilespmem:$0xD00] =	vst v63  }
0x467: {  	_ = 	snop  }
0x468: {  	[tilespmem:s18], [sflag:$0x1] =	stream.indirect.gather [hbm4b:s5+s7], $0x1, s17, s7, $0xb8;
	[tilespmem:$0xD00] =	vst v63  }
0x469: {  	_ = 	snop  }
0x46a: {  	[tilespmem:s20], [sflag:$0x1] =	stream.indirect.gather [hbm4b:s5+s7], $0x1, s19, s7, $0xb8;
	[tilespmem:$0xD00] =	vst v63  }
0x46b: {  	_ = 	snop  }
0x46c: {  	[tilespmem:s22], [sflag:$0x1] =	stream.indirect.gather [hbm4b:s5+s7], $0x1, s21, s7, $0xb8;
	[tilespmem:$0xD00] =	vst v63  }
0x46d: {  	_ = 	snop  }
0x46e: {  	[tilespmem:s24], [sflag:$0x1] =	stream.indirect.gather [hbm4b:s5+s7], $0x1, s23, s7, $0xb8;
	[tilespmem:$0xD00] =	vst v63  }
0x46f: {  	_ = 	snop  }
0x470: {  	[tilespmem:s26], [sflag:$0x1] =	stream.indirect.gather [hbm4b:s5+s7], $0x1, s25, s7, $0xb8;
	[tilespmem:$0xD00] =	vst v63  }
0x471: {  	_ = 	snop  }
0x472: {  	[tilespmem:s29], [sflag:$0x1] =	stream.indirect.gather [hbm4b:s5+s7], $0x1, s28, s7, $0xb8;
	[tilespmem:$0xD00] =	vst v63  }
0x473: {  	_ = 	snop  }
0x474: {  	[tilespmem:s31], [sflag:$0x1] =	stream.indirect.gather [hbm4b:s5+s7], $0x1, s30, s7, $0xb8;
	[tilespmem:$0xD00] =	vst v63  }
0x475: {  	_ =	swait.ge [sflag:s6], $0x80  }
0x476: {  	[sflag:s6] =	ssyncset.done $0x0  }
0x477: {  	[sflag:s6] =	ssyncadd.s32 $0xFFFFFF80  }
0x478: {  	_ =	swait.ge [sflag:s6], $0x80  }
0x479: {  	[sflag:s6] =	ssyncset.done $0x0  }
0x47a: {  	[sflag:s6] =	ssyncadd.s32 $0xFFFFFF80  }
0x47b: {  	_ =	swait.ge [sflag:s6], $0x80  }
0x47c: {  	[sflag:s6] =	ssyncset.done $0x0  }
0x47d: {  	[sflag:s6] =	ssyncadd.s32 $0xFFFFFF80  }
0x47e: {  	_ =	swait.ge [sflag:s6], $0x80  }
0x47f: {  	[sflag:s6] =	ssyncset.done $0x0  }
0x480: {  	[sflag:s6] =	ssyncadd.s32 $0xFFFFFF80  }
0x481: {  	_ =	swait.ge [sflag:s6], $0x80  }
0x482: {  	[sflag:s6] =	ssyncset.done $0x0  }
0x483: {  	[sflag:s6] =	ssyncadd.s32 $0xFFFFFF80  }
0x484: {  	_ =	swait.ge [sflag:s6], $0x80  }
0x485: {  	[sflag:s6] =	ssyncset.done $0x0  }
0x486: {  	[sflag:s6] =	ssyncadd.s32 $0xFFFFFF80  }
0x487: {  	_ =	swait.ge [sflag:s6], $0x80  }
0x488: {  	[sflag:s6] =	ssyncset.done $0x0  }
0x489: {  	[sflag:s6] =	ssyncadd.s32 $0xFFFFFF80  }
0x48a: {  	_ =	swait.ge [sflag:s6], $0x80  }
0x48b: {  	[sflag:s6] =	ssyncset.done $0x0  }
0x48c: {  	[sflag:s6] =	ssyncadd.s32 $0xFFFFFF80  }
0x48d: {  	_ =	swait.ge [sflag:s6], $0x80  }
0x48e: {  	[sflag:s6] =	ssyncset.done $0x0  }
0x48f: {  	[sflag:s6] =	ssyncadd.s32 $0xFFFFFF80  }
0x490: {  	_ =	swait.ge [sflag:s6], $0x80  }
0x491: {  	[sflag:s6] =	ssyncset.done $0x0  }
0x492: {  	[sflag:s6] =	ssyncadd.s32 $0xFFFFFF80  }
0x493: {  	_ =	swait.ge [sflag:s6], $0x80  }
0x494: {  	[sflag:s6] =	ssyncset.done $0x0  }
0x495: {  	[sflag:s6] =	ssyncadd.s32 $0xFFFFFF80  }
0x496: {  	_ =	swait.ge [sflag:s6], $0x80  }
0x497: {  	[sflag:s6] =	ssyncset.done $0x0  }
0x498: {  	[sflag:s6] =	ssyncadd.s32 $0xFFFFFF80  }
0x499: {  	p1 =	sne.s32 s1, $0x1;
	_ =	swait.ge [sflag:s6], $0x80  }
.Ltmp2:
0x49a: {  	[sflag:s6] =	ssyncset.done $0x0;
	(pc) =	sbr.rel @p1 .LBB2_2-.Ltmp2, $4  }
0x49b: {  	s0 =	rddreg [dreg:$0x11];
	[sflag:s6] =	ssyncadd.s32 $0xFFFFFF80  }
0x49c: {  	[hbm4b:s0+s2] =	stream.linear.scatter [tilespmem:s4], [sflag:$0x2], $0x680, $0x38;
	[tilespmem:$0xD00] =	vst v63  }
0x49d: {  	_ =	swait.ge [sflag:s3], $0x680  }
0x49e: {  	s1 =	sadd.s32 $0xFFFFFFFF, s1;
	s0 =	rddreg [dreg:$0x2];
	[sflag:s3] =	ssyncset.done $0x0  }
.LBB2_3:
0x49f: {  	[sflag:s3] =	ssyncadd.s32 @p0 $0xFFFFF980  }
0x4a0: {  	[tilespmem:s2], [sflag:$0x2] =	stream.linear.gather [hbm4b:s0+s2], $0x680, $0x38;
	[tilespmem:$0xD00] =	vst v63  }
0x4a1: {  	_ =	swait.ge [sflag:s3], $0x680  }
0x4a2: {  	[sflag:s3] =	ssyncset.done $0x0  }
0x4a3: {  	[sflag:s3] =	ssyncadd.s32 $0xFFFFF980  }
0x4a4: {  	[tilespmem:s4], [sflag:$0x1] =	stream.indirect.gather [hbm4b:s5+s7], $0x1, s2, s7, $0xb8;
	[tilespmem:$0xD00] =	vst v63  }
0x4a5: {  	_ = 	snop  }
0x4a6: {  	[tilespmem:s8], [sflag:$0x1] =	stream.indirect.gather [hbm4b:s5+s7], $0x1, s7, s7, $0xb8;
	[tilespmem:$0xD00] =	vst v63  }
0x4a7: {  	_ = 	snop  }
0x4a8: {  	[tilespmem:s10], [sflag:$0x1] =	stream.indirect.gather [hbm4b:s5+s7], $0x1, s9, s7, $0xb8;
	[tilespmem:$0xD00] =	vst v63  }
0x4a9: {  	_ = 	snop  }
0x4aa: {  	[tilespmem:s12], [sflag:$0x1] =	stream.indirect.gather [hbm4b:s5+s7], $0x1, s11, s7, $0xb8;
	[tilespmem:$0xD00] =	vst v63  }
0x4ab: {  	_ = 	snop  }
0x4ac: {  	[tilespmem:s14], [sflag:$0x1] =	stream.indirect.gather [hbm4b:s5+s7], $0x1, s13, s7, $0xb8;
	[tilespmem:$0xD00] =	vst v63  }
0x4ad: {  	_ = 	snop  }
0x4ae: {  	[tilespmem:s16], [sflag:$0x1] =	stream.indirect.gather [hbm4b:s5+s7], $0x1, s15, s7, $0xb8;
	[tilespmem:$0xD00] =	vst v63  }
0x4af: {  	_ = 	snop  }
0x4b0: {  	[tilespmem:s18], [sflag:$0x1] =	stream.indirect.gather [hbm4b:s5+s7], $0x1, s17, s7, $0xb8;
	[tilespmem:$0xD00] =	vst v63  }
0x4b1: {  	_ = 	snop  }
0x4b2: {  	[tilespmem:s20], [sflag:$0x1] =	stream.indirect.gather [hbm4b:s5+s7], $0x1, s19, s7, $0xb8;
	[tilespmem:$0xD00] =	vst v63  }
0x4b3: {  	_ = 	snop  }
0x4b4: {  	[tilespmem:s22], [sflag:$0x1] =	stream.indirect.gather [hbm4b:s5+s7], $0x1, s21, s7, $0xb8;
	[tilespmem:$0xD00] =	vst v63  }
0x4b5: {  	_ = 	snop  }
0x4b6: {  	[tilespmem:s24], [sflag:$0x1] =	stream.indirect.gather [hbm4b:s5+s7], $0x1, s23, s7, $0xb8;
	[tilespmem:$0xD00] =	vst v63  }
0x4b7: {  	_ = 	snop  }
0x4b8: {  	[tilespmem:s26], [sflag:$0x1] =	stream.indirect.gather [hbm4b:s5+s7], $0x1, s25, s7, $0xb8;
	[tilespmem:$0xD00] =	vst v63  }
0x4b9: {  	_ = 	snop  }
0x4ba: {  	[tilespmem:s29], [sflag:$0x1] =	stream.indirect.gather [hbm4b:s5+s7], $0x1, s28, s7, $0xb8;
	[tilespmem:$0xD00] =	vst v63  }
0x4bb: {  	_ = 	snop  }
0x4bc: {  	[tilespmem:s31], [sflag:$0x1] =	stream.indirect.gather [hbm4b:s5+s7], $0x1, s30, s7, $0xb8;
	[tilespmem:$0xD00] =	vst v63  }
0x4bd: {  	_ =	swait.ge [sflag:s6], $0x80  }
0x4be: {  	[sflag:s6] =	ssyncset.done $0x0  }
0x4bf: {  	[sflag:s6] =	ssyncadd.s32 $0xFFFFFF80  }
0x4c0: {  	_ =	swait.ge [sflag:s6], $0x80  }
0x4c1: {  	[sflag:s6] =	ssyncset.done $0x0  }
0x4c2: {  	[sflag:s6] =	ssyncadd.s32 $0xFFFFFF80  }
0x4c3: {  	_ =	swait.ge [sflag:s6], $0x80  }
0x4c4: {  	[sflag:s6] =	ssyncset.done $0x0  }
0x4c5: {  	[sflag:s6] =	ssyncadd.s32 $0xFFFFFF80  }
0x4c6: {  	_ =	swait.ge [sflag:s6], $0x80  }
0x4c7: {  	[sflag:s6] =	ssyncset.done $0x0  }
0x4c8: {  	[sflag:s6] =	ssyncadd.s32 $0xFFFFFF80  }
0x4c9: {  	_ =	swait.ge [sflag:s6], $0x80  }
0x4ca: {  	[sflag:s6] =	ssyncset.done $0x0  }
0x4cb: {  	[sflag:s6] =	ssyncadd.s32 $0xFFFFFF80  }
0x4cc: {  	_ =	swait.ge [sflag:s6], $0x80  }
0x4cd: {  	[sflag:s6] =	ssyncset.done $0x0  }
0x4ce: {  	[sflag:s6] =	ssyncadd.s32 $0xFFFFFF80  }
0x4cf: {  	_ =	swait.ge [sflag:s6], $0x80  }
0x4d0: {  	[sflag:s6] =	ssyncset.done $0x0  }
0x4d1: {  	[sflag:s6] =	ssyncadd.s32 $0xFFFFFF80  }
0x4d2: {  	_ =	swait.ge [sflag:s6], $0x80  }
0x4d3: {  	[sflag:s6] =	ssyncset.done $0x0  }
0x4d4: {  	[sflag:s6] =	ssyncadd.s32 $0xFFFFFF80  }
0x4d5: {  	_ =	swait.ge [sflag:s6], $0x80  }
0x4d6: {  	[sflag:s6] =	ssyncset.done $0x0  }
0x4d7: {  	[sflag:s6] =	ssyncadd.s32 $0xFFFFFF80  }
0x4d8: {  	_ =	swait.ge [sflag:s6], $0x80  }
0x4d9: {  	[sflag:s6] =	ssyncset.done $0x0  }
0x4da: {  	[sflag:s6] =	ssyncadd.s32 $0xFFFFFF80  }
0x4db: {  	_ =	swait.ge [sflag:s6], $0x80  }
0x4dc: {  	[sflag:s6] =	ssyncset.done $0x0  }
0x4dd: {  	[sflag:s6] =	ssyncadd.s32 $0xFFFFFF80  }
0x4de: {  	_ =	swait.ge [sflag:s6], $0x80  }
0x4df: {  	[sflag:s6] =	ssyncset.done $0x0  }
0x4e0: {  	[sflag:s6] =	ssyncadd.s32 $0xFFFFFF80  }
0x4e1: {  	_ =	swait.ge [sflag:s6], $0x80  }
0x4e2: {  	[sflag:s6] =	ssyncset.done $0x0  }
0x4e3: {  	s1 =	rddreg [dreg:$0x3];
	[sflag:s6] =	ssyncadd.s32 $0xFFFFFF80  }
0x4e4: {  	[hbm4b:s1+s2] =	stream.linear.scatter [tilespmem:s4], [sflag:$0x2], $0x680, $0x38;
	[tilespmem:$0xD00] =	vst v63  }
0x4e5: {  	_ =	swait.ge [sflag:s3], $0x680  }
0x4e6: {  	[sflag:s3] =	ssyncset.done $0x0  }
0x4e7: {  	s1 =	rddreg [dreg:$0x4];
	[sflag:s3] =	ssyncadd.s32 $0xFFFFF980  }
0x4e8: {  	[tilespmem:s2], [sflag:$0x2] =	stream.linear.gather [hbm4b:s1+s2], $0x680, $0x38;
	[tilespmem:$0xD00] =	vst v63  }
0x4e9: {  	_ =	swait.ge [sflag:s3], $0x680  }
0x4ea: {  	[sflag:s3] =	ssyncset.done $0x0  }
0x4eb: {  	[sflag:s3] =	ssyncadd.s32 $0xFFFFF980  }
0x4ec: {  	[tilespmem:s4], [sflag:$0x1] =	stream.indirect.gather [hbm4b:s5+s7], $0x1, s2, s7, $0xb8;
	[tilespmem:$0xD00] =	vst v63  }
0x4ed: {  	_ = 	snop  }
0x4ee: {  	[tilespmem:s8], [sflag:$0x1] =	stream.indirect.gather [hbm4b:s5+s7], $0x1, s7, s7, $0xb8;
	[tilespmem:$0xD00] =	vst v63  }
0x4ef: {  	_ = 	snop  }
0x4f0: {  	[tilespmem:s10], [sflag:$0x1] =	stream.indirect.gather [hbm4b:s5+s7], $0x1, s9, s7, $0xb8;
	[tilespmem:$0xD00] =	vst v63  }
0x4f1: {  	_ = 	snop  }
0x4f2: {  	[tilespmem:s12], [sflag:$0x1] =	stream.indirect.gather [hbm4b:s5+s7], $0x1, s11, s7, $0xb8;
	[tilespmem:$0xD00] =	vst v63  }
0x4f3: {  	_ = 	snop  }
0x4f4: {  	[tilespmem:s14], [sflag:$0x1] =	stream.indirect.gather [hbm4b:s5+s7], $0x1, s13, s7, $0xb8;
	[tilespmem:$0xD00] =	vst v63  }
0x4f5: {  	_ = 	snop  }
0x4f6: {  	[tilespmem:s16], [sflag:$0x1] =	stream.indirect.gather [hbm4b:s5+s7], $0x1, s15, s7, $0xb8;
	[tilespmem:$0xD00] =	vst v63  }
0x4f7: {  	_ = 	snop  }
0x4f8: {  	[tilespmem:s18], [sflag:$0x1] =	stream.indirect.gather [hbm4b:s5+s7], $0x1, s17, s7, $0xb8;
	[tilespmem:$0xD00] =	vst v63  }
0x4f9: {  	_ = 	snop  }
0x4fa: {  	[tilespmem:s20], [sflag:$0x1] =	stream.indirect.gather [hbm4b:s5+s7], $0x1, s19, s7, $0xb8;
	[tilespmem:$0xD00] =	vst v63  }
0x4fb: {  	_ = 	snop  }
0x4fc: {  	[tilespmem:s22], [sflag:$0x1] =	stream.indirect.gather [hbm4b:s5+s7], $0x1, s21, s7, $0xb8;
	[tilespmem:$0xD00] =	vst v63  }
0x4fd: {  	_ = 	snop  }
0x4fe: {  	[tilespmem:s24], [sflag:$0x1] =	stream.indirect.gather [hbm4b:s5+s7], $0x1, s23, s7, $0xb8;
	[tilespmem:$0xD00] =	vst v63  }
0x4ff: {  	_ = 	snop  }
0x500: {  	[tilespmem:s26], [sflag:$0x1] =	stream.indirect.gather [hbm4b:s5+s7], $0x1, s25, s7, $0xb8;
	[tilespmem:$0xD00] =	vst v63  }
0x501: {  	_ = 	snop  }
0x502: {  	[tilespmem:s29], [sflag:$0x1] =	stream.indirect.gather [hbm4b:s5+s7], $0x1, s28, s7, $0xb8;
	[tilespmem:$0xD00] =	vst v63  }
0x503: {  	_ = 	snop  }
0x504: {  	[tilespmem:s31], [sflag:$0x1] =	stream.indirect.gather [hbm4b:s5+s7], $0x1, s30, s7, $0xb8;
	[tilespmem:$0xD00] =	vst v63  }
0x505: {  	_ =	swait.ge [sflag:s6], $0x80  }
0x506: {  	[sflag:s6] =	ssyncset.done $0x0  }
0x507: {  	[sflag:s6] =	ssyncadd.s32 $0xFFFFFF80  }
0x508: {  	_ =	swait.ge [sflag:s6], $0x80  }
0x509: {  	[sflag:s6] =	ssyncset.done $0x0  }
0x50a: {  	[sflag:s6] =	ssyncadd.s32 $0xFFFFFF80  }
0x50b: {  	_ =	swait.ge [sflag:s6], $0x80  }
0x50c: {  	[sflag:s6] =	ssyncset.done $0x0  }
0x50d: {  	[sflag:s6] =	ssyncadd.s32 $0xFFFFFF80  }
0x50e: {  	_ =	swait.ge [sflag:s6], $0x80  }
0x50f: {  	[sflag:s6] =	ssyncset.done $0x0  }
0x510: {  	[sflag:s6] =	ssyncadd.s32 $0xFFFFFF80  }
0x511: {  	_ =	swait.ge [sflag:s6], $0x80  }
0x512: {  	[sflag:s6] =	ssyncset.done $0x0  }
0x513: {  	[sflag:s6] =	ssyncadd.s32 $0xFFFFFF80  }
0x514: {  	_ =	swait.ge [sflag:s6], $0x80  }
0x515: {  	[sflag:s6] =	ssyncset.done $0x0  }
0x516: {  	[sflag:s6] =	ssyncadd.s32 $0xFFFFFF80  }
0x517: {  	_ =	swait.ge [sflag:s6], $0x80  }
0x518: {  	[sflag:s6] =	ssyncset.done $0x0  }
0x519: {  	[sflag:s6] =	ssyncadd.s32 $0xFFFFFF80  }
0x51a: {  	_ =	swait.ge [sflag:s6], $0x80  }
0x51b: {  	[sflag:s6] =	ssyncset.done $0x0  }
0x51c: {  	[sflag:s6] =	ssyncadd.s32 $0xFFFFFF80  }
0x51d: {  	_ =	swait.ge [sflag:s6], $0x80  }
0x51e: {  	[sflag:s6] =	ssyncset.done $0x0  }
0x51f: {  	[sflag:s6] =	ssyncadd.s32 $0xFFFFFF80  }
0x520: {  	_ =	swait.ge [sflag:s6], $0x80  }
0x521: {  	[sflag:s6] =	ssyncset.done $0x0  }
0x522: {  	[sflag:s6] =	ssyncadd.s32 $0xFFFFFF80  }
0x523: {  	_ =	swait.ge [sflag:s6], $0x80  }
0x524: {  	[sflag:s6] =	ssyncset.done $0x0  }
0x525: {  	[sflag:s6] =	ssyncadd.s32 $0xFFFFFF80  }
0x526: {  	_ =	swait.ge [sflag:s6], $0x80  }
0x527: {  	[sflag:s6] =	ssyncset.done $0x0  }
0x528: {  	[sflag:s6] =	ssyncadd.s32 $0xFFFFFF80  }
0x529: {  	_ =	swait.ge [sflag:s6], $0x80  }
0x52a: {  	[sflag:s6] =	ssyncset.done $0x0  }
0x52b: {  	s1 =	rddreg [dreg:$0x5];
	[sflag:s6] =	ssyncadd.s32 $0xFFFFFF80  }
0x52c: {  	[hbm4b:s1+s2] =	stream.linear.scatter [tilespmem:s4], [sflag:$0x2], $0x680, $0x38;
	[tilespmem:$0xD00] =	vst v63  }
0x52d: {  	_ =	swait.ge [sflag:s3], $0x680  }
0x52e: {  	[sflag:s3] =	ssyncset.done $0x0  }
0x52f: {  	s1 =	rddreg [dreg:$0x6];
	[sflag:s3] =	ssyncadd.s32 $0xFFFFF980  }
0x530: {  	[tilespmem:s2], [sflag:$0x2] =	stream.linear.gather [hbm4b:s1+s2], $0x680, $0x38;
	[tilespmem:$0xD00] =	vst v63  }
0x531: {  	_ =	swait.ge [sflag:s3], $0x680  }
0x532: {  	[sflag:s3] =	ssyncset.done $0x0  }
0x533: {  	[sflag:s3] =	ssyncadd.s32 $0xFFFFF980  }
0x534: {  	[tilespmem:s4], [sflag:$0x1] =	stream.indirect.gather [hbm4b:s5+s7], $0x1, s2, s7, $0xb8;
	[tilespmem:$0xD00] =	vst v63  }
0x535: {  	_ = 	snop  }
0x536: {  	[tilespmem:s8], [sflag:$0x1] =	stream.indirect.gather [hbm4b:s5+s7], $0x1, s7, s7, $0xb8;
	[tilespmem:$0xD00] =	vst v63  }
0x537: {  	_ = 	snop  }
0x538: {  	[tilespmem:s10], [sflag:$0x1] =	stream.indirect.gather [hbm4b:s5+s7], $0x1, s9, s7, $0xb8;
	[tilespmem:$0xD00] =	vst v63  }
0x539: {  	_ = 	snop  }
0x53a: {  	[tilespmem:s12], [sflag:$0x1] =	stream.indirect.gather [hbm4b:s5+s7], $0x1, s11, s7, $0xb8;
	[tilespmem:$0xD00] =	vst v63  }
0x53b: {  	_ = 	snop  }
0x53c: {  	[tilespmem:s14], [sflag:$0x1] =	stream.indirect.gather [hbm4b:s5+s7], $0x1, s13, s7, $0xb8;
	[tilespmem:$0xD00] =	vst v63  }
0x53d: {  	_ = 	snop  }
0x53e: {  	[tilespmem:s16], [sflag:$0x1] =	stream.indirect.gather [hbm4b:s5+s7], $0x1, s15, s7, $0xb8;
	[tilespmem:$0xD00] =	vst v63  }
0x53f: {  	_ = 	snop  }
0x540: {  	[tilespmem:s18], [sflag:$0x1] =	stream.indirect.gather [hbm4b:s5+s7], $0x1, s17, s7, $0xb8;
	[tilespmem:$0xD00] =	vst v63  }
0x541: {  	_ = 	snop  }
0x542: {  	[tilespmem:s20], [sflag:$0x1] =	stream.indirect.gather [hbm4b:s5+s7], $0x1, s19, s7, $0xb8;
	[tilespmem:$0xD00] =	vst v63  }
0x543: {  	_ = 	snop  }
0x544: {  	[tilespmem:s22], [sflag:$0x1] =	stream.indirect.gather [hbm4b:s5+s7], $0x1, s21, s7, $0xb8;
	[tilespmem:$0xD00] =	vst v63  }
0x545: {  	_ = 	snop  }
0x546: {  	[tilespmem:s24], [sflag:$0x1] =	stream.indirect.gather [hbm4b:s5+s7], $0x1, s23, s7, $0xb8;
	[tilespmem:$0xD00] =	vst v63  }
0x547: {  	_ = 	snop  }
0x548: {  	[tilespmem:s26], [sflag:$0x1] =	stream.indirect.gather [hbm4b:s5+s7], $0x1, s25, s7, $0xb8;
	[tilespmem:$0xD00] =	vst v63  }
0x549: {  	_ = 	snop  }
0x54a: {  	[tilespmem:s29], [sflag:$0x1] =	stream.indirect.gather [hbm4b:s5+s7], $0x1, s28, s7, $0xb8;
	[tilespmem:$0xD00] =	vst v63  }
0x54b: {  	_ = 	snop  }
0x54c: {  	[tilespmem:s31], [sflag:$0x1] =	stream.indirect.gather [hbm4b:s5+s7], $0x1, s30, s7, $0xb8;
	[tilespmem:$0xD00] =	vst v63  }
0x54d: {  	_ =	swait.ge [sflag:s6], $0x80  }
0x54e: {  	[sflag:s6] =	ssyncset.done $0x0  }
0x54f: {  	[sflag:s6] =	ssyncadd.s32 $0xFFFFFF80  }
0x550: {  	_ =	swait.ge [sflag:s6], $0x80  }
0x551: {  	[sflag:s6] =	ssyncset.done $0x0  }
0x552: {  	[sflag:s6] =	ssyncadd.s32 $0xFFFFFF80  }
0x553: {  	_ =	swait.ge [sflag:s6], $0x80  }
0x554: {  	[sflag:s6] =	ssyncset.done $0x0  }
0x555: {  	[sflag:s6] =	ssyncadd.s32 $0xFFFFFF80  }
0x556: {  	_ =	swait.ge [sflag:s6], $0x80  }
0x557: {  	[sflag:s6] =	ssyncset.done $0x0  }
0x558: {  	[sflag:s6] =	ssyncadd.s32 $0xFFFFFF80  }
0x559: {  	_ =	swait.ge [sflag:s6], $0x80  }
0x55a: {  	[sflag:s6] =	ssyncset.done $0x0  }
0x55b: {  	[sflag:s6] =	ssyncadd.s32 $0xFFFFFF80  }
0x55c: {  	_ =	swait.ge [sflag:s6], $0x80  }
0x55d: {  	[sflag:s6] =	ssyncset.done $0x0  }
0x55e: {  	[sflag:s6] =	ssyncadd.s32 $0xFFFFFF80  }
0x55f: {  	_ =	swait.ge [sflag:s6], $0x80  }
0x560: {  	[sflag:s6] =	ssyncset.done $0x0  }
0x561: {  	[sflag:s6] =	ssyncadd.s32 $0xFFFFFF80  }
0x562: {  	_ =	swait.ge [sflag:s6], $0x80  }
0x563: {  	[sflag:s6] =	ssyncset.done $0x0  }
0x564: {  	[sflag:s6] =	ssyncadd.s32 $0xFFFFFF80  }
0x565: {  	_ =	swait.ge [sflag:s6], $0x80  }
0x566: {  	[sflag:s6] =	ssyncset.done $0x0  }
0x567: {  	[sflag:s6] =	ssyncadd.s32 $0xFFFFFF80  }
0x568: {  	_ =	swait.ge [sflag:s6], $0x80  }
0x569: {  	[sflag:s6] =	ssyncset.done $0x0  }
0x56a: {  	[sflag:s6] =	ssyncadd.s32 $0xFFFFFF80  }
0x56b: {  	_ =	swait.ge [sflag:s6], $0x80  }
0x56c: {  	[sflag:s6] =	ssyncset.done $0x0  }
0x56d: {  	[sflag:s6] =	ssyncadd.s32 $0xFFFFFF80  }
0x56e: {  	_ =	swait.ge [sflag:s6], $0x80  }
0x56f: {  	[sflag:s6] =	ssyncset.done $0x0  }
0x570: {  	[sflag:s6] =	ssyncadd.s32 $0xFFFFFF80  }
0x571: {  	_ =	swait.ge [sflag:s6], $0x80  }
0x572: {  	[sflag:s6] =	ssyncset.done $0x0  }
0x573: {  	s1 =	rddreg [dreg:$0x7];
	[sflag:s6] =	ssyncadd.s32 $0xFFFFFF80  }
0x574: {  	[hbm4b:s1+s2] =	stream.linear.scatter [tilespmem:s4], [sflag:$0x2], $0x680, $0x38;
	[tilespmem:$0xD00] =	vst v63  }
0x575: {  	_ =	swait.ge [sflag:s3], $0x680  }
0x576: {  	[sflag:s3] =	ssyncset.done $0x0  }
0x577: {  	s1 =	rddreg [dreg:$0x8];
	[sflag:s3] =	ssyncadd.s32 $0xFFFFF980  }
0x578: {  	[tilespmem:s2], [sflag:$0x2] =	stream.linear.gather [hbm4b:s1+s2], $0x680, $0x38;
	[tilespmem:$0xD00] =	vst v63  }
0x579: {  	_ =	swait.ge [sflag:s3], $0x680  }
0x57a: {  	[sflag:s3] =	ssyncset.done $0x0  }
0x57b: {  	[sflag:s3] =	ssyncadd.s32 $0xFFFFF980  }
0x57c: {  	[tilespmem:s4], [sflag:$0x1] =	stream.indirect.gather [hbm4b:s5+s7], $0x1, s2, s7, $0xb8;
	[tilespmem:$0xD00] =	vst v63  }
0x57d: {  	_ = 	snop  }
0x57e: {  	[tilespmem:s8], [sflag:$0x1] =	stream.indirect.gather [hbm4b:s5+s7], $0x1, s7, s7, $0xb8;
	[tilespmem:$0xD00] =	vst v63  }
0x57f: {  	_ = 	snop  }
0x580: {  	[tilespmem:s10], [sflag:$0x1] =	stream.indirect.gather [hbm4b:s5+s7], $0x1, s9, s7, $0xb8;
	[tilespmem:$0xD00] =	vst v63  }
0x581: {  	_ = 	snop  }
0x582: {  	[tilespmem:s12], [sflag:$0x1] =	stream.indirect.gather [hbm4b:s5+s7], $0x1, s11, s7, $0xb8;
	[tilespmem:$0xD00] =	vst v63  }
0x583: {  	_ = 	snop  }
0x584: {  	[tilespmem:s14], [sflag:$0x1] =	stream.indirect.gather [hbm4b:s5+s7], $0x1, s13, s7, $0xb8;
	[tilespmem:$0xD00] =	vst v63  }
0x585: {  	_ = 	snop  }
0x586: {  	[tilespmem:s16], [sflag:$0x1] =	stream.indirect.gather [hbm4b:s5+s7], $0x1, s15, s7, $0xb8;
	[tilespmem:$0xD00] =	vst v63  }
0x587: {  	_ = 	snop  }
0x588: {  	[tilespmem:s18], [sflag:$0x1] =	stream.indirect.gather [hbm4b:s5+s7], $0x1, s17, s7, $0xb8;
	[tilespmem:$0xD00] =	vst v63  }
0x589: {  	_ = 	snop  }
0x58a: {  	[tilespmem:s20], [sflag:$0x1] =	stream.indirect.gather [hbm4b:s5+s7], $0x1, s19, s7, $0xb8;
	[tilespmem:$0xD00] =	vst v63  }
0x58b: {  	_ = 	snop  }
0x58c: {  	[tilespmem:s22], [sflag:$0x1] =	stream.indirect.gather [hbm4b:s5+s7], $0x1, s21, s7, $0xb8;
	[tilespmem:$0xD00] =	vst v63  }
0x58d: {  	_ = 	snop  }
0x58e: {  	[tilespmem:s24], [sflag:$0x1] =	stream.indirect.gather [hbm4b:s5+s7], $0x1, s23, s7, $0xb8;
	[tilespmem:$0xD00] =	vst v63  }
0x58f: {  	_ = 	snop  }
0x590: {  	[tilespmem:s26], [sflag:$0x1] =	stream.indirect.gather [hbm4b:s5+s7], $0x1, s25, s7, $0xb8;
	[tilespmem:$0xD00] =	vst v63  }
0x591: {  	_ = 	snop  }
0x592: {  	[tilespmem:s29], [sflag:$0x1] =	stream.indirect.gather [hbm4b:s5+s7], $0x1, s28, s7, $0xb8;
	[tilespmem:$0xD00] =	vst v63  }
0x593: {  	_ = 	snop  }
0x594: {  	[tilespmem:s31], [sflag:$0x1] =	stream.indirect.gather [hbm4b:s5+s7], $0x1, s30, s7, $0xb8;
	[tilespmem:$0xD00] =	vst v63  }
0x595: {  	_ =	swait.ge [sflag:s6], $0x80  }
0x596: {  	[sflag:s6] =	ssyncset.done $0x0  }
0x597: {  	[sflag:s6] =	ssyncadd.s32 $0xFFFFFF80  }
0x598: {  	_ =	swait.ge [sflag:s6], $0x80  }
0x599: {  	[sflag:s6] =	ssyncset.done $0x0  }
0x59a: {  	[sflag:s6] =	ssyncadd.s32 $0xFFFFFF80  }
0x59b: {  	_ =	swait.ge [sflag:s6], $0x80  }
0x59c: {  	[sflag:s6] =	ssyncset.done $0x0  }
0x59d: {  	[sflag:s6] =	ssyncadd.s32 $0xFFFFFF80  }
0x59e: {  	_ =	swait.ge [sflag:s6], $0x80  }
0x59f: {  	[sflag:s6] =	ssyncset.done $0x0  }
0x5a0: {  	[sflag:s6] =	ssyncadd.s32 $0xFFFFFF80  }
0x5a1: {  	_ =	swait.ge [sflag:s6], $0x80  }
0x5a2: {  	[sflag:s6] =	ssyncset.done $0x0  }
0x5a3: {  	[sflag:s6] =	ssyncadd.s32 $0xFFFFFF80  }
0x5a4: {  	_ =	swait.ge [sflag:s6], $0x80  }
0x5a5: {  	[sflag:s6] =	ssyncset.done $0x0  }
0x5a6: {  	[sflag:s6] =	ssyncadd.s32 $0xFFFFFF80  }
0x5a7: {  	_ =	swait.ge [sflag:s6], $0x80  }
0x5a8: {  	[sflag:s6] =	ssyncset.done $0x0  }
0x5a9: {  	[sflag:s6] =	ssyncadd.s32 $0xFFFFFF80  }
0x5aa: {  	_ =	swait.ge [sflag:s6], $0x80  }
0x5ab: {  	[sflag:s6] =	ssyncset.done $0x0  }
0x5ac: {  	[sflag:s6] =	ssyncadd.s32 $0xFFFFFF80  }
0x5ad: {  	_ =	swait.ge [sflag:s6], $0x80  }
0x5ae: {  	[sflag:s6] =	ssyncset.done $0x0  }
0x5af: {  	[sflag:s6] =	ssyncadd.s32 $0xFFFFFF80  }
0x5b0: {  	_ =	swait.ge [sflag:s6], $0x80  }
0x5b1: {  	[sflag:s6] =	ssyncset.done $0x0  }
0x5b2: {  	[sflag:s6] =	ssyncadd.s32 $0xFFFFFF80  }
0x5b3: {  	_ =	swait.ge [sflag:s6], $0x80  }
0x5b4: {  	[sflag:s6] =	ssyncset.done $0x0  }
0x5b5: {  	[sflag:s6] =	ssyncadd.s32 $0xFFFFFF80  }
0x5b6: {  	_ =	swait.ge [sflag:s6], $0x80  }
0x5b7: {  	[sflag:s6] =	ssyncset.done $0x0  }
0x5b8: {  	[sflag:s6] =	ssyncadd.s32 $0xFFFFFF80  }
0x5b9: {  	_ =	swait.ge [sflag:s6], $0x80  }
0x5ba: {  	[sflag:s6] =	ssyncset.done $0x0  }
0x5bb: {  	s1 =	rddreg [dreg:$0x9];
	[sflag:s6] =	ssyncadd.s32 $0xFFFFFF80  }
0x5bc: {  	[hbm4b:s1+s2] =	stream.linear.scatter [tilespmem:s4], [sflag:$0x2], $0x680, $0x38;
	[tilespmem:$0xD00] =	vst v63  }
0x5bd: {  	_ =	swait.ge [sflag:s3], $0x680  }
0x5be: {  	[sflag:s3] =	ssyncset.done $0x0  }
0x5bf: {  	s1 =	rddreg [dreg:$0xa];
	[sflag:s3] =	ssyncadd.s32 $0xFFFFF980  }
0x5c0: {  	[tilespmem:s2], [sflag:$0x2] =	stream.linear.gather [hbm4b:s1+s2], $0x680, $0x38;
	[tilespmem:$0xD00] =	vst v63  }
0x5c1: {  	_ =	swait.ge [sflag:s3], $0x680  }
0x5c2: {  	[sflag:s3] =	ssyncset.done $0x0  }
0x5c3: {  	[sflag:s3] =	ssyncadd.s32 $0xFFFFF980  }
0x5c4: {  	[tilespmem:s4], [sflag:$0x1] =	stream.indirect.gather [hbm4b:s5+s7], $0x1, s2, s7, $0xb8;
	[tilespmem:$0xD00] =	vst v63  }
0x5c5: {  	_ = 	snop  }
0x5c6: {  	[tilespmem:s8], [sflag:$0x1] =	stream.indirect.gather [hbm4b:s5+s7], $0x1, s7, s7, $0xb8;
	[tilespmem:$0xD00] =	vst v63  }
0x5c7: {  	_ = 	snop  }
0x5c8: {  	[tilespmem:s10], [sflag:$0x1] =	stream.indirect.gather [hbm4b:s5+s7], $0x1, s9, s7, $0xb8;
	[tilespmem:$0xD00] =	vst v63  }
0x5c9: {  	_ = 	snop  }
0x5ca: {  	[tilespmem:s12], [sflag:$0x1] =	stream.indirect.gather [hbm4b:s5+s7], $0x1, s11, s7, $0xb8;
	[tilespmem:$0xD00] =	vst v63  }
0x5cb: {  	_ = 	snop  }
0x5cc: {  	[tilespmem:s14], [sflag:$0x1] =	stream.indirect.gather [hbm4b:s5+s7], $0x1, s13, s7, $0xb8;
	[tilespmem:$0xD00] =	vst v63  }
0x5cd: {  	_ = 	snop  }
0x5ce: {  	[tilespmem:s16], [sflag:$0x1] =	stream.indirect.gather [hbm4b:s5+s7], $0x1, s15, s7, $0xb8;
	[tilespmem:$0xD00] =	vst v63  }
0x5cf: {  	_ = 	snop  }
0x5d0: {  	[tilespmem:s18], [sflag:$0x1] =	stream.indirect.gather [hbm4b:s5+s7], $0x1, s17, s7, $0xb8;
	[tilespmem:$0xD00] =	vst v63  }
0x5d1: {  	_ = 	snop  }
0x5d2: {  	[tilespmem:s20], [sflag:$0x1] =	stream.indirect.gather [hbm4b:s5+s7], $0x1, s19, s7, $0xb8;
	[tilespmem:$0xD00] =	vst v63  }
0x5d3: {  	_ = 	snop  }
0x5d4: {  	[tilespmem:s22], [sflag:$0x1] =	stream.indirect.gather [hbm4b:s5+s7], $0x1, s21, s7, $0xb8;
	[tilespmem:$0xD00] =	vst v63  }
0x5d5: {  	_ = 	snop  }
0x5d6: {  	[tilespmem:s24], [sflag:$0x1] =	stream.indirect.gather [hbm4b:s5+s7], $0x1, s23, s7, $0xb8;
	[tilespmem:$0xD00] =	vst v63  }
0x5d7: {  	_ = 	snop  }
0x5d8: {  	[tilespmem:s26], [sflag:$0x1] =	stream.indirect.gather [hbm4b:s5+s7], $0x1, s25, s7, $0xb8;
	[tilespmem:$0xD00] =	vst v63  }
0x5d9: {  	_ = 	snop  }
0x5da: {  	[tilespmem:s29], [sflag:$0x1] =	stream.indirect.gather [hbm4b:s5+s7], $0x1, s28, s7, $0xb8;
	[tilespmem:$0xD00] =	vst v63  }
0x5db: {  	_ = 	snop  }
0x5dc: {  	[tilespmem:s31], [sflag:$0x1] =	stream.indirect.gather [hbm4b:s5+s7], $0x1, s30, s7, $0xb8;
	[tilespmem:$0xD00] =	vst v63  }
0x5dd: {  	_ =	swait.ge [sflag:s6], $0x80  }
0x5de: {  	[sflag:s6] =	ssyncset.done $0x0  }
0x5df: {  	[sflag:s6] =	ssyncadd.s32 $0xFFFFFF80  }
0x5e0: {  	_ =	swait.ge [sflag:s6], $0x80  }
0x5e1: {  	[sflag:s6] =	ssyncset.done $0x0  }
0x5e2: {  	[sflag:s6] =	ssyncadd.s32 $0xFFFFFF80  }
0x5e3: {  	_ =	swait.ge [sflag:s6], $0x80  }
0x5e4: {  	[sflag:s6] =	ssyncset.done $0x0  }
0x5e5: {  	[sflag:s6] =	ssyncadd.s32 $0xFFFFFF80  }
0x5e6: {  	_ =	swait.ge [sflag:s6], $0x80  }
0x5e7: {  	[sflag:s6] =	ssyncset.done $0x0  }
0x5e8: {  	[sflag:s6] =	ssyncadd.s32 $0xFFFFFF80  }
0x5e9: {  	_ =	swait.ge [sflag:s6], $0x80  }
0x5ea: {  	[sflag:s6] =	ssyncset.done $0x0  }
0x5eb: {  	[sflag:s6] =	ssyncadd.s32 $0xFFFFFF80  }
0x5ec: {  	_ =	swait.ge [sflag:s6], $0x80  }
0x5ed: {  	[sflag:s6] =	ssyncset.done $0x0  }
0x5ee: {  	[sflag:s6] =	ssyncadd.s32 $0xFFFFFF80  }
0x5ef: {  	_ =	swait.ge [sflag:s6], $0x80  }
0x5f0: {  	[sflag:s6] =	ssyncset.done $0x0  }
0x5f1: {  	[sflag:s6] =	ssyncadd.s32 $0xFFFFFF80  }
0x5f2: {  	_ =	swait.ge [sflag:s6], $0x80  }
0x5f3: {  	[sflag:s6] =	ssyncset.done $0x0  }
0x5f4: {  	[sflag:s6] =	ssyncadd.s32 $0xFFFFFF80  }
0x5f5: {  	_ =	swait.ge [sflag:s6], $0x80  }
0x5f6: {  	[sflag:s6] =	ssyncset.done $0x0  }
0x5f7: {  	[sflag:s6] =	ssyncadd.s32 $0xFFFFFF80  }
0x5f8: {  	_ =	swait.ge [sflag:s6], $0x80  }
0x5f9: {  	[sflag:s6] =	ssyncset.done $0x0  }
0x5fa: {  	[sflag:s6] =	ssyncadd.s32 $0xFFFFFF80  }
0x5fb: {  	_ =	swait.ge [sflag:s6], $0x80  }
0x5fc: {  	[sflag:s6] =	ssyncset.done $0x0  }
0x5fd: {  	[sflag:s6] =	ssyncadd.s32 $0xFFFFFF80  }
0x5fe: {  	_ =	swait.ge [sflag:s6], $0x80  }
0x5ff: {  	[sflag:s6] =	ssyncset.done $0x0  }
0x600: {  	[sflag:s6] =	ssyncadd.s32 $0xFFFFFF80  }
0x601: {  	_ =	swait.ge [sflag:s6], $0x80  }
0x602: {  	[sflag:s6] =	ssyncset.done $0x0  }
0x603: {  	s1 =	rddreg [dreg:$0xb];
	[sflag:s6] =	ssyncadd.s32 $0xFFFFFF80  }
0x604: {  	[hbm4b:s1+s2] =	stream.linear.scatter [tilespmem:s4], [sflag:$0x2], $0x680, $0x38;
	[tilespmem:$0xD00] =	vst v63  }
0x605: {  	_ =	swait.ge [sflag:s3], $0x680  }
0x606: {  	[sflag:s3] =	ssyncset.done $0x0  }
0x607: {  	s1 =	rddreg [dreg:$0xc];
	[sflag:s3] =	ssyncadd.s32 $0xFFFFF980  }
0x608: {  	[tilespmem:s2], [sflag:$0x2] =	stream.linear.gather [hbm4b:s1+s2], $0x680, $0x38;
	[tilespmem:$0xD00] =	vst v63  }
0x609: {  	_ =	swait.ge [sflag:s3], $0x680  }
0x60a: {  	[sflag:s3] =	ssyncset.done $0x0  }
0x60b: {  	[sflag:s3] =	ssyncadd.s32 $0xFFFFF980  }
0x60c: {  	[tilespmem:s4], [sflag:$0x1] =	stream.indirect.gather [hbm4b:s5+s7], $0x1, s2, s7, $0xb8;
	[tilespmem:$0xD00] =	vst v63  }
0x60d: {  	_ = 	snop  }
0x60e: {  	[tilespmem:s8], [sflag:$0x1] =	stream.indirect.gather [hbm4b:s5+s7], $0x1, s7, s7, $0xb8;
	[tilespmem:$0xD00] =	vst v63  }
0x60f: {  	_ = 	snop  }
0x610: {  	[tilespmem:s10], [sflag:$0x1] =	stream.indirect.gather [hbm4b:s5+s7], $0x1, s9, s7, $0xb8;
	[tilespmem:$0xD00] =	vst v63  }
0x611: {  	_ = 	snop  }
0x612: {  	[tilespmem:s12], [sflag:$0x1] =	stream.indirect.gather [hbm4b:s5+s7], $0x1, s11, s7, $0xb8;
	[tilespmem:$0xD00] =	vst v63  }
0x613: {  	_ = 	snop  }
0x614: {  	[tilespmem:s14], [sflag:$0x1] =	stream.indirect.gather [hbm4b:s5+s7], $0x1, s13, s7, $0xb8;
	[tilespmem:$0xD00] =	vst v63  }
0x615: {  	_ = 	snop  }
0x616: {  	[tilespmem:s16], [sflag:$0x1] =	stream.indirect.gather [hbm4b:s5+s7], $0x1, s15, s7, $0xb8;
	[tilespmem:$0xD00] =	vst v63  }
0x617: {  	_ = 	snop  }
0x618: {  	[tilespmem:s18], [sflag:$0x1] =	stream.indirect.gather [hbm4b:s5+s7], $0x1, s17, s7, $0xb8;
	[tilespmem:$0xD00] =	vst v63  }
0x619: {  	_ = 	snop  }
0x61a: {  	[tilespmem:s20], [sflag:$0x1] =	stream.indirect.gather [hbm4b:s5+s7], $0x1, s19, s7, $0xb8;
	[tilespmem:$0xD00] =	vst v63  }
0x61b: {  	_ = 	snop  }
0x61c: {  	[tilespmem:s22], [sflag:$0x1] =	stream.indirect.gather [hbm4b:s5+s7], $0x1, s21, s7, $0xb8;
	[tilespmem:$0xD00] =	vst v63  }
0x61d: {  	_ = 	snop  }
0x61e: {  	[tilespmem:s24], [sflag:$0x1] =	stream.indirect.gather [hbm4b:s5+s7], $0x1, s23, s7, $0xb8;
	[tilespmem:$0xD00] =	vst v63  }
0x61f: {  	_ = 	snop  }
0x620: {  	[tilespmem:s26], [sflag:$0x1] =	stream.indirect.gather [hbm4b:s5+s7], $0x1, s25, s7, $0xb8;
	[tilespmem:$0xD00] =	vst v63  }
0x621: {  	_ = 	snop  }
0x622: {  	[tilespmem:s29], [sflag:$0x1] =	stream.indirect.gather [hbm4b:s5+s7], $0x1, s28, s7, $0xb8;
	[tilespmem:$0xD00] =	vst v63  }
0x623: {  	_ = 	snop  }
0x624: {  	[tilespmem:s31], [sflag:$0x1] =	stream.indirect.gather [hbm4b:s5+s7], $0x1, s30, s7, $0xb8;
	[tilespmem:$0xD00] =	vst v63  }
0x625: {  	_ =	swait.ge [sflag:s6], $0x80  }
0x626: {  	[sflag:s6] =	ssyncset.done $0x0  }
0x627: {  	[sflag:s6] =	ssyncadd.s32 $0xFFFFFF80  }
0x628: {  	_ =	swait.ge [sflag:s6], $0x80  }
0x629: {  	[sflag:s6] =	ssyncset.done $0x0  }
0x62a: {  	[sflag:s6] =	ssyncadd.s32 $0xFFFFFF80  }
0x62b: {  	_ =	swait.ge [sflag:s6], $0x80  }
0x62c: {  	[sflag:s6] =	ssyncset.done $0x0  }
0x62d: {  	[sflag:s6] =	ssyncadd.s32 $0xFFFFFF80  }
0x62e: {  	_ =	swait.ge [sflag:s6], $0x80  }
0x62f: {  	[sflag:s6] =	ssyncset.done $0x0  }
0x630: {  	[sflag:s6] =	ssyncadd.s32 $0xFFFFFF80  }
0x631: {  	_ =	swait.ge [sflag:s6], $0x80  }
0x632: {  	[sflag:s6] =	ssyncset.done $0x0  }
0x633: {  	[sflag:s6] =	ssyncadd.s32 $0xFFFFFF80  }
0x634: {  	_ =	swait.ge [sflag:s6], $0x80  }
0x635: {  	[sflag:s6] =	ssyncset.done $0x0  }
0x636: {  	[sflag:s6] =	ssyncadd.s32 $0xFFFFFF80  }
0x637: {  	_ =	swait.ge [sflag:s6], $0x80  }
0x638: {  	[sflag:s6] =	ssyncset.done $0x0  }
0x639: {  	[sflag:s6] =	ssyncadd.s32 $0xFFFFFF80  }
0x63a: {  	_ =	swait.ge [sflag:s6], $0x80  }
0x63b: {  	[sflag:s6] =	ssyncset.done $0x0  }
0x63c: {  	[sflag:s6] =	ssyncadd.s32 $0xFFFFFF80  }
0x63d: {  	_ =	swait.ge [sflag:s6], $0x80  }
0x63e: {  	[sflag:s6] =	ssyncset.done $0x0  }
0x63f: {  	[sflag:s6] =	ssyncadd.s32 $0xFFFFFF80  }
0x640: {  	_ =	swait.ge [sflag:s6], $0x80  }
0x641: {  	[sflag:s6] =	ssyncset.done $0x0  }
0x642: {  	[sflag:s6] =	ssyncadd.s32 $0xFFFFFF80  }
0x643: {  	_ =	swait.ge [sflag:s6], $0x80  }
0x644: {  	[sflag:s6] =	ssyncset.done $0x0  }
0x645: {  	[sflag:s6] =	ssyncadd.s32 $0xFFFFFF80  }
0x646: {  	_ =	swait.ge [sflag:s6], $0x80  }
0x647: {  	[sflag:s6] =	ssyncset.done $0x0  }
0x648: {  	[sflag:s6] =	ssyncadd.s32 $0xFFFFFF80  }
0x649: {  	_ =	swait.ge [sflag:s6], $0x80  }
0x64a: {  	[sflag:s6] =	ssyncset.done $0x0  }
0x64b: {  	s1 =	rddreg [dreg:$0xd];
	[sflag:s6] =	ssyncadd.s32 $0xFFFFFF80  }
0x64c: {  	[hbm4b:s1+s2] =	stream.linear.scatter [tilespmem:s4], [sflag:$0x2], $0x680, $0x38;
	[tilespmem:$0xD00] =	vst v63  }
0x64d: {  	_ =	swait.ge [sflag:s3], $0x680  }
0x64e: {  	[sflag:s3] =	ssyncset.done $0x0  }
0x64f: {  	s1 =	rddreg [dreg:$0xe];
	[sflag:s3] =	ssyncadd.s32 $0xFFFFF980  }
0x650: {  	[tilespmem:s2], [sflag:$0x2] =	stream.linear.gather [hbm4b:s1+s2], $0x680, $0x38;
	[tilespmem:$0xD00] =	vst v63  }
0x651: {  	_ =	swait.ge [sflag:s3], $0x680  }
0x652: {  	[sflag:s3] =	ssyncset.done $0x0  }
0x653: {  	[sflag:s3] =	ssyncadd.s32 $0xFFFFF980  }
0x654: {  	[tilespmem:s4], [sflag:$0x1] =	stream.indirect.gather [hbm4b:s5+s7], $0x1, s2, s7, $0xb8;
	[tilespmem:$0xD00] =	vst v63  }
0x655: {  	_ = 	snop  }
0x656: {  	[tilespmem:s8], [sflag:$0x1] =	stream.indirect.gather [hbm4b:s5+s7], $0x1, s7, s7, $0xb8;
	[tilespmem:$0xD00] =	vst v63  }
0x657: {  	_ = 	snop  }
0x658: {  	[tilespmem:s10], [sflag:$0x1] =	stream.indirect.gather [hbm4b:s5+s7], $0x1, s9, s7, $0xb8;
	[tilespmem:$0xD00] =	vst v63  }
0x659: {  	_ = 	snop  }
0x65a: {  	[tilespmem:s12], [sflag:$0x1] =	stream.indirect.gather [hbm4b:s5+s7], $0x1, s11, s7, $0xb8;
	[tilespmem:$0xD00] =	vst v63  }
0x65b: {  	_ = 	snop  }
0x65c: {  	[tilespmem:s14], [sflag:$0x1] =	stream.indirect.gather [hbm4b:s5+s7], $0x1, s13, s7, $0xb8;
	[tilespmem:$0xD00] =	vst v63  }
0x65d: {  	_ = 	snop  }
0x65e: {  	[tilespmem:s16], [sflag:$0x1] =	stream.indirect.gather [hbm4b:s5+s7], $0x1, s15, s7, $0xb8;
	[tilespmem:$0xD00] =	vst v63  }
0x65f: {  	_ = 	snop  }
0x660: {  	[tilespmem:s18], [sflag:$0x1] =	stream.indirect.gather [hbm4b:s5+s7], $0x1, s17, s7, $0xb8;
	[tilespmem:$0xD00] =	vst v63  }
0x661: {  	_ = 	snop  }
0x662: {  	[tilespmem:s20], [sflag:$0x1] =	stream.indirect.gather [hbm4b:s5+s7], $0x1, s19, s7, $0xb8;
	[tilespmem:$0xD00] =	vst v63  }
0x663: {  	_ = 	snop  }
0x664: {  	[tilespmem:s22], [sflag:$0x1] =	stream.indirect.gather [hbm4b:s5+s7], $0x1, s21, s7, $0xb8;
	[tilespmem:$0xD00] =	vst v63  }
0x665: {  	_ = 	snop  }
0x666: {  	[tilespmem:s24], [sflag:$0x1] =	stream.indirect.gather [hbm4b:s5+s7], $0x1, s23, s7, $0xb8;
	[tilespmem:$0xD00] =	vst v63  }
0x667: {  	_ = 	snop  }
0x668: {  	[tilespmem:s26], [sflag:$0x1] =	stream.indirect.gather [hbm4b:s5+s7], $0x1, s25, s7, $0xb8;
	[tilespmem:$0xD00] =	vst v63  }
0x669: {  	_ = 	snop  }
0x66a: {  	[tilespmem:s29], [sflag:$0x1] =	stream.indirect.gather [hbm4b:s5+s7], $0x1, s28, s7, $0xb8;
	[tilespmem:$0xD00] =	vst v63  }
0x66b: {  	_ = 	snop  }
0x66c: {  	[tilespmem:s31], [sflag:$0x1] =	stream.indirect.gather [hbm4b:s5+s7], $0x1, s30, s7, $0xb8;
	[tilespmem:$0xD00] =	vst v63  }
0x66d: {  	_ =	swait.ge [sflag:s6], $0x80  }
0x66e: {  	[sflag:s6] =	ssyncset.done $0x0  }
0x66f: {  	[sflag:s6] =	ssyncadd.s32 $0xFFFFFF80  }
0x670: {  	_ =	swait.ge [sflag:s6], $0x80  }
0x671: {  	[sflag:s6] =	ssyncset.done $0x0  }
0x672: {  	[sflag:s6] =	ssyncadd.s32 $0xFFFFFF80  }
0x673: {  	_ =	swait.ge [sflag:s6], $0x80  }
0x674: {  	[sflag:s6] =	ssyncset.done $0x0  }
0x675: {  	[sflag:s6] =	ssyncadd.s32 $0xFFFFFF80  }
0x676: {  	_ =	swait.ge [sflag:s6], $0x80  }
0x677: {  	[sflag:s6] =	ssyncset.done $0x0  }
0x678: {  	[sflag:s6] =	ssyncadd.s32 $0xFFFFFF80  }
0x679: {  	_ =	swait.ge [sflag:s6], $0x80  }
0x67a: {  	[sflag:s6] =	ssyncset.done $0x0  }
0x67b: {  	[sflag:s6] =	ssyncadd.s32 $0xFFFFFF80  }
0x67c: {  	_ =	swait.ge [sflag:s6], $0x80  }
0x67d: {  	[sflag:s6] =	ssyncset.done $0x0  }
0x67e: {  	[sflag:s6] =	ssyncadd.s32 $0xFFFFFF80  }
0x67f: {  	_ =	swait.ge [sflag:s6], $0x80  }
0x680: {  	[sflag:s6] =	ssyncset.done $0x0  }
0x681: {  	[sflag:s6] =	ssyncadd.s32 $0xFFFFFF80  }
0x682: {  	_ =	swait.ge [sflag:s6], $0x80  }
0x683: {  	[sflag:s6] =	ssyncset.done $0x0  }
0x684: {  	[sflag:s6] =	ssyncadd.s32 $0xFFFFFF80  }
0x685: {  	_ =	swait.ge [sflag:s6], $0x80  }
0x686: {  	[sflag:s6] =	ssyncset.done $0x0  }
0x687: {  	[sflag:s6] =	ssyncadd.s32 $0xFFFFFF80  }
0x688: {  	_ =	swait.ge [sflag:s6], $0x80  }
0x689: {  	[sflag:s6] =	ssyncset.done $0x0  }
0x68a: {  	[sflag:s6] =	ssyncadd.s32 $0xFFFFFF80  }
0x68b: {  	_ =	swait.ge [sflag:s6], $0x80  }
0x68c: {  	[sflag:s6] =	ssyncset.done $0x0  }
0x68d: {  	[sflag:s6] =	ssyncadd.s32 $0xFFFFFF80  }
0x68e: {  	_ =	swait.ge [sflag:s6], $0x80  }
0x68f: {  	[sflag:s6] =	ssyncset.done $0x0  }
0x690: {  	[sflag:s6] =	ssyncadd.s32 $0xFFFFFF80  }
0x691: {  	_ =	swait.ge [sflag:s6], $0x80  }
0x692: {  	[sflag:s6] =	ssyncset.done $0x0  }
0x693: {  	s1 =	rddreg [dreg:$0xf];
	[sflag:s6] =	ssyncadd.s32 $0xFFFFFF80  }
0x694: {  	[hbm4b:s1+s2] =	stream.linear.scatter [tilespmem:s4], [sflag:$0x2], $0x680, $0x38;
	[tilespmem:$0xD00] =	vst v63  }
0x695: {  	_ =	swait.ge [sflag:s3], $0x680  }
0x696: {  	[sflag:s3] =	ssyncset.done $0x0  }
0x697: {  	s1 =	rddreg [dreg:$0x10];
	[sflag:s3] =	ssyncadd.s32 $0xFFFFF980  }
0x698: {  	[tilespmem:s2], [sflag:$0x2] =	stream.linear.gather [hbm4b:s1+s2], $0x680, $0x38;
	[tilespmem:$0xD00] =	vst v63  }
0x699: {  	_ =	swait.ge [sflag:s3], $0x680  }
0x69a: {  	[sflag:s3] =	ssyncset.done $0x0  }
0x69b: {  	[sflag:s3] =	ssyncadd.s32 $0xFFFFF980  }
0x69c: {  	[tilespmem:s4], [sflag:$0x1] =	stream.indirect.gather [hbm4b:s5+s7], $0x1, s2, s7, $0xb8;
	[tilespmem:$0xD00] =	vst v63  }
0x69d: {  	_ = 	snop  }
0x69e: {  	[tilespmem:s8], [sflag:$0x1] =	stream.indirect.gather [hbm4b:s5+s7], $0x1, s7, s7, $0xb8;
	[tilespmem:$0xD00] =	vst v63  }
0x69f: {  	_ = 	snop  }
0x6a0: {  	[tilespmem:s10], [sflag:$0x1] =	stream.indirect.gather [hbm4b:s5+s7], $0x1, s9, s7, $0xb8;
	[tilespmem:$0xD00] =	vst v63  }
0x6a1: {  	_ = 	snop  }
0x6a2: {  	[tilespmem:s12], [sflag:$0x1] =	stream.indirect.gather [hbm4b:s5+s7], $0x1, s11, s7, $0xb8;
	[tilespmem:$0xD00] =	vst v63  }
0x6a3: {  	_ = 	snop  }
0x6a4: {  	[tilespmem:s14], [sflag:$0x1] =	stream.indirect.gather [hbm4b:s5+s7], $0x1, s13, s7, $0xb8;
	[tilespmem:$0xD00] =	vst v63  }
0x6a5: {  	_ = 	snop  }
0x6a6: {  	[tilespmem:s16], [sflag:$0x1] =	stream.indirect.gather [hbm4b:s5+s7], $0x1, s15, s7, $0xb8;
	[tilespmem:$0xD00] =	vst v63  }
0x6a7: {  	_ = 	snop  }
0x6a8: {  	[tilespmem:s18], [sflag:$0x1] =	stream.indirect.gather [hbm4b:s5+s7], $0x1, s17, s7, $0xb8;
	[tilespmem:$0xD00] =	vst v63  }
0x6a9: {  	_ = 	snop  }
0x6aa: {  	[tilespmem:s20], [sflag:$0x1] =	stream.indirect.gather [hbm4b:s5+s7], $0x1, s19, s7, $0xb8;
	[tilespmem:$0xD00] =	vst v63  }
0x6ab: {  	_ = 	snop  }
0x6ac: {  	[tilespmem:s22], [sflag:$0x1] =	stream.indirect.gather [hbm4b:s5+s7], $0x1, s21, s7, $0xb8;
	[tilespmem:$0xD00] =	vst v63  }
0x6ad: {  	_ = 	snop  }
0x6ae: {  	[tilespmem:s24], [sflag:$0x1] =	stream.indirect.gather [hbm4b:s5+s7], $0x1, s23, s7, $0xb8;
	[tilespmem:$0xD00] =	vst v63  }
0x6af: {  	_ = 	snop  }
0x6b0: {  	[tilespmem:s26], [sflag:$0x1] =	stream.indirect.gather [hbm4b:s5+s7], $0x1, s25, s7, $0xb8;
	[tilespmem:$0xD00] =	vst v63  }
0x6b1: {  	_ = 	snop  }
0x6b2: {  	[tilespmem:s29], [sflag:$0x1] =	stream.indirect.gather [hbm4b:s5+s7], $0x1, s28, s7, $0xb8;
	[tilespmem:$0xD00] =	vst v63  }
0x6b3: {  	_ = 	snop  }
0x6b4: {  	[tilespmem:s31], [sflag:$0x1] =	stream.indirect.gather [hbm4b:s5+s7], $0x1, s30, s7, $0xb8;
	[tilespmem:$0xD00] =	vst v63  }
0x6b5: {  	_ =	swait.ge [sflag:s6], $0x80  }
0x6b6: {  	[sflag:s6] =	ssyncset.done $0x0  }
0x6b7: {  	[sflag:s6] =	ssyncadd.s32 $0xFFFFFF80  }
0x6b8: {  	_ =	swait.ge [sflag:s6], $0x80  }
0x6b9: {  	[sflag:s6] =	ssyncset.done $0x0  }
0x6ba: {  	[sflag:s6] =	ssyncadd.s32 $0xFFFFFF80  }
0x6bb: {  	_ =	swait.ge [sflag:s6], $0x80  }
0x6bc: {  	[sflag:s6] =	ssyncset.done $0x0  }
0x6bd: {  	[sflag:s6] =	ssyncadd.s32 $0xFFFFFF80  }
0x6be: {  	_ =	swait.ge [sflag:s6], $0x80  }
0x6bf: {  	[sflag:s6] =	ssyncset.done $0x0  }
0x6c0: {  	[sflag:s6] =	ssyncadd.s32 $0xFFFFFF80  }
0x6c1: {  	_ =	swait.ge [sflag:s6], $0x80  }
0x6c2: {  	[sflag:s6] =	ssyncset.done $0x0  }
0x6c3: {  	[sflag:s6] =	ssyncadd.s32 $0xFFFFFF80  }
0x6c4: {  	_ =	swait.ge [sflag:s6], $0x80  }
0x6c5: {  	[sflag:s6] =	ssyncset.done $0x0  }
0x6c6: {  	[sflag:s6] =	ssyncadd.s32 $0xFFFFFF80  }
0x6c7: {  	_ =	swait.ge [sflag:s6], $0x80  }
0x6c8: {  	[sflag:s6] =	ssyncset.done $0x0  }
0x6c9: {  	[sflag:s6] =	ssyncadd.s32 $0xFFFFFF80  }
0x6ca: {  	_ =	swait.ge [sflag:s6], $0x80  }
0x6cb: {  	[sflag:s6] =	ssyncset.done $0x0  }
0x6cc: {  	[sflag:s6] =	ssyncadd.s32 $0xFFFFFF80  }
0x6cd: {  	_ =	swait.ge [sflag:s6], $0x80  }
0x6ce: {  	[sflag:s6] =	ssyncset.done $0x0  }
0x6cf: {  	[sflag:s6] =	ssyncadd.s32 $0xFFFFFF80  }
0x6d0: {  	_ =	swait.ge [sflag:s6], $0x80  }
0x6d1: {  	[sflag:s6] =	ssyncset.done $0x0  }
0x6d2: {  	[sflag:s6] =	ssyncadd.s32 $0xFFFFFF80  }
0x6d3: {  	_ =	swait.ge [sflag:s6], $0x80  }
0x6d4: {  	[sflag:s6] =	ssyncset.done $0x0  }
0x6d5: {  	[sflag:s6] =	ssyncadd.s32 $0xFFFFFF80  }
0x6d6: {  	_ =	swait.ge [sflag:s6], $0x80  }
0x6d7: {  	[sflag:s6] =	ssyncset.done $0x0  }
0x6d8: {  	[sflag:s6] =	ssyncadd.s32 $0xFFFFFF80  }
0x6d9: {  	_ =	swait.ge [sflag:s6], $0x80  }
0x6da: {  	[sflag:s6] =	ssyncset.done $0x0  }
0x6db: {  	s30 =	rddreg [dreg:$0x11];
	[sflag:s6] =	ssyncadd.s32 $0xFFFFFF80  }
0x6dc: {  	[hbm4b:s30+s2] =	stream.linear.scatter [tilespmem:s4], [sflag:$0x2], $0x680, $0x38;
	[tilespmem:$0xD00] =	vst v63  }
0x6dd: {  	_ =	swait.ge [sflag:s3], $0x680  }
0x6de: {  	[sflag:s3] =	ssyncset.done $0x0  }
0x6df: {  	[sflag:s3] =	ssyncadd.s32 $0xFFFFF980  }
0x6e0: {  	_ =	sfence.sel $0x180000  }
0x6e1: {  	[bflag:$0x0] =	sbarrier.arrive $0xFFFF  }
0x6e2: {  	_ =	strace $0x9000004A  }
0x6e3: {  	s31 =	stileid.u32;
	[bflag:$0x2] =	sbarrier.arrive $0xFFFF  }
0x6e4: {  	p0 =	sne.s32 s31, $0x0;
	s0 =	rddreg [dreg:$0x1]  }
0x6e5: {  	s0 =	sadd.s32 @!p0 $0x100000, s0  }
0x6e6: {  	[sflag:s0] =	ssyncadd.tile.s32 @!p0 $0x1;
	_ =	shalt  }
.Lfunc_end2:
_tile_overlayer_lowered:
.L_overlay_start_2:
0x6e7: {  	(tag) =	ssettag $0x2  }
0x6e8: {  	s0 =	rddreg [dreg:$0x0];
	s2 =	stileid.u32  }
0x6e9: {  	s1 =	rddreg [dreg:$0x1];
	p0 =	sne.s32 s2, $0x0  }
0x6ea: {  	s3 =	rddreg [dreg:$0x2];
	[bflag:$0x3] =	sbarrier.arrive $0xFFFF;
	s2 =	simm.s32 @!p0 $0x1C02  }
0x6eb: {  	[timem:s3], [sflag:s2] =	dma.local @!p0 [hbm:s0], s1  }
0x6ec: {  	s0 =	simm.s32 @!p0 $0x2  }
0x6ed: {  	_ =	swait.ge @!p0 [sflag:s0], s1  }
0x6ee: {  	s1 =	ssub.s32 @!p0 $0x0, s1;
	[sflag:s0] =	ssyncset.done @!p0 $0x0  }
0x6ef: {  	[sflag:s0] =	ssyncadd.s32 @!p0 s1  }
0x6f0: {  	[bflag:$0x3] =	sbarrier.arrive $0xFFFF  }
0x6f1: {  	_ =	shalt  }

</sc_bundles>
